<compile_context>
chip_gen: v7x
topology: tpu7x:2x2x1
jax: 0.10.2.dev20260603
libtpu: 0.0.44.dev20260713+nightly
codegen_flags: <defaults>
</compile_context>

<pallas_src>
import functools

import jax
import jax.numpy as jnp
from jax import lax
from jax.experimental import pallas as pl
from jax.experimental.pallas import tpu as pltpu
from jax.experimental.pallas import tpu_sc as plsc

N = 5850
E = 93600
NPAD = 5888
RNG = 368
EPT = 5856
EPT_LAST = 5760
F32 = jnp.float32

R_DEG = 0
R_S1 = 1
R_S2 = 4
R_GP = 9
R_H = 12
NROWS = 17

_mesh = plsc.VectorSubcoreMesh(core_axis_name="c", subcore_axis_name="s",
                               num_cores=1)


@functools.partial(
    pl.kernel,
    out_type=jax.ShapeDtypeStruct((58880,), F32),
    mesh=_mesh,
    compiler_params=pltpu.CompilerParams(needs_layout_passes=False),
    scratch_types=[
        pltpu.VMEM((1104,), F32),
        pltpu.VMEM((368,), F32),
        pltpu.VMEM((1104,), F32),
        pltpu.VMEM((1104,), F32),
        pltpu.VMEM((1840,), F32),
        pltpu.VMEM((1840,), F32),
        pltpu.VMEM((5856,), jnp.int32),
        pltpu.VMEM((5856,), jnp.int32),
        pltpu.VMEM((29440,), F32),
        pltpu.VMEM((352,), F32),
        pltpu.VMEM((3680,), F32),
        pltpu.SemaphoreType.DMA,
        pltpu.VMEM_SHARED((NROWS * NPAD,), F32),
    ],
)
def _sc_graph(ps_hbm, edges_hbm, y_hbm,
              posr_v, dinv_v, gp_v, s1r_v, h_v, s2r_v, src_v, dst_v, msg_v,
              smalls_v, y_v, sem, shared_s):
    t = lax.axis_index("s")
    zero16 = jnp.zeros((16,), F32)
    base_n = t * RNG

    def sget(idx):
        return smalls_v[pl.ds((idx // 16) * 16, 16)][idx % 16]

    def srow(r, off, size):
        return shared_s.at[pl.ds(r * NPAD + off, size)]

    pltpu.sync_copy(ps_hbm.at[pl.ds(17552, 352)], smalls_v)

    @pl.when(t < 15)
    def _():
        pltpu.sync_copy(ps_hbm.at[pl.ds(t * 1104, 1104)], posr_v)
        pltpu.sync_copy(edges_hbm.at[pl.ds(t * EPT, EPT)], src_v)
        pltpu.sync_copy(edges_hbm.at[pl.ds(E + t * EPT, EPT)], dst_v)

    @pl.when(t == 15)
    def _():
        pltpu.sync_copy(ps_hbm.at[pl.ds(15 * 1104, 990)],
                        posr_v.at[pl.ds(0, 990)])
        pltpu.sync_copy(edges_hbm.at[pl.ds(15 * EPT, EPT_LAST)],
                        src_v.at[pl.ds(0, EPT_LAST)])
        pltpu.sync_copy(edges_hbm.at[pl.ds(E + 15 * EPT, EPT_LAST)],
                        dst_v.at[pl.ds(0, EPT_LAST)])

    def _zero_body(i, carry):
        msg_v[pl.ds(i * 16, 16)] = zero16
        return carry
    lax.fori_loop(0, 9 * NPAD // (16 * 16), _zero_body, None)

    zchunk = 9 * NPAD // 16
    pltpu.sync_copy(msg_v.at[pl.ds(0, zchunk)],
                    shared_s.at[pl.ds(t * zchunk, zchunk)])

    plsc.subcore_barrier()

    def _ones_body(i, carry):
        msg_v[pl.ds(i * 16, 16)] = zero16 + 1.0
        return carry
    lax.fori_loop(0, EPT // 16, _ones_body, None)

    @pl.when(t < 15)
    def _():
        pltpu.sync_copy(msg_v.at[pl.ds(0, EPT)], srow(R_DEG, 0, NPAD).at[dst_v],
                        add=True)

    @pl.when(t == 15)
    def _():
        pltpu.sync_copy(msg_v.at[pl.ds(0, EPT_LAST)],
                        srow(R_DEG, 0, NPAD).at[dst_v.at[pl.ds(0, EPT_LAST)]],
                        add=True)

    plsc.subcore_barrier()

    pltpu.sync_copy(srow(R_DEG, base_n, RNG), dinv_v)

    lane = lax.iota(jnp.int32, 16)

    def _dinv_body(i, carry):
        d = dinv_v[pl.ds(i * 16, 16)] + 1.0
        bits = lax.bitcast_convert_type(d, jnp.int32)
        y = lax.bitcast_convert_type(
            jnp.int32(0x5F3759DF) - lax.shift_right_logical(bits, 1), F32)
        for _ in range(3):
            y = y * (1.5 - 0.5 * d * y * y)
        dinv_v[pl.ds(i * 16, 16)] = y
        nloc3 = (i * 16 + lane) * 3
        for c in range(3):
            pc = plsc.load_gather(posr_v, [nloc3 + c])
            gp_v[pl.ds(c * RNG + i * 16, 16)] = y * pc
        return carry
    lax.fori_loop(0, RNG // 16, _dinv_body, None)

    for c in range(3):
        pltpu.sync_copy(gp_v.at[pl.ds(c * RNG, RNG)],
                        srow(R_GP + c, base_n, RNG))

    plsc.subcore_barrier()

    def _msg_pass(rows_from, rows_to, nfeat):
        def gsrc(c):
            return srow(rows_from + c, 0, NPAD)

        def sdst(c, last):
            idx = dst_v.at[pl.ds(0, EPT_LAST)] if last else dst_v
            return srow(rows_to + c, 0, NPAD).at[idx]

        def mrow(c, last):
            return msg_v.at[pl.ds(c * NPAD, EPT_LAST if last else EPT)]

        @pl.when(t < 15)
        def _():
            for c in range(nfeat):
                pltpu.async_copy(gsrc(c).at[src_v], mrow(c, False), sem)
            for c in range(nfeat):
                pltpu.make_async_copy(gsrc(c).at[src_v], mrow(c, False),
                                      sem).wait()
            for c in range(nfeat):
                pltpu.async_copy(mrow(c, False), sdst(c, False), sem, add=True)
            for c in range(nfeat):
                pltpu.make_async_copy(mrow(c, False), sdst(c, False),
                                      sem).wait()

        @pl.when(t == 15)
        def _():
            srcl = src_v.at[pl.ds(0, EPT_LAST)]
            for c in range(nfeat):
                pltpu.async_copy(gsrc(c).at[srcl], mrow(c, True), sem)
            for c in range(nfeat):
                pltpu.make_async_copy(gsrc(c).at[srcl], mrow(c, True),
                                      sem).wait()
            for c in range(nfeat):
                pltpu.async_copy(mrow(c, True), sdst(c, True), sem, add=True)
            for c in range(nfeat):
                pltpu.make_async_copy(mrow(c, True), sdst(c, True), sem).wait()

    _msg_pass(R_GP, R_S1, 3)
    plsc.subcore_barrier()

    for c in range(3):
        pltpu.sync_copy(srow(R_S1 + c, base_n, RNG),
                        s1r_v.at[pl.ds(c * RNG, RNG)])

    def _x1_body(i, carry):
        dv = dinv_v[pl.ds(i * 16, 16)]
        ts = []
        for c in range(3):
            ts.append(dv * (s1r_v[pl.ds(c * RNG + i * 16, 16)]
                            + gp_v[pl.ds(c * RNG + i * 16, 16)]))
        for j in range(5):
            acc = sget(15 + j) + ts[0] * sget(j) \
                + ts[1] * sget(5 + j) + ts[2] * sget(10 + j)
            h_v[pl.ds(j * RNG + i * 16, 16)] = dv * jnp.maximum(acc, 0.01 * acc)
        return carry
    lax.fori_loop(0, RNG // 16, _x1_body, None)

    for c in range(5):
        pltpu.sync_copy(h_v.at[pl.ds(c * RNG, RNG)],
                        srow(R_H + c, base_n, RNG))

    plsc.subcore_barrier()

    _msg_pass(R_H, R_S2, 5)
    plsc.subcore_barrier()

    for c in range(5):
        pltpu.sync_copy(srow(R_S2 + c, base_n, RNG),
                        s2r_v.at[pl.ds(c * RNG, RNG)])

    def _fin_body(i, carry):
        dv = dinv_v[pl.ds(i * 16, 16)]
        ts = []
        for c in range(5):
            ts.append(dv * (s2r_v[pl.ds(c * RNG + i * 16, 16)]
                            + h_v[pl.ds(c * RNG + i * 16, 16)]))
        x2 = []
        for j in range(20):
            acc = sget(120 + j)
            for c in range(5):
                acc = acc + ts[c] * sget(20 + c * 20 + j)
            x2.append(jnp.maximum(acc, 0.01 * acc))
        nl10 = (i * 16 + lane) * 10
        for k in range(10):
            acc = sget(340 + k)
            for j in range(20):
                acc = acc + x2[j] * sget(140 + j * 10 + k)
            yv = jnp.maximum(acc, 0.01 * acc)
            plsc.store_scatter(y_v, [nl10 + k], yv)
        return carry
    lax.fori_loop(0, RNG // 16, _fin_body, None)

    pltpu.sync_copy(y_v, y_hbm.at[pl.ds(t * 3680, 3680)])


_RB = 4500


def _fc2_body(x_ref, w_ref, b_ref, o_ref):
    acc = b_ref[...]
    for i in range(13):
        acc = acc + jnp.dot(x_ref[i:i + 1, :], w_ref[_RB * i:_RB * (i + 1), :],
                            preferred_element_type=jnp.float32)
    o_ref[...] = jnp.maximum(acc, 0.01 * acc)


def _fc2(xf, W, b):
    out = pl.pallas_call(
        _fc2_body,
        out_shape=jax.ShapeDtypeStruct((1, 100), jnp.float32),
    )(xf, W, b.reshape(1, 100))
    return out[0]


def kernel(pos, edge_index, W1, b1, W2, b2, fc1_W, fc1_b, fc2_W, fc2_b):
    ps = jnp.concatenate([
        pos.reshape(-1), jnp.zeros((2,), jnp.float32),
        W1.reshape(-1), b1, W2.reshape(-1), b2,
        fc1_W.reshape(-1), fc1_b, jnp.zeros((2,), jnp.float32)])
    y = _sc_graph(ps, edge_index.reshape(-1))
    xf = y[:58500].reshape(13, 4500)
    return _fc2(xf, fc2_W, fc2_b)

# --- scband reference (transcript-rebuilt; emitter-appended) ---
"""Pipeline reference for scband-prelim-net-24257975287986 (READ-ONLY COPY).

The authoritative reference and input builder live on the scoring server;
editing this copy changes nothing except your own understanding.
"""

import jax, jax.numpy as jnp
import numpy as np

N = 5850
E = 93600

def setup_inputs(seed: int = 0) -> dict:
    key = jax.random.key(seed)
    ks = jax.random.split(key, 12)
    pos = jax.random.normal(ks[0], (N, 3), dtype=jnp.float32)
    edge_index = jax.random.randint(ks[1], (2, E), 0, N, dtype=jnp.int32)
    W1 = jax.random.normal(ks[2], (3, 5), dtype=jnp.float32) * 0.5
    b1 = jnp.zeros((5,), dtype=jnp.float32)
    W2 = jax.random.normal(ks[3], (5, 20), dtype=jnp.float32) * 0.3
    b2 = jnp.zeros((20,), dtype=jnp.float32)
    fc1_W = jax.random.normal(ks[4], (20, 10), dtype=jnp.float32) * 0.2
    fc1_b = jnp.zeros((10,), dtype=jnp.float32)
    fc2_W = jax.random.normal(ks[5], (N * 10, 100), dtype=jnp.float32) * 0.01
    fc2_b = jnp.zeros((100,), dtype=jnp.float32)
    return {"pos": pos, "edge_index": edge_index, "W1": W1, "b1": b1, "W2": W2, "b2": b2, "fc1_W": fc1_W, "fc1_b": fc1_b, "fc2_W": fc2_W, "fc2_b": fc2_b}

def _gcn_conv(x, edge_index, W, b):
    # PyG GCNConv: x' = D^{-1/2} (A + I) D^{-1/2} (x W) + b
    n = x.shape[0]
    loop = jnp.arange(n, dtype=edge_index.dtype)
    src = jnp.concatenate([edge_index[0], loop])
    dst = jnp.concatenate([edge_index[1], loop])
    deg = jnp.zeros((n,), dtype=x.dtype).at[dst].add(1.0)
    dinv = jnp.where(deg > 0, deg ** -0.5, 0.0)
    norm = dinv[src] * dinv[dst]
    h = x @ W
    msg = h[src] * norm[:, None]
    out = jnp.zeros((n, h.shape[1]), dtype=x.dtype).at[dst].add(msg)
    return out + b

def reference(pos, edge_index, W1, b1, W2, b2, fc1_W, fc1_b, fc2_W, fc2_b):
    act = lambda v: jax.nn.leaky_relu(v, negative_slope=0.01)
    x = act(_gcn_conv(pos, edge_index, W1, b1))
    x = act(_gcn_conv(x, edge_index, W2, b2))
    x = act(x @ fc1_W + fc1_b)
    x = x.reshape(-1)
    x = act(x @ fc2_W + fc2_b)
    return x

if __name__ == "__main__":
    import jax
    _d = setup_inputs()
    print(jax.jit(kernel)(*tuple(_d.values())))

</pallas_src>

<mosaic_0001>
#map = affine_map<(d0, d1) -> (0)>
module attributes {stable_mosaic.version = 14 : i64} {
  func.func @_sc_graph(%arg0: i32, %arg1: i32, %arg2: memref<17904xf32, #tpu.memory_space<hbm>>, %arg3: memref<187200xi32, #tpu.memory_space<hbm>>, %arg4: memref<58880xf32, #tpu.memory_space<hbm>>, %arg5: memref<1104xf32, #tpu.memory_space<vmem>>, %arg6: memref<368xf32, #tpu.memory_space<vmem>>, %arg7: memref<1104xf32, #tpu.memory_space<vmem>>, %arg8: memref<1104xf32, #tpu.memory_space<vmem>>, %arg9: memref<1840xf32, #tpu.memory_space<vmem>>, %arg10: memref<1840xf32, #tpu.memory_space<vmem>>, %arg11: memref<5856xi32, #tpu.memory_space<vmem>>, %arg12: memref<5856xi32, #tpu.memory_space<vmem>>, %arg13: memref<29440xf32, #tpu.memory_space<vmem>>, %arg14: memref<352xf32, #tpu.memory_space<vmem>>, %arg15: memref<3680xf32, #tpu.memory_space<vmem>>, %arg16: memref<!tpu.dma_semaphore, #tpu.memory_space<semaphore_mem>>, %arg17: memref<100096xf32, #tpu.memory_space<vmem_shared>>) attributes {dimension_semantics = [#tpu.dimension_semantics<core_parallel>, #tpu.dimension_semantics<subcore_parallel>], iteration_bounds = array<i64: 1, 16>, scalar_prefetch = 0 : i64, scratch_operands = 13 : i64, tpu.core_type = #tpu.core_type<sc_vector_subcore>, window_params = [{transform_indices = #map}, {transform_indices = #map}, {transform_indices = #map}]} {
    %broadcast_in_dim3A = arith.constant 0.000000e+00 : f32
    %broadcast_in_dim3A_0 = vector.broadcast %broadcast_in_dim3A : f32 to vector<16xf32>
    %mul3A = arith.constant 368 : i32
    %mul3A_1 = arith.muli %arg1, %mul3A : i32
    "tpu.region"() ({
      %run_scoped3A = tpu.sem_alloc : memref<!tpu.dma_semaphore, #tpu.memory_space<semaphore_mem>>
      %dma_start3A = arith.constant 17552 : i32
      %dma_start3A_104 = tpu.memref_slice %arg2[%dma_start3A] : memref<17904xf32, #tpu.memory_space<hbm>> -> memref<352xf32, #tpu.memory_space<hbm>>
      %dma_start3A_105 = arith.constant 17552 : i32
      %dma_start3A_106 = tpu.memref_slice %arg2[%dma_start3A_105] : memref<17904xf32, #tpu.memory_space<hbm>> -> memref<352xf32, #tpu.memory_space<hbm>>
      tpu.enqueue_dma source(%dma_start3A_106 : memref<352xf32, #tpu.memory_space<hbm>>) target(%arg14 : memref<352xf32, #tpu.memory_space<vmem>>) target_semaphore(%run_scoped3A : memref<!tpu.dma_semaphore, #tpu.memory_space<semaphore_mem>>)
      %dma_wait3A = arith.constant 17552 : i32
      %dma_wait3A_107 = tpu.memref_slice %arg2[%dma_wait3A] : memref<17904xf32, #tpu.memory_space<hbm>> -> memref<352xf32, #tpu.memory_space<hbm>>
      %dma_wait3A_108 = arith.constant 17552 : i32
      %dma_wait3A_109 = tpu.memref_slice %arg2[%dma_wait3A_108] : memref<17904xf32, #tpu.memory_space<hbm>> -> memref<352xf32, #tpu.memory_space<hbm>>
      tpu.wait_dma2 semaphore(%run_scoped3A : memref<!tpu.dma_semaphore, #tpu.memory_space<semaphore_mem>>) src(%dma_wait3A_109 : memref<352xf32, #tpu.memory_space<hbm>>) dst(%arg14 : memref<352xf32, #tpu.memory_space<vmem>>)
      tpu.yield
    }) : () -> ()
    %lt3A = arith.constant 15 : i32
    %lt3A_2 = arith.cmpi slt, %arg1, %lt3A : i32
    %convert_element_type3A = arith.extui %lt3A_2 : i1 to i32
    %cond3A = arith.constant 0 : i32
    %cond3A_3 = arith.cmpi ne, %convert_element_type3A, %cond3A : i32
    scf.if %cond3A_3 {
      %mul3A_104 = arith.constant 1104 : i32
      %mul3A_105 = arith.muli %arg1, %mul3A_104 : i32
      "tpu.region"() ({
        %run_scoped3A = tpu.sem_alloc : memref<!tpu.dma_semaphore, #tpu.memory_space<semaphore_mem>>
        %dma_start3A = tpu.memref_slice %arg2[%mul3A_105] : memref<17904xf32, #tpu.memory_space<hbm>> -> memref<1104xf32, #tpu.memory_space<hbm>>
        %dma_start3A_112 = tpu.memref_slice %arg2[%mul3A_105] : memref<17904xf32, #tpu.memory_space<hbm>> -> memref<1104xf32, #tpu.memory_space<hbm>>
        tpu.enqueue_dma source(%dma_start3A_112 : memref<1104xf32, #tpu.memory_space<hbm>>) target(%arg5 : memref<1104xf32, #tpu.memory_space<vmem>>) target_semaphore(%run_scoped3A : memref<!tpu.dma_semaphore, #tpu.memory_space<semaphore_mem>>)
        %dma_wait3A = tpu.memref_slice %arg2[%mul3A_105] : memref<17904xf32, #tpu.memory_space<hbm>> -> memref<1104xf32, #tpu.memory_space<hbm>>
        %dma_wait3A_113 = tpu.memref_slice %arg2[%mul3A_105] : memref<17904xf32, #tpu.memory_space<hbm>> -> memref<1104xf32, #tpu.memory_space<hbm>>
        tpu.wait_dma2 semaphore(%run_scoped3A : memref<!tpu.dma_semaphore, #tpu.memory_space<semaphore_mem>>) src(%dma_wait3A_113 : memref<1104xf32, #tpu.memory_space<hbm>>) dst(%arg5 : memref<1104xf32, #tpu.memory_space<vmem>>)
        tpu.yield
      }) : () -> ()
      %mul3A_106 = arith.constant 5856 : i32
      %mul3A_107 = arith.muli %arg1, %mul3A_106 : i32
      "tpu.region"() ({
        %run_scoped3A = tpu.sem_alloc : memref<!tpu.dma_semaphore, #tpu.memory_space<semaphore_mem>>
        %dma_start3A = tpu.memref_slice %arg3[%mul3A_107] : memref<187200xi32, #tpu.memory_space<hbm>> -> memref<5856xi32, #tpu.memory_space<hbm>>
        %dma_start3A_112 = tpu.memref_slice %arg3[%mul3A_107] : memref<187200xi32, #tpu.memory_space<hbm>> -> memref<5856xi32, #tpu.memory_space<hbm>>
        tpu.enqueue_dma source(%dma_start3A_112 : memref<5856xi32, #tpu.memory_space<hbm>>) target(%arg11 : memref<5856xi32, #tpu.memory_space<vmem>>) target_semaphore(%run_scoped3A : memref<!tpu.dma_semaphore, #tpu.memory_space<semaphore_mem>>)
        %dma_wait3A = tpu.memref_slice %arg3[%mul3A_107] : memref<187200xi32, #tpu.memory_space<hbm>> -> memref<5856xi32, #tpu.memory_space<hbm>>
        %dma_wait3A_113 = tpu.memref_slice %arg3[%mul3A_107] : memref<187200xi32, #tpu.memory_space<hbm>> -> memref<5856xi32, #tpu.memory_space<hbm>>
        tpu.wait_dma2 semaphore(%run_scoped3A : memref<!tpu.dma_semaphore, #tpu.memory_space<semaphore_mem>>) src(%dma_wait3A_113 : memref<5856xi32, #tpu.memory_space<hbm>>) dst(%arg11 : memref<5856xi32, #tpu.memory_space<vmem>>)
        tpu.yield
      }) : () -> ()
      %mul3A_108 = arith.constant 5856 : i32
      %mul3A_109 = arith.muli %arg1, %mul3A_108 : i32
      %add3A_110 = arith.constant 93600 : i32
      %add3A_111 = arith.addi %add3A_110, %mul3A_109 : i32
      "tpu.region"() ({
        %run_scoped3A = tpu.sem_alloc : memref<!tpu.dma_semaphore, #tpu.memory_space<semaphore_mem>>
        %dma_start3A = tpu.memref_slice %arg3[%add3A_111] : memref<187200xi32, #tpu.memory_space<hbm>> -> memref<5856xi32, #tpu.memory_space<hbm>>
        %dma_start3A_112 = tpu.memref_slice %arg3[%add3A_111] : memref<187200xi32, #tpu.memory_space<hbm>> -> memref<5856xi32, #tpu.memory_space<hbm>>
        tpu.enqueue_dma source(%dma_start3A_112 : memref<5856xi32, #tpu.memory_space<hbm>>) target(%arg12 : memref<5856xi32, #tpu.memory_space<vmem>>) target_semaphore(%run_scoped3A : memref<!tpu.dma_semaphore, #tpu.memory_space<semaphore_mem>>)
        %dma_wait3A = tpu.memref_slice %arg3[%add3A_111] : memref<187200xi32, #tpu.memory_space<hbm>> -> memref<5856xi32, #tpu.memory_space<hbm>>
        %dma_wait3A_113 = tpu.memref_slice %arg3[%add3A_111] : memref<187200xi32, #tpu.memory_space<hbm>> -> memref<5856xi32, #tpu.memory_space<hbm>>
        tpu.wait_dma2 semaphore(%run_scoped3A : memref<!tpu.dma_semaphore, #tpu.memory_space<semaphore_mem>>) src(%dma_wait3A_113 : memref<5856xi32, #tpu.memory_space<hbm>>) dst(%arg12 : memref<5856xi32, #tpu.memory_space<vmem>>)
        tpu.yield
      }) : () -> ()
    } else {
    }
    %eq3A = arith.constant 15 : i32
    %eq3A_4 = arith.cmpi eq, %arg1, %eq3A : i32
    %convert_element_type3A_5 = arith.extui %eq3A_4 : i1 to i32
    %cond3A_6 = arith.constant 0 : i32
    %cond3A_7 = arith.cmpi ne, %convert_element_type3A_5, %cond3A_6 : i32
    scf.if %cond3A_7 {
      "tpu.region"() ({
        %run_scoped3A = tpu.sem_alloc : memref<!tpu.dma_semaphore, #tpu.memory_space<semaphore_mem>>
        %dma_start3A = arith.constant 0 : i32
        %dma_start3A_104 = tpu.memref_slice %arg5[%dma_start3A] : memref<1104xf32, #tpu.memory_space<vmem>> -> memref<990xf32, #tpu.memory_space<vmem>>
        %dma_start3A_105 = arith.constant 16560 : i32
        %dma_start3A_106 = tpu.memref_slice %arg2[%dma_start3A_105] : memref<17904xf32, #tpu.memory_space<hbm>> -> memref<990xf32, #tpu.memory_space<hbm>>
        %dma_start3A_107 = arith.constant 0 : i32
        %dma_start3A_108 = tpu.memref_slice %arg5[%dma_start3A_107] : memref<1104xf32, #tpu.memory_space<vmem>> -> memref<990xf32, #tpu.memory_space<vmem>>
        %dma_start3A_109 = arith.constant 16560 : i32
        %dma_start3A_110 = tpu.memref_slice %arg2[%dma_start3A_109] : memref<17904xf32, #tpu.memory_space<hbm>> -> memref<990xf32, #tpu.memory_space<hbm>>
        tpu.enqueue_dma source(%dma_start3A_110 : memref<990xf32, #tpu.memory_space<hbm>>) target(%dma_start3A_108 : memref<990xf32, #tpu.memory_space<vmem>>) target_semaphore(%run_scoped3A : memref<!tpu.dma_semaphore, #tpu.memory_space<semaphore_mem>>)
        %dma_wait3A = arith.constant 0 : i32
        %dma_wait3A_111 = tpu.memref_slice %arg5[%dma_wait3A] : memref<1104xf32, #tpu.memory_space<vmem>> -> memref<990xf32, #tpu.memory_space<vmem>>
        %dma_wait3A_112 = arith.constant 16560 : i32
        %dma_wait3A_113 = tpu.memref_slice %arg2[%dma_wait3A_112] : memref<17904xf32, #tpu.memory_space<hbm>> -> memref<990xf32, #tpu.memory_space<hbm>>
        %dma_wait3A_114 = arith.constant 0 : i32
        %dma_wait3A_115 = tpu.memref_slice %arg5[%dma_wait3A_114] : memref<1104xf32, #tpu.memory_space<vmem>> -> memref<990xf32, #tpu.memory_space<vmem>>
        %dma_wait3A_116 = arith.constant 16560 : i32
        %dma_wait3A_117 = tpu.memref_slice %arg2[%dma_wait3A_116] : memref<17904xf32, #tpu.memory_space<hbm>> -> memref<990xf32, #tpu.memory_space<hbm>>
        tpu.wait_dma2 semaphore(%run_scoped3A : memref<!tpu.dma_semaphore, #tpu.memory_space<semaphore_mem>>) src(%dma_wait3A_117 : memref<990xf32, #tpu.memory_space<hbm>>) dst(%dma_wait3A_115 : memref<990xf32, #tpu.memory_space<vmem>>)
        tpu.yield
      }) : () -> ()
      "tpu.region"() ({
        %run_scoped3A = tpu.sem_alloc : memref<!tpu.dma_semaphore, #tpu.memory_space<semaphore_mem>>
        %dma_start3A = arith.constant 0 : i32
        %dma_start3A_104 = tpu.memref_slice %arg11[%dma_start3A] : memref<5856xi32, #tpu.memory_space<vmem>> -> memref<5760xi32, #tpu.memory_space<vmem>>
        %dma_start3A_105 = arith.constant 87840 : i32
        %dma_start3A_106 = tpu.memref_slice %arg3[%dma_start3A_105] : memref<187200xi32, #tpu.memory_space<hbm>> -> memref<5760xi32, #tpu.memory_space<hbm>>
        %dma_start3A_107 = arith.constant 0 : i32
        %dma_start3A_108 = tpu.memref_slice %arg11[%dma_start3A_107] : memref<5856xi32, #tpu.memory_space<vmem>> -> memref<5760xi32, #tpu.memory_space<vmem>>
        %dma_start3A_109 = arith.constant 87840 : i32
        %dma_start3A_110 = tpu.memref_slice %arg3[%dma_start3A_109] : memref<187200xi32, #tpu.memory_space<hbm>> -> memref<5760xi32, #tpu.memory_space<hbm>>
        tpu.enqueue_dma source(%dma_start3A_110 : memref<5760xi32, #tpu.memory_space<hbm>>) target(%dma_start3A_108 : memref<5760xi32, #tpu.memory_space<vmem>>) target_semaphore(%run_scoped3A : memref<!tpu.dma_semaphore, #tpu.memory_space<semaphore_mem>>)
        %dma_wait3A = arith.constant 0 : i32
        %dma_wait3A_111 = tpu.memref_slice %arg11[%dma_wait3A] : memref<5856xi32, #tpu.memory_space<vmem>> -> memref<5760xi32, #tpu.memory_space<vmem>>
        %dma_wait3A_112 = arith.constant 87840 : i32
        %dma_wait3A_113 = tpu.memref_slice %arg3[%dma_wait3A_112] : memref<187200xi32, #tpu.memory_space<hbm>> -> memref<5760xi32, #tpu.memory_space<hbm>>
        %dma_wait3A_114 = arith.constant 0 : i32
        %dma_wait3A_115 = tpu.memref_slice %arg11[%dma_wait3A_114] : memref<5856xi32, #tpu.memory_space<vmem>> -> memref<5760xi32, #tpu.memory_space<vmem>>
        %dma_wait3A_116 = arith.constant 87840 : i32
        %dma_wait3A_117 = tpu.memref_slice %arg3[%dma_wait3A_116] : memref<187200xi32, #tpu.memory_space<hbm>> -> memref<5760xi32, #tpu.memory_space<hbm>>
        tpu.wait_dma2 semaphore(%run_scoped3A : memref<!tpu.dma_semaphore, #tpu.memory_space<semaphore_mem>>) src(%dma_wait3A_117 : memref<5760xi32, #tpu.memory_space<hbm>>) dst(%dma_wait3A_115 : memref<5760xi32, #tpu.memory_space<vmem>>)
        tpu.yield
      }) : () -> ()
      "tpu.region"() ({
        %run_scoped3A = tpu.sem_alloc : memref<!tpu.dma_semaphore, #tpu.memory_space<semaphore_mem>>
        %dma_start3A = arith.constant 0 : i32
        %dma_start3A_104 = tpu.memref_slice %arg12[%dma_start3A] : memref<5856xi32, #tpu.memory_space<vmem>> -> memref<5760xi32, #tpu.memory_space<vmem>>
        %dma_start3A_105 = arith.constant 181440 : i32
        %dma_start3A_106 = tpu.memref_slice %arg3[%dma_start3A_105] : memref<187200xi32, #tpu.memory_space<hbm>> -> memref<5760xi32, #tpu.memory_space<hbm>>
        %dma_start3A_107 = arith.constant 0 : i32
        %dma_start3A_108 = tpu.memref_slice %arg12[%dma_start3A_107] : memref<5856xi32, #tpu.memory_space<vmem>> -> memref<5760xi32, #tpu.memory_space<vmem>>
        %dma_start3A_109 = arith.constant 181440 : i32
        %dma_start3A_110 = tpu.memref_slice %arg3[%dma_start3A_109] : memref<187200xi32, #tpu.memory_space<hbm>> -> memref<5760xi32, #tpu.memory_space<hbm>>
        tpu.enqueue_dma source(%dma_start3A_110 : memref<5760xi32, #tpu.memory_space<hbm>>) target(%dma_start3A_108 : memref<5760xi32, #tpu.memory_space<vmem>>) target_semaphore(%run_scoped3A : memref<!tpu.dma_semaphore, #tpu.memory_space<semaphore_mem>>)
        %dma_wait3A = arith.constant 0 : i32
        %dma_wait3A_111 = tpu.memref_slice %arg12[%dma_wait3A] : memref<5856xi32, #tpu.memory_space<vmem>> -> memref<5760xi32, #tpu.memory_space<vmem>>
        %dma_wait3A_112 = arith.constant 181440 : i32
        %dma_wait3A_113 = tpu.memref_slice %arg3[%dma_wait3A_112] : memref<187200xi32, #tpu.memory_space<hbm>> -> memref<5760xi32, #tpu.memory_space<hbm>>
        %dma_wait3A_114 = arith.constant 0 : i32
        %dma_wait3A_115 = tpu.memref_slice %arg12[%dma_wait3A_114] : memref<5856xi32, #tpu.memory_space<vmem>> -> memref<5760xi32, #tpu.memory_space<vmem>>
        %dma_wait3A_116 = arith.constant 181440 : i32
        %dma_wait3A_117 = tpu.memref_slice %arg3[%dma_wait3A_116] : memref<187200xi32, #tpu.memory_space<hbm>> -> memref<5760xi32, #tpu.memory_space<hbm>>
        tpu.wait_dma2 semaphore(%run_scoped3A : memref<!tpu.dma_semaphore, #tpu.memory_space<semaphore_mem>>) src(%dma_wait3A_117 : memref<5760xi32, #tpu.memory_space<hbm>>) dst(%dma_wait3A_115 : memref<5760xi32, #tpu.memory_space<vmem>>)
        tpu.yield
      }) : () -> ()
    } else {
    }
    %scan3A = arith.constant 0 : i32
    %scan3A_8 = arith.constant 207 : i32
    %scan3A_9 = arith.addi %scan3A, %scan3A_8 : i32
    %scan3A_10 = arith.constant 1 : i32
    scf.for %scan3A_104 = %scan3A to %scan3A_9 step %scan3A_10  : i32 {
      %mul3A_105 = arith.constant 16 : i32
      %mul3A_106 = arith.muli %scan3A_104, %mul3A_105 : i32
      %swap3A = arith.index_cast %mul3A_106 : i32 to index
      %swap3A_107 = tpu.vector_load %arg13[%swap3A] {strides = array<i32>} : memref<29440xf32, #tpu.memory_space<vmem>>, vector<16xf32>,
      tpu.vector_store %arg13[%swap3A], %broadcast_in_dim3A_0 {strides = array<i32>} : memref<29440xf32, #tpu.memory_space<vmem>>, vector<16xf32>,
    }
    %scan3A_11 = arith.constant 207 : i32
    %mul3A_12 = arith.constant 3312 : i32
    %mul3A_13 = arith.muli %arg1, %mul3A_12 : i32
    "tpu.region"() ({
      %run_scoped3A = tpu.sem_alloc : memref<!tpu.dma_semaphore, #tpu.memory_space<semaphore_mem>>
      %dma_start3A = arith.constant 0 : i32
      %dma_start3A_104 = tpu.memref_slice %arg13[%dma_start3A] : memref<29440xf32, #tpu.memory_space<vmem>> -> memref<3312xf32, #tpu.memory_space<vmem>>
      %dma_start3A_105 = tpu.memref_slice %arg17[%mul3A_13] : memref<100096xf32, #tpu.memory_space<vmem_shared>> -> memref<3312xf32, #tpu.memory_space<vmem_shared>>
      %dma_start3A_106 = tpu.memref_slice %arg17[%mul3A_13] : memref<100096xf32, #tpu.memory_space<vmem_shared>> -> memref<3312xf32, #tpu.memory_space<vmem_shared>>
      %dma_start3A_107 = arith.constant 0 : i32
      %dma_start3A_108 = tpu.memref_slice %arg13[%dma_start3A_107] : memref<29440xf32, #tpu.memory_space<vmem>> -> memref<3312xf32, #tpu.memory_space<vmem>>
      tpu.enqueue_dma source(%dma_start3A_108 : memref<3312xf32, #tpu.memory_space<vmem>>) target(%dma_start3A_106 : memref<3312xf32, #tpu.memory_space<vmem_shared>>) target_semaphore(%run_scoped3A : memref<!tpu.dma_semaphore, #tpu.memory_space<semaphore_mem>>)
      %dma_wait3A = arith.constant 0 : i32
      %dma_wait3A_109 = tpu.memref_slice %arg13[%dma_wait3A] : memref<29440xf32, #tpu.memory_space<vmem>> -> memref<3312xf32, #tpu.memory_space<vmem>>
      %dma_wait3A_110 = tpu.memref_slice %arg17[%mul3A_13] : memref<100096xf32, #tpu.memory_space<vmem_shared>> -> memref<3312xf32, #tpu.memory_space<vmem_shared>>
      %dma_wait3A_111 = tpu.memref_slice %arg17[%mul3A_13] : memref<100096xf32, #tpu.memory_space<vmem_shared>> -> memref<3312xf32, #tpu.memory_space<vmem_shared>>
      %dma_wait3A_112 = arith.constant 0 : i32
      %dma_wait3A_113 = tpu.memref_slice %arg13[%dma_wait3A_112] : memref<29440xf32, #tpu.memory_space<vmem>> -> memref<3312xf32, #tpu.memory_space<vmem>>
      tpu.wait_dma2 semaphore(%run_scoped3A : memref<!tpu.dma_semaphore, #tpu.memory_space<semaphore_mem>>) src(%dma_wait3A_113 : memref<3312xf32, #tpu.memory_space<vmem>>) dst(%dma_wait3A_111 : memref<3312xf32, #tpu.memory_space<vmem_shared>>)
      tpu.yield
    }) : () -> ()
    %barrier3A = arith.constant 0 : index
    tpu.barrier barrier_id(%barrier3A)
    %scan3A_14 = arith.constant 0 : i32
    %scan3A_15 = arith.constant 366 : i32
    %scan3A_16 = arith.addi %scan3A_14, %scan3A_15 : i32
    %scan3A_17 = arith.constant 1 : i32
    scf.for %scan3A_104 = %scan3A_14 to %scan3A_16 step %scan3A_17  : i32 {
      %add3A_105 = arith.constant 1.000000e+00 : f32
      %add3A_106 = vector.broadcast %add3A_105 : f32 to vector<16xf32>
      %add3A_107 = arith.addf %broadcast_in_dim3A_0, %add3A_106 : vector<16xf32>
      %mul3A_108 = arith.constant 16 : i32
      %mul3A_109 = arith.muli %scan3A_104, %mul3A_108 : i32
      %swap3A = arith.index_cast %mul3A_109 : i32 to index
      %swap3A_110 = tpu.vector_load %arg13[%swap3A] {strides = array<i32>} : memref<29440xf32, #tpu.memory_space<vmem>>, vector<16xf32>,
      tpu.vector_store %arg13[%swap3A], %add3A_107 {strides = array<i32>} : memref<29440xf32, #tpu.memory_space<vmem>>, vector<16xf32>,
    }
    %scan3A_18 = arith.constant 366 : i32
    %lt3A_19 = arith.constant 15 : i32
    %lt3A_20 = arith.cmpi slt, %arg1, %lt3A_19 : i32
    %convert_element_type3A_21 = arith.extui %lt3A_20 : i1 to i32
    %cond3A_22 = arith.constant 0 : i32
    %cond3A_23 = arith.cmpi ne, %convert_element_type3A_21, %cond3A_22 : i32
    scf.if %cond3A_23 {
      "tpu.region"() ({
        %run_scoped3A = tpu.sem_alloc : memref<!tpu.dma_semaphore, #tpu.memory_space<semaphore_mem>>
        %dma_start3A = arith.constant 0 : i32
        %dma_start3A_104 = tpu.memref_slice %arg13[%dma_start3A] : memref<29440xf32, #tpu.memory_space<vmem>> -> memref<5856xf32, #tpu.memory_space<vmem>>
        %dma_start3A_105 = arith.constant 0 : i32
        %dma_start3A_106 = tpu.memref_slice %arg17[%dma_start3A_105] : memref<100096xf32, #tpu.memory_space<vmem_shared>> -> memref<5888xf32, #tpu.memory_space<vmem_shared>>
        %dma_start3A_107 = arith.constant 0 : i32
        %dma_start3A_108 = tpu.memref_slice %dma_start3A_106[%dma_start3A_107] : memref<5888xf32, #tpu.memory_space<vmem_shared>> -> memref<5888xf32, #tpu.memory_space<vmem_shared>>
        tpu.enqueue_indirect_dma source(%dma_start3A_104 : memref<5856xf32, #tpu.memory_space<vmem>>) target(%dma_start3A_108 : memref<5888xf32, #tpu.memory_space<vmem_shared>>) offsets(%arg12 : memref<5856xi32, #tpu.memory_space<vmem>>) semaphore(%run_scoped3A : memref<!tpu.dma_semaphore, #tpu.memory_space<semaphore_mem>>) {add = true}
        %dma_wait3A = arith.constant 0 : i32
        %dma_wait3A_109 = tpu.memref_slice %arg13[%dma_wait3A] : memref<29440xf32, #tpu.memory_space<vmem>> -> memref<5856xf32, #tpu.memory_space<vmem>>
        %dma_wait3A_110 = arith.constant 0 : i32
        %dma_wait3A_111 = tpu.memref_slice %arg17[%dma_wait3A_110] : memref<100096xf32, #tpu.memory_space<vmem_shared>> -> memref<5888xf32, #tpu.memory_space<vmem_shared>>
        %dma_wait3A_112 = arith.constant 0 : i32
        %dma_wait3A_113 = tpu.memref_slice %dma_wait3A_111[%dma_wait3A_112] : memref<5888xf32, #tpu.memory_space<vmem_shared>> -> memref<5888xf32, #tpu.memory_space<vmem_shared>>
        tpu.wait_indirect_dma semaphore(%run_scoped3A : memref<!tpu.dma_semaphore, #tpu.memory_space<semaphore_mem>>) src(%dma_wait3A_109 : memref<5856xf32, #tpu.memory_space<vmem>>) dst(%dma_wait3A_113 : memref<5888xf32, #tpu.memory_space<vmem_shared>>)
        tpu.yield
      }) : () -> ()
    } else {
    }
    %eq3A_24 = arith.constant 15 : i32
    %eq3A_25 = arith.cmpi eq, %arg1, %eq3A_24 : i32
    %convert_element_type3A_26 = arith.extui %eq3A_25 : i1 to i32
    %cond3A_27 = arith.constant 0 : i32
    %cond3A_28 = arith.cmpi ne, %convert_element_type3A_26, %cond3A_27 : i32
    scf.if %cond3A_28 {
      "tpu.region"() ({
        %run_scoped3A = tpu.sem_alloc : memref<!tpu.dma_semaphore, #tpu.memory_space<semaphore_mem>>
        %dma_start3A = arith.constant 0 : i32
        %dma_start3A_104 = tpu.memref_slice %arg13[%dma_start3A] : memref<29440xf32, #tpu.memory_space<vmem>> -> memref<5760xf32, #tpu.memory_space<vmem>>
        %dma_start3A_105 = arith.constant 0 : i32
        %dma_start3A_106 = tpu.memref_slice %arg12[%dma_start3A_105] : memref<5856xi32, #tpu.memory_space<vmem>> -> memref<5760xi32, #tpu.memory_space<vmem>>
        %dma_start3A_107 = arith.constant 0 : i32
        %dma_start3A_108 = tpu.memref_slice %arg17[%dma_start3A_107] : memref<100096xf32, #tpu.memory_space<vmem_shared>> -> memref<5888xf32, #tpu.memory_space<vmem_shared>>
        %dma_start3A_109 = arith.constant 0 : i32
        %dma_start3A_110 = tpu.memref_slice %dma_start3A_108[%dma_start3A_109] : memref<5888xf32, #tpu.memory_space<vmem_shared>> -> memref<5888xf32, #tpu.memory_space<vmem_shared>>
        tpu.enqueue_indirect_dma source(%dma_start3A_104 : memref<5760xf32, #tpu.memory_space<vmem>>) target(%dma_start3A_110 : memref<5888xf32, #tpu.memory_space<vmem_shared>>) offsets(%dma_start3A_106 : memref<5760xi32, #tpu.memory_space<vmem>>) semaphore(%run_scoped3A : memref<!tpu.dma_semaphore, #tpu.memory_space<semaphore_mem>>) {add = true}
        %dma_wait3A = arith.constant 0 : i32
        %dma_wait3A_111 = tpu.memref_slice %arg13[%dma_wait3A] : memref<29440xf32, #tpu.memory_space<vmem>> -> memref<5760xf32, #tpu.memory_space<vmem>>
        %dma_wait3A_112 = arith.constant 0 : i32
        %dma_wait3A_113 = tpu.memref_slice %arg12[%dma_wait3A_112] : memref<5856xi32, #tpu.memory_space<vmem>> -> memref<5760xi32, #tpu.memory_space<vmem>>
        %dma_wait3A_114 = arith.constant 0 : i32
        %dma_wait3A_115 = tpu.memref_slice %arg17[%dma_wait3A_114] : memref<100096xf32, #tpu.memory_space<vmem_shared>> -> memref<5888xf32, #tpu.memory_space<vmem_shared>>
        %dma_wait3A_116 = arith.constant 0 : i32
        %dma_wait3A_117 = tpu.memref_slice %dma_wait3A_115[%dma_wait3A_116] : memref<5888xf32, #tpu.memory_space<vmem_shared>> -> memref<5888xf32, #tpu.memory_space<vmem_shared>>
        tpu.wait_indirect_dma semaphore(%run_scoped3A : memref<!tpu.dma_semaphore, #tpu.memory_space<semaphore_mem>>) src(%dma_wait3A_111 : memref<5760xf32, #tpu.memory_space<vmem>>) dst(%dma_wait3A_117 : memref<5888xf32, #tpu.memory_space<vmem_shared>>)
        tpu.yield
      }) : () -> ()
    } else {
    }
    %barrier3A_29 = arith.constant 0 : index
    tpu.barrier barrier_id(%barrier3A_29)
    %add3A = arith.constant 0 : i32
    %add3A_30 = arith.addi %add3A, %mul3A_1 : i32
    "tpu.region"() ({
      %run_scoped3A = tpu.sem_alloc : memref<!tpu.dma_semaphore, #tpu.memory_space<semaphore_mem>>
      %dma_start3A = tpu.memref_slice %arg17[%add3A_30] : memref<100096xf32, #tpu.memory_space<vmem_shared>> -> memref<368xf32, #tpu.memory_space<vmem_shared>>
      %dma_start3A_104 = tpu.memref_slice %arg17[%add3A_30] : memref<100096xf32, #tpu.memory_space<vmem_shared>> -> memref<368xf32, #tpu.memory_space<vmem_shared>>
      tpu.enqueue_dma source(%dma_start3A_104 : memref<368xf32, #tpu.memory_space<vmem_shared>>) target(%arg6 : memref<368xf32, #tpu.memory_space<vmem>>) target_semaphore(%run_scoped3A : memref<!tpu.dma_semaphore, #tpu.memory_space<semaphore_mem>>)
      %dma_wait3A = tpu.memref_slice %arg17[%add3A_30] : memref<100096xf32, #tpu.memory_space<vmem_shared>> -> memref<368xf32, #tpu.memory_space<vmem_shared>>
      %dma_wait3A_105 = tpu.memref_slice %arg17[%add3A_30] : memref<100096xf32, #tpu.memory_space<vmem_shared>> -> memref<368xf32, #tpu.memory_space<vmem_shared>>
      tpu.wait_dma2 semaphore(%run_scoped3A : memref<!tpu.dma_semaphore, #tpu.memory_space<semaphore_mem>>) src(%dma_wait3A_105 : memref<368xf32, #tpu.memory_space<vmem_shared>>) dst(%arg6 : memref<368xf32, #tpu.memory_space<vmem>>)
      tpu.yield
    }) : () -> ()
    %iota3A = tpu.iota {dimensions = array<i32: 0>} : vector<16xi32>
    %scan3A_31 = arith.constant 0 : i32
    %scan3A_32 = arith.constant 23 : i32
    %scan3A_33 = arith.addi %scan3A_31, %scan3A_32 : i32
    %scan3A_34 = arith.constant 1 : i32
    scf.for %scan3A_104 = %scan3A_31 to %scan3A_33 step %scan3A_34  : i32 {
      %mul3A_105 = arith.constant 16 : i32
      %mul3A_106 = arith.muli %scan3A_104, %mul3A_105 : i32
      %get3A = arith.index_cast %mul3A_106 : i32 to index
      %get3A_107 = tpu.vector_load %arg6[%get3A] {strides = array<i32>} : memref<368xf32, #tpu.memory_space<vmem>>, vector<16xf32>,
      %add3A_108 = arith.constant 1.000000e+00 : f32
      %add3A_109 = vector.broadcast %add3A_108 : f32 to vector<16xf32>
      %add3A_110 = arith.addf %get3A_107, %add3A_109 : vector<16xf32>
      %bitcast_convert_type3A = tpu.bitcast %add3A_110 : vector<16xf32> -> vector<16xi32>
      %shift_right_logical3A = arith.constant 1 : i32
      %shift_right_logical3A_111 = vector.broadcast %shift_right_logical3A : i32 to vector<16xi32>
      %shift_right_logical3A_112 = arith.shrui %bitcast_convert_type3A, %shift_right_logical3A_111 : vector<16xi32>
      %sub3A = arith.constant 1597463007 : i32
      %sub3A_113 = vector.broadcast %sub3A : i32 to vector<16xi32>
      %sub3A_114 = arith.subi %sub3A_113, %shift_right_logical3A_112 : vector<16xi32>
      %bitcast_convert_type3A_115 = tpu.bitcast %sub3A_114 : vector<16xi32> -> vector<16xf32>
      %mul3A_116 = arith.constant 5.000000e-01 : f32
      %mul3A_117 = vector.broadcast %mul3A_116 : f32 to vector<16xf32>
      %mul3A_118 = arith.mulf %mul3A_117, %add3A_110 : vector<16xf32>
      %mul3A_119 = arith.mulf %mul3A_118, %bitcast_convert_type3A_115 : vector<16xf32>
      %mul3A_120 = arith.mulf %mul3A_119, %bitcast_convert_type3A_115 : vector<16xf32>
      %sub3A_121 = arith.constant 1.500000e+00 : f32
      %sub3A_122 = vector.broadcast %sub3A_121 : f32 to vector<16xf32>
      %sub3A_123 = arith.subf %sub3A_122, %mul3A_120 : vector<16xf32>
      %mul3A_124 = arith.mulf %bitcast_convert_type3A_115, %sub3A_123 : vector<16xf32>
      %mul3A_125 = arith.constant 5.000000e-01 : f32
      %mul3A_126 = vector.broadcast %mul3A_125 : f32 to vector<16xf32>
      %mul3A_127 = arith.mulf %mul3A_126, %add3A_110 : vector<16xf32>
      %mul3A_128 = arith.mulf %mul3A_127, %mul3A_124 : vector<16xf32>
      %mul3A_129 = arith.mulf %mul3A_128, %mul3A_124 : vector<16xf32>
      %sub3A_130 = arith.constant 1.500000e+00 : f32
      %sub3A_131 = vector.broadcast %sub3A_130 : f32 to vector<16xf32>
      %sub3A_132 = arith.subf %sub3A_131, %mul3A_129 : vector<16xf32>
      %mul3A_133 = arith.mulf %mul3A_124, %sub3A_132 : vector<16xf32>
      %mul3A_134 = arith.constant 5.000000e-01 : f32
      %mul3A_135 = vector.broadcast %mul3A_134 : f32 to vector<16xf32>
      %mul3A_136 = arith.mulf %mul3A_135, %add3A_110 : vector<16xf32>
      %mul3A_137 = arith.mulf %mul3A_136, %mul3A_133 : vector<16xf32>
      %mul3A_138 = arith.mulf %mul3A_137, %mul3A_133 : vector<16xf32>
      %sub3A_139 = arith.constant 1.500000e+00 : f32
      %sub3A_140 = vector.broadcast %sub3A_139 : f32 to vector<16xf32>
      %sub3A_141 = arith.subf %sub3A_140, %mul3A_138 : vector<16xf32>
      %mul3A_142 = arith.mulf %mul3A_133, %sub3A_141 : vector<16xf32>
      %mul3A_143 = arith.constant 16 : i32
      %mul3A_144 = arith.muli %scan3A_104, %mul3A_143 : i32
      %swap3A = arith.index_cast %mul3A_144 : i32 to index
      %swap3A_145 = tpu.vector_load %arg6[%swap3A] {strides = array<i32>} : memref<368xf32, #tpu.memory_space<vmem>>, vector<16xf32>,
      tpu.vector_store %arg6[%swap3A], %mul3A_142 {strides = array<i32>} : memref<368xf32, #tpu.memory_space<vmem>>, vector<16xf32>,
      %mul3A_146 = arith.constant 16 : i32
      %mul3A_147 = arith.muli %scan3A_104, %mul3A_146 : i32
      %add3A_148 = vector.broadcast %mul3A_147 : i32 to vector<16xi32>
      %add3A_149 = arith.addi %add3A_148, %iota3A : vector<16xi32>
      %mul3A_150 = arith.constant 3 : i32
      %mul3A_151 = vector.broadcast %mul3A_150 : i32 to vector<16xi32>
      %mul3A_152 = arith.muli %add3A_149, %mul3A_151 : vector<16xi32>
      %add3A_153 = arith.constant 0 : i32
      %add3A_154 = vector.broadcast %add3A_153 : i32 to vector<16xi32>
      %add3A_155 = arith.addi %mul3A_152, %add3A_154 : vector<16xi32>
      %gather3A = tpu.vector_load_idx %arg5[%add3A_155] : memref<1104xf32, #tpu.memory_space<vmem>>[vector<16xi32>], vector<16xf32>,
      %mul3A_156 = arith.mulf %mul3A_142, %gather3A : vector<16xf32>
      %mul3A_157 = arith.constant 16 : i32
      %mul3A_158 = arith.muli %scan3A_104, %mul3A_157 : i32
      %add3A_159 = arith.constant 0 : i32
      %add3A_160 = arith.addi %add3A_159, %mul3A_158 : i32
      %swap3A_161 = arith.index_cast %add3A_160 : i32 to index
      %swap3A_162 = tpu.vector_load %arg7[%swap3A_161] {strides = array<i32>} : memref<1104xf32, #tpu.memory_space<vmem>>, vector<16xf32>,
      tpu.vector_store %arg7[%swap3A_161], %mul3A_156 {strides = array<i32>} : memref<1104xf32, #tpu.memory_space<vmem>>, vector<16xf32>,
      %add3A_163 = arith.constant 1 : i32
      %add3A_164 = vector.broadcast %add3A_163 : i32 to vector<16xi32>
      %add3A_165 = arith.addi %mul3A_152, %add3A_164 : vector<16xi32>
      %gather3A_166 = tpu.vector_load_idx %arg5[%add3A_165] : memref<1104xf32, #tpu.memory_space<vmem>>[vector<16xi32>], vector<16xf32>,
      %mul3A_167 = arith.mulf %mul3A_142, %gather3A_166 : vector<16xf32>
      %mul3A_168 = arith.constant 16 : i32
      %mul3A_169 = arith.muli %scan3A_104, %mul3A_168 : i32
      %add3A_170 = arith.constant 368 : i32
      %add3A_171 = arith.addi %add3A_170, %mul3A_169 : i32
      %swap3A_172 = arith.index_cast %add3A_171 : i32 to index
      %swap3A_173 = tpu.vector_load %arg7[%swap3A_172] {strides = array<i32>} : memref<1104xf32, #tpu.memory_space<vmem>>, vector<16xf32>,
      tpu.vector_store %arg7[%swap3A_172], %mul3A_167 {strides = array<i32>} : memref<1104xf32, #tpu.memory_space<vmem>>, vector<16xf32>,
      %add3A_174 = arith.constant 2 : i32
      %add3A_175 = vector.broadcast %add3A_174 : i32 to vector<16xi32>
      %add3A_176 = arith.addi %mul3A_152, %add3A_175 : vector<16xi32>
      %gather3A_177 = tpu.vector_load_idx %arg5[%add3A_176] : memref<1104xf32, #tpu.memory_space<vmem>>[vector<16xi32>], vector<16xf32>,
      %mul3A_178 = arith.mulf %mul3A_142, %gather3A_177 : vector<16xf32>
      %mul3A_179 = arith.constant 16 : i32
      %mul3A_180 = arith.muli %scan3A_104, %mul3A_179 : i32
      %add3A_181 = arith.constant 736 : i32
      %add3A_182 = arith.addi %add3A_181, %mul3A_180 : i32
      %swap3A_183 = arith.index_cast %add3A_182 : i32 to index
      %swap3A_184 = tpu.vector_load %arg7[%swap3A_183] {strides = array<i32>} : memref<1104xf32, #tpu.memory_space<vmem>>, vector<16xf32>,
      tpu.vector_store %arg7[%swap3A_183], %mul3A_178 {strides = array<i32>} : memref<1104xf32, #tpu.memory_space<vmem>>, vector<16xf32>,
    }
    %scan3A_35 = arith.constant 23 : i32
    %add3A_36 = arith.constant 52992 : i32
    %add3A_37 = arith.addi %add3A_36, %mul3A_1 : i32
    "tpu.region"() ({
      %run_scoped3A = tpu.sem_alloc : memref<!tpu.dma_semaphore, #tpu.memory_space<semaphore_mem>>
      %dma_start3A = arith.constant 0 : i32
      %dma_start3A_104 = tpu.memref_slice %arg7[%dma_start3A] : memref<1104xf32, #tpu.memory_space<vmem>> -> memref<368xf32, #tpu.memory_space<vmem>>
      %dma_start3A_105 = tpu.memref_slice %arg17[%add3A_37] : memref<100096xf32, #tpu.memory_space<vmem_shared>> -> memref<368xf32, #tpu.memory_space<vmem_shared>>
      %dma_start3A_106 = tpu.memref_slice %arg17[%add3A_37] : memref<100096xf32, #tpu.memory_space<vmem_shared>> -> memref<368xf32, #tpu.memory_space<vmem_shared>>
      %dma_start3A_107 = arith.constant 0 : i32
      %dma_start3A_108 = tpu.memref_slice %arg7[%dma_start3A_107] : memref<1104xf32, #tpu.memory_space<vmem>> -> memref<368xf32, #tpu.memory_space<vmem>>
      tpu.enqueue_dma source(%dma_start3A_108 : memref<368xf32, #tpu.memory_space<vmem>>) target(%dma_start3A_106 : memref<368xf32, #tpu.memory_space<vmem_shared>>) target_semaphore(%run_scoped3A : memref<!tpu.dma_semaphore, #tpu.memory_space<semaphore_mem>>)
      %dma_wait3A = arith.constant 0 : i32
      %dma_wait3A_109 = tpu.memref_slice %arg7[%dma_wait3A] : memref<1104xf32, #tpu.memory_space<vmem>> -> memref<368xf32, #tpu.memory_space<vmem>>
      %dma_wait3A_110 = tpu.memref_slice %arg17[%add3A_37] : memref<100096xf32, #tpu.memory_space<vmem_shared>> -> memref<368xf32, #tpu.memory_space<vmem_shared>>
      %dma_wait3A_111 = tpu.memref_slice %arg17[%add3A_37] : memref<100096xf32, #tpu.memory_space<vmem_shared>> -> memref<368xf32, #tpu.memory_space<vmem_shared>>
      %dma_wait3A_112 = arith.constant 0 : i32
      %dma_wait3A_113 = tpu.memref_slice %arg7[%dma_wait3A_112] : memref<1104xf32, #tpu.memory_space<vmem>> -> memref<368xf32, #tpu.memory_space<vmem>>
      tpu.wait_dma2 semaphore(%run_scoped3A : memref<!tpu.dma_semaphore, #tpu.memory_space<semaphore_mem>>) src(%dma_wait3A_113 : memref<368xf32, #tpu.memory_space<vmem>>) dst(%dma_wait3A_111 : memref<368xf32, #tpu.memory_space<vmem_shared>>)
      tpu.yield
    }) : () -> ()
    %add3A_38 = arith.constant 58880 : i32
    %add3A_39 = arith.addi %add3A_38, %mul3A_1 : i32
    "tpu.region"() ({
      %run_scoped3A = tpu.sem_alloc : memref<!tpu.dma_semaphore, #tpu.memory_space<semaphore_mem>>
      %dma_start3A = arith.constant 368 : i32
      %dma_start3A_104 = tpu.memref_slice %arg7[%dma_start3A] : memref<1104xf32, #tpu.memory_space<vmem>> -> memref<368xf32, #tpu.memory_space<vmem>>
      %dma_start3A_105 = tpu.memref_slice %arg17[%add3A_39] : memref<100096xf32, #tpu.memory_space<vmem_shared>> -> memref<368xf32, #tpu.memory_space<vmem_shared>>
      %dma_start3A_106 = tpu.memref_slice %arg17[%add3A_39] : memref<100096xf32, #tpu.memory_space<vmem_shared>> -> memref<368xf32, #tpu.memory_space<vmem_shared>>
      %dma_start3A_107 = arith.constant 368 : i32
      %dma_start3A_108 = tpu.memref_slice %arg7[%dma_start3A_107] : memref<1104xf32, #tpu.memory_space<vmem>> -> memref<368xf32, #tpu.memory_space<vmem>>
      tpu.enqueue_dma source(%dma_start3A_108 : memref<368xf32, #tpu.memory_space<vmem>>) target(%dma_start3A_106 : memref<368xf32, #tpu.memory_space<vmem_shared>>) target_semaphore(%run_scoped3A : memref<!tpu.dma_semaphore, #tpu.memory_space<semaphore_mem>>)
      %dma_wait3A = arith.constant 368 : i32
      %dma_wait3A_109 = tpu.memref_slice %arg7[%dma_wait3A] : memref<1104xf32, #tpu.memory_space<vmem>> -> memref<368xf32, #tpu.memory_space<vmem>>
      %dma_wait3A_110 = tpu.memref_slice %arg17[%add3A_39] : memref<100096xf32, #tpu.memory_space<vmem_shared>> -> memref<368xf32, #tpu.memory_space<vmem_shared>>
      %dma_wait3A_111 = tpu.memref_slice %arg17[%add3A_39] : memref<100096xf32, #tpu.memory_space<vmem_shared>> -> memref<368xf32, #tpu.memory_space<vmem_shared>>
      %dma_wait3A_112 = arith.constant 368 : i32
      %dma_wait3A_113 = tpu.memref_slice %arg7[%dma_wait3A_112] : memref<1104xf32, #tpu.memory_space<vmem>> -> memref<368xf32, #tpu.memory_space<vmem>>
      tpu.wait_dma2 semaphore(%run_scoped3A : memref<!tpu.dma_semaphore, #tpu.memory_space<semaphore_mem>>) src(%dma_wait3A_113 : memref<368xf32, #tpu.memory_space<vmem>>) dst(%dma_wait3A_111 : memref<368xf32, #tpu.memory_space<vmem_shared>>)
      tpu.yield
    }) : () -> ()
    %add3A_40 = arith.constant 64768 : i32
    %add3A_41 = arith.addi %add3A_40, %mul3A_1 : i32
    "tpu.region"() ({
      %run_scoped3A = tpu.sem_alloc : memref<!tpu.dma_semaphore, #tpu.memory_space<semaphore_mem>>
      %dma_start3A = arith.constant 736 : i32
      %dma_start3A_104 = tpu.memref_slice %arg7[%dma_start3A] : memref<1104xf32, #tpu.memory_space<vmem>> -> memref<368xf32, #tpu.memory_space<vmem>>
      %dma_start3A_105 = tpu.memref_slice %arg17[%add3A_41] : memref<100096xf32, #tpu.memory_space<vmem_shared>> -> memref<368xf32, #tpu.memory_space<vmem_shared>>
      %dma_start3A_106 = tpu.memref_slice %arg17[%add3A_41] : memref<100096xf32, #tpu.memory_space<vmem_shared>> -> memref<368xf32, #tpu.memory_space<vmem_shared>>
      %dma_start3A_107 = arith.constant 736 : i32
      %dma_start3A_108 = tpu.memref_slice %arg7[%dma_start3A_107] : memref<1104xf32, #tpu.memory_space<vmem>> -> memref<368xf32, #tpu.memory_space<vmem>>
      tpu.enqueue_dma source(%dma_start3A_108 : memref<368xf32, #tpu.memory_space<vmem>>) target(%dma_start3A_106 : memref<368xf32, #tpu.memory_space<vmem_shared>>) target_semaphore(%run_scoped3A : memref<!tpu.dma_semaphore, #tpu.memory_space<semaphore_mem>>)
      %dma_wait3A = arith.constant 736 : i32
      %dma_wait3A_109 = tpu.memref_slice %arg7[%dma_wait3A] : memref<1104xf32, #tpu.memory_space<vmem>> -> memref<368xf32, #tpu.memory_space<vmem>>
      %dma_wait3A_110 = tpu.memref_slice %arg17[%add3A_41] : memref<100096xf32, #tpu.memory_space<vmem_shared>> -> memref<368xf32, #tpu.memory_space<vmem_shared>>
      %dma_wait3A_111 = tpu.memref_slice %arg17[%add3A_41] : memref<100096xf32, #tpu.memory_space<vmem_shared>> -> memref<368xf32, #tpu.memory_space<vmem_shared>>
      %dma_wait3A_112 = arith.constant 736 : i32
      %dma_wait3A_113 = tpu.memref_slice %arg7[%dma_wait3A_112] : memref<1104xf32, #tpu.memory_space<vmem>> -> memref<368xf32, #tpu.memory_space<vmem>>
      tpu.wait_dma2 semaphore(%run_scoped3A : memref<!tpu.dma_semaphore, #tpu.memory_space<semaphore_mem>>) src(%dma_wait3A_113 : memref<368xf32, #tpu.memory_space<vmem>>) dst(%dma_wait3A_111 : memref<368xf32, #tpu.memory_space<vmem_shared>>)
      tpu.yield
    }) : () -> ()
    %barrier3A_42 = arith.constant 0 : index
    tpu.barrier barrier_id(%barrier3A_42)
    %lt3A_43 = arith.constant 15 : i32
    %lt3A_44 = arith.cmpi slt, %arg1, %lt3A_43 : i32
    %convert_element_type3A_45 = arith.extui %lt3A_44 : i1 to i32
    %cond3A_46 = arith.constant 0 : i32
    %cond3A_47 = arith.cmpi ne, %convert_element_type3A_45, %cond3A_46 : i32
    scf.if %cond3A_47 {
      %dma_start3A = arith.constant 0 : i32
      %dma_start3A_104 = tpu.memref_slice %arg13[%dma_start3A] : memref<29440xf32, #tpu.memory_space<vmem>> -> memref<5856xf32, #tpu.memory_space<vmem>>
      %dma_start3A_105 = arith.constant 52992 : i32
      %dma_start3A_106 = tpu.memref_slice %arg17[%dma_start3A_105] : memref<100096xf32, #tpu.memory_space<vmem_shared>> -> memref<5888xf32, #tpu.memory_space<vmem_shared>>
      %dma_start3A_107 = arith.constant 0 : i32
      %dma_start3A_108 = tpu.memref_slice %dma_start3A_106[%dma_start3A_107] : memref<5888xf32, #tpu.memory_space<vmem_shared>> -> memref<5888xf32, #tpu.memory_space<vmem_shared>>
      tpu.enqueue_indirect_dma source(%dma_start3A_108 : memref<5888xf32, #tpu.memory_space<vmem_shared>>) target(%dma_start3A_104 : memref<5856xf32, #tpu.memory_space<vmem>>) offsets(%arg11 : memref<5856xi32, #tpu.memory_space<vmem>>) semaphore(%arg16 : memref<!tpu.dma_semaphore, #tpu.memory_space<semaphore_mem>>)
      %dma_start3A_109 = arith.constant 5888 : i32
      %dma_start3A_110 = tpu.memref_slice %arg13[%dma_start3A_109] : memref<29440xf32, #tpu.memory_space<vmem>> -> memref<5856xf32, #tpu.memory_space<vmem>>
      %dma_start3A_111 = arith.constant 58880 : i32
      %dma_start3A_112 = tpu.memref_slice %arg17[%dma_start3A_111] : memref<100096xf32, #tpu.memory_space<vmem_shared>> -> memref<5888xf32, #tpu.memory_space<vmem_shared>>
      %dma_start3A_113 = arith.constant 0 : i32
      %dma_start3A_114 = tpu.memref_slice %dma_start3A_112[%dma_start3A_113] : memref<5888xf32, #tpu.memory_space<vmem_shared>> -> memref<5888xf32, #tpu.memory_space<vmem_shared>>
      tpu.enqueue_indirect_dma source(%dma_start3A_114 : memref<5888xf32, #tpu.memory_space<vmem_shared>>) target(%dma_start3A_110 : memref<5856xf32, #tpu.memory_space<vmem>>) offsets(%arg11 : memref<5856xi32, #tpu.memory_space<vmem>>) semaphore(%arg16 : memref<!tpu.dma_semaphore, #tpu.memory_space<semaphore_mem>>)
      %dma_start3A_115 = arith.constant 11776 : i32
      %dma_start3A_116 = tpu.memref_slice %arg13[%dma_start3A_115] : memref<29440xf32, #tpu.memory_space<vmem>> -> memref<5856xf32, #tpu.memory_space<vmem>>
      %dma_start3A_117 = arith.constant 64768 : i32
      %dma_start3A_118 = tpu.memref_slice %arg17[%dma_start3A_117] : memref<100096xf32, #tpu.memory_space<vmem_shared>> -> memref<5888xf32, #tpu.memory_space<vmem_shared>>
      %dma_start3A_119 = arith.constant 0 : i32
      %dma_start3A_120 = tpu.memref_slice %dma_start3A_118[%dma_start3A_119] : memref<5888xf32, #tpu.memory_space<vmem_shared>> -> memref<5888xf32, #tpu.memory_space<vmem_shared>>
      tpu.enqueue_indirect_dma source(%dma_start3A_120 : memref<5888xf32, #tpu.memory_space<vmem_shared>>) target(%dma_start3A_116 : memref<5856xf32, #tpu.memory_space<vmem>>) offsets(%arg11 : memref<5856xi32, #tpu.memory_space<vmem>>) semaphore(%arg16 : memref<!tpu.dma_semaphore, #tpu.memory_space<semaphore_mem>>)
      %dma_wait3A = arith.constant 0 : i32
      %dma_wait3A_121 = tpu.memref_slice %arg13[%dma_wait3A] : memref<29440xf32, #tpu.memory_space<vmem>> -> memref<5856xf32, #tpu.memory_space<vmem>>
      %dma_wait3A_122 = arith.constant 52992 : i32
      %dma_wait3A_123 = tpu.memref_slice %arg17[%dma_wait3A_122] : memref<100096xf32, #tpu.memory_space<vmem_shared>> -> memref<5888xf32, #tpu.memory_space<vmem_shared>>
      %dma_wait3A_124 = arith.constant 0 : i32
      %dma_wait3A_125 = tpu.memref_slice %dma_wait3A_123[%dma_wait3A_124] : memref<5888xf32, #tpu.memory_space<vmem_shared>> -> memref<5888xf32, #tpu.memory_space<vmem_shared>>
      tpu.wait_indirect_dma semaphore(%arg16 : memref<!tpu.dma_semaphore, #tpu.memory_space<semaphore_mem>>) src(%dma_wait3A_125 : memref<5888xf32, #tpu.memory_space<vmem_shared>>) dst(%dma_wait3A_121 : memref<5856xf32, #tpu.memory_space<vmem>>)
      %dma_wait3A_126 = arith.constant 5888 : i32
      %dma_wait3A_127 = tpu.memref_slice %arg13[%dma_wait3A_126] : memref<29440xf32, #tpu.memory_space<vmem>> -> memref<5856xf32, #tpu.memory_space<vmem>>
      %dma_wait3A_128 = arith.constant 58880 : i32
      %dma_wait3A_129 = tpu.memref_slice %arg17[%dma_wait3A_128] : memref<100096xf32, #tpu.memory_space<vmem_shared>> -> memref<5888xf32, #tpu.memory_space<vmem_shared>>
      %dma_wait3A_130 = arith.constant 0 : i32
      %dma_wait3A_131 = tpu.memref_slice %dma_wait3A_129[%dma_wait3A_130] : memref<5888xf32, #tpu.memory_space<vmem_shared>> -> memref<5888xf32, #tpu.memory_space<vmem_shared>>
      tpu.wait_indirect_dma semaphore(%arg16 : memref<!tpu.dma_semaphore, #tpu.memory_space<semaphore_mem>>) src(%dma_wait3A_131 : memref<5888xf32, #tpu.memory_space<vmem_shared>>) dst(%dma_wait3A_127 : memref<5856xf32, #tpu.memory_space<vmem>>)
      %dma_wait3A_132 = arith.constant 11776 : i32
      %dma_wait3A_133 = tpu.memref_slice %arg13[%dma_wait3A_132] : memref<29440xf32, #tpu.memory_space<vmem>> -> memref<5856xf32, #tpu.memory_space<vmem>>
      %dma_wait3A_134 = arith.constant 64768 : i32
      %dma_wait3A_135 = tpu.memref_slice %arg17[%dma_wait3A_134] : memref<100096xf32, #tpu.memory_space<vmem_shared>> -> memref<5888xf32, #tpu.memory_space<vmem_shared>>
      %dma_wait3A_136 = arith.constant 0 : i32
      %dma_wait3A_137 = tpu.memref_slice %dma_wait3A_135[%dma_wait3A_136] : memref<5888xf32, #tpu.memory_space<vmem_shared>> -> memref<5888xf32, #tpu.memory_space<vmem_shared>>
      tpu.wait_indirect_dma semaphore(%arg16 : memref<!tpu.dma_semaphore, #tpu.memory_space<semaphore_mem>>) src(%dma_wait3A_137 : memref<5888xf32, #tpu.memory_space<vmem_shared>>) dst(%dma_wait3A_133 : memref<5856xf32, #tpu.memory_space<vmem>>)
      %dma_start3A_138 = arith.constant 0 : i32
      %dma_start3A_139 = tpu.memref_slice %arg13[%dma_start3A_138] : memref<29440xf32, #tpu.memory_space<vmem>> -> memref<5856xf32, #tpu.memory_space<vmem>>
      %dma_start3A_140 = arith.constant 5888 : i32
      %dma_start3A_141 = tpu.memref_slice %arg17[%dma_start3A_140] : memref<100096xf32, #tpu.memory_space<vmem_shared>> -> memref<5888xf32, #tpu.memory_space<vmem_shared>>
      %dma_start3A_142 = arith.constant 0 : i32
      %dma_start3A_143 = tpu.memref_slice %dma_start3A_141[%dma_start3A_142] : memref<5888xf32, #tpu.memory_space<vmem_shared>> -> memref<5888xf32, #tpu.memory_space<vmem_shared>>
      tpu.enqueue_indirect_dma source(%dma_start3A_139 : memref<5856xf32, #tpu.memory_space<vmem>>) target(%dma_start3A_143 : memref<5888xf32, #tpu.memory_space<vmem_shared>>) offsets(%arg12 : memref<5856xi32, #tpu.memory_space<vmem>>) semaphore(%arg16 : memref<!tpu.dma_semaphore, #tpu.memory_space<semaphore_mem>>) {add = true}
      %dma_start3A_144 = arith.constant 5888 : i32
      %dma_start3A_145 = tpu.memref_slice %arg13[%dma_start3A_144] : memref<29440xf32, #tpu.memory_space<vmem>> -> memref<5856xf32, #tpu.memory_space<vmem>>
      %dma_start3A_146 = arith.constant 11776 : i32
      %dma_start3A_147 = tpu.memref_slice %arg17[%dma_start3A_146] : memref<100096xf32, #tpu.memory_space<vmem_shared>> -> memref<5888xf32, #tpu.memory_space<vmem_shared>>
      %dma_start3A_148 = arith.constant 0 : i32
      %dma_start3A_149 = tpu.memref_slice %dma_start3A_147[%dma_start3A_148] : memref<5888xf32, #tpu.memory_space<vmem_shared>> -> memref<5888xf32, #tpu.memory_space<vmem_shared>>
      tpu.enqueue_indirect_dma source(%dma_start3A_145 : memref<5856xf32, #tpu.memory_space<vmem>>) target(%dma_start3A_149 : memref<5888xf32, #tpu.memory_space<vmem_shared>>) offsets(%arg12 : memref<5856xi32, #tpu.memory_space<vmem>>) semaphore(%arg16 : memref<!tpu.dma_semaphore, #tpu.memory_space<semaphore_mem>>) {add = true}
      %dma_start3A_150 = arith.constant 11776 : i32
      %dma_start3A_151 = tpu.memref_slice %arg13[%dma_start3A_150] : memref<29440xf32, #tpu.memory_space<vmem>> -> memref<5856xf32, #tpu.memory_space<vmem>>
      %dma_start3A_152 = arith.constant 17664 : i32
      %dma_start3A_153 = tpu.memref_slice %arg17[%dma_start3A_152] : memref<100096xf32, #tpu.memory_space<vmem_shared>> -> memref<5888xf32, #tpu.memory_space<vmem_shared>>
      %dma_start3A_154 = arith.constant 0 : i32
      %dma_start3A_155 = tpu.memref_slice %dma_start3A_153[%dma_start3A_154] : memref<5888xf32, #tpu.memory_space<vmem_shared>> -> memref<5888xf32, #tpu.memory_space<vmem_shared>>
      tpu.enqueue_indirect_dma source(%dma_start3A_151 : memref<5856xf32, #tpu.memory_space<vmem>>) target(%dma_start3A_155 : memref<5888xf32, #tpu.memory_space<vmem_shared>>) offsets(%arg12 : memref<5856xi32, #tpu.memory_space<vmem>>) semaphore(%arg16 : memref<!tpu.dma_semaphore, #tpu.memory_space<semaphore_mem>>) {add = true}
      %dma_wait3A_156 = arith.constant 0 : i32
      %dma_wait3A_157 = tpu.memref_slice %arg13[%dma_wait3A_156] : memref<29440xf32, #tpu.memory_space<vmem>> -> memref<5856xf32, #tpu.memory_space<vmem>>
      %dma_wait3A_158 = arith.constant 5888 : i32
      %dma_wait3A_159 = tpu.memref_slice %arg17[%dma_wait3A_158] : memref<100096xf32, #tpu.memory_space<vmem_shared>> -> memref<5888xf32, #tpu.memory_space<vmem_shared>>
      %dma_wait3A_160 = arith.constant 0 : i32
      %dma_wait3A_161 = tpu.memref_slice %dma_wait3A_159[%dma_wait3A_160] : memref<5888xf32, #tpu.memory_space<vmem_shared>> -> memref<5888xf32, #tpu.memory_space<vmem_shared>>
      tpu.wait_indirect_dma semaphore(%arg16 : memref<!tpu.dma_semaphore, #tpu.memory_space<semaphore_mem>>) src(%dma_wait3A_157 : memref<5856xf32, #tpu.memory_space<vmem>>) dst(%dma_wait3A_161 : memref<5888xf32, #tpu.memory_space<vmem_shared>>)
      %dma_wait3A_162 = arith.constant 5888 : i32
      %dma_wait3A_163 = tpu.memref_slice %arg13[%dma_wait3A_162] : memref<29440xf32, #tpu.memory_space<vmem>> -> memref<5856xf32, #tpu.memory_space<vmem>>
      %dma_wait3A_164 = arith.constant 11776 : i32
      %dma_wait3A_165 = tpu.memref_slice %arg17[%dma_wait3A_164] : memref<100096xf32, #tpu.memory_space<vmem_shared>> -> memref<5888xf32, #tpu.memory_space<vmem_shared>>
      %dma_wait3A_166 = arith.constant 0 : i32
      %dma_wait3A_167 = tpu.memref_slice %dma_wait3A_165[%dma_wait3A_166] : memref<5888xf32, #tpu.memory_space<vmem_shared>> -> memref<5888xf32, #tpu.memory_space<vmem_shared>>
      tpu.wait_indirect_dma semaphore(%arg16 : memref<!tpu.dma_semaphore, #tpu.memory_space<semaphore_mem>>) src(%dma_wait3A_163 : memref<5856xf32, #tpu.memory_space<vmem>>) dst(%dma_wait3A_167 : memref<5888xf32, #tpu.memory_space<vmem_shared>>)
      %dma_wait3A_168 = arith.constant 11776 : i32
      %dma_wait3A_169 = tpu.memref_slice %arg13[%dma_wait3A_168] : memref<29440xf32, #tpu.memory_space<vmem>> -> memref<5856xf32, #tpu.memory_space<vmem>>
      %dma_wait3A_170 = arith.constant 17664 : i32
      %dma_wait3A_171 = tpu.memref_slice %arg17[%dma_wait3A_170] : memref<100096xf32, #tpu.memory_space<vmem_shared>> -> memref<5888xf32, #tpu.memory_space<vmem_shared>>
      %dma_wait3A_172 = arith.constant 0 : i32
      %dma_wait3A_173 = tpu.memref_slice %dma_wait3A_171[%dma_wait3A_172] : memref<5888xf32, #tpu.memory_space<vmem_shared>> -> memref<5888xf32, #tpu.memory_space<vmem_shared>>
      tpu.wait_indirect_dma semaphore(%arg16 : memref<!tpu.dma_semaphore, #tpu.memory_space<semaphore_mem>>) src(%dma_wait3A_169 : memref<5856xf32, #tpu.memory_space<vmem>>) dst(%dma_wait3A_173 : memref<5888xf32, #tpu.memory_space<vmem_shared>>)
    } else {
    }
    %eq3A_48 = arith.constant 15 : i32
    %eq3A_49 = arith.cmpi eq, %arg1, %eq3A_48 : i32
    %convert_element_type3A_50 = arith.extui %eq3A_49 : i1 to i32
    %cond3A_51 = arith.constant 0 : i32
    %cond3A_52 = arith.cmpi ne, %convert_element_type3A_50, %cond3A_51 : i32
    scf.if %cond3A_52 {
      %dma_start3A = arith.constant 0 : i32
      %dma_start3A_104 = tpu.memref_slice %arg13[%dma_start3A] : memref<29440xf32, #tpu.memory_space<vmem>> -> memref<5760xf32, #tpu.memory_space<vmem>>
      %dma_start3A_105 = arith.constant 0 : i32
      %dma_start3A_106 = tpu.memref_slice %arg11[%dma_start3A_105] : memref<5856xi32, #tpu.memory_space<vmem>> -> memref<5760xi32, #tpu.memory_space<vmem>>
      %dma_start3A_107 = arith.constant 52992 : i32
      %dma_start3A_108 = tpu.memref_slice %arg17[%dma_start3A_107] : memref<100096xf32, #tpu.memory_space<vmem_shared>> -> memref<5888xf32, #tpu.memory_space<vmem_shared>>
      %dma_start3A_109 = arith.constant 0 : i32
      %dma_start3A_110 = tpu.memref_slice %dma_start3A_108[%dma_start3A_109] : memref<5888xf32, #tpu.memory_space<vmem_shared>> -> memref<5888xf32, #tpu.memory_space<vmem_shared>>
      tpu.enqueue_indirect_dma source(%dma_start3A_110 : memref<5888xf32, #tpu.memory_space<vmem_shared>>) target(%dma_start3A_104 : memref<5760xf32, #tpu.memory_space<vmem>>) offsets(%dma_start3A_106 : memref<5760xi32, #tpu.memory_space<vmem>>) semaphore(%arg16 : memref<!tpu.dma_semaphore, #tpu.memory_space<semaphore_mem>>)
      %dma_start3A_111 = arith.constant 5888 : i32
      %dma_start3A_112 = tpu.memref_slice %arg13[%dma_start3A_111] : memref<29440xf32, #tpu.memory_space<vmem>> -> memref<5760xf32, #tpu.memory_space<vmem>>
      %dma_start3A_113 = arith.constant 0 : i32
      %dma_start3A_114 = tpu.memref_slice %arg11[%dma_start3A_113] : memref<5856xi32, #tpu.memory_space<vmem>> -> memref<5760xi32, #tpu.memory_space<vmem>>
      %dma_start3A_115 = arith.constant 58880 : i32
      %dma_start3A_116 = tpu.memref_slice %arg17[%dma_start3A_115] : memref<100096xf32, #tpu.memory_space<vmem_shared>> -> memref<5888xf32, #tpu.memory_space<vmem_shared>>
      %dma_start3A_117 = arith.constant 0 : i32
      %dma_start3A_118 = tpu.memref_slice %dma_start3A_116[%dma_start3A_117] : memref<5888xf32, #tpu.memory_space<vmem_shared>> -> memref<5888xf32, #tpu.memory_space<vmem_shared>>
      tpu.enqueue_indirect_dma source(%dma_start3A_118 : memref<5888xf32, #tpu.memory_space<vmem_shared>>) target(%dma_start3A_112 : memref<5760xf32, #tpu.memory_space<vmem>>) offsets(%dma_start3A_114 : memref<5760xi32, #tpu.memory_space<vmem>>) semaphore(%arg16 : memref<!tpu.dma_semaphore, #tpu.memory_space<semaphore_mem>>)
      %dma_start3A_119 = arith.constant 11776 : i32
      %dma_start3A_120 = tpu.memref_slice %arg13[%dma_start3A_119] : memref<29440xf32, #tpu.memory_space<vmem>> -> memref<5760xf32, #tpu.memory_space<vmem>>
      %dma_start3A_121 = arith.constant 0 : i32
      %dma_start3A_122 = tpu.memref_slice %arg11[%dma_start3A_121] : memref<5856xi32, #tpu.memory_space<vmem>> -> memref<5760xi32, #tpu.memory_space<vmem>>
      %dma_start3A_123 = arith.constant 64768 : i32
      %dma_start3A_124 = tpu.memref_slice %arg17[%dma_start3A_123] : memref<100096xf32, #tpu.memory_space<vmem_shared>> -> memref<5888xf32, #tpu.memory_space<vmem_shared>>
      %dma_start3A_125 = arith.constant 0 : i32
      %dma_start3A_126 = tpu.memref_slice %dma_start3A_124[%dma_start3A_125] : memref<5888xf32, #tpu.memory_space<vmem_shared>> -> memref<5888xf32, #tpu.memory_space<vmem_shared>>
      tpu.enqueue_indirect_dma source(%dma_start3A_126 : memref<5888xf32, #tpu.memory_space<vmem_shared>>) target(%dma_start3A_120 : memref<5760xf32, #tpu.memory_space<vmem>>) offsets(%dma_start3A_122 : memref<5760xi32, #tpu.memory_space<vmem>>) semaphore(%arg16 : memref<!tpu.dma_semaphore, #tpu.memory_space<semaphore_mem>>)
      %dma_wait3A = arith.constant 0 : i32
      %dma_wait3A_127 = tpu.memref_slice %arg13[%dma_wait3A] : memref<29440xf32, #tpu.memory_space<vmem>> -> memref<5760xf32, #tpu.memory_space<vmem>>
      %dma_wait3A_128 = arith.constant 0 : i32
      %dma_wait3A_129 = tpu.memref_slice %arg11[%dma_wait3A_128] : memref<5856xi32, #tpu.memory_space<vmem>> -> memref<5760xi32, #tpu.memory_space<vmem>>
      %dma_wait3A_130 = arith.constant 52992 : i32
      %dma_wait3A_131 = tpu.memref_slice %arg17[%dma_wait3A_130] : memref<100096xf32, #tpu.memory_space<vmem_shared>> -> memref<5888xf32, #tpu.memory_space<vmem_shared>>
      %dma_wait3A_132 = arith.constant 0 : i32
      %dma_wait3A_133 = tpu.memref_slice %dma_wait3A_131[%dma_wait3A_132] : memref<5888xf32, #tpu.memory_space<vmem_shared>> -> memref<5888xf32, #tpu.memory_space<vmem_shared>>
      tpu.wait_indirect_dma semaphore(%arg16 : memref<!tpu.dma_semaphore, #tpu.memory_space<semaphore_mem>>) src(%dma_wait3A_133 : memref<5888xf32, #tpu.memory_space<vmem_shared>>) dst(%dma_wait3A_127 : memref<5760xf32, #tpu.memory_space<vmem>>)
      %dma_wait3A_134 = arith.constant 5888 : i32
      %dma_wait3A_135 = tpu.memref_slice %arg13[%dma_wait3A_134] : memref<29440xf32, #tpu.memory_space<vmem>> -> memref<5760xf32, #tpu.memory_space<vmem>>
      %dma_wait3A_136 = arith.constant 0 : i32
      %dma_wait3A_137 = tpu.memref_slice %arg11[%dma_wait3A_136] : memref<5856xi32, #tpu.memory_space<vmem>> -> memref<5760xi32, #tpu.memory_space<vmem>>
      %dma_wait3A_138 = arith.constant 58880 : i32
      %dma_wait3A_139 = tpu.memref_slice %arg17[%dma_wait3A_138] : memref<100096xf32, #tpu.memory_space<vmem_shared>> -> memref<5888xf32, #tpu.memory_space<vmem_shared>>
      %dma_wait3A_140 = arith.constant 0 : i32
      %dma_wait3A_141 = tpu.memref_slice %dma_wait3A_139[%dma_wait3A_140] : memref<5888xf32, #tpu.memory_space<vmem_shared>> -> memref<5888xf32, #tpu.memory_space<vmem_shared>>
      tpu.wait_indirect_dma semaphore(%arg16 : memref<!tpu.dma_semaphore, #tpu.memory_space<semaphore_mem>>) src(%dma_wait3A_141 : memref<5888xf32, #tpu.memory_space<vmem_shared>>) dst(%dma_wait3A_135 : memref<5760xf32, #tpu.memory_space<vmem>>)
      %dma_wait3A_142 = arith.constant 11776 : i32
      %dma_wait3A_143 = tpu.memref_slice %arg13[%dma_wait3A_142] : memref<29440xf32, #tpu.memory_space<vmem>> -> memref<5760xf32, #tpu.memory_space<vmem>>
      %dma_wait3A_144 = arith.constant 0 : i32
      %dma_wait3A_145 = tpu.memref_slice %arg11[%dma_wait3A_144] : memref<5856xi32, #tpu.memory_space<vmem>> -> memref<5760xi32, #tpu.memory_space<vmem>>
      %dma_wait3A_146 = arith.constant 64768 : i32
      %dma_wait3A_147 = tpu.memref_slice %arg17[%dma_wait3A_146] : memref<100096xf32, #tpu.memory_space<vmem_shared>> -> memref<5888xf32, #tpu.memory_space<vmem_shared>>
      %dma_wait3A_148 = arith.constant 0 : i32
      %dma_wait3A_149 = tpu.memref_slice %dma_wait3A_147[%dma_wait3A_148] : memref<5888xf32, #tpu.memory_space<vmem_shared>> -> memref<5888xf32, #tpu.memory_space<vmem_shared>>
      tpu.wait_indirect_dma semaphore(%arg16 : memref<!tpu.dma_semaphore, #tpu.memory_space<semaphore_mem>>) src(%dma_wait3A_149 : memref<5888xf32, #tpu.memory_space<vmem_shared>>) dst(%dma_wait3A_143 : memref<5760xf32, #tpu.memory_space<vmem>>)
      %dma_start3A_150 = arith.constant 0 : i32
      %dma_start3A_151 = tpu.memref_slice %arg13[%dma_start3A_150] : memref<29440xf32, #tpu.memory_space<vmem>> -> memref<5760xf32, #tpu.memory_space<vmem>>
      %dma_start3A_152 = arith.constant 0 : i32
      %dma_start3A_153 = tpu.memref_slice %arg12[%dma_start3A_152] : memref<5856xi32, #tpu.memory_space<vmem>> -> memref<5760xi32, #tpu.memory_space<vmem>>
      %dma_start3A_154 = arith.constant 5888 : i32
      %dma_start3A_155 = tpu.memref_slice %arg17[%dma_start3A_154] : memref<100096xf32, #tpu.memory_space<vmem_shared>> -> memref<5888xf32, #tpu.memory_space<vmem_shared>>
      %dma_start3A_156 = arith.constant 0 : i32
      %dma_start3A_157 = tpu.memref_slice %dma_start3A_155[%dma_start3A_156] : memref<5888xf32, #tpu.memory_space<vmem_shared>> -> memref<5888xf32, #tpu.memory_space<vmem_shared>>
      tpu.enqueue_indirect_dma source(%dma_start3A_151 : memref<5760xf32, #tpu.memory_space<vmem>>) target(%dma_start3A_157 : memref<5888xf32, #tpu.memory_space<vmem_shared>>) offsets(%dma_start3A_153 : memref<5760xi32, #tpu.memory_space<vmem>>) semaphore(%arg16 : memref<!tpu.dma_semaphore, #tpu.memory_space<semaphore_mem>>) {add = true}
      %dma_start3A_158 = arith.constant 5888 : i32
      %dma_start3A_159 = tpu.memref_slice %arg13[%dma_start3A_158] : memref<29440xf32, #tpu.memory_space<vmem>> -> memref<5760xf32, #tpu.memory_space<vmem>>
      %dma_start3A_160 = arith.constant 0 : i32
      %dma_start3A_161 = tpu.memref_slice %arg12[%dma_start3A_160] : memref<5856xi32, #tpu.memory_space<vmem>> -> memref<5760xi32, #tpu.memory_space<vmem>>
      %dma_start3A_162 = arith.constant 11776 : i32
      %dma_start3A_163 = tpu.memref_slice %arg17[%dma_start3A_162] : memref<100096xf32, #tpu.memory_space<vmem_shared>> -> memref<5888xf32, #tpu.memory_space<vmem_shared>>
      %dma_start3A_164 = arith.constant 0 : i32
      %dma_start3A_165 = tpu.memref_slice %dma_start3A_163[%dma_start3A_164] : memref<5888xf32, #tpu.memory_space<vmem_shared>> -> memref<5888xf32, #tpu.memory_space<vmem_shared>>
      tpu.enqueue_indirect_dma source(%dma_start3A_159 : memref<5760xf32, #tpu.memory_space<vmem>>) target(%dma_start3A_165 : memref<5888xf32, #tpu.memory_space<vmem_shared>>) offsets(%dma_start3A_161 : memref<5760xi32, #tpu.memory_space<vmem>>) semaphore(%arg16 : memref<!tpu.dma_semaphore, #tpu.memory_space<semaphore_mem>>) {add = true}
      %dma_start3A_166 = arith.constant 11776 : i32
      %dma_start3A_167 = tpu.memref_slice %arg13[%dma_start3A_166] : memref<29440xf32, #tpu.memory_space<vmem>> -> memref<5760xf32, #tpu.memory_space<vmem>>
      %dma_start3A_168 = arith.constant 0 : i32
      %dma_start3A_169 = tpu.memref_slice %arg12[%dma_start3A_168] : memref<5856xi32, #tpu.memory_space<vmem>> -> memref<5760xi32, #tpu.memory_space<vmem>>
      %dma_start3A_170 = arith.constant 17664 : i32
      %dma_start3A_171 = tpu.memref_slice %arg17[%dma_start3A_170] : memref<100096xf32, #tpu.memory_space<vmem_shared>> -> memref<5888xf32, #tpu.memory_space<vmem_shared>>
      %dma_start3A_172 = arith.constant 0 : i32
      %dma_start3A_173 = tpu.memref_slice %dma_start3A_171[%dma_start3A_172] : memref<5888xf32, #tpu.memory_space<vmem_shared>> -> memref<5888xf32, #tpu.memory_space<vmem_shared>>
      tpu.enqueue_indirect_dma source(%dma_start3A_167 : memref<5760xf32, #tpu.memory_space<vmem>>) target(%dma_start3A_173 : memref<5888xf32, #tpu.memory_space<vmem_shared>>) offsets(%dma_start3A_169 : memref<5760xi32, #tpu.memory_space<vmem>>) semaphore(%arg16 : memref<!tpu.dma_semaphore, #tpu.memory_space<semaphore_mem>>) {add = true}
      %dma_wait3A_174 = arith.constant 0 : i32
      %dma_wait3A_175 = tpu.memref_slice %arg13[%dma_wait3A_174] : memref<29440xf32, #tpu.memory_space<vmem>> -> memref<5760xf32, #tpu.memory_space<vmem>>
      %dma_wait3A_176 = arith.constant 0 : i32
      %dma_wait3A_177 = tpu.memref_slice %arg12[%dma_wait3A_176] : memref<5856xi32, #tpu.memory_space<vmem>> -> memref<5760xi32, #tpu.memory_space<vmem>>
      %dma_wait3A_178 = arith.constant 5888 : i32
      %dma_wait3A_179 = tpu.memref_slice %arg17[%dma_wait3A_178] : memref<100096xf32, #tpu.memory_space<vmem_shared>> -> memref<5888xf32, #tpu.memory_space<vmem_shared>>
      %dma_wait3A_180 = arith.constant 0 : i32
      %dma_wait3A_181 = tpu.memref_slice %dma_wait3A_179[%dma_wait3A_180] : memref<5888xf32, #tpu.memory_space<vmem_shared>> -> memref<5888xf32, #tpu.memory_space<vmem_shared>>
      tpu.wait_indirect_dma semaphore(%arg16 : memref<!tpu.dma_semaphore, #tpu.memory_space<semaphore_mem>>) src(%dma_wait3A_175 : memref<5760xf32, #tpu.memory_space<vmem>>) dst(%dma_wait3A_181 : memref<5888xf32, #tpu.memory_space<vmem_shared>>)
      %dma_wait3A_182 = arith.constant 5888 : i32
      %dma_wait3A_183 = tpu.memref_slice %arg13[%dma_wait3A_182] : memref<29440xf32, #tpu.memory_space<vmem>> -> memref<5760xf32, #tpu.memory_space<vmem>>
      %dma_wait3A_184 = arith.constant 0 : i32
      %dma_wait3A_185 = tpu.memref_slice %arg12[%dma_wait3A_184] : memref<5856xi32, #tpu.memory_space<vmem>> -> memref<5760xi32, #tpu.memory_space<vmem>>
      %dma_wait3A_186 = arith.constant 11776 : i32
      %dma_wait3A_187 = tpu.memref_slice %arg17[%dma_wait3A_186] : memref<100096xf32, #tpu.memory_space<vmem_shared>> -> memref<5888xf32, #tpu.memory_space<vmem_shared>>
      %dma_wait3A_188 = arith.constant 0 : i32
      %dma_wait3A_189 = tpu.memref_slice %dma_wait3A_187[%dma_wait3A_188] : memref<5888xf32, #tpu.memory_space<vmem_shared>> -> memref<5888xf32, #tpu.memory_space<vmem_shared>>
      tpu.wait_indirect_dma semaphore(%arg16 : memref<!tpu.dma_semaphore, #tpu.memory_space<semaphore_mem>>) src(%dma_wait3A_183 : memref<5760xf32, #tpu.memory_space<vmem>>) dst(%dma_wait3A_189 : memref<5888xf32, #tpu.memory_space<vmem_shared>>)
      %dma_wait3A_190 = arith.constant 11776 : i32
      %dma_wait3A_191 = tpu.memref_slice %arg13[%dma_wait3A_190] : memref<29440xf32, #tpu.memory_space<vmem>> -> memref<5760xf32, #tpu.memory_space<vmem>>
      %dma_wait3A_192 = arith.constant 0 : i32
      %dma_wait3A_193 = tpu.memref_slice %arg12[%dma_wait3A_192] : memref<5856xi32, #tpu.memory_space<vmem>> -> memref<5760xi32, #tpu.memory_space<vmem>>
      %dma_wait3A_194 = arith.constant 17664 : i32
      %dma_wait3A_195 = tpu.memref_slice %arg17[%dma_wait3A_194] : memref<100096xf32, #tpu.memory_space<vmem_shared>> -> memref<5888xf32, #tpu.memory_space<vmem_shared>>
      %dma_wait3A_196 = arith.constant 0 : i32
      %dma_wait3A_197 = tpu.memref_slice %dma_wait3A_195[%dma_wait3A_196] : memref<5888xf32, #tpu.memory_space<vmem_shared>> -> memref<5888xf32, #tpu.memory_space<vmem_shared>>
      tpu.wait_indirect_dma semaphore(%arg16 : memref<!tpu.dma_semaphore, #tpu.memory_space<semaphore_mem>>) src(%dma_wait3A_191 : memref<5760xf32, #tpu.memory_space<vmem>>) dst(%dma_wait3A_197 : memref<5888xf32, #tpu.memory_space<vmem_shared>>)
    } else {
    }
    %barrier3A_53 = arith.constant 0 : index
    tpu.barrier barrier_id(%barrier3A_53)
    %add3A_54 = arith.constant 5888 : i32
    %add3A_55 = arith.addi %add3A_54, %mul3A_1 : i32
    "tpu.region"() ({
      %run_scoped3A = tpu.sem_alloc : memref<!tpu.dma_semaphore, #tpu.memory_space<semaphore_mem>>
      %dma_start3A = arith.constant 0 : i32
      %dma_start3A_104 = tpu.memref_slice %arg8[%dma_start3A] : memref<1104xf32, #tpu.memory_space<vmem>> -> memref<368xf32, #tpu.memory_space<vmem>>
      %dma_start3A_105 = tpu.memref_slice %arg17[%add3A_55] : memref<100096xf32, #tpu.memory_space<vmem_shared>> -> memref<368xf32, #tpu.memory_space<vmem_shared>>
      %dma_start3A_106 = arith.constant 0 : i32
      %dma_start3A_107 = tpu.memref_slice %arg8[%dma_start3A_106] : memref<1104xf32, #tpu.memory_space<vmem>> -> memref<368xf32, #tpu.memory_space<vmem>>
      %dma_start3A_108 = tpu.memref_slice %arg17[%add3A_55] : memref<100096xf32, #tpu.memory_space<vmem_shared>> -> memref<368xf32, #tpu.memory_space<vmem_shared>>
      tpu.enqueue_dma source(%dma_start3A_108 : memref<368xf32, #tpu.memory_space<vmem_shared>>) target(%dma_start3A_107 : memref<368xf32, #tpu.memory_space<vmem>>) target_semaphore(%run_scoped3A : memref<!tpu.dma_semaphore, #tpu.memory_space<semaphore_mem>>)
      %dma_wait3A = arith.constant 0 : i32
      %dma_wait3A_109 = tpu.memref_slice %arg8[%dma_wait3A] : memref<1104xf32, #tpu.memory_space<vmem>> -> memref<368xf32, #tpu.memory_space<vmem>>
      %dma_wait3A_110 = tpu.memref_slice %arg17[%add3A_55] : memref<100096xf32, #tpu.memory_space<vmem_shared>> -> memref<368xf32, #tpu.memory_space<vmem_shared>>
      %dma_wait3A_111 = arith.constant 0 : i32
      %dma_wait3A_112 = tpu.memref_slice %arg8[%dma_wait3A_111] : memref<1104xf32, #tpu.memory_space<vmem>> -> memref<368xf32, #tpu.memory_space<vmem>>
      %dma_wait3A_113 = tpu.memref_slice %arg17[%add3A_55] : memref<100096xf32, #tpu.memory_space<vmem_shared>> -> memref<368xf32, #tpu.memory_space<vmem_shared>>
      tpu.wait_dma2 semaphore(%run_scoped3A : memref<!tpu.dma_semaphore, #tpu.memory_space<semaphore_mem>>) src(%dma_wait3A_113 : memref<368xf32, #tpu.memory_space<vmem_shared>>) dst(%dma_wait3A_112 : memref<368xf32, #tpu.memory_space<vmem>>)
      tpu.yield
    }) : () -> ()
    %add3A_56 = arith.constant 11776 : i32
    %add3A_57 = arith.addi %add3A_56, %mul3A_1 : i32
    "tpu.region"() ({
      %run_scoped3A = tpu.sem_alloc : memref<!tpu.dma_semaphore, #tpu.memory_space<semaphore_mem>>
      %dma_start3A = arith.constant 368 : i32
      %dma_start3A_104 = tpu.memref_slice %arg8[%dma_start3A] : memref<1104xf32, #tpu.memory_space<vmem>> -> memref<368xf32, #tpu.memory_space<vmem>>
      %dma_start3A_105 = tpu.memref_slice %arg17[%add3A_57] : memref<100096xf32, #tpu.memory_space<vmem_shared>> -> memref<368xf32, #tpu.memory_space<vmem_shared>>
      %dma_start3A_106 = arith.constant 368 : i32
      %dma_start3A_107 = tpu.memref_slice %arg8[%dma_start3A_106] : memref<1104xf32, #tpu.memory_space<vmem>> -> memref<368xf32, #tpu.memory_space<vmem>>
      %dma_start3A_108 = tpu.memref_slice %arg17[%add3A_57] : memref<100096xf32, #tpu.memory_space<vmem_shared>> -> memref<368xf32, #tpu.memory_space<vmem_shared>>
      tpu.enqueue_dma source(%dma_start3A_108 : memref<368xf32, #tpu.memory_space<vmem_shared>>) target(%dma_start3A_107 : memref<368xf32, #tpu.memory_space<vmem>>) target_semaphore(%run_scoped3A : memref<!tpu.dma_semaphore, #tpu.memory_space<semaphore_mem>>)
      %dma_wait3A = arith.constant 368 : i32
      %dma_wait3A_109 = tpu.memref_slice %arg8[%dma_wait3A] : memref<1104xf32, #tpu.memory_space<vmem>> -> memref<368xf32, #tpu.memory_space<vmem>>
      %dma_wait3A_110 = tpu.memref_slice %arg17[%add3A_57] : memref<100096xf32, #tpu.memory_space<vmem_shared>> -> memref<368xf32, #tpu.memory_space<vmem_shared>>
      %dma_wait3A_111 = arith.constant 368 : i32
      %dma_wait3A_112 = tpu.memref_slice %arg8[%dma_wait3A_111] : memref<1104xf32, #tpu.memory_space<vmem>> -> memref<368xf32, #tpu.memory_space<vmem>>
      %dma_wait3A_113 = tpu.memref_slice %arg17[%add3A_57] : memref<100096xf32, #tpu.memory_space<vmem_shared>> -> memref<368xf32, #tpu.memory_space<vmem_shared>>
      tpu.wait_dma2 semaphore(%run_scoped3A : memref<!tpu.dma_semaphore, #tpu.memory_space<semaphore_mem>>) src(%dma_wait3A_113 : memref<368xf32, #tpu.memory_space<vmem_shared>>) dst(%dma_wait3A_112 : memref<368xf32, #tpu.memory_space<vmem>>)
      tpu.yield
    }) : () -> ()
    %add3A_58 = arith.constant 17664 : i32
    %add3A_59 = arith.addi %add3A_58, %mul3A_1 : i32
    "tpu.region"() ({
      %run_scoped3A = tpu.sem_alloc : memref<!tpu.dma_semaphore, #tpu.memory_space<semaphore_mem>>
      %dma_start3A = arith.constant 736 : i32
      %dma_start3A_104 = tpu.memref_slice %arg8[%dma_start3A] : memref<1104xf32, #tpu.memory_space<vmem>> -> memref<368xf32, #tpu.memory_space<vmem>>
      %dma_start3A_105 = tpu.memref_slice %arg17[%add3A_59] : memref<100096xf32, #tpu.memory_space<vmem_shared>> -> memref<368xf32, #tpu.memory_space<vmem_shared>>
      %dma_start3A_106 = arith.constant 736 : i32
      %dma_start3A_107 = tpu.memref_slice %arg8[%dma_start3A_106] : memref<1104xf32, #tpu.memory_space<vmem>> -> memref<368xf32, #tpu.memory_space<vmem>>
      %dma_start3A_108 = tpu.memref_slice %arg17[%add3A_59] : memref<100096xf32, #tpu.memory_space<vmem_shared>> -> memref<368xf32, #tpu.memory_space<vmem_shared>>
      tpu.enqueue_dma source(%dma_start3A_108 : memref<368xf32, #tpu.memory_space<vmem_shared>>) target(%dma_start3A_107 : memref<368xf32, #tpu.memory_space<vmem>>) target_semaphore(%run_scoped3A : memref<!tpu.dma_semaphore, #tpu.memory_space<semaphore_mem>>)
      %dma_wait3A = arith.constant 736 : i32
      %dma_wait3A_109 = tpu.memref_slice %arg8[%dma_wait3A] : memref<1104xf32, #tpu.memory_space<vmem>> -> memref<368xf32, #tpu.memory_space<vmem>>
      %dma_wait3A_110 = tpu.memref_slice %arg17[%add3A_59] : memref<100096xf32, #tpu.memory_space<vmem_shared>> -> memref<368xf32, #tpu.memory_space<vmem_shared>>
      %dma_wait3A_111 = arith.constant 736 : i32
      %dma_wait3A_112 = tpu.memref_slice %arg8[%dma_wait3A_111] : memref<1104xf32, #tpu.memory_space<vmem>> -> memref<368xf32, #tpu.memory_space<vmem>>
      %dma_wait3A_113 = tpu.memref_slice %arg17[%add3A_59] : memref<100096xf32, #tpu.memory_space<vmem_shared>> -> memref<368xf32, #tpu.memory_space<vmem_shared>>
      tpu.wait_dma2 semaphore(%run_scoped3A : memref<!tpu.dma_semaphore, #tpu.memory_space<semaphore_mem>>) src(%dma_wait3A_113 : memref<368xf32, #tpu.memory_space<vmem_shared>>) dst(%dma_wait3A_112 : memref<368xf32, #tpu.memory_space<vmem>>)
      tpu.yield
    }) : () -> ()
    %scan3A_60 = arith.constant 0 : i32
    %scan3A_61 = arith.constant 23 : i32
    %scan3A_62 = arith.addi %scan3A_60, %scan3A_61 : i32
    %scan3A_63 = arith.constant 1 : i32
    scf.for %scan3A_104 = %scan3A_60 to %scan3A_62 step %scan3A_63  : i32 {
      %mul3A_105 = arith.constant 16 : i32
      %mul3A_106 = arith.muli %scan3A_104, %mul3A_105 : i32
      %get3A = arith.index_cast %mul3A_106 : i32 to index
      %get3A_107 = tpu.vector_load %arg6[%get3A] {strides = array<i32>} : memref<368xf32, #tpu.memory_space<vmem>>, vector<16xf32>,
      %mul3A_108 = arith.constant 16 : i32
      %mul3A_109 = arith.muli %scan3A_104, %mul3A_108 : i32
      %add3A_110 = arith.constant 0 : i32
      %add3A_111 = arith.addi %add3A_110, %mul3A_109 : i32
      %get3A_112 = arith.index_cast %add3A_111 : i32 to index
      %get3A_113 = tpu.vector_load %arg8[%get3A_112] {strides = array<i32>} : memref<1104xf32, #tpu.memory_space<vmem>>, vector<16xf32>,
      %mul3A_114 = arith.constant 16 : i32
      %mul3A_115 = arith.muli %scan3A_104, %mul3A_114 : i32
      %add3A_116 = arith.constant 0 : i32
      %add3A_117 = arith.addi %add3A_116, %mul3A_115 : i32
      %get3A_118 = arith.index_cast %add3A_117 : i32 to index
      %get3A_119 = tpu.vector_load %arg7[%get3A_118] {strides = array<i32>} : memref<1104xf32, #tpu.memory_space<vmem>>, vector<16xf32>,
      %add3A_120 = arith.addf %get3A_113, %get3A_119 : vector<16xf32>
      %mul3A_121 = arith.mulf %get3A_107, %add3A_120 : vector<16xf32>
      %mul3A_122 = arith.constant 16 : i32
      %mul3A_123 = arith.muli %scan3A_104, %mul3A_122 : i32
      %add3A_124 = arith.constant 368 : i32
      %add3A_125 = arith.addi %add3A_124, %mul3A_123 : i32
      %get3A_126 = arith.index_cast %add3A_125 : i32 to index
      %get3A_127 = tpu.vector_load %arg8[%get3A_126] {strides = array<i32>} : memref<1104xf32, #tpu.memory_space<vmem>>, vector<16xf32>,
      %mul3A_128 = arith.constant 16 : i32
      %mul3A_129 = arith.muli %scan3A_104, %mul3A_128 : i32
      %add3A_130 = arith.constant 368 : i32
      %add3A_131 = arith.addi %add3A_130, %mul3A_129 : i32
      %get3A_132 = arith.index_cast %add3A_131 : i32 to index
      %get3A_133 = tpu.vector_load %arg7[%get3A_132] {strides = array<i32>} : memref<1104xf32, #tpu.memory_space<vmem>>, vector<16xf32>,
      %add3A_134 = arith.addf %get3A_127, %get3A_133 : vector<16xf32>
      %mul3A_135 = arith.mulf %get3A_107, %add3A_134 : vector<16xf32>
      %mul3A_136 = arith.constant 16 : i32
      %mul3A_137 = arith.muli %scan3A_104, %mul3A_136 : i32
      %add3A_138 = arith.constant 736 : i32
      %add3A_139 = arith.addi %add3A_138, %mul3A_137 : i32
      %get3A_140 = arith.index_cast %add3A_139 : i32 to index
      %get3A_141 = tpu.vector_load %arg8[%get3A_140] {strides = array<i32>} : memref<1104xf32, #tpu.memory_space<vmem>>, vector<16xf32>,
      %mul3A_142 = arith.constant 16 : i32
      %mul3A_143 = arith.muli %scan3A_104, %mul3A_142 : i32
      %add3A_144 = arith.constant 736 : i32
      %add3A_145 = arith.addi %add3A_144, %mul3A_143 : i32
      %get3A_146 = arith.index_cast %add3A_145 : i32 to index
      %get3A_147 = tpu.vector_load %arg7[%get3A_146] {strides = array<i32>} : memref<1104xf32, #tpu.memory_space<vmem>>, vector<16xf32>,
      %add3A_148 = arith.addf %get3A_141, %get3A_147 : vector<16xf32>
      %mul3A_149 = arith.mulf %get3A_107, %add3A_148 : vector<16xf32>
      %get3A_150 = arith.constant 0 : index
      %get3A_151 = tpu.vector_load %arg14[%get3A_150] {strides = array<i32>} : memref<352xf32, #tpu.memory_space<vmem>>, vector<16xf32>,
      %slice3A = vector.extract_strided_slice %get3A_151 {offsets = [15], sizes = [1], strides = [1]} : vector<16xf32> to vector<1xf32>
      %squeeze3A = vector.extract %slice3A[0] : f32 from vector<1xf32>
      %get3A_152 = arith.constant 0 : index
      %get3A_153 = tpu.vector_load %arg14[%get3A_152] {strides = array<i32>} : memref<352xf32, #tpu.memory_space<vmem>>, vector<16xf32>,
      %slice3A_154 = vector.extract_strided_slice %get3A_153 {offsets = [0], sizes = [1], strides = [1]} : vector<16xf32> to vector<1xf32>
      %squeeze3A_155 = vector.extract %slice3A_154[0] : f32 from vector<1xf32>
      %mul3A_156 = vector.broadcast %squeeze3A_155 : f32 to vector<16xf32>
      %mul3A_157 = arith.mulf %mul3A_121, %mul3A_156 : vector<16xf32>
      %add3A_158 = vector.broadcast %squeeze3A : f32 to vector<16xf32>
      %add3A_159 = arith.addf %add3A_158, %mul3A_157 : vector<16xf32>
      %get3A_160 = arith.constant 0 : index
      %get3A_161 = tpu.vector_load %arg14[%get3A_160] {strides = array<i32>} : memref<352xf32, #tpu.memory_space<vmem>>, vector<16xf32>,
      %slice3A_162 = vector.extract_strided_slice %get3A_161 {offsets = [5], sizes = [1], strides = [1]} : vector<16xf32> to vector<1xf32>
      %squeeze3A_163 = vector.extract %slice3A_162[0] : f32 from vector<1xf32>
      %mul3A_164 = vector.broadcast %squeeze3A_163 : f32 to vector<16xf32>
      %mul3A_165 = arith.mulf %mul3A_135, %mul3A_164 : vector<16xf32>
      %add3A_166 = arith.addf %add3A_159, %mul3A_165 : vector<16xf32>
      %get3A_167 = arith.constant 0 : index
      %get3A_168 = tpu.vector_load %arg14[%get3A_167] {strides = array<i32>} : memref<352xf32, #tpu.memory_space<vmem>>, vector<16xf32>,
      %slice3A_169 = vector.extract_strided_slice %get3A_168 {offsets = [10], sizes = [1], strides = [1]} : vector<16xf32> to vector<1xf32>
      %squeeze3A_170 = vector.extract %slice3A_169[0] : f32 from vector<1xf32>
      %mul3A_171 = vector.broadcast %squeeze3A_170 : f32 to vector<16xf32>
      %mul3A_172 = arith.mulf %mul3A_149, %mul3A_171 : vector<16xf32>
      %add3A_173 = arith.addf %add3A_166, %mul3A_172 : vector<16xf32>
      %mul3A_174 = arith.constant 0.00999999977 : f32
      %mul3A_175 = vector.broadcast %mul3A_174 : f32 to vector<16xf32>
      %mul3A_176 = arith.mulf %mul3A_175, %add3A_173 : vector<16xf32>
      %max3A = arith.maximumf %add3A_173, %mul3A_176 : vector<16xf32>
      %mul3A_177 = arith.mulf %get3A_107, %max3A : vector<16xf32>
      %mul3A_178 = arith.constant 16 : i32
      %mul3A_179 = arith.muli %scan3A_104, %mul3A_178 : i32
      %add3A_180 = arith.constant 0 : i32
      %add3A_181 = arith.addi %add3A_180, %mul3A_179 : i32
      %swap3A = arith.index_cast %add3A_181 : i32 to index
      %swap3A_182 = tpu.vector_load %arg9[%swap3A] {strides = array<i32>} : memref<1840xf32, #tpu.memory_space<vmem>>, vector<16xf32>,
      tpu.vector_store %arg9[%swap3A], %mul3A_177 {strides = array<i32>} : memref<1840xf32, #tpu.memory_space<vmem>>, vector<16xf32>,
      %get3A_183 = arith.constant 16 : index
      %get3A_184 = tpu.vector_load %arg14[%get3A_183] {strides = array<i32>} : memref<352xf32, #tpu.memory_space<vmem>>, vector<16xf32>,
      %slice3A_185 = vector.extract_strided_slice %get3A_184 {offsets = [0], sizes = [1], strides = [1]} : vector<16xf32> to vector<1xf32>
      %squeeze3A_186 = vector.extract %slice3A_185[0] : f32 from vector<1xf32>
      %get3A_187 = arith.constant 0 : index
      %get3A_188 = tpu.vector_load %arg14[%get3A_187] {strides = array<i32>} : memref<352xf32, #tpu.memory_space<vmem>>, vector<16xf32>,
      %slice3A_189 = vector.extract_strided_slice %get3A_188 {offsets = [1], sizes = [1], strides = [1]} : vector<16xf32> to vector<1xf32>
      %squeeze3A_190 = vector.extract %slice3A_189[0] : f32 from vector<1xf32>
      %mul3A_191 = vector.broadcast %squeeze3A_190 : f32 to vector<16xf32>
      %mul3A_192 = arith.mulf %mul3A_121, %mul3A_191 : vector<16xf32>
      %add3A_193 = vector.broadcast %squeeze3A_186 : f32 to vector<16xf32>
      %add3A_194 = arith.addf %add3A_193, %mul3A_192 : vector<16xf32>
      %get3A_195 = arith.constant 0 : index
      %get3A_196 = tpu.vector_load %arg14[%get3A_195] {strides = array<i32>} : memref<352xf32, #tpu.memory_space<vmem>>, vector<16xf32>,
      %slice3A_197 = vector.extract_strided_slice %get3A_196 {offsets = [6], sizes = [1], strides = [1]} : vector<16xf32> to vector<1xf32>
      %squeeze3A_198 = vector.extract %slice3A_197[0] : f32 from vector<1xf32>
      %mul3A_199 = vector.broadcast %squeeze3A_198 : f32 to vector<16xf32>
      %mul3A_200 = arith.mulf %mul3A_135, %mul3A_199 : vector<16xf32>
      %add3A_201 = arith.addf %add3A_194, %mul3A_200 : vector<16xf32>
      %get3A_202 = arith.constant 0 : index
      %get3A_203 = tpu.vector_load %arg14[%get3A_202] {strides = array<i32>} : memref<352xf32, #tpu.memory_space<vmem>>, vector<16xf32>,
      %slice3A_204 = vector.extract_strided_slice %get3A_203 {offsets = [11], sizes = [1], strides = [1]} : vector<16xf32> to vector<1xf32>
      %squeeze3A_205 = vector.extract %slice3A_204[0] : f32 from vector<1xf32>
      %mul3A_206 = vector.broadcast %squeeze3A_205 : f32 to vector<16xf32>
      %mul3A_207 = arith.mulf %mul3A_149, %mul3A_206 : vector<16xf32>
      %add3A_208 = arith.addf %add3A_201, %mul3A_207 : vector<16xf32>
      %mul3A_209 = arith.constant 0.00999999977 : f32
      %mul3A_210 = vector.broadcast %mul3A_209 : f32 to vector<16xf32>
      %mul3A_211 = arith.mulf %mul3A_210, %add3A_208 : vector<16xf32>
      %max3A_212 = arith.maximumf %add3A_208, %mul3A_211 : vector<16xf32>
      %mul3A_213 = arith.mulf %get3A_107, %max3A_212 : vector<16xf32>
      %mul3A_214 = arith.constant 16 : i32
      %mul3A_215 = arith.muli %scan3A_104, %mul3A_214 : i32
      %add3A_216 = arith.constant 368 : i32
      %add3A_217 = arith.addi %add3A_216, %mul3A_215 : i32
      %swap3A_218 = arith.index_cast %add3A_217 : i32 to index
      %swap3A_219 = tpu.vector_load %arg9[%swap3A_218] {strides = array<i32>} : memref<1840xf32, #tpu.memory_space<vmem>>, vector<16xf32>,
      tpu.vector_store %arg9[%swap3A_218], %mul3A_213 {strides = array<i32>} : memref<1840xf32, #tpu.memory_space<vmem>>, vector<16xf32>,
      %get3A_220 = arith.constant 16 : index
      %get3A_221 = tpu.vector_load %arg14[%get3A_220] {strides = array<i32>} : memref<352xf32, #tpu.memory_space<vmem>>, vector<16xf32>,
      %slice3A_222 = vector.extract_strided_slice %get3A_221 {offsets = [1], sizes = [1], strides = [1]} : vector<16xf32> to vector<1xf32>
      %squeeze3A_223 = vector.extract %slice3A_222[0] : f32 from vector<1xf32>
      %get3A_224 = arith.constant 0 : index
      %get3A_225 = tpu.vector_load %arg14[%get3A_224] {strides = array<i32>} : memref<352xf32, #tpu.memory_space<vmem>>, vector<16xf32>,
      %slice3A_226 = vector.extract_strided_slice %get3A_225 {offsets = [2], sizes = [1], strides = [1]} : vector<16xf32> to vector<1xf32>
      %squeeze3A_227 = vector.extract %slice3A_226[0] : f32 from vector<1xf32>
      %mul3A_228 = vector.broadcast %squeeze3A_227 : f32 to vector<16xf32>
      %mul3A_229 = arith.mulf %mul3A_121, %mul3A_228 : vector<16xf32>
      %add3A_230 = vector.broadcast %squeeze3A_223 : f32 to vector<16xf32>
      %add3A_231 = arith.addf %add3A_230, %mul3A_229 : vector<16xf32>
      %get3A_232 = arith.constant 0 : index
      %get3A_233 = tpu.vector_load %arg14[%get3A_232] {strides = array<i32>} : memref<352xf32, #tpu.memory_space<vmem>>, vector<16xf32>,
      %slice3A_234 = vector.extract_strided_slice %get3A_233 {offsets = [7], sizes = [1], strides = [1]} : vector<16xf32> to vector<1xf32>
      %squeeze3A_235 = vector.extract %slice3A_234[0] : f32 from vector<1xf32>
      %mul3A_236 = vector.broadcast %squeeze3A_235 : f32 to vector<16xf32>
      %mul3A_237 = arith.mulf %mul3A_135, %mul3A_236 : vector<16xf32>
      %add3A_238 = arith.addf %add3A_231, %mul3A_237 : vector<16xf32>
      %get3A_239 = arith.constant 0 : index
      %get3A_240 = tpu.vector_load %arg14[%get3A_239] {strides = array<i32>} : memref<352xf32, #tpu.memory_space<vmem>>, vector<16xf32>,
      %slice3A_241 = vector.extract_strided_slice %get3A_240 {offsets = [12], sizes = [1], strides = [1]} : vector<16xf32> to vector<1xf32>
      %squeeze3A_242 = vector.extract %slice3A_241[0] : f32 from vector<1xf32>
      %mul3A_243 = vector.broadcast %squeeze3A_242 : f32 to vector<16xf32>
      %mul3A_244 = arith.mulf %mul3A_149, %mul3A_243 : vector<16xf32>
      %add3A_245 = arith.addf %add3A_238, %mul3A_244 : vector<16xf32>
      %mul3A_246 = arith.constant 0.00999999977 : f32
      %mul3A_247 = vector.broadcast %mul3A_246 : f32 to vector<16xf32>
      %mul3A_248 = arith.mulf %mul3A_247, %add3A_245 : vector<16xf32>
      %max3A_249 = arith.maximumf %add3A_245, %mul3A_248 : vector<16xf32>
      %mul3A_250 = arith.mulf %get3A_107, %max3A_249 : vector<16xf32>
      %mul3A_251 = arith.constant 16 : i32
      %mul3A_252 = arith.muli %scan3A_104, %mul3A_251 : i32
      %add3A_253 = arith.constant 736 : i32
      %add3A_254 = arith.addi %add3A_253, %mul3A_252 : i32
      %swap3A_255 = arith.index_cast %add3A_254 : i32 to index
      %swap3A_256 = tpu.vector_load %arg9[%swap3A_255] {strides = array<i32>} : memref<1840xf32, #tpu.memory_space<vmem>>, vector<16xf32>,
      tpu.vector_store %arg9[%swap3A_255], %mul3A_250 {strides = array<i32>} : memref<1840xf32, #tpu.memory_space<vmem>>, vector<16xf32>,
      %get3A_257 = arith.constant 16 : index
      %get3A_258 = tpu.vector_load %arg14[%get3A_257] {strides = array<i32>} : memref<352xf32, #tpu.memory_space<vmem>>, vector<16xf32>,
      %slice3A_259 = vector.extract_strided_slice %get3A_258 {offsets = [2], sizes = [1], strides = [1]} : vector<16xf32> to vector<1xf32>
      %squeeze3A_260 = vector.extract %slice3A_259[0] : f32 from vector<1xf32>
      %get3A_261 = arith.constant 0 : index
      %get3A_262 = tpu.vector_load %arg14[%get3A_261] {strides = array<i32>} : memref<352xf32, #tpu.memory_space<vmem>>, vector<16xf32>,
      %slice3A_263 = vector.extract_strided_slice %get3A_262 {offsets = [3], sizes = [1], strides = [1]} : vector<16xf32> to vector<1xf32>
      %squeeze3A_264 = vector.extract %slice3A_263[0] : f32 from vector<1xf32>
      %mul3A_265 = vector.broadcast %squeeze3A_264 : f32 to vector<16xf32>
      %mul3A_266 = arith.mulf %mul3A_121, %mul3A_265 : vector<16xf32>
      %add3A_267 = vector.broadcast %squeeze3A_260 : f32 to vector<16xf32>
      %add3A_268 = arith.addf %add3A_267, %mul3A_266 : vector<16xf32>
      %get3A_269 = arith.constant 0 : index
      %get3A_270 = tpu.vector_load %arg14[%get3A_269] {strides = array<i32>} : memref<352xf32, #tpu.memory_space<vmem>>, vector<16xf32>,
      %slice3A_271 = vector.extract_strided_slice %get3A_270 {offsets = [8], sizes = [1], strides = [1]} : vector<16xf32> to vector<1xf32>
      %squeeze3A_272 = vector.extract %slice3A_271[0] : f32 from vector<1xf32>
      %mul3A_273 = vector.broadcast %squeeze3A_272 : f32 to vector<16xf32>
      %mul3A_274 = arith.mulf %mul3A_135, %mul3A_273 : vector<16xf32>
      %add3A_275 = arith.addf %add3A_268, %mul3A_274 : vector<16xf32>
      %get3A_276 = arith.constant 0 : index
      %get3A_277 = tpu.vector_load %arg14[%get3A_276] {strides = array<i32>} : memref<352xf32, #tpu.memory_space<vmem>>, vector<16xf32>,
      %slice3A_278 = vector.extract_strided_slice %get3A_277 {offsets = [13], sizes = [1], strides = [1]} : vector<16xf32> to vector<1xf32>
      %squeeze3A_279 = vector.extract %slice3A_278[0] : f32 from vector<1xf32>
      %mul3A_280 = vector.broadcast %squeeze3A_279 : f32 to vector<16xf32>
      %mul3A_281 = arith.mulf %mul3A_149, %mul3A_280 : vector<16xf32>
      %add3A_282 = arith.addf %add3A_275, %mul3A_281 : vector<16xf32>
      %mul3A_283 = arith.constant 0.00999999977 : f32
      %mul3A_284 = vector.broadcast %mul3A_283 : f32 to vector<16xf32>
      %mul3A_285 = arith.mulf %mul3A_284, %add3A_282 : vector<16xf32>
      %max3A_286 = arith.maximumf %add3A_282, %mul3A_285 : vector<16xf32>
      %mul3A_287 = arith.mulf %get3A_107, %max3A_286 : vector<16xf32>
      %mul3A_288 = arith.constant 16 : i32
      %mul3A_289 = arith.muli %scan3A_104, %mul3A_288 : i32
      %add3A_290 = arith.constant 1104 : i32
      %add3A_291 = arith.addi %add3A_290, %mul3A_289 : i32
      %swap3A_292 = arith.index_cast %add3A_291 : i32 to index
      %swap3A_293 = tpu.vector_load %arg9[%swap3A_292] {strides = array<i32>} : memref<1840xf32, #tpu.memory_space<vmem>>, vector<16xf32>,
      tpu.vector_store %arg9[%swap3A_292], %mul3A_287 {strides = array<i32>} : memref<1840xf32, #tpu.memory_space<vmem>>, vector<16xf32>,
      %get3A_294 = arith.constant 16 : index
      %get3A_295 = tpu.vector_load %arg14[%get3A_294] {strides = array<i32>} : memref<352xf32, #tpu.memory_space<vmem>>, vector<16xf32>,
      %slice3A_296 = vector.extract_strided_slice %get3A_295 {offsets = [3], sizes = [1], strides = [1]} : vector<16xf32> to vector<1xf32>
      %squeeze3A_297 = vector.extract %slice3A_296[0] : f32 from vector<1xf32>
      %get3A_298 = arith.constant 0 : index
      %get3A_299 = tpu.vector_load %arg14[%get3A_298] {strides = array<i32>} : memref<352xf32, #tpu.memory_space<vmem>>, vector<16xf32>,
      %slice3A_300 = vector.extract_strided_slice %get3A_299 {offsets = [4], sizes = [1], strides = [1]} : vector<16xf32> to vector<1xf32>
      %squeeze3A_301 = vector.extract %slice3A_300[0] : f32 from vector<1xf32>
      %mul3A_302 = vector.broadcast %squeeze3A_301 : f32 to vector<16xf32>
      %mul3A_303 = arith.mulf %mul3A_121, %mul3A_302 : vector<16xf32>
      %add3A_304 = vector.broadcast %squeeze3A_297 : f32 to vector<16xf32>
      %add3A_305 = arith.addf %add3A_304, %mul3A_303 : vector<16xf32>
      %get3A_306 = arith.constant 0 : index
      %get3A_307 = tpu.vector_load %arg14[%get3A_306] {strides = array<i32>} : memref<352xf32, #tpu.memory_space<vmem>>, vector<16xf32>,
      %slice3A_308 = vector.extract_strided_slice %get3A_307 {offsets = [9], sizes = [1], strides = [1]} : vector<16xf32> to vector<1xf32>
      %squeeze3A_309 = vector.extract %slice3A_308[0] : f32 from vector<1xf32>
      %mul3A_310 = vector.broadcast %squeeze3A_309 : f32 to vector<16xf32>
      %mul3A_311 = arith.mulf %mul3A_135, %mul3A_310 : vector<16xf32>
      %add3A_312 = arith.addf %add3A_305, %mul3A_311 : vector<16xf32>
      %get3A_313 = arith.constant 0 : index
      %get3A_314 = tpu.vector_load %arg14[%get3A_313] {strides = array<i32>} : memref<352xf32, #tpu.memory_space<vmem>>, vector<16xf32>,
      %slice3A_315 = vector.extract_strided_slice %get3A_314 {offsets = [14], sizes = [1], strides = [1]} : vector<16xf32> to vector<1xf32>
      %squeeze3A_316 = vector.extract %slice3A_315[0] : f32 from vector<1xf32>
      %mul3A_317 = vector.broadcast %squeeze3A_316 : f32 to vector<16xf32>
      %mul3A_318 = arith.mulf %mul3A_149, %mul3A_317 : vector<16xf32>
      %add3A_319 = arith.addf %add3A_312, %mul3A_318 : vector<16xf32>
      %mul3A_320 = arith.constant 0.00999999977 : f32
      %mul3A_321 = vector.broadcast %mul3A_320 : f32 to vector<16xf32>
      %mul3A_322 = arith.mulf %mul3A_321, %add3A_319 : vector<16xf32>
      %max3A_323 = arith.maximumf %add3A_319, %mul3A_322 : vector<16xf32>
      %mul3A_324 = arith.mulf %get3A_107, %max3A_323 : vector<16xf32>
      %mul3A_325 = arith.constant 16 : i32
      %mul3A_326 = arith.muli %scan3A_104, %mul3A_325 : i32
      %add3A_327 = arith.constant 1472 : i32
      %add3A_328 = arith.addi %add3A_327, %mul3A_326 : i32
      %swap3A_329 = arith.index_cast %add3A_328 : i32 to index
      %swap3A_330 = tpu.vector_load %arg9[%swap3A_329] {strides = array<i32>} : memref<1840xf32, #tpu.memory_space<vmem>>, vector<16xf32>,
      tpu.vector_store %arg9[%swap3A_329], %mul3A_324 {strides = array<i32>} : memref<1840xf32, #tpu.memory_space<vmem>>, vector<16xf32>,
    }
    %scan3A_64 = arith.constant 23 : i32
    %add3A_65 = arith.constant 70656 : i32
    %add3A_66 = arith.addi %add3A_65, %mul3A_1 : i32
    "tpu.region"() ({
      %run_scoped3A = tpu.sem_alloc : memref<!tpu.dma_semaphore, #tpu.memory_space<semaphore_mem>>
      %dma_start3A = arith.constant 0 : i32
      %dma_start3A_104 = tpu.memref_slice %arg9[%dma_start3A] : memref<1840xf32, #tpu.memory_space<vmem>> -> memref<368xf32, #tpu.memory_space<vmem>>
      %dma_start3A_105 = tpu.memref_slice %arg17[%add3A_66] : memref<100096xf32, #tpu.memory_space<vmem_shared>> -> memref<368xf32, #tpu.memory_space<vmem_shared>>
      %dma_start3A_106 = tpu.memref_slice %arg17[%add3A_66] : memref<100096xf32, #tpu.memory_space<vmem_shared>> -> memref<368xf32, #tpu.memory_space<vmem_shared>>
      %dma_start3A_107 = arith.constant 0 : i32
      %dma_start3A_108 = tpu.memref_slice %arg9[%dma_start3A_107] : memref<1840xf32, #tpu.memory_space<vmem>> -> memref<368xf32, #tpu.memory_space<vmem>>
      tpu.enqueue_dma source(%dma_start3A_108 : memref<368xf32, #tpu.memory_space<vmem>>) target(%dma_start3A_106 : memref<368xf32, #tpu.memory_space<vmem_shared>>) target_semaphore(%run_scoped3A : memref<!tpu.dma_semaphore, #tpu.memory_space<semaphore_mem>>)
      %dma_wait3A = arith.constant 0 : i32
      %dma_wait3A_109 = tpu.memref_slice %arg9[%dma_wait3A] : memref<1840xf32, #tpu.memory_space<vmem>> -> memref<368xf32, #tpu.memory_space<vmem>>
      %dma_wait3A_110 = tpu.memref_slice %arg17[%add3A_66] : memref<100096xf32, #tpu.memory_space<vmem_shared>> -> memref<368xf32, #tpu.memory_space<vmem_shared>>
      %dma_wait3A_111 = tpu.memref_slice %arg17[%add3A_66] : memref<100096xf32, #tpu.memory_space<vmem_shared>> -> memref<368xf32, #tpu.memory_space<vmem_shared>>
      %dma_wait3A_112 = arith.constant 0 : i32
      %dma_wait3A_113 = tpu.memref_slice %arg9[%dma_wait3A_112] : memref<1840xf32, #tpu.memory_space<vmem>> -> memref<368xf32, #tpu.memory_space<vmem>>
      tpu.wait_dma2 semaphore(%run_scoped3A : memref<!tpu.dma_semaphore, #tpu.memory_space<semaphore_mem>>) src(%dma_wait3A_113 : memref<368xf32, #tpu.memory_space<vmem>>) dst(%dma_wait3A_111 : memref<368xf32, #tpu.memory_space<vmem_shared>>)
      tpu.yield
    }) : () -> ()
    %add3A_67 = arith.constant 76544 : i32
    %add3A_68 = arith.addi %add3A_67, %mul3A_1 : i32
    "tpu.region"() ({
      %run_scoped3A = tpu.sem_alloc : memref<!tpu.dma_semaphore, #tpu.memory_space<semaphore_mem>>
      %dma_start3A = arith.constant 368 : i32
      %dma_start3A_104 = tpu.memref_slice %arg9[%dma_start3A] : memref<1840xf32, #tpu.memory_space<vmem>> -> memref<368xf32, #tpu.memory_space<vmem>>
      %dma_start3A_105 = tpu.memref_slice %arg17[%add3A_68] : memref<100096xf32, #tpu.memory_space<vmem_shared>> -> memref<368xf32, #tpu.memory_space<vmem_shared>>
      %dma_start3A_106 = tpu.memref_slice %arg17[%add3A_68] : memref<100096xf32, #tpu.memory_space<vmem_shared>> -> memref<368xf32, #tpu.memory_space<vmem_shared>>
      %dma_start3A_107 = arith.constant 368 : i32
      %dma_start3A_108 = tpu.memref_slice %arg9[%dma_start3A_107] : memref<1840xf32, #tpu.memory_space<vmem>> -> memref<368xf32, #tpu.memory_space<vmem>>
      tpu.enqueue_dma source(%dma_start3A_108 : memref<368xf32, #tpu.memory_space<vmem>>) target(%dma_start3A_106 : memref<368xf32, #tpu.memory_space<vmem_shared>>) target_semaphore(%run_scoped3A : memref<!tpu.dma_semaphore, #tpu.memory_space<semaphore_mem>>)
      %dma_wait3A = arith.constant 368 : i32
      %dma_wait3A_109 = tpu.memref_slice %arg9[%dma_wait3A] : memref<1840xf32, #tpu.memory_space<vmem>> -> memref<368xf32, #tpu.memory_space<vmem>>
      %dma_wait3A_110 = tpu.memref_slice %arg17[%add3A_68] : memref<100096xf32, #tpu.memory_space<vmem_shared>> -> memref<368xf32, #tpu.memory_space<vmem_shared>>
      %dma_wait3A_111 = tpu.memref_slice %arg17[%add3A_68] : memref<100096xf32, #tpu.memory_space<vmem_shared>> -> memref<368xf32, #tpu.memory_space<vmem_shared>>
      %dma_wait3A_112 = arith.constant 368 : i32
      %dma_wait3A_113 = tpu.memref_slice %arg9[%dma_wait3A_112] : memref<1840xf32, #tpu.memory_space<vmem>> -> memref<368xf32, #tpu.memory_space<vmem>>
      tpu.wait_dma2 semaphore(%run_scoped3A : memref<!tpu.dma_semaphore, #tpu.memory_space<semaphore_mem>>) src(%dma_wait3A_113 : memref<368xf32, #tpu.memory_space<vmem>>) dst(%dma_wait3A_111 : memref<368xf32, #tpu.memory_space<vmem_shared>>)
      tpu.yield
    }) : () -> ()
    %add3A_69 = arith.constant 82432 : i32
    %add3A_70 = arith.addi %add3A_69, %mul3A_1 : i32
    "tpu.region"() ({
      %run_scoped3A = tpu.sem_alloc : memref<!tpu.dma_semaphore, #tpu.memory_space<semaphore_mem>>
      %dma_start3A = arith.constant 736 : i32
      %dma_start3A_104 = tpu.memref_slice %arg9[%dma_start3A] : memref<1840xf32, #tpu.memory_space<vmem>> -> memref<368xf32, #tpu.memory_space<vmem>>
      %dma_start3A_105 = tpu.memref_slice %arg17[%add3A_70] : memref<100096xf32, #tpu.memory_space<vmem_shared>> -> memref<368xf32, #tpu.memory_space<vmem_shared>>
      %dma_start3A_106 = tpu.memref_slice %arg17[%add3A_70] : memref<100096xf32, #tpu.memory_space<vmem_shared>> -> memref<368xf32, #tpu.memory_space<vmem_shared>>
      %dma_start3A_107 = arith.constant 736 : i32
      %dma_start3A_108 = tpu.memref_slice %arg9[%dma_start3A_107] : memref<1840xf32, #tpu.memory_space<vmem>> -> memref<368xf32, #tpu.memory_space<vmem>>
      tpu.enqueue_dma source(%dma_start3A_108 : memref<368xf32, #tpu.memory_space<vmem>>) target(%dma_start3A_106 : memref<368xf32, #tpu.memory_space<vmem_shared>>) target_semaphore(%run_scoped3A : memref<!tpu.dma_semaphore, #tpu.memory_space<semaphore_mem>>)
      %dma_wait3A = arith.constant 736 : i32
      %dma_wait3A_109 = tpu.memref_slice %arg9[%dma_wait3A] : memref<1840xf32, #tpu.memory_space<vmem>> -> memref<368xf32, #tpu.memory_space<vmem>>
      %dma_wait3A_110 = tpu.memref_slice %arg17[%add3A_70] : memref<100096xf32, #tpu.memory_space<vmem_shared>> -> memref<368xf32, #tpu.memory_space<vmem_shared>>
      %dma_wait3A_111 = tpu.memref_slice %arg17[%add3A_70] : memref<100096xf32, #tpu.memory_space<vmem_shared>> -> memref<368xf32, #tpu.memory_space<vmem_shared>>
      %dma_wait3A_112 = arith.constant 736 : i32
      %dma_wait3A_113 = tpu.memref_slice %arg9[%dma_wait3A_112] : memref<1840xf32, #tpu.memory_space<vmem>> -> memref<368xf32, #tpu.memory_space<vmem>>
      tpu.wait_dma2 semaphore(%run_scoped3A : memref<!tpu.dma_semaphore, #tpu.memory_space<semaphore_mem>>) src(%dma_wait3A_113 : memref<368xf32, #tpu.memory_space<vmem>>) dst(%dma_wait3A_111 : memref<368xf32, #tpu.memory_space<vmem_shared>>)
      tpu.yield
    }) : () -> ()
    %add3A_71 = arith.constant 88320 : i32
    %add3A_72 = arith.addi %add3A_71, %mul3A_1 : i32
    "tpu.region"() ({
      %run_scoped3A = tpu.sem_alloc : memref<!tpu.dma_semaphore, #tpu.memory_space<semaphore_mem>>
      %dma_start3A = arith.constant 1104 : i32
      %dma_start3A_104 = tpu.memref_slice %arg9[%dma_start3A] : memref<1840xf32, #tpu.memory_space<vmem>> -> memref<368xf32, #tpu.memory_space<vmem>>
      %dma_start3A_105 = tpu.memref_slice %arg17[%add3A_72] : memref<100096xf32, #tpu.memory_space<vmem_shared>> -> memref<368xf32, #tpu.memory_space<vmem_shared>>
      %dma_start3A_106 = tpu.memref_slice %arg17[%add3A_72] : memref<100096xf32, #tpu.memory_space<vmem_shared>> -> memref<368xf32, #tpu.memory_space<vmem_shared>>
      %dma_start3A_107 = arith.constant 1104 : i32
      %dma_start3A_108 = tpu.memref_slice %arg9[%dma_start3A_107] : memref<1840xf32, #tpu.memory_space<vmem>> -> memref<368xf32, #tpu.memory_space<vmem>>
      tpu.enqueue_dma source(%dma_start3A_108 : memref<368xf32, #tpu.memory_space<vmem>>) target(%dma_start3A_106 : memref<368xf32, #tpu.memory_space<vmem_shared>>) target_semaphore(%run_scoped3A : memref<!tpu.dma_semaphore, #tpu.memory_space<semaphore_mem>>)
      %dma_wait3A = arith.constant 1104 : i32
      %dma_wait3A_109 = tpu.memref_slice %arg9[%dma_wait3A] : memref<1840xf32, #tpu.memory_space<vmem>> -> memref<368xf32, #tpu.memory_space<vmem>>
      %dma_wait3A_110 = tpu.memref_slice %arg17[%add3A_72] : memref<100096xf32, #tpu.memory_space<vmem_shared>> -> memref<368xf32, #tpu.memory_space<vmem_shared>>
      %dma_wait3A_111 = tpu.memref_slice %arg17[%add3A_72] : memref<100096xf32, #tpu.memory_space<vmem_shared>> -> memref<368xf32, #tpu.memory_space<vmem_shared>>
      %dma_wait3A_112 = arith.constant 1104 : i32
      %dma_wait3A_113 = tpu.memref_slice %arg9[%dma_wait3A_112] : memref<1840xf32, #tpu.memory_space<vmem>> -> memref<368xf32, #tpu.memory_space<vmem>>
      tpu.wait_dma2 semaphore(%run_scoped3A : memref<!tpu.dma_semaphore, #tpu.memory_space<semaphore_mem>>) src(%dma_wait3A_113 : memref<368xf32, #tpu.memory_space<vmem>>) dst(%dma_wait3A_111 : memref<368xf32, #tpu.memory_space<vmem_shared>>)
      tpu.yield
    }) : () -> ()
    %add3A_73 = arith.constant 94208 : i32
    %add3A_74 = arith.addi %add3A_73, %mul3A_1 : i32
    "tpu.region"() ({
      %run_scoped3A = tpu.sem_alloc : memref<!tpu.dma_semaphore, #tpu.memory_space<semaphore_mem>>
      %dma_start3A = arith.constant 1472 : i32
      %dma_start3A_104 = tpu.memref_slice %arg9[%dma_start3A] : memref<1840xf32, #tpu.memory_space<vmem>> -> memref<368xf32, #tpu.memory_space<vmem>>
      %dma_start3A_105 = tpu.memref_slice %arg17[%add3A_74] : memref<100096xf32, #tpu.memory_space<vmem_shared>> -> memref<368xf32, #tpu.memory_space<vmem_shared>>
      %dma_start3A_106 = tpu.memref_slice %arg17[%add3A_74] : memref<100096xf32, #tpu.memory_space<vmem_shared>> -> memref<368xf32, #tpu.memory_space<vmem_shared>>
      %dma_start3A_107 = arith.constant 1472 : i32
      %dma_start3A_108 = tpu.memref_slice %arg9[%dma_start3A_107] : memref<1840xf32, #tpu.memory_space<vmem>> -> memref<368xf32, #tpu.memory_space<vmem>>
      tpu.enqueue_dma source(%dma_start3A_108 : memref<368xf32, #tpu.memory_space<vmem>>) target(%dma_start3A_106 : memref<368xf32, #tpu.memory_space<vmem_shared>>) target_semaphore(%run_scoped3A : memref<!tpu.dma_semaphore, #tpu.memory_space<semaphore_mem>>)
      %dma_wait3A = arith.constant 1472 : i32
      %dma_wait3A_109 = tpu.memref_slice %arg9[%dma_wait3A] : memref<1840xf32, #tpu.memory_space<vmem>> -> memref<368xf32, #tpu.memory_space<vmem>>
      %dma_wait3A_110 = tpu.memref_slice %arg17[%add3A_74] : memref<100096xf32, #tpu.memory_space<vmem_shared>> -> memref<368xf32, #tpu.memory_space<vmem_shared>>
      %dma_wait3A_111 = tpu.memref_slice %arg17[%add3A_74] : memref<100096xf32, #tpu.memory_space<vmem_shared>> -> memref<368xf32, #tpu.memory_space<vmem_shared>>
      %dma_wait3A_112 = arith.constant 1472 : i32
      %dma_wait3A_113 = tpu.memref_slice %arg9[%dma_wait3A_112] : memref<1840xf32, #tpu.memory_space<vmem>> -> memref<368xf32, #tpu.memory_space<vmem>>
      tpu.wait_dma2 semaphore(%run_scoped3A : memref<!tpu.dma_semaphore, #tpu.memory_space<semaphore_mem>>) src(%dma_wait3A_113 : memref<368xf32, #tpu.memory_space<vmem>>) dst(%dma_wait3A_111 : memref<368xf32, #tpu.memory_space<vmem_shared>>)
      tpu.yield
    }) : () -> ()
    %barrier3A_75 = arith.constant 0 : index
    tpu.barrier barrier_id(%barrier3A_75)
    %lt3A_76 = arith.constant 15 : i32
    %lt3A_77 = arith.cmpi slt, %arg1, %lt3A_76 : i32
    %convert_element_type3A_78 = arith.extui %lt3A_77 : i1 to i32
    %cond3A_79 = arith.constant 0 : i32
    %cond3A_80 = arith.cmpi ne, %convert_element_type3A_78, %cond3A_79 : i32
    scf.if %cond3A_80 {
      %dma_start3A = arith.constant 0 : i32
      %dma_start3A_104 = tpu.memref_slice %arg13[%dma_start3A] : memref<29440xf32, #tpu.memory_space<vmem>> -> memref<5856xf32, #tpu.memory_space<vmem>>
      %dma_start3A_105 = arith.constant 70656 : i32
      %dma_start3A_106 = tpu.memref_slice %arg17[%dma_start3A_105] : memref<100096xf32, #tpu.memory_space<vmem_shared>> -> memref<5888xf32, #tpu.memory_space<vmem_shared>>
      %dma_start3A_107 = arith.constant 0 : i32
      %dma_start3A_108 = tpu.memref_slice %dma_start3A_106[%dma_start3A_107] : memref<5888xf32, #tpu.memory_space<vmem_shared>> -> memref<5888xf32, #tpu.memory_space<vmem_shared>>
      tpu.enqueue_indirect_dma source(%dma_start3A_108 : memref<5888xf32, #tpu.memory_space<vmem_shared>>) target(%dma_start3A_104 : memref<5856xf32, #tpu.memory_space<vmem>>) offsets(%arg11 : memref<5856xi32, #tpu.memory_space<vmem>>) semaphore(%arg16 : memref<!tpu.dma_semaphore, #tpu.memory_space<semaphore_mem>>)
      %dma_start3A_109 = arith.constant 5888 : i32
      %dma_start3A_110 = tpu.memref_slice %arg13[%dma_start3A_109] : memref<29440xf32, #tpu.memory_space<vmem>> -> memref<5856xf32, #tpu.memory_space<vmem>>
      %dma_start3A_111 = arith.constant 76544 : i32
      %dma_start3A_112 = tpu.memref_slice %arg17[%dma_start3A_111] : memref<100096xf32, #tpu.memory_space<vmem_shared>> -> memref<5888xf32, #tpu.memory_space<vmem_shared>>
      %dma_start3A_113 = arith.constant 0 : i32
      %dma_start3A_114 = tpu.memref_slice %dma_start3A_112[%dma_start3A_113] : memref<5888xf32, #tpu.memory_space<vmem_shared>> -> memref<5888xf32, #tpu.memory_space<vmem_shared>>
      tpu.enqueue_indirect_dma source(%dma_start3A_114 : memref<5888xf32, #tpu.memory_space<vmem_shared>>) target(%dma_start3A_110 : memref<5856xf32, #tpu.memory_space<vmem>>) offsets(%arg11 : memref<5856xi32, #tpu.memory_space<vmem>>) semaphore(%arg16 : memref<!tpu.dma_semaphore, #tpu.memory_space<semaphore_mem>>)
      %dma_start3A_115 = arith.constant 11776 : i32
      %dma_start3A_116 = tpu.memref_slice %arg13[%dma_start3A_115] : memref<29440xf32, #tpu.memory_space<vmem>> -> memref<5856xf32, #tpu.memory_space<vmem>>
      %dma_start3A_117 = arith.constant 82432 : i32
      %dma_start3A_118 = tpu.memref_slice %arg17[%dma_start3A_117] : memref<100096xf32, #tpu.memory_space<vmem_shared>> -> memref<5888xf32, #tpu.memory_space<vmem_shared>>
      %dma_start3A_119 = arith.constant 0 : i32
      %dma_start3A_120 = tpu.memref_slice %dma_start3A_118[%dma_start3A_119] : memref<5888xf32, #tpu.memory_space<vmem_shared>> -> memref<5888xf32, #tpu.memory_space<vmem_shared>>
      tpu.enqueue_indirect_dma source(%dma_start3A_120 : memref<5888xf32, #tpu.memory_space<vmem_shared>>) target(%dma_start3A_116 : memref<5856xf32, #tpu.memory_space<vmem>>) offsets(%arg11 : memref<5856xi32, #tpu.memory_space<vmem>>) semaphore(%arg16 : memref<!tpu.dma_semaphore, #tpu.memory_space<semaphore_mem>>)
      %dma_start3A_121 = arith.constant 17664 : i32
      %dma_start3A_122 = tpu.memref_slice %arg13[%dma_start3A_121] : memref<29440xf32, #tpu.memory_space<vmem>> -> memref<5856xf32, #tpu.memory_space<vmem>>
      %dma_start3A_123 = arith.constant 88320 : i32
      %dma_start3A_124 = tpu.memref_slice %arg17[%dma_start3A_123] : memref<100096xf32, #tpu.memory_space<vmem_shared>> -> memref<5888xf32, #tpu.memory_space<vmem_shared>>
      %dma_start3A_125 = arith.constant 0 : i32
      %dma_start3A_126 = tpu.memref_slice %dma_start3A_124[%dma_start3A_125] : memref<5888xf32, #tpu.memory_space<vmem_shared>> -> memref<5888xf32, #tpu.memory_space<vmem_shared>>
      tpu.enqueue_indirect_dma source(%dma_start3A_126 : memref<5888xf32, #tpu.memory_space<vmem_shared>>) target(%dma_start3A_122 : memref<5856xf32, #tpu.memory_space<vmem>>) offsets(%arg11 : memref<5856xi32, #tpu.memory_space<vmem>>) semaphore(%arg16 : memref<!tpu.dma_semaphore, #tpu.memory_space<semaphore_mem>>)
      %dma_start3A_127 = arith.constant 23552 : i32
      %dma_start3A_128 = tpu.memref_slice %arg13[%dma_start3A_127] : memref<29440xf32, #tpu.memory_space<vmem>> -> memref<5856xf32, #tpu.memory_space<vmem>>
      %dma_start3A_129 = arith.constant 94208 : i32
      %dma_start3A_130 = tpu.memref_slice %arg17[%dma_start3A_129] : memref<100096xf32, #tpu.memory_space<vmem_shared>> -> memref<5888xf32, #tpu.memory_space<vmem_shared>>
      %dma_start3A_131 = arith.constant 0 : i32
      %dma_start3A_132 = tpu.memref_slice %dma_start3A_130[%dma_start3A_131] : memref<5888xf32, #tpu.memory_space<vmem_shared>> -> memref<5888xf32, #tpu.memory_space<vmem_shared>>
      tpu.enqueue_indirect_dma source(%dma_start3A_132 : memref<5888xf32, #tpu.memory_space<vmem_shared>>) target(%dma_start3A_128 : memref<5856xf32, #tpu.memory_space<vmem>>) offsets(%arg11 : memref<5856xi32, #tpu.memory_space<vmem>>) semaphore(%arg16 : memref<!tpu.dma_semaphore, #tpu.memory_space<semaphore_mem>>)
      %dma_wait3A = arith.constant 0 : i32
      %dma_wait3A_133 = tpu.memref_slice %arg13[%dma_wait3A] : memref<29440xf32, #tpu.memory_space<vmem>> -> memref<5856xf32, #tpu.memory_space<vmem>>
      %dma_wait3A_134 = arith.constant 70656 : i32
      %dma_wait3A_135 = tpu.memref_slice %arg17[%dma_wait3A_134] : memref<100096xf32, #tpu.memory_space<vmem_shared>> -> memref<5888xf32, #tpu.memory_space<vmem_shared>>
      %dma_wait3A_136 = arith.constant 0 : i32
      %dma_wait3A_137 = tpu.memref_slice %dma_wait3A_135[%dma_wait3A_136] : memref<5888xf32, #tpu.memory_space<vmem_shared>> -> memref<5888xf32, #tpu.memory_space<vmem_shared>>
      tpu.wait_indirect_dma semaphore(%arg16 : memref<!tpu.dma_semaphore, #tpu.memory_space<semaphore_mem>>) src(%dma_wait3A_137 : memref<5888xf32, #tpu.memory_space<vmem_shared>>) dst(%dma_wait3A_133 : memref<5856xf32, #tpu.memory_space<vmem>>)
      %dma_wait3A_138 = arith.constant 5888 : i32
      %dma_wait3A_139 = tpu.memref_slice %arg13[%dma_wait3A_138] : memref<29440xf32, #tpu.memory_space<vmem>> -> memref<5856xf32, #tpu.memory_space<vmem>>
      %dma_wait3A_140 = arith.constant 76544 : i32
      %dma_wait3A_141 = tpu.memref_slice %arg17[%dma_wait3A_140] : memref<100096xf32, #tpu.memory_space<vmem_shared>> -> memref<5888xf32, #tpu.memory_space<vmem_shared>>
      %dma_wait3A_142 = arith.constant 0 : i32
      %dma_wait3A_143 = tpu.memref_slice %dma_wait3A_141[%dma_wait3A_142] : memref<5888xf32, #tpu.memory_space<vmem_shared>> -> memref<5888xf32, #tpu.memory_space<vmem_shared>>
      tpu.wait_indirect_dma semaphore(%arg16 : memref<!tpu.dma_semaphore, #tpu.memory_space<semaphore_mem>>) src(%dma_wait3A_143 : memref<5888xf32, #tpu.memory_space<vmem_shared>>) dst(%dma_wait3A_139 : memref<5856xf32, #tpu.memory_space<vmem>>)
      %dma_wait3A_144 = arith.constant 11776 : i32
      %dma_wait3A_145 = tpu.memref_slice %arg13[%dma_wait3A_144] : memref<29440xf32, #tpu.memory_space<vmem>> -> memref<5856xf32, #tpu.memory_space<vmem>>
      %dma_wait3A_146 = arith.constant 82432 : i32
      %dma_wait3A_147 = tpu.memref_slice %arg17[%dma_wait3A_146] : memref<100096xf32, #tpu.memory_space<vmem_shared>> -> memref<5888xf32, #tpu.memory_space<vmem_shared>>
      %dma_wait3A_148 = arith.constant 0 : i32
      %dma_wait3A_149 = tpu.memref_slice %dma_wait3A_147[%dma_wait3A_148] : memref<5888xf32, #tpu.memory_space<vmem_shared>> -> memref<5888xf32, #tpu.memory_space<vmem_shared>>
      tpu.wait_indirect_dma semaphore(%arg16 : memref<!tpu.dma_semaphore, #tpu.memory_space<semaphore_mem>>) src(%dma_wait3A_149 : memref<5888xf32, #tpu.memory_space<vmem_shared>>) dst(%dma_wait3A_145 : memref<5856xf32, #tpu.memory_space<vmem>>)
      %dma_wait3A_150 = arith.constant 17664 : i32
      %dma_wait3A_151 = tpu.memref_slice %arg13[%dma_wait3A_150] : memref<29440xf32, #tpu.memory_space<vmem>> -> memref<5856xf32, #tpu.memory_space<vmem>>
      %dma_wait3A_152 = arith.constant 88320 : i32
      %dma_wait3A_153 = tpu.memref_slice %arg17[%dma_wait3A_152] : memref<100096xf32, #tpu.memory_space<vmem_shared>> -> memref<5888xf32, #tpu.memory_space<vmem_shared>>
      %dma_wait3A_154 = arith.constant 0 : i32
      %dma_wait3A_155 = tpu.memref_slice %dma_wait3A_153[%dma_wait3A_154] : memref<5888xf32, #tpu.memory_space<vmem_shared>> -> memref<5888xf32, #tpu.memory_space<vmem_shared>>
      tpu.wait_indirect_dma semaphore(%arg16 : memref<!tpu.dma_semaphore, #tpu.memory_space<semaphore_mem>>) src(%dma_wait3A_155 : memref<5888xf32, #tpu.memory_space<vmem_shared>>) dst(%dma_wait3A_151 : memref<5856xf32, #tpu.memory_space<vmem>>)
      %dma_wait3A_156 = arith.constant 23552 : i32
      %dma_wait3A_157 = tpu.memref_slice %arg13[%dma_wait3A_156] : memref<29440xf32, #tpu.memory_space<vmem>> -> memref<5856xf32, #tpu.memory_space<vmem>>
      %dma_wait3A_158 = arith.constant 94208 : i32
      %dma_wait3A_159 = tpu.memref_slice %arg17[%dma_wait3A_158] : memref<100096xf32, #tpu.memory_space<vmem_shared>> -> memref<5888xf32, #tpu.memory_space<vmem_shared>>
      %dma_wait3A_160 = arith.constant 0 : i32
      %dma_wait3A_161 = tpu.memref_slice %dma_wait3A_159[%dma_wait3A_160] : memref<5888xf32, #tpu.memory_space<vmem_shared>> -> memref<5888xf32, #tpu.memory_space<vmem_shared>>
      tpu.wait_indirect_dma semaphore(%arg16 : memref<!tpu.dma_semaphore, #tpu.memory_space<semaphore_mem>>) src(%dma_wait3A_161 : memref<5888xf32, #tpu.memory_space<vmem_shared>>) dst(%dma_wait3A_157 : memref<5856xf32, #tpu.memory_space<vmem>>)
      %dma_start3A_162 = arith.constant 0 : i32
      %dma_start3A_163 = tpu.memref_slice %arg13[%dma_start3A_162] : memref<29440xf32, #tpu.memory_space<vmem>> -> memref<5856xf32, #tpu.memory_space<vmem>>
      %dma_start3A_164 = arith.constant 23552 : i32
      %dma_start3A_165 = tpu.memref_slice %arg17[%dma_start3A_164] : memref<100096xf32, #tpu.memory_space<vmem_shared>> -> memref<5888xf32, #tpu.memory_space<vmem_shared>>
      %dma_start3A_166 = arith.constant 0 : i32
      %dma_start3A_167 = tpu.memref_slice %dma_start3A_165[%dma_start3A_166] : memref<5888xf32, #tpu.memory_space<vmem_shared>> -> memref<5888xf32, #tpu.memory_space<vmem_shared>>
      tpu.enqueue_indirect_dma source(%dma_start3A_163 : memref<5856xf32, #tpu.memory_space<vmem>>) target(%dma_start3A_167 : memref<5888xf32, #tpu.memory_space<vmem_shared>>) offsets(%arg12 : memref<5856xi32, #tpu.memory_space<vmem>>) semaphore(%arg16 : memref<!tpu.dma_semaphore, #tpu.memory_space<semaphore_mem>>) {add = true}
      %dma_start3A_168 = arith.constant 5888 : i32
      %dma_start3A_169 = tpu.memref_slice %arg13[%dma_start3A_168] : memref<29440xf32, #tpu.memory_space<vmem>> -> memref<5856xf32, #tpu.memory_space<vmem>>
      %dma_start3A_170 = arith.constant 29440 : i32
      %dma_start3A_171 = tpu.memref_slice %arg17[%dma_start3A_170] : memref<100096xf32, #tpu.memory_space<vmem_shared>> -> memref<5888xf32, #tpu.memory_space<vmem_shared>>
      %dma_start3A_172 = arith.constant 0 : i32
      %dma_start3A_173 = tpu.memref_slice %dma_start3A_171[%dma_start3A_172] : memref<5888xf32, #tpu.memory_space<vmem_shared>> -> memref<5888xf32, #tpu.memory_space<vmem_shared>>
      tpu.enqueue_indirect_dma source(%dma_start3A_169 : memref<5856xf32, #tpu.memory_space<vmem>>) target(%dma_start3A_173 : memref<5888xf32, #tpu.memory_space<vmem_shared>>) offsets(%arg12 : memref<5856xi32, #tpu.memory_space<vmem>>) semaphore(%arg16 : memref<!tpu.dma_semaphore, #tpu.memory_space<semaphore_mem>>) {add = true}
      %dma_start3A_174 = arith.constant 11776 : i32
      %dma_start3A_175 = tpu.memref_slice %arg13[%dma_start3A_174] : memref<29440xf32, #tpu.memory_space<vmem>> -> memref<5856xf32, #tpu.memory_space<vmem>>
      %dma_start3A_176 = arith.constant 35328 : i32
      %dma_start3A_177 = tpu.memref_slice %arg17[%dma_start3A_176] : memref<100096xf32, #tpu.memory_space<vmem_shared>> -> memref<5888xf32, #tpu.memory_space<vmem_shared>>
      %dma_start3A_178 = arith.constant 0 : i32
      %dma_start3A_179 = tpu.memref_slice %dma_start3A_177[%dma_start3A_178] : memref<5888xf32, #tpu.memory_space<vmem_shared>> -> memref<5888xf32, #tpu.memory_space<vmem_shared>>
      tpu.enqueue_indirect_dma source(%dma_start3A_175 : memref<5856xf32, #tpu.memory_space<vmem>>) target(%dma_start3A_179 : memref<5888xf32, #tpu.memory_space<vmem_shared>>) offsets(%arg12 : memref<5856xi32, #tpu.memory_space<vmem>>) semaphore(%arg16 : memref<!tpu.dma_semaphore, #tpu.memory_space<semaphore_mem>>) {add = true}
      %dma_start3A_180 = arith.constant 17664 : i32
      %dma_start3A_181 = tpu.memref_slice %arg13[%dma_start3A_180] : memref<29440xf32, #tpu.memory_space<vmem>> -> memref<5856xf32, #tpu.memory_space<vmem>>
      %dma_start3A_182 = arith.constant 41216 : i32
      %dma_start3A_183 = tpu.memref_slice %arg17[%dma_start3A_182] : memref<100096xf32, #tpu.memory_space<vmem_shared>> -> memref<5888xf32, #tpu.memory_space<vmem_shared>>
      %dma_start3A_184 = arith.constant 0 : i32
      %dma_start3A_185 = tpu.memref_slice %dma_start3A_183[%dma_start3A_184] : memref<5888xf32, #tpu.memory_space<vmem_shared>> -> memref<5888xf32, #tpu.memory_space<vmem_shared>>
      tpu.enqueue_indirect_dma source(%dma_start3A_181 : memref<5856xf32, #tpu.memory_space<vmem>>) target(%dma_start3A_185 : memref<5888xf32, #tpu.memory_space<vmem_shared>>) offsets(%arg12 : memref<5856xi32, #tpu.memory_space<vmem>>) semaphore(%arg16 : memref<!tpu.dma_semaphore, #tpu.memory_space<semaphore_mem>>) {add = true}
      %dma_start3A_186 = arith.constant 23552 : i32
      %dma_start3A_187 = tpu.memref_slice %arg13[%dma_start3A_186] : memref<29440xf32, #tpu.memory_space<vmem>> -> memref<5856xf32, #tpu.memory_space<vmem>>
      %dma_start3A_188 = arith.constant 47104 : i32
      %dma_start3A_189 = tpu.memref_slice %arg17[%dma_start3A_188] : memref<100096xf32, #tpu.memory_space<vmem_shared>> -> memref<5888xf32, #tpu.memory_space<vmem_shared>>
      %dma_start3A_190 = arith.constant 0 : i32
      %dma_start3A_191 = tpu.memref_slice %dma_start3A_189[%dma_start3A_190] : memref<5888xf32, #tpu.memory_space<vmem_shared>> -> memref<5888xf32, #tpu.memory_space<vmem_shared>>
      tpu.enqueue_indirect_dma source(%dma_start3A_187 : memref<5856xf32, #tpu.memory_space<vmem>>) target(%dma_start3A_191 : memref<5888xf32, #tpu.memory_space<vmem_shared>>) offsets(%arg12 : memref<5856xi32, #tpu.memory_space<vmem>>) semaphore(%arg16 : memref<!tpu.dma_semaphore, #tpu.memory_space<semaphore_mem>>) {add = true}
      %dma_wait3A_192 = arith.constant 0 : i32
      %dma_wait3A_193 = tpu.memref_slice %arg13[%dma_wait3A_192] : memref<29440xf32, #tpu.memory_space<vmem>> -> memref<5856xf32, #tpu.memory_space<vmem>>
      %dma_wait3A_194 = arith.constant 23552 : i32
      %dma_wait3A_195 = tpu.memref_slice %arg17[%dma_wait3A_194] : memref<100096xf32, #tpu.memory_space<vmem_shared>> -> memref<5888xf32, #tpu.memory_space<vmem_shared>>
      %dma_wait3A_196 = arith.constant 0 : i32
      %dma_wait3A_197 = tpu.memref_slice %dma_wait3A_195[%dma_wait3A_196] : memref<5888xf32, #tpu.memory_space<vmem_shared>> -> memref<5888xf32, #tpu.memory_space<vmem_shared>>
      tpu.wait_indirect_dma semaphore(%arg16 : memref<!tpu.dma_semaphore, #tpu.memory_space<semaphore_mem>>) src(%dma_wait3A_193 : memref<5856xf32, #tpu.memory_space<vmem>>) dst(%dma_wait3A_197 : memref<5888xf32, #tpu.memory_space<vmem_shared>>)
      %dma_wait3A_198 = arith.constant 5888 : i32
      %dma_wait3A_199 = tpu.memref_slice %arg13[%dma_wait3A_198] : memref<29440xf32, #tpu.memory_space<vmem>> -> memref<5856xf32, #tpu.memory_space<vmem>>
      %dma_wait3A_200 = arith.constant 29440 : i32
      %dma_wait3A_201 = tpu.memref_slice %arg17[%dma_wait3A_200] : memref<100096xf32, #tpu.memory_space<vmem_shared>> -> memref<5888xf32, #tpu.memory_space<vmem_shared>>
      %dma_wait3A_202 = arith.constant 0 : i32
      %dma_wait3A_203 = tpu.memref_slice %dma_wait3A_201[%dma_wait3A_202] : memref<5888xf32, #tpu.memory_space<vmem_shared>> -> memref<5888xf32, #tpu.memory_space<vmem_shared>>
      tpu.wait_indirect_dma semaphore(%arg16 : memref<!tpu.dma_semaphore, #tpu.memory_space<semaphore_mem>>) src(%dma_wait3A_199 : memref<5856xf32, #tpu.memory_space<vmem>>) dst(%dma_wait3A_203 : memref<5888xf32, #tpu.memory_space<vmem_shared>>)
      %dma_wait3A_204 = arith.constant 11776 : i32
      %dma_wait3A_205 = tpu.memref_slice %arg13[%dma_wait3A_204] : memref<29440xf32, #tpu.memory_space<vmem>> -> memref<5856xf32, #tpu.memory_space<vmem>>
      %dma_wait3A_206 = arith.constant 35328 : i32
      %dma_wait3A_207 = tpu.memref_slice %arg17[%dma_wait3A_206] : memref<100096xf32, #tpu.memory_space<vmem_shared>> -> memref<5888xf32, #tpu.memory_space<vmem_shared>>
      %dma_wait3A_208 = arith.constant 0 : i32
      %dma_wait3A_209 = tpu.memref_slice %dma_wait3A_207[%dma_wait3A_208] : memref<5888xf32, #tpu.memory_space<vmem_shared>> -> memref<5888xf32, #tpu.memory_space<vmem_shared>>
      tpu.wait_indirect_dma semaphore(%arg16 : memref<!tpu.dma_semaphore, #tpu.memory_space<semaphore_mem>>) src(%dma_wait3A_205 : memref<5856xf32, #tpu.memory_space<vmem>>) dst(%dma_wait3A_209 : memref<5888xf32, #tpu.memory_space<vmem_shared>>)
      %dma_wait3A_210 = arith.constant 17664 : i32
      %dma_wait3A_211 = tpu.memref_slice %arg13[%dma_wait3A_210] : memref<29440xf32, #tpu.memory_space<vmem>> -> memref<5856xf32, #tpu.memory_space<vmem>>
      %dma_wait3A_212 = arith.constant 41216 : i32
      %dma_wait3A_213 = tpu.memref_slice %arg17[%dma_wait3A_212] : memref<100096xf32, #tpu.memory_space<vmem_shared>> -> memref<5888xf32, #tpu.memory_space<vmem_shared>>
      %dma_wait3A_214 = arith.constant 0 : i32
      %dma_wait3A_215 = tpu.memref_slice %dma_wait3A_213[%dma_wait3A_214] : memref<5888xf32, #tpu.memory_space<vmem_shared>> -> memref<5888xf32, #tpu.memory_space<vmem_shared>>
      tpu.wait_indirect_dma semaphore(%arg16 : memref<!tpu.dma_semaphore, #tpu.memory_space<semaphore_mem>>) src(%dma_wait3A_211 : memref<5856xf32, #tpu.memory_space<vmem>>) dst(%dma_wait3A_215 : memref<5888xf32, #tpu.memory_space<vmem_shared>>)
      %dma_wait3A_216 = arith.constant 23552 : i32
      %dma_wait3A_217 = tpu.memref_slice %arg13[%dma_wait3A_216] : memref<29440xf32, #tpu.memory_space<vmem>> -> memref<5856xf32, #tpu.memory_space<vmem>>
      %dma_wait3A_218 = arith.constant 47104 : i32
      %dma_wait3A_219 = tpu.memref_slice %arg17[%dma_wait3A_218] : memref<100096xf32, #tpu.memory_space<vmem_shared>> -> memref<5888xf32, #tpu.memory_space<vmem_shared>>
      %dma_wait3A_220 = arith.constant 0 : i32
      %dma_wait3A_221 = tpu.memref_slice %dma_wait3A_219[%dma_wait3A_220] : memref<5888xf32, #tpu.memory_space<vmem_shared>> -> memref<5888xf32, #tpu.memory_space<vmem_shared>>
      tpu.wait_indirect_dma semaphore(%arg16 : memref<!tpu.dma_semaphore, #tpu.memory_space<semaphore_mem>>) src(%dma_wait3A_217 : memref<5856xf32, #tpu.memory_space<vmem>>) dst(%dma_wait3A_221 : memref<5888xf32, #tpu.memory_space<vmem_shared>>)
    } else {
    }
    %eq3A_81 = arith.constant 15 : i32
    %eq3A_82 = arith.cmpi eq, %arg1, %eq3A_81 : i32
    %convert_element_type3A_83 = arith.extui %eq3A_82 : i1 to i32
    %cond3A_84 = arith.constant 0 : i32
    %cond3A_85 = arith.cmpi ne, %convert_element_type3A_83, %cond3A_84 : i32
    scf.if %cond3A_85 {
      %dma_start3A = arith.constant 0 : i32
      %dma_start3A_104 = tpu.memref_slice %arg13[%dma_start3A] : memref<29440xf32, #tpu.memory_space<vmem>> -> memref<5760xf32, #tpu.memory_space<vmem>>
      %dma_start3A_105 = arith.constant 0 : i32
      %dma_start3A_106 = tpu.memref_slice %arg11[%dma_start3A_105] : memref<5856xi32, #tpu.memory_space<vmem>> -> memref<5760xi32, #tpu.memory_space<vmem>>
      %dma_start3A_107 = arith.constant 70656 : i32
      %dma_start3A_108 = tpu.memref_slice %arg17[%dma_start3A_107] : memref<100096xf32, #tpu.memory_space<vmem_shared>> -> memref<5888xf32, #tpu.memory_space<vmem_shared>>
      %dma_start3A_109 = arith.constant 0 : i32
      %dma_start3A_110 = tpu.memref_slice %dma_start3A_108[%dma_start3A_109] : memref<5888xf32, #tpu.memory_space<vmem_shared>> -> memref<5888xf32, #tpu.memory_space<vmem_shared>>
      tpu.enqueue_indirect_dma source(%dma_start3A_110 : memref<5888xf32, #tpu.memory_space<vmem_shared>>) target(%dma_start3A_104 : memref<5760xf32, #tpu.memory_space<vmem>>) offsets(%dma_start3A_106 : memref<5760xi32, #tpu.memory_space<vmem>>) semaphore(%arg16 : memref<!tpu.dma_semaphore, #tpu.memory_space<semaphore_mem>>)
      %dma_start3A_111 = arith.constant 5888 : i32
      %dma_start3A_112 = tpu.memref_slice %arg13[%dma_start3A_111] : memref<29440xf32, #tpu.memory_space<vmem>> -> memref<5760xf32, #tpu.memory_space<vmem>>
      %dma_start3A_113 = arith.constant 0 : i32
      %dma_start3A_114 = tpu.memref_slice %arg11[%dma_start3A_113] : memref<5856xi32, #tpu.memory_space<vmem>> -> memref<5760xi32, #tpu.memory_space<vmem>>
      %dma_start3A_115 = arith.constant 76544 : i32
      %dma_start3A_116 = tpu.memref_slice %arg17[%dma_start3A_115] : memref<100096xf32, #tpu.memory_space<vmem_shared>> -> memref<5888xf32, #tpu.memory_space<vmem_shared>>
      %dma_start3A_117 = arith.constant 0 : i32
      %dma_start3A_118 = tpu.memref_slice %dma_start3A_116[%dma_start3A_117] : memref<5888xf32, #tpu.memory_space<vmem_shared>> -> memref<5888xf32, #tpu.memory_space<vmem_shared>>
      tpu.enqueue_indirect_dma source(%dma_start3A_118 : memref<5888xf32, #tpu.memory_space<vmem_shared>>) target(%dma_start3A_112 : memref<5760xf32, #tpu.memory_space<vmem>>) offsets(%dma_start3A_114 : memref<5760xi32, #tpu.memory_space<vmem>>) semaphore(%arg16 : memref<!tpu.dma_semaphore, #tpu.memory_space<semaphore_mem>>)
      %dma_start3A_119 = arith.constant 11776 : i32
      %dma_start3A_120 = tpu.memref_slice %arg13[%dma_start3A_119] : memref<29440xf32, #tpu.memory_space<vmem>> -> memref<5760xf32, #tpu.memory_space<vmem>>
      %dma_start3A_121 = arith.constant 0 : i32
      %dma_start3A_122 = tpu.memref_slice %arg11[%dma_start3A_121] : memref<5856xi32, #tpu.memory_space<vmem>> -> memref<5760xi32, #tpu.memory_space<vmem>>
      %dma_start3A_123 = arith.constant 82432 : i32
      %dma_start3A_124 = tpu.memref_slice %arg17[%dma_start3A_123] : memref<100096xf32, #tpu.memory_space<vmem_shared>> -> memref<5888xf32, #tpu.memory_space<vmem_shared>>
      %dma_start3A_125 = arith.constant 0 : i32
      %dma_start3A_126 = tpu.memref_slice %dma_start3A_124[%dma_start3A_125] : memref<5888xf32, #tpu.memory_space<vmem_shared>> -> memref<5888xf32, #tpu.memory_space<vmem_shared>>
      tpu.enqueue_indirect_dma source(%dma_start3A_126 : memref<5888xf32, #tpu.memory_space<vmem_shared>>) target(%dma_start3A_120 : memref<5760xf32, #tpu.memory_space<vmem>>) offsets(%dma_start3A_122 : memref<5760xi32, #tpu.memory_space<vmem>>) semaphore(%arg16 : memref<!tpu.dma_semaphore, #tpu.memory_space<semaphore_mem>>)
      %dma_start3A_127 = arith.constant 17664 : i32
      %dma_start3A_128 = tpu.memref_slice %arg13[%dma_start3A_127] : memref<29440xf32, #tpu.memory_space<vmem>> -> memref<5760xf32, #tpu.memory_space<vmem>>
      %dma_start3A_129 = arith.constant 0 : i32
      %dma_start3A_130 = tpu.memref_slice %arg11[%dma_start3A_129] : memref<5856xi32, #tpu.memory_space<vmem>> -> memref<5760xi32, #tpu.memory_space<vmem>>
      %dma_start3A_131 = arith.constant 88320 : i32
      %dma_start3A_132 = tpu.memref_slice %arg17[%dma_start3A_131] : memref<100096xf32, #tpu.memory_space<vmem_shared>> -> memref<5888xf32, #tpu.memory_space<vmem_shared>>
      %dma_start3A_133 = arith.constant 0 : i32
      %dma_start3A_134 = tpu.memref_slice %dma_start3A_132[%dma_start3A_133] : memref<5888xf32, #tpu.memory_space<vmem_shared>> -> memref<5888xf32, #tpu.memory_space<vmem_shared>>
      tpu.enqueue_indirect_dma source(%dma_start3A_134 : memref<5888xf32, #tpu.memory_space<vmem_shared>>) target(%dma_start3A_128 : memref<5760xf32, #tpu.memory_space<vmem>>) offsets(%dma_start3A_130 : memref<5760xi32, #tpu.memory_space<vmem>>) semaphore(%arg16 : memref<!tpu.dma_semaphore, #tpu.memory_space<semaphore_mem>>)
      %dma_start3A_135 = arith.constant 23552 : i32
      %dma_start3A_136 = tpu.memref_slice %arg13[%dma_start3A_135] : memref<29440xf32, #tpu.memory_space<vmem>> -> memref<5760xf32, #tpu.memory_space<vmem>>
      %dma_start3A_137 = arith.constant 0 : i32
      %dma_start3A_138 = tpu.memref_slice %arg11[%dma_start3A_137] : memref<5856xi32, #tpu.memory_space<vmem>> -> memref<5760xi32, #tpu.memory_space<vmem>>
      %dma_start3A_139 = arith.constant 94208 : i32
      %dma_start3A_140 = tpu.memref_slice %arg17[%dma_start3A_139] : memref<100096xf32, #tpu.memory_space<vmem_shared>> -> memref<5888xf32, #tpu.memory_space<vmem_shared>>
      %dma_start3A_141 = arith.constant 0 : i32
      %dma_start3A_142 = tpu.memref_slice %dma_start3A_140[%dma_start3A_141] : memref<5888xf32, #tpu.memory_space<vmem_shared>> -> memref<5888xf32, #tpu.memory_space<vmem_shared>>
      tpu.enqueue_indirect_dma source(%dma_start3A_142 : memref<5888xf32, #tpu.memory_space<vmem_shared>>) target(%dma_start3A_136 : memref<5760xf32, #tpu.memory_space<vmem>>) offsets(%dma_start3A_138 : memref<5760xi32, #tpu.memory_space<vmem>>) semaphore(%arg16 : memref<!tpu.dma_semaphore, #tpu.memory_space<semaphore_mem>>)
      %dma_wait3A = arith.constant 0 : i32
      %dma_wait3A_143 = tpu.memref_slice %arg13[%dma_wait3A] : memref<29440xf32, #tpu.memory_space<vmem>> -> memref<5760xf32, #tpu.memory_space<vmem>>
      %dma_wait3A_144 = arith.constant 0 : i32
      %dma_wait3A_145 = tpu.memref_slice %arg11[%dma_wait3A_144] : memref<5856xi32, #tpu.memory_space<vmem>> -> memref<5760xi32, #tpu.memory_space<vmem>>
      %dma_wait3A_146 = arith.constant 70656 : i32
      %dma_wait3A_147 = tpu.memref_slice %arg17[%dma_wait3A_146] : memref<100096xf32, #tpu.memory_space<vmem_shared>> -> memref<5888xf32, #tpu.memory_space<vmem_shared>>
      %dma_wait3A_148 = arith.constant 0 : i32
      %dma_wait3A_149 = tpu.memref_slice %dma_wait3A_147[%dma_wait3A_148] : memref<5888xf32, #tpu.memory_space<vmem_shared>> -> memref<5888xf32, #tpu.memory_space<vmem_shared>>
      tpu.wait_indirect_dma semaphore(%arg16 : memref<!tpu.dma_semaphore, #tpu.memory_space<semaphore_mem>>) src(%dma_wait3A_149 : memref<5888xf32, #tpu.memory_space<vmem_shared>>) dst(%dma_wait3A_143 : memref<5760xf32, #tpu.memory_space<vmem>>)
      %dma_wait3A_150 = arith.constant 5888 : i32
      %dma_wait3A_151 = tpu.memref_slice %arg13[%dma_wait3A_150] : memref<29440xf32, #tpu.memory_space<vmem>> -> memref<5760xf32, #tpu.memory_space<vmem>>
      %dma_wait3A_152 = arith.constant 0 : i32
      %dma_wait3A_153 = tpu.memref_slice %arg11[%dma_wait3A_152] : memref<5856xi32, #tpu.memory_space<vmem>> -> memref<5760xi32, #tpu.memory_space<vmem>>
      %dma_wait3A_154 = arith.constant 76544 : i32
      %dma_wait3A_155 = tpu.memref_slice %arg17[%dma_wait3A_154] : memref<100096xf32, #tpu.memory_space<vmem_shared>> -> memref<5888xf32, #tpu.memory_space<vmem_shared>>
      %dma_wait3A_156 = arith.constant 0 : i32
      %dma_wait3A_157 = tpu.memref_slice %dma_wait3A_155[%dma_wait3A_156] : memref<5888xf32, #tpu.memory_space<vmem_shared>> -> memref<5888xf32, #tpu.memory_space<vmem_shared>>
      tpu.wait_indirect_dma semaphore(%arg16 : memref<!tpu.dma_semaphore, #tpu.memory_space<semaphore_mem>>) src(%dma_wait3A_157 : memref<5888xf32, #tpu.memory_space<vmem_shared>>) dst(%dma_wait3A_151 : memref<5760xf32, #tpu.memory_space<vmem>>)
      %dma_wait3A_158 = arith.constant 11776 : i32
      %dma_wait3A_159 = tpu.memref_slice %arg13[%dma_wait3A_158] : memref<29440xf32, #tpu.memory_space<vmem>> -> memref<5760xf32, #tpu.memory_space<vmem>>
      %dma_wait3A_160 = arith.constant 0 : i32
      %dma_wait3A_161 = tpu.memref_slice %arg11[%dma_wait3A_160] : memref<5856xi32, #tpu.memory_space<vmem>> -> memref<5760xi32, #tpu.memory_space<vmem>>
      %dma_wait3A_162 = arith.constant 82432 : i32
      %dma_wait3A_163 = tpu.memref_slice %arg17[%dma_wait3A_162] : memref<100096xf32, #tpu.memory_space<vmem_shared>> -> memref<5888xf32, #tpu.memory_space<vmem_shared>>
      %dma_wait3A_164 = arith.constant 0 : i32
      %dma_wait3A_165 = tpu.memref_slice %dma_wait3A_163[%dma_wait3A_164] : memref<5888xf32, #tpu.memory_space<vmem_shared>> -> memref<5888xf32, #tpu.memory_space<vmem_shared>>
      tpu.wait_indirect_dma semaphore(%arg16 : memref<!tpu.dma_semaphore, #tpu.memory_space<semaphore_mem>>) src(%dma_wait3A_165 : memref<5888xf32, #tpu.memory_space<vmem_shared>>) dst(%dma_wait3A_159 : memref<5760xf32, #tpu.memory_space<vmem>>)
      %dma_wait3A_166 = arith.constant 17664 : i32
      %dma_wait3A_167 = tpu.memref_slice %arg13[%dma_wait3A_166] : memref<29440xf32, #tpu.memory_space<vmem>> -> memref<5760xf32, #tpu.memory_space<vmem>>
      %dma_wait3A_168 = arith.constant 0 : i32
      %dma_wait3A_169 = tpu.memref_slice %arg11[%dma_wait3A_168] : memref<5856xi32, #tpu.memory_space<vmem>> -> memref<5760xi32, #tpu.memory_space<vmem>>
      %dma_wait3A_170 = arith.constant 88320 : i32
      %dma_wait3A_171 = tpu.memref_slice %arg17[%dma_wait3A_170] : memref<100096xf32, #tpu.memory_space<vmem_shared>> -> memref<5888xf32, #tpu.memory_space<vmem_shared>>
      %dma_wait3A_172 = arith.constant 0 : i32
      %dma_wait3A_173 = tpu.memref_slice %dma_wait3A_171[%dma_wait3A_172] : memref<5888xf32, #tpu.memory_space<vmem_shared>> -> memref<5888xf32, #tpu.memory_space<vmem_shared>>
      tpu.wait_indirect_dma semaphore(%arg16 : memref<!tpu.dma_semaphore, #tpu.memory_space<semaphore_mem>>) src(%dma_wait3A_173 : memref<5888xf32, #tpu.memory_space<vmem_shared>>) dst(%dma_wait3A_167 : memref<5760xf32, #tpu.memory_space<vmem>>)
      %dma_wait3A_174 = arith.constant 23552 : i32
      %dma_wait3A_175 = tpu.memref_slice %arg13[%dma_wait3A_174] : memref<29440xf32, #tpu.memory_space<vmem>> -> memref<5760xf32, #tpu.memory_space<vmem>>
      %dma_wait3A_176 = arith.constant 0 : i32
      %dma_wait3A_177 = tpu.memref_slice %arg11[%dma_wait3A_176] : memref<5856xi32, #tpu.memory_space<vmem>> -> memref<5760xi32, #tpu.memory_space<vmem>>
      %dma_wait3A_178 = arith.constant 94208 : i32
      %dma_wait3A_179 = tpu.memref_slice %arg17[%dma_wait3A_178] : memref<100096xf32, #tpu.memory_space<vmem_shared>> -> memref<5888xf32, #tpu.memory_space<vmem_shared>>
      %dma_wait3A_180 = arith.constant 0 : i32
      %dma_wait3A_181 = tpu.memref_slice %dma_wait3A_179[%dma_wait3A_180] : memref<5888xf32, #tpu.memory_space<vmem_shared>> -> memref<5888xf32, #tpu.memory_space<vmem_shared>>
      tpu.wait_indirect_dma semaphore(%arg16 : memref<!tpu.dma_semaphore, #tpu.memory_space<semaphore_mem>>) src(%dma_wait3A_181 : memref<5888xf32, #tpu.memory_space<vmem_shared>>) dst(%dma_wait3A_175 : memref<5760xf32, #tpu.memory_space<vmem>>)
      %dma_start3A_182 = arith.constant 0 : i32
      %dma_start3A_183 = tpu.memref_slice %arg13[%dma_start3A_182] : memref<29440xf32, #tpu.memory_space<vmem>> -> memref<5760xf32, #tpu.memory_space<vmem>>
      %dma_start3A_184 = arith.constant 0 : i32
      %dma_start3A_185 = tpu.memref_slice %arg12[%dma_start3A_184] : memref<5856xi32, #tpu.memory_space<vmem>> -> memref<5760xi32, #tpu.memory_space<vmem>>
      %dma_start3A_186 = arith.constant 23552 : i32
      %dma_start3A_187 = tpu.memref_slice %arg17[%dma_start3A_186] : memref<100096xf32, #tpu.memory_space<vmem_shared>> -> memref<5888xf32, #tpu.memory_space<vmem_shared>>
      %dma_start3A_188 = arith.constant 0 : i32
      %dma_start3A_189 = tpu.memref_slice %dma_start3A_187[%dma_start3A_188] : memref<5888xf32, #tpu.memory_space<vmem_shared>> -> memref<5888xf32, #tpu.memory_space<vmem_shared>>
      tpu.enqueue_indirect_dma source(%dma_start3A_183 : memref<5760xf32, #tpu.memory_space<vmem>>) target(%dma_start3A_189 : memref<5888xf32, #tpu.memory_space<vmem_shared>>) offsets(%dma_start3A_185 : memref<5760xi32, #tpu.memory_space<vmem>>) semaphore(%arg16 : memref<!tpu.dma_semaphore, #tpu.memory_space<semaphore_mem>>) {add = true}
      %dma_start3A_190 = arith.constant 5888 : i32
      %dma_start3A_191 = tpu.memref_slice %arg13[%dma_start3A_190] : memref<29440xf32, #tpu.memory_space<vmem>> -> memref<5760xf32, #tpu.memory_space<vmem>>
      %dma_start3A_192 = arith.constant 0 : i32
      %dma_start3A_193 = tpu.memref_slice %arg12[%dma_start3A_192] : memref<5856xi32, #tpu.memory_space<vmem>> -> memref<5760xi32, #tpu.memory_space<vmem>>
      %dma_start3A_194 = arith.constant 29440 : i32
      %dma_start3A_195 = tpu.memref_slice %arg17[%dma_start3A_194] : memref<100096xf32, #tpu.memory_space<vmem_shared>> -> memref<5888xf32, #tpu.memory_space<vmem_shared>>
      %dma_start3A_196 = arith.constant 0 : i32
      %dma_start3A_197 = tpu.memref_slice %dma_start3A_195[%dma_start3A_196] : memref<5888xf32, #tpu.memory_space<vmem_shared>> -> memref<5888xf32, #tpu.memory_space<vmem_shared>>
      tpu.enqueue_indirect_dma source(%dma_start3A_191 : memref<5760xf32, #tpu.memory_space<vmem>>) target(%dma_start3A_197 : memref<5888xf32, #tpu.memory_space<vmem_shared>>) offsets(%dma_start3A_193 : memref<5760xi32, #tpu.memory_space<vmem>>) semaphore(%arg16 : memref<!tpu.dma_semaphore, #tpu.memory_space<semaphore_mem>>) {add = true}
      %dma_start3A_198 = arith.constant 11776 : i32
      %dma_start3A_199 = tpu.memref_slice %arg13[%dma_start3A_198] : memref<29440xf32, #tpu.memory_space<vmem>> -> memref<5760xf32, #tpu.memory_space<vmem>>
      %dma_start3A_200 = arith.constant 0 : i32
      %dma_start3A_201 = tpu.memref_slice %arg12[%dma_start3A_200] : memref<5856xi32, #tpu.memory_space<vmem>> -> memref<5760xi32, #tpu.memory_space<vmem>>
      %dma_start3A_202 = arith.constant 35328 : i32
      %dma_start3A_203 = tpu.memref_slice %arg17[%dma_start3A_202] : memref<100096xf32, #tpu.memory_space<vmem_shared>> -> memref<5888xf32, #tpu.memory_space<vmem_shared>>
      %dma_start3A_204 = arith.constant 0 : i32
      %dma_start3A_205 = tpu.memref_slice %dma_start3A_203[%dma_start3A_204] : memref<5888xf32, #tpu.memory_space<vmem_shared>> -> memref<5888xf32, #tpu.memory_space<vmem_shared>>
      tpu.enqueue_indirect_dma source(%dma_start3A_199 : memref<5760xf32, #tpu.memory_space<vmem>>) target(%dma_start3A_205 : memref<5888xf32, #tpu.memory_space<vmem_shared>>) offsets(%dma_start3A_201 : memref<5760xi32, #tpu.memory_space<vmem>>) semaphore(%arg16 : memref<!tpu.dma_semaphore, #tpu.memory_space<semaphore_mem>>) {add = true}
      %dma_start3A_206 = arith.constant 17664 : i32
      %dma_start3A_207 = tpu.memref_slice %arg13[%dma_start3A_206] : memref<29440xf32, #tpu.memory_space<vmem>> -> memref<5760xf32, #tpu.memory_space<vmem>>
      %dma_start3A_208 = arith.constant 0 : i32
      %dma_start3A_209 = tpu.memref_slice %arg12[%dma_start3A_208] : memref<5856xi32, #tpu.memory_space<vmem>> -> memref<5760xi32, #tpu.memory_space<vmem>>
      %dma_start3A_210 = arith.constant 41216 : i32
      %dma_start3A_211 = tpu.memref_slice %arg17[%dma_start3A_210] : memref<100096xf32, #tpu.memory_space<vmem_shared>> -> memref<5888xf32, #tpu.memory_space<vmem_shared>>
      %dma_start3A_212 = arith.constant 0 : i32
      %dma_start3A_213 = tpu.memref_slice %dma_start3A_211[%dma_start3A_212] : memref<5888xf32, #tpu.memory_space<vmem_shared>> -> memref<5888xf32, #tpu.memory_space<vmem_shared>>
      tpu.enqueue_indirect_dma source(%dma_start3A_207 : memref<5760xf32, #tpu.memory_space<vmem>>) target(%dma_start3A_213 : memref<5888xf32, #tpu.memory_space<vmem_shared>>) offsets(%dma_start3A_209 : memref<5760xi32, #tpu.memory_space<vmem>>) semaphore(%arg16 : memref<!tpu.dma_semaphore, #tpu.memory_space<semaphore_mem>>) {add = true}
      %dma_start3A_214 = arith.constant 23552 : i32
      %dma_start3A_215 = tpu.memref_slice %arg13[%dma_start3A_214] : memref<29440xf32, #tpu.memory_space<vmem>> -> memref<5760xf32, #tpu.memory_space<vmem>>
      %dma_start3A_216 = arith.constant 0 : i32
      %dma_start3A_217 = tpu.memref_slice %arg12[%dma_start3A_216] : memref<5856xi32, #tpu.memory_space<vmem>> -> memref<5760xi32, #tpu.memory_space<vmem>>
      %dma_start3A_218 = arith.constant 47104 : i32
      %dma_start3A_219 = tpu.memref_slice %arg17[%dma_start3A_218] : memref<100096xf32, #tpu.memory_space<vmem_shared>> -> memref<5888xf32, #tpu.memory_space<vmem_shared>>
      %dma_start3A_220 = arith.constant 0 : i32
      %dma_start3A_221 = tpu.memref_slice %dma_start3A_219[%dma_start3A_220] : memref<5888xf32, #tpu.memory_space<vmem_shared>> -> memref<5888xf32, #tpu.memory_space<vmem_shared>>
      tpu.enqueue_indirect_dma source(%dma_start3A_215 : memref<5760xf32, #tpu.memory_space<vmem>>) target(%dma_start3A_221 : memref<5888xf32, #tpu.memory_space<vmem_shared>>) offsets(%dma_start3A_217 : memref<5760xi32, #tpu.memory_space<vmem>>) semaphore(%arg16 : memref<!tpu.dma_semaphore, #tpu.memory_space<semaphore_mem>>) {add = true}
      %dma_wait3A_222 = arith.constant 0 : i32
      %dma_wait3A_223 = tpu.memref_slice %arg13[%dma_wait3A_222] : memref<29440xf32, #tpu.memory_space<vmem>> -> memref<5760xf32, #tpu.memory_space<vmem>>
      %dma_wait3A_224 = arith.constant 0 : i32
      %dma_wait3A_225 = tpu.memref_slice %arg12[%dma_wait3A_224] : memref<5856xi32, #tpu.memory_space<vmem>> -> memref<5760xi32, #tpu.memory_space<vmem>>
      %dma_wait3A_226 = arith.constant 23552 : i32
      %dma_wait3A_227 = tpu.memref_slice %arg17[%dma_wait3A_226] : memref<100096xf32, #tpu.memory_space<vmem_shared>> -> memref<5888xf32, #tpu.memory_space<vmem_shared>>
      %dma_wait3A_228 = arith.constant 0 : i32
      %dma_wait3A_229 = tpu.memref_slice %dma_wait3A_227[%dma_wait3A_228] : memref<5888xf32, #tpu.memory_space<vmem_shared>> -> memref<5888xf32, #tpu.memory_space<vmem_shared>>
      tpu.wait_indirect_dma semaphore(%arg16 : memref<!tpu.dma_semaphore, #tpu.memory_space<semaphore_mem>>) src(%dma_wait3A_223 : memref<5760xf32, #tpu.memory_space<vmem>>) dst(%dma_wait3A_229 : memref<5888xf32, #tpu.memory_space<vmem_shared>>)
      %dma_wait3A_230 = arith.constant 5888 : i32
      %dma_wait3A_231 = tpu.memref_slice %arg13[%dma_wait3A_230] : memref<29440xf32, #tpu.memory_space<vmem>> -> memref<5760xf32, #tpu.memory_space<vmem>>
      %dma_wait3A_232 = arith.constant 0 : i32
      %dma_wait3A_233 = tpu.memref_slice %arg12[%dma_wait3A_232] : memref<5856xi32, #tpu.memory_space<vmem>> -> memref<5760xi32, #tpu.memory_space<vmem>>
      %dma_wait3A_234 = arith.constant 29440 : i32
      %dma_wait3A_235 = tpu.memref_slice %arg17[%dma_wait3A_234] : memref<100096xf32, #tpu.memory_space<vmem_shared>> -> memref<5888xf32, #tpu.memory_space<vmem_shared>>
      %dma_wait3A_236 = arith.constant 0 : i32
      %dma_wait3A_237 = tpu.memref_slice %dma_wait3A_235[%dma_wait3A_236] : memref<5888xf32, #tpu.memory_space<vmem_shared>> -> memref<5888xf32, #tpu.memory_space<vmem_shared>>
      tpu.wait_indirect_dma semaphore(%arg16 : memref<!tpu.dma_semaphore, #tpu.memory_space<semaphore_mem>>) src(%dma_wait3A_231 : memref<5760xf32, #tpu.memory_space<vmem>>) dst(%dma_wait3A_237 : memref<5888xf32, #tpu.memory_space<vmem_shared>>)
      %dma_wait3A_238 = arith.constant 11776 : i32
      %dma_wait3A_239 = tpu.memref_slice %arg13[%dma_wait3A_238] : memref<29440xf32, #tpu.memory_space<vmem>> -> memref<5760xf32, #tpu.memory_space<vmem>>
      %dma_wait3A_240 = arith.constant 0 : i32
      %dma_wait3A_241 = tpu.memref_slice %arg12[%dma_wait3A_240] : memref<5856xi32, #tpu.memory_space<vmem>> -> memref<5760xi32, #tpu.memory_space<vmem>>
      %dma_wait3A_242 = arith.constant 35328 : i32
      %dma_wait3A_243 = tpu.memref_slice %arg17[%dma_wait3A_242] : memref<100096xf32, #tpu.memory_space<vmem_shared>> -> memref<5888xf32, #tpu.memory_space<vmem_shared>>
      %dma_wait3A_244 = arith.constant 0 : i32
      %dma_wait3A_245 = tpu.memref_slice %dma_wait3A_243[%dma_wait3A_244] : memref<5888xf32, #tpu.memory_space<vmem_shared>> -> memref<5888xf32, #tpu.memory_space<vmem_shared>>
      tpu.wait_indirect_dma semaphore(%arg16 : memref<!tpu.dma_semaphore, #tpu.memory_space<semaphore_mem>>) src(%dma_wait3A_239 : memref<5760xf32, #tpu.memory_space<vmem>>) dst(%dma_wait3A_245 : memref<5888xf32, #tpu.memory_space<vmem_shared>>)
      %dma_wait3A_246 = arith.constant 17664 : i32
      %dma_wait3A_247 = tpu.memref_slice %arg13[%dma_wait3A_246] : memref<29440xf32, #tpu.memory_space<vmem>> -> memref<5760xf32, #tpu.memory_space<vmem>>
      %dma_wait3A_248 = arith.constant 0 : i32
      %dma_wait3A_249 = tpu.memref_slice %arg12[%dma_wait3A_248] : memref<5856xi32, #tpu.memory_space<vmem>> -> memref<5760xi32, #tpu.memory_space<vmem>>
      %dma_wait3A_250 = arith.constant 41216 : i32
      %dma_wait3A_251 = tpu.memref_slice %arg17[%dma_wait3A_250] : memref<100096xf32, #tpu.memory_space<vmem_shared>> -> memref<5888xf32, #tpu.memory_space<vmem_shared>>
      %dma_wait3A_252 = arith.constant 0 : i32
      %dma_wait3A_253 = tpu.memref_slice %dma_wait3A_251[%dma_wait3A_252] : memref<5888xf32, #tpu.memory_space<vmem_shared>> -> memref<5888xf32, #tpu.memory_space<vmem_shared>>
      tpu.wait_indirect_dma semaphore(%arg16 : memref<!tpu.dma_semaphore, #tpu.memory_space<semaphore_mem>>) src(%dma_wait3A_247 : memref<5760xf32, #tpu.memory_space<vmem>>) dst(%dma_wait3A_253 : memref<5888xf32, #tpu.memory_space<vmem_shared>>)
      %dma_wait3A_254 = arith.constant 23552 : i32
      %dma_wait3A_255 = tpu.memref_slice %arg13[%dma_wait3A_254] : memref<29440xf32, #tpu.memory_space<vmem>> -> memref<5760xf32, #tpu.memory_space<vmem>>
      %dma_wait3A_256 = arith.constant 0 : i32
      %dma_wait3A_257 = tpu.memref_slice %arg12[%dma_wait3A_256] : memref<5856xi32, #tpu.memory_space<vmem>> -> memref<5760xi32, #tpu.memory_space<vmem>>
      %dma_wait3A_258 = arith.constant 47104 : i32
      %dma_wait3A_259 = tpu.memref_slice %arg17[%dma_wait3A_258] : memref<100096xf32, #tpu.memory_space<vmem_shared>> -> memref<5888xf32, #tpu.memory_space<vmem_shared>>
      %dma_wait3A_260 = arith.constant 0 : i32
      %dma_wait3A_261 = tpu.memref_slice %dma_wait3A_259[%dma_wait3A_260] : memref<5888xf32, #tpu.memory_space<vmem_shared>> -> memref<5888xf32, #tpu.memory_space<vmem_shared>>
      tpu.wait_indirect_dma semaphore(%arg16 : memref<!tpu.dma_semaphore, #tpu.memory_space<semaphore_mem>>) src(%dma_wait3A_255 : memref<5760xf32, #tpu.memory_space<vmem>>) dst(%dma_wait3A_261 : memref<5888xf32, #tpu.memory_space<vmem_shared>>)
    } else {
    }
    %barrier3A_86 = arith.constant 0 : index
    tpu.barrier barrier_id(%barrier3A_86)
    %add3A_87 = arith.constant 23552 : i32
    %add3A_88 = arith.addi %add3A_87, %mul3A_1 : i32
    "tpu.region"() ({
      %run_scoped3A = tpu.sem_alloc : memref<!tpu.dma_semaphore, #tpu.memory_space<semaphore_mem>>
      %dma_start3A = arith.constant 0 : i32
      %dma_start3A_104 = tpu.memref_slice %arg10[%dma_start3A] : memref<1840xf32, #tpu.memory_space<vmem>> -> memref<368xf32, #tpu.memory_space<vmem>>
      %dma_start3A_105 = tpu.memref_slice %arg17[%add3A_88] : memref<100096xf32, #tpu.memory_space<vmem_shared>> -> memref<368xf32, #tpu.memory_space<vmem_shared>>
      %dma_start3A_106 = arith.constant 0 : i32
      %dma_start3A_107 = tpu.memref_slice %arg10[%dma_start3A_106] : memref<1840xf32, #tpu.memory_space<vmem>> -> memref<368xf32, #tpu.memory_space<vmem>>
      %dma_start3A_108 = tpu.memref_slice %arg17[%add3A_88] : memref<100096xf32, #tpu.memory_space<vmem_shared>> -> memref<368xf32, #tpu.memory_space<vmem_shared>>
      tpu.enqueue_dma source(%dma_start3A_108 : memref<368xf32, #tpu.memory_space<vmem_shared>>) target(%dma_start3A_107 : memref<368xf32, #tpu.memory_space<vmem>>) target_semaphore(%run_scoped3A : memref<!tpu.dma_semaphore, #tpu.memory_space<semaphore_mem>>)
      %dma_wait3A = arith.constant 0 : i32
      %dma_wait3A_109 = tpu.memref_slice %arg10[%dma_wait3A] : memref<1840xf32, #tpu.memory_space<vmem>> -> memref<368xf32, #tpu.memory_space<vmem>>
      %dma_wait3A_110 = tpu.memref_slice %arg17[%add3A_88] : memref<100096xf32, #tpu.memory_space<vmem_shared>> -> memref<368xf32, #tpu.memory_space<vmem_shared>>
      %dma_wait3A_111 = arith.constant 0 : i32
      %dma_wait3A_112 = tpu.memref_slice %arg10[%dma_wait3A_111] : memref<1840xf32, #tpu.memory_space<vmem>> -> memref<368xf32, #tpu.memory_space<vmem>>
      %dma_wait3A_113 = tpu.memref_slice %arg17[%add3A_88] : memref<100096xf32, #tpu.memory_space<vmem_shared>> -> memref<368xf32, #tpu.memory_space<vmem_shared>>
      tpu.wait_dma2 semaphore(%run_scoped3A : memref<!tpu.dma_semaphore, #tpu.memory_space<semaphore_mem>>) src(%dma_wait3A_113 : memref<368xf32, #tpu.memory_space<vmem_shared>>) dst(%dma_wait3A_112 : memref<368xf32, #tpu.memory_space<vmem>>)
      tpu.yield
    }) : () -> ()
    %add3A_89 = arith.constant 29440 : i32
    %add3A_90 = arith.addi %add3A_89, %mul3A_1 : i32
    "tpu.region"() ({
      %run_scoped3A = tpu.sem_alloc : memref<!tpu.dma_semaphore, #tpu.memory_space<semaphore_mem>>
      %dma_start3A = arith.constant 368 : i32
      %dma_start3A_104 = tpu.memref_slice %arg10[%dma_start3A] : memref<1840xf32, #tpu.memory_space<vmem>> -> memref<368xf32, #tpu.memory_space<vmem>>
      %dma_start3A_105 = tpu.memref_slice %arg17[%add3A_90] : memref<100096xf32, #tpu.memory_space<vmem_shared>> -> memref<368xf32, #tpu.memory_space<vmem_shared>>
      %dma_start3A_106 = arith.constant 368 : i32
      %dma_start3A_107 = tpu.memref_slice %arg10[%dma_start3A_106] : memref<1840xf32, #tpu.memory_space<vmem>> -> memref<368xf32, #tpu.memory_space<vmem>>
      %dma_start3A_108 = tpu.memref_slice %arg17[%add3A_90] : memref<100096xf32, #tpu.memory_space<vmem_shared>> -> memref<368xf32, #tpu.memory_space<vmem_shared>>
      tpu.enqueue_dma source(%dma_start3A_108 : memref<368xf32, #tpu.memory_space<vmem_shared>>) target(%dma_start3A_107 : memref<368xf32, #tpu.memory_space<vmem>>) target_semaphore(%run_scoped3A : memref<!tpu.dma_semaphore, #tpu.memory_space<semaphore_mem>>)
      %dma_wait3A = arith.constant 368 : i32
      %dma_wait3A_109 = tpu.memref_slice %arg10[%dma_wait3A] : memref<1840xf32, #tpu.memory_space<vmem>> -> memref<368xf32, #tpu.memory_space<vmem>>
      %dma_wait3A_110 = tpu.memref_slice %arg17[%add3A_90] : memref<100096xf32, #tpu.memory_space<vmem_shared>> -> memref<368xf32, #tpu.memory_space<vmem_shared>>
      %dma_wait3A_111 = arith.constant 368 : i32
      %dma_wait3A_112 = tpu.memref_slice %arg10[%dma_wait3A_111] : memref<1840xf32, #tpu.memory_space<vmem>> -> memref<368xf32, #tpu.memory_space<vmem>>
      %dma_wait3A_113 = tpu.memref_slice %arg17[%add3A_90] : memref<100096xf32, #tpu.memory_space<vmem_shared>> -> memref<368xf32, #tpu.memory_space<vmem_shared>>
      tpu.wait_dma2 semaphore(%run_scoped3A : memref<!tpu.dma_semaphore, #tpu.memory_space<semaphore_mem>>) src(%dma_wait3A_113 : memref<368xf32, #tpu.memory_space<vmem_shared>>) dst(%dma_wait3A_112 : memref<368xf32, #tpu.memory_space<vmem>>)
      tpu.yield
    }) : () -> ()
    %add3A_91 = arith.constant 35328 : i32
    %add3A_92 = arith.addi %add3A_91, %mul3A_1 : i32
    "tpu.region"() ({
      %run_scoped3A = tpu.sem_alloc : memref<!tpu.dma_semaphore, #tpu.memory_space<semaphore_mem>>
      %dma_start3A = arith.constant 736 : i32
      %dma_start3A_104 = tpu.memref_slice %arg10[%dma_start3A] : memref<1840xf32, #tpu.memory_space<vmem>> -> memref<368xf32, #tpu.memory_space<vmem>>
      %dma_start3A_105 = tpu.memref_slice %arg17[%add3A_92] : memref<100096xf32, #tpu.memory_space<vmem_shared>> -> memref<368xf32, #tpu.memory_space<vmem_shared>>
      %dma_start3A_106 = arith.constant 736 : i32
      %dma_start3A_107 = tpu.memref_slice %arg10[%dma_start3A_106] : memref<1840xf32, #tpu.memory_space<vmem>> -> memref<368xf32, #tpu.memory_space<vmem>>
      %dma_start3A_108 = tpu.memref_slice %arg17[%add3A_92] : memref<100096xf32, #tpu.memory_space<vmem_shared>> -> memref<368xf32, #tpu.memory_space<vmem_shared>>
      tpu.enqueue_dma source(%dma_start3A_108 : memref<368xf32, #tpu.memory_space<vmem_shared>>) target(%dma_start3A_107 : memref<368xf32, #tpu.memory_space<vmem>>) target_semaphore(%run_scoped3A : memref<!tpu.dma_semaphore, #tpu.memory_space<semaphore_mem>>)
      %dma_wait3A = arith.constant 736 : i32
      %dma_wait3A_109 = tpu.memref_slice %arg10[%dma_wait3A] : memref<1840xf32, #tpu.memory_space<vmem>> -> memref<368xf32, #tpu.memory_space<vmem>>
      %dma_wait3A_110 = tpu.memref_slice %arg17[%add3A_92] : memref<100096xf32, #tpu.memory_space<vmem_shared>> -> memref<368xf32, #tpu.memory_space<vmem_shared>>
      %dma_wait3A_111 = arith.constant 736 : i32
      %dma_wait3A_112 = tpu.memref_slice %arg10[%dma_wait3A_111] : memref<1840xf32, #tpu.memory_space<vmem>> -> memref<368xf32, #tpu.memory_space<vmem>>
      %dma_wait3A_113 = tpu.memref_slice %arg17[%add3A_92] : memref<100096xf32, #tpu.memory_space<vmem_shared>> -> memref<368xf32, #tpu.memory_space<vmem_shared>>
      tpu.wait_dma2 semaphore(%run_scoped3A : memref<!tpu.dma_semaphore, #tpu.memory_space<semaphore_mem>>) src(%dma_wait3A_113 : memref<368xf32, #tpu.memory_space<vmem_shared>>) dst(%dma_wait3A_112 : memref<368xf32, #tpu.memory_space<vmem>>)
      tpu.yield
    }) : () -> ()
    %add3A_93 = arith.constant 41216 : i32
    %add3A_94 = arith.addi %add3A_93, %mul3A_1 : i32
    "tpu.region"() ({
      %run_scoped3A = tpu.sem_alloc : memref<!tpu.dma_semaphore, #tpu.memory_space<semaphore_mem>>
      %dma_start3A = arith.constant 1104 : i32
      %dma_start3A_104 = tpu.memref_slice %arg10[%dma_start3A] : memref<1840xf32, #tpu.memory_space<vmem>> -> memref<368xf32, #tpu.memory_space<vmem>>
      %dma_start3A_105 = tpu.memref_slice %arg17[%add3A_94] : memref<100096xf32, #tpu.memory_space<vmem_shared>> -> memref<368xf32, #tpu.memory_space<vmem_shared>>
      %dma_start3A_106 = arith.constant 1104 : i32
      %dma_start3A_107 = tpu.memref_slice %arg10[%dma_start3A_106] : memref<1840xf32, #tpu.memory_space<vmem>> -> memref<368xf32, #tpu.memory_space<vmem>>
      %dma_start3A_108 = tpu.memref_slice %arg17[%add3A_94] : memref<100096xf32, #tpu.memory_space<vmem_shared>> -> memref<368xf32, #tpu.memory_space<vmem_shared>>
      tpu.enqueue_dma source(%dma_start3A_108 : memref<368xf32, #tpu.memory_space<vmem_shared>>) target(%dma_start3A_107 : memref<368xf32, #tpu.memory_space<vmem>>) target_semaphore(%run_scoped3A : memref<!tpu.dma_semaphore, #tpu.memory_space<semaphore_mem>>)
      %dma_wait3A = arith.constant 1104 : i32
      %dma_wait3A_109 = tpu.memref_slice %arg10[%dma_wait3A] : memref<1840xf32, #tpu.memory_space<vmem>> -> memref<368xf32, #tpu.memory_space<vmem>>
      %dma_wait3A_110 = tpu.memref_slice %arg17[%add3A_94] : memref<100096xf32, #tpu.memory_space<vmem_shared>> -> memref<368xf32, #tpu.memory_space<vmem_shared>>
      %dma_wait3A_111 = arith.constant 1104 : i32
      %dma_wait3A_112 = tpu.memref_slice %arg10[%dma_wait3A_111] : memref<1840xf32, #tpu.memory_space<vmem>> -> memref<368xf32, #tpu.memory_space<vmem>>
      %dma_wait3A_113 = tpu.memref_slice %arg17[%add3A_94] : memref<100096xf32, #tpu.memory_space<vmem_shared>> -> memref<368xf32, #tpu.memory_space<vmem_shared>>
      tpu.wait_dma2 semaphore(%run_scoped3A : memref<!tpu.dma_semaphore, #tpu.memory_space<semaphore_mem>>) src(%dma_wait3A_113 : memref<368xf32, #tpu.memory_space<vmem_shared>>) dst(%dma_wait3A_112 : memref<368xf32, #tpu.memory_space<vmem>>)
      tpu.yield
    }) : () -> ()
    %add3A_95 = arith.constant 47104 : i32
    %add3A_96 = arith.addi %add3A_95, %mul3A_1 : i32
    "tpu.region"() ({
      %run_scoped3A = tpu.sem_alloc : memref<!tpu.dma_semaphore, #tpu.memory_space<semaphore_mem>>
      %dma_start3A = arith.constant 1472 : i32
      %dma_start3A_104 = tpu.memref_slice %arg10[%dma_start3A] : memref<1840xf32, #tpu.memory_space<vmem>> -> memref<368xf32, #tpu.memory_space<vmem>>
      %dma_start3A_105 = tpu.memref_slice %arg17[%add3A_96] : memref<100096xf32, #tpu.memory_space<vmem_shared>> -> memref<368xf32, #tpu.memory_space<vmem_shared>>
      %dma_start3A_106 = arith.constant 1472 : i32
      %dma_start3A_107 = tpu.memref_slice %arg10[%dma_start3A_106] : memref<1840xf32, #tpu.memory_space<vmem>> -> memref<368xf32, #tpu.memory_space<vmem>>
      %dma_start3A_108 = tpu.memref_slice %arg17[%add3A_96] : memref<100096xf32, #tpu.memory_space<vmem_shared>> -> memref<368xf32, #tpu.memory_space<vmem_shared>>
      tpu.enqueue_dma source(%dma_start3A_108 : memref<368xf32, #tpu.memory_space<vmem_shared>>) target(%dma_start3A_107 : memref<368xf32, #tpu.memory_space<vmem>>) target_semaphore(%run_scoped3A : memref<!tpu.dma_semaphore, #tpu.memory_space<semaphore_mem>>)
      %dma_wait3A = arith.constant 1472 : i32
      %dma_wait3A_109 = tpu.memref_slice %arg10[%dma_wait3A] : memref<1840xf32, #tpu.memory_space<vmem>> -> memref<368xf32, #tpu.memory_space<vmem>>
      %dma_wait3A_110 = tpu.memref_slice %arg17[%add3A_96] : memref<100096xf32, #tpu.memory_space<vmem_shared>> -> memref<368xf32, #tpu.memory_space<vmem_shared>>
      %dma_wait3A_111 = arith.constant 1472 : i32
      %dma_wait3A_112 = tpu.memref_slice %arg10[%dma_wait3A_111] : memref<1840xf32, #tpu.memory_space<vmem>> -> memref<368xf32, #tpu.memory_space<vmem>>
      %dma_wait3A_113 = tpu.memref_slice %arg17[%add3A_96] : memref<100096xf32, #tpu.memory_space<vmem_shared>> -> memref<368xf32, #tpu.memory_space<vmem_shared>>
      tpu.wait_dma2 semaphore(%run_scoped3A : memref<!tpu.dma_semaphore, #tpu.memory_space<semaphore_mem>>) src(%dma_wait3A_113 : memref<368xf32, #tpu.memory_space<vmem_shared>>) dst(%dma_wait3A_112 : memref<368xf32, #tpu.memory_space<vmem>>)
      tpu.yield
    }) : () -> ()
    %scan3A_97 = arith.constant 0 : i32
    %scan3A_98 = arith.constant 23 : i32
    %scan3A_99 = arith.addi %scan3A_97, %scan3A_98 : i32
    %scan3A_100 = arith.constant 1 : i32
    scf.for %scan3A_104 = %scan3A_97 to %scan3A_99 step %scan3A_100  : i32 {
      %mul3A_105 = arith.constant 16 : i32
      %mul3A_106 = arith.muli %scan3A_104, %mul3A_105 : i32
      %get3A = arith.index_cast %mul3A_106 : i32 to index
      %get3A_107 = tpu.vector_load %arg6[%get3A] {strides = array<i32>} : memref<368xf32, #tpu.memory_space<vmem>>, vector<16xf32>,
      %mul3A_108 = arith.constant 16 : i32
      %mul3A_109 = arith.muli %scan3A_104, %mul3A_108 : i32
      %add3A_110 = arith.constant 0 : i32
      %add3A_111 = arith.addi %add3A_110, %mul3A_109 : i32
      %get3A_112 = arith.index_cast %add3A_111 : i32 to index
      %get3A_113 = tpu.vector_load %arg10[%get3A_112] {strides = array<i32>} : memref<1840xf32, #tpu.memory_space<vmem>>, vector<16xf32>,
      %mul3A_114 = arith.constant 16 : i32
      %mul3A_115 = arith.muli %scan3A_104, %mul3A_114 : i32
      %add3A_116 = arith.constant 0 : i32
      %add3A_117 = arith.addi %add3A_116, %mul3A_115 : i32
      %get3A_118 = arith.index_cast %add3A_117 : i32 to index
      %get3A_119 = tpu.vector_load %arg9[%get3A_118] {strides = array<i32>} : memref<1840xf32, #tpu.memory_space<vmem>>, vector<16xf32>,
      %add3A_120 = arith.addf %get3A_113, %get3A_119 : vector<16xf32>
      %mul3A_121 = arith.mulf %get3A_107, %add3A_120 : vector<16xf32>
      %mul3A_122 = arith.constant 16 : i32
      %mul3A_123 = arith.muli %scan3A_104, %mul3A_122 : i32
      %add3A_124 = arith.constant 368 : i32
      %add3A_125 = arith.addi %add3A_124, %mul3A_123 : i32
      %get3A_126 = arith.index_cast %add3A_125 : i32 to index
      %get3A_127 = tpu.vector_load %arg10[%get3A_126] {strides = array<i32>} : memref<1840xf32, #tpu.memory_space<vmem>>, vector<16xf32>,
      %mul3A_128 = arith.constant 16 : i32
      %mul3A_129 = arith.muli %scan3A_104, %mul3A_128 : i32
      %add3A_130 = arith.constant 368 : i32
      %add3A_131 = arith.addi %add3A_130, %mul3A_129 : i32
      %get3A_132 = arith.index_cast %add3A_131 : i32 to index
      %get3A_133 = tpu.vector_load %arg9[%get3A_132] {strides = array<i32>} : memref<1840xf32, #tpu.memory_space<vmem>>, vector<16xf32>,
      %add3A_134 = arith.addf %get3A_127, %get3A_133 : vector<16xf32>
      %mul3A_135 = arith.mulf %get3A_107, %add3A_134 : vector<16xf32>
      %mul3A_136 = arith.constant 16 : i32
      %mul3A_137 = arith.muli %scan3A_104, %mul3A_136 : i32
      %add3A_138 = arith.constant 736 : i32
      %add3A_139 = arith.addi %add3A_138, %mul3A_137 : i32
      %get3A_140 = arith.index_cast %add3A_139 : i32 to index
      %get3A_141 = tpu.vector_load %arg10[%get3A_140] {strides = array<i32>} : memref<1840xf32, #tpu.memory_space<vmem>>, vector<16xf32>,
      %mul3A_142 = arith.constant 16 : i32
      %mul3A_143 = arith.muli %scan3A_104, %mul3A_142 : i32
      %add3A_144 = arith.constant 736 : i32
      %add3A_145 = arith.addi %add3A_144, %mul3A_143 : i32
      %get3A_146 = arith.index_cast %add3A_145 : i32 to index
      %get3A_147 = tpu.vector_load %arg9[%get3A_146] {strides = array<i32>} : memref<1840xf32, #tpu.memory_space<vmem>>, vector<16xf32>,
      %add3A_148 = arith.addf %get3A_141, %get3A_147 : vector<16xf32>
      %mul3A_149 = arith.mulf %get3A_107, %add3A_148 : vector<16xf32>
      %mul3A_150 = arith.constant 16 : i32
      %mul3A_151 = arith.muli %scan3A_104, %mul3A_150 : i32
      %add3A_152 = arith.constant 1104 : i32
      %add3A_153 = arith.addi %add3A_152, %mul3A_151 : i32
      %get3A_154 = arith.index_cast %add3A_153 : i32 to index
      %get3A_155 = tpu.vector_load %arg10[%get3A_154] {strides = array<i32>} : memref<1840xf32, #tpu.memory_space<vmem>>, vector<16xf32>,
      %mul3A_156 = arith.constant 16 : i32
      %mul3A_157 = arith.muli %scan3A_104, %mul3A_156 : i32
      %add3A_158 = arith.constant 1104 : i32
      %add3A_159 = arith.addi %add3A_158, %mul3A_157 : i32
      %get3A_160 = arith.index_cast %add3A_159 : i32 to index
      %get3A_161 = tpu.vector_load %arg9[%get3A_160] {strides = array<i32>} : memref<1840xf32, #tpu.memory_space<vmem>>, vector<16xf32>,
      %add3A_162 = arith.addf %get3A_155, %get3A_161 : vector<16xf32>
      %mul3A_163 = arith.mulf %get3A_107, %add3A_162 : vector<16xf32>
      %mul3A_164 = arith.constant 16 : i32
      %mul3A_165 = arith.muli %scan3A_104, %mul3A_164 : i32
      %add3A_166 = arith.constant 1472 : i32
      %add3A_167 = arith.addi %add3A_166, %mul3A_165 : i32
      %get3A_168 = arith.index_cast %add3A_167 : i32 to index
      %get3A_169 = tpu.vector_load %arg10[%get3A_168] {strides = array<i32>} : memref<1840xf32, #tpu.memory_space<vmem>>, vector<16xf32>,
      %mul3A_170 = arith.constant 16 : i32
      %mul3A_171 = arith.muli %scan3A_104, %mul3A_170 : i32
      %add3A_172 = arith.constant 1472 : i32
      %add3A_173 = arith.addi %add3A_172, %mul3A_171 : i32
      %get3A_174 = arith.index_cast %add3A_173 : i32 to index
      %get3A_175 = tpu.vector_load %arg9[%get3A_174] {strides = array<i32>} : memref<1840xf32, #tpu.memory_space<vmem>>, vector<16xf32>,
      %add3A_176 = arith.addf %get3A_169, %get3A_175 : vector<16xf32>
      %mul3A_177 = arith.mulf %get3A_107, %add3A_176 : vector<16xf32>
      %get3A_178 = arith.constant 112 : index
      %get3A_179 = tpu.vector_load %arg14[%get3A_178] {strides = array<i32>} : memref<352xf32, #tpu.memory_space<vmem>>, vector<16xf32>,
      %slice3A = vector.extract_strided_slice %get3A_179 {offsets = [8], sizes = [1], strides = [1]} : vector<16xf32> to vector<1xf32>
      %squeeze3A = vector.extract %slice3A[0] : f32 from vector<1xf32>
      %get3A_180 = arith.constant 16 : index
      %get3A_181 = tpu.vector_load %arg14[%get3A_180] {strides = array<i32>} : memref<352xf32, #tpu.memory_space<vmem>>, vector<16xf32>,
      %slice3A_182 = vector.extract_strided_slice %get3A_181 {offsets = [4], sizes = [1], strides = [1]} : vector<16xf32> to vector<1xf32>
      %squeeze3A_183 = vector.extract %slice3A_182[0] : f32 from vector<1xf32>
      %mul3A_184 = vector.broadcast %squeeze3A_183 : f32 to vector<16xf32>
      %mul3A_185 = arith.mulf %mul3A_121, %mul3A_184 : vector<16xf32>
      %add3A_186 = vector.broadcast %squeeze3A : f32 to vector<16xf32>
      %add3A_187 = arith.addf %add3A_186, %mul3A_185 : vector<16xf32>
      %get3A_188 = arith.constant 32 : index
      %get3A_189 = tpu.vector_load %arg14[%get3A_188] {strides = array<i32>} : memref<352xf32, #tpu.memory_space<vmem>>, vector<16xf32>,
      %slice3A_190 = vector.extract_strided_slice %get3A_189 {offsets = [8], sizes = [1], strides = [1]} : vector<16xf32> to vector<1xf32>
      %squeeze3A_191 = vector.extract %slice3A_190[0] : f32 from vector<1xf32>
      %mul3A_192 = vector.broadcast %squeeze3A_191 : f32 to vector<16xf32>
      %mul3A_193 = arith.mulf %mul3A_135, %mul3A_192 : vector<16xf32>
      %add3A_194 = arith.addf %add3A_187, %mul3A_193 : vector<16xf32>
      %get3A_195 = arith.constant 48 : index
      %get3A_196 = tpu.vector_load %arg14[%get3A_195] {strides = array<i32>} : memref<352xf32, #tpu.memory_space<vmem>>, vector<16xf32>,
      %slice3A_197 = vector.extract_strided_slice %get3A_196 {offsets = [12], sizes = [1], strides = [1]} : vector<16xf32> to vector<1xf32>
      %squeeze3A_198 = vector.extract %slice3A_197[0] : f32 from vector<1xf32>
      %mul3A_199 = vector.broadcast %squeeze3A_198 : f32 to vector<16xf32>
      %mul3A_200 = arith.mulf %mul3A_149, %mul3A_199 : vector<16xf32>
      %add3A_201 = arith.addf %add3A_194, %mul3A_200 : vector<16xf32>
      %get3A_202 = arith.constant 80 : index
      %get3A_203 = tpu.vector_load %arg14[%get3A_202] {strides = array<i32>} : memref<352xf32, #tpu.memory_space<vmem>>, vector<16xf32>,
      %slice3A_204 = vector.extract_strided_slice %get3A_203 {offsets = [0], sizes = [1], strides = [1]} : vector<16xf32> to vector<1xf32>
      %squeeze3A_205 = vector.extract %slice3A_204[0] : f32 from vector<1xf32>
      %mul3A_206 = vector.broadcast %squeeze3A_205 : f32 to vector<16xf32>
      %mul3A_207 = arith.mulf %mul3A_163, %mul3A_206 : vector<16xf32>
      %add3A_208 = arith.addf %add3A_201, %mul3A_207 : vector<16xf32>
      %get3A_209 = arith.constant 96 : index
      %get3A_210 = tpu.vector_load %arg14[%get3A_209] {strides = array<i32>} : memref<352xf32, #tpu.memory_space<vmem>>, vector<16xf32>,
      %slice3A_211 = vector.extract_strided_slice %get3A_210 {offsets = [4], sizes = [1], strides = [1]} : vector<16xf32> to vector<1xf32>
      %squeeze3A_212 = vector.extract %slice3A_211[0] : f32 from vector<1xf32>
      %mul3A_213 = vector.broadcast %squeeze3A_212 : f32 to vector<16xf32>
      %mul3A_214 = arith.mulf %mul3A_177, %mul3A_213 : vector<16xf32>
      %add3A_215 = arith.addf %add3A_208, %mul3A_214 : vector<16xf32>
      %mul3A_216 = arith.constant 0.00999999977 : f32
      %mul3A_217 = vector.broadcast %mul3A_216 : f32 to vector<16xf32>
      %mul3A_218 = arith.mulf %mul3A_217, %add3A_215 : vector<16xf32>
      %max3A = arith.maximumf %add3A_215, %mul3A_218 : vector<16xf32>
      %get3A_219 = arith.constant 112 : index
      %get3A_220 = tpu.vector_load %arg14[%get3A_219] {strides = array<i32>} : memref<352xf32, #tpu.memory_space<vmem>>, vector<16xf32>,
      %slice3A_221 = vector.extract_strided_slice %get3A_220 {offsets = [9], sizes = [1], strides = [1]} : vector<16xf32> to vector<1xf32>
      %squeeze3A_222 = vector.extract %slice3A_221[0] : f32 from vector<1xf32>
      %get3A_223 = arith.constant 16 : index
      %get3A_224 = tpu.vector_load %arg14[%get3A_223] {strides = array<i32>} : memref<352xf32, #tpu.memory_space<vmem>>, vector<16xf32>,
      %slice3A_225 = vector.extract_strided_slice %get3A_224 {offsets = [5], sizes = [1], strides = [1]} : vector<16xf32> to vector<1xf32>
      %squeeze3A_226 = vector.extract %slice3A_225[0] : f32 from vector<1xf32>
      %mul3A_227 = vector.broadcast %squeeze3A_226 : f32 to vector<16xf32>
      %mul3A_228 = arith.mulf %mul3A_121, %mul3A_227 : vector<16xf32>
      %add3A_229 = vector.broadcast %squeeze3A_222 : f32 to vector<16xf32>
      %add3A_230 = arith.addf %add3A_229, %mul3A_228 : vector<16xf32>
      %get3A_231 = arith.constant 32 : index
      %get3A_232 = tpu.vector_load %arg14[%get3A_231] {strides = array<i32>} : memref<352xf32, #tpu.memory_space<vmem>>, vector<16xf32>,
      %slice3A_233 = vector.extract_strided_slice %get3A_232 {offsets = [9], sizes = [1], strides = [1]} : vector<16xf32> to vector<1xf32>
      %squeeze3A_234 = vector.extract %slice3A_233[0] : f32 from vector<1xf32>
      %mul3A_235 = vector.broadcast %squeeze3A_234 : f32 to vector<16xf32>
      %mul3A_236 = arith.mulf %mul3A_135, %mul3A_235 : vector<16xf32>
      %add3A_237 = arith.addf %add3A_230, %mul3A_236 : vector<16xf32>
      %get3A_238 = arith.constant 48 : index
      %get3A_239 = tpu.vector_load %arg14[%get3A_238] {strides = array<i32>} : memref<352xf32, #tpu.memory_space<vmem>>, vector<16xf32>,
      %slice3A_240 = vector.extract_strided_slice %get3A_239 {offsets = [13], sizes = [1], strides = [1]} : vector<16xf32> to vector<1xf32>
      %squeeze3A_241 = vector.extract %slice3A_240[0] : f32 from vector<1xf32>
      %mul3A_242 = vector.broadcast %squeeze3A_241 : f32 to vector<16xf32>
      %mul3A_243 = arith.mulf %mul3A_149, %mul3A_242 : vector<16xf32>
      %add3A_244 = arith.addf %add3A_237, %mul3A_243 : vector<16xf32>
      %get3A_245 = arith.constant 80 : index
      %get3A_246 = tpu.vector_load %arg14[%get3A_245] {strides = array<i32>} : memref<352xf32, #tpu.memory_space<vmem>>, vector<16xf32>,
      %slice3A_247 = vector.extract_strided_slice %get3A_246 {offsets = [1], sizes = [1], strides = [1]} : vector<16xf32> to vector<1xf32>
      %squeeze3A_248 = vector.extract %slice3A_247[0] : f32 from vector<1xf32>
      %mul3A_249 = vector.broadcast %squeeze3A_248 : f32 to vector<16xf32>
      %mul3A_250 = arith.mulf %mul3A_163, %mul3A_249 : vector<16xf32>
      %add3A_251 = arith.addf %add3A_244, %mul3A_250 : vector<16xf32>
      %get3A_252 = arith.constant 96 : index
      %get3A_253 = tpu.vector_load %arg14[%get3A_252] {strides = array<i32>} : memref<352xf32, #tpu.memory_space<vmem>>, vector<16xf32>,
      %slice3A_254 = vector.extract_strided_slice %get3A_253 {offsets = [5], sizes = [1], strides = [1]} : vector<16xf32> to vector<1xf32>
      %squeeze3A_255 = vector.extract %slice3A_254[0] : f32 from vector<1xf32>
      %mul3A_256 = vector.broadcast %squeeze3A_255 : f32 to vector<16xf32>
      %mul3A_257 = arith.mulf %mul3A_177, %mul3A_256 : vector<16xf32>
      %add3A_258 = arith.addf %add3A_251, %mul3A_257 : vector<16xf32>
      %mul3A_259 = arith.constant 0.00999999977 : f32
      %mul3A_260 = vector.broadcast %mul3A_259 : f32 to vector<16xf32>
      %mul3A_261 = arith.mulf %mul3A_260, %add3A_258 : vector<16xf32>
      %max3A_262 = arith.maximumf %add3A_258, %mul3A_261 : vector<16xf32>
      %get3A_263 = arith.constant 112 : index
      %get3A_264 = tpu.vector_load %arg14[%get3A_263] {strides = array<i32>} : memref<352xf32, #tpu.memory_space<vmem>>, vector<16xf32>,
      %slice3A_265 = vector.extract_strided_slice %get3A_264 {offsets = [10], sizes = [1], strides = [1]} : vector<16xf32> to vector<1xf32>
      %squeeze3A_266 = vector.extract %slice3A_265[0] : f32 from vector<1xf32>
      %get3A_267 = arith.constant 16 : index
      %get3A_268 = tpu.vector_load %arg14[%get3A_267] {strides = array<i32>} : memref<352xf32, #tpu.memory_space<vmem>>, vector<16xf32>,
      %slice3A_269 = vector.extract_strided_slice %get3A_268 {offsets = [6], sizes = [1], strides = [1]} : vector<16xf32> to vector<1xf32>
      %squeeze3A_270 = vector.extract %slice3A_269[0] : f32 from vector<1xf32>
      %mul3A_271 = vector.broadcast %squeeze3A_270 : f32 to vector<16xf32>
      %mul3A_272 = arith.mulf %mul3A_121, %mul3A_271 : vector<16xf32>
      %add3A_273 = vector.broadcast %squeeze3A_266 : f32 to vector<16xf32>
      %add3A_274 = arith.addf %add3A_273, %mul3A_272 : vector<16xf32>
      %get3A_275 = arith.constant 32 : index
      %get3A_276 = tpu.vector_load %arg14[%get3A_275] {strides = array<i32>} : memref<352xf32, #tpu.memory_space<vmem>>, vector<16xf32>,
      %slice3A_277 = vector.extract_strided_slice %get3A_276 {offsets = [10], sizes = [1], strides = [1]} : vector<16xf32> to vector<1xf32>
      %squeeze3A_278 = vector.extract %slice3A_277[0] : f32 from vector<1xf32>
      %mul3A_279 = vector.broadcast %squeeze3A_278 : f32 to vector<16xf32>
      %mul3A_280 = arith.mulf %mul3A_135, %mul3A_279 : vector<16xf32>
      %add3A_281 = arith.addf %add3A_274, %mul3A_280 : vector<16xf32>
      %get3A_282 = arith.constant 48 : index
      %get3A_283 = tpu.vector_load %arg14[%get3A_282] {strides = array<i32>} : memref<352xf32, #tpu.memory_space<vmem>>, vector<16xf32>,
      %slice3A_284 = vector.extract_strided_slice %get3A_283 {offsets = [14], sizes = [1], strides = [1]} : vector<16xf32> to vector<1xf32>
      %squeeze3A_285 = vector.extract %slice3A_284[0] : f32 from vector<1xf32>
      %mul3A_286 = vector.broadcast %squeeze3A_285 : f32 to vector<16xf32>
      %mul3A_287 = arith.mulf %mul3A_149, %mul3A_286 : vector<16xf32>
      %add3A_288 = arith.addf %add3A_281, %mul3A_287 : vector<16xf32>
      %get3A_289 = arith.constant 80 : index
      %get3A_290 = tpu.vector_load %arg14[%get3A_289] {strides = array<i32>} : memref<352xf32, #tpu.memory_space<vmem>>, vector<16xf32>,
      %slice3A_291 = vector.extract_strided_slice %get3A_290 {offsets = [2], sizes = [1], strides = [1]} : vector<16xf32> to vector<1xf32>
      %squeeze3A_292 = vector.extract %slice3A_291[0] : f32 from vector<1xf32>
      %mul3A_293 = vector.broadcast %squeeze3A_292 : f32 to vector<16xf32>
      %mul3A_294 = arith.mulf %mul3A_163, %mul3A_293 : vector<16xf32>
      %add3A_295 = arith.addf %add3A_288, %mul3A_294 : vector<16xf32>
      %get3A_296 = arith.constant 96 : index
      %get3A_297 = tpu.vector_load %arg14[%get3A_296] {strides = array<i32>} : memref<352xf32, #tpu.memory_space<vmem>>, vector<16xf32>,
      %slice3A_298 = vector.extract_strided_slice %get3A_297 {offsets = [6], sizes = [1], strides = [1]} : vector<16xf32> to vector<1xf32>
      %squeeze3A_299 = vector.extract %slice3A_298[0] : f32 from vector<1xf32>
      %mul3A_300 = vector.broadcast %squeeze3A_299 : f32 to vector<16xf32>
      %mul3A_301 = arith.mulf %mul3A_177, %mul3A_300 : vector<16xf32>
      %add3A_302 = arith.addf %add3A_295, %mul3A_301 : vector<16xf32>
      %mul3A_303 = arith.constant 0.00999999977 : f32
      %mul3A_304 = vector.broadcast %mul3A_303 : f32 to vector<16xf32>
      %mul3A_305 = arith.mulf %mul3A_304, %add3A_302 : vector<16xf32>
      %max3A_306 = arith.maximumf %add3A_302, %mul3A_305 : vector<16xf32>
      %get3A_307 = arith.constant 112 : index
      %get3A_308 = tpu.vector_load %arg14[%get3A_307] {strides = array<i32>} : memref<352xf32, #tpu.memory_space<vmem>>, vector<16xf32>,
      %slice3A_309 = vector.extract_strided_slice %get3A_308 {offsets = [11], sizes = [1], strides = [1]} : vector<16xf32> to vector<1xf32>
      %squeeze3A_310 = vector.extract %slice3A_309[0] : f32 from vector<1xf32>
      %get3A_311 = arith.constant 16 : index
      %get3A_312 = tpu.vector_load %arg14[%get3A_311] {strides = array<i32>} : memref<352xf32, #tpu.memory_space<vmem>>, vector<16xf32>,
      %slice3A_313 = vector.extract_strided_slice %get3A_312 {offsets = [7], sizes = [1], strides = [1]} : vector<16xf32> to vector<1xf32>
      %squeeze3A_314 = vector.extract %slice3A_313[0] : f32 from vector<1xf32>
      %mul3A_315 = vector.broadcast %squeeze3A_314 : f32 to vector<16xf32>
      %mul3A_316 = arith.mulf %mul3A_121, %mul3A_315 : vector<16xf32>
      %add3A_317 = vector.broadcast %squeeze3A_310 : f32 to vector<16xf32>
      %add3A_318 = arith.addf %add3A_317, %mul3A_316 : vector<16xf32>
      %get3A_319 = arith.constant 32 : index
      %get3A_320 = tpu.vector_load %arg14[%get3A_319] {strides = array<i32>} : memref<352xf32, #tpu.memory_space<vmem>>, vector<16xf32>,
      %slice3A_321 = vector.extract_strided_slice %get3A_320 {offsets = [11], sizes = [1], strides = [1]} : vector<16xf32> to vector<1xf32>
      %squeeze3A_322 = vector.extract %slice3A_321[0] : f32 from vector<1xf32>
      %mul3A_323 = vector.broadcast %squeeze3A_322 : f32 to vector<16xf32>
      %mul3A_324 = arith.mulf %mul3A_135, %mul3A_323 : vector<16xf32>
      %add3A_325 = arith.addf %add3A_318, %mul3A_324 : vector<16xf32>
      %get3A_326 = arith.constant 48 : index
      %get3A_327 = tpu.vector_load %arg14[%get3A_326] {strides = array<i32>} : memref<352xf32, #tpu.memory_space<vmem>>, vector<16xf32>,
      %slice3A_328 = vector.extract_strided_slice %get3A_327 {offsets = [15], sizes = [1], strides = [1]} : vector<16xf32> to vector<1xf32>
      %squeeze3A_329 = vector.extract %slice3A_328[0] : f32 from vector<1xf32>
      %mul3A_330 = vector.broadcast %squeeze3A_329 : f32 to vector<16xf32>
      %mul3A_331 = arith.mulf %mul3A_149, %mul3A_330 : vector<16xf32>
      %add3A_332 = arith.addf %add3A_325, %mul3A_331 : vector<16xf32>
      %get3A_333 = arith.constant 80 : index
      %get3A_334 = tpu.vector_load %arg14[%get3A_333] {strides = array<i32>} : memref<352xf32, #tpu.memory_space<vmem>>, vector<16xf32>,
      %slice3A_335 = vector.extract_strided_slice %get3A_334 {offsets = [3], sizes = [1], strides = [1]} : vector<16xf32> to vector<1xf32>
      %squeeze3A_336 = vector.extract %slice3A_335[0] : f32 from vector<1xf32>
      %mul3A_337 = vector.broadcast %squeeze3A_336 : f32 to vector<16xf32>
      %mul3A_338 = arith.mulf %mul3A_163, %mul3A_337 : vector<16xf32>
      %add3A_339 = arith.addf %add3A_332, %mul3A_338 : vector<16xf32>
      %get3A_340 = arith.constant 96 : index
      %get3A_341 = tpu.vector_load %arg14[%get3A_340] {strides = array<i32>} : memref<352xf32, #tpu.memory_space<vmem>>, vector<16xf32>,
      %slice3A_342 = vector.extract_strided_slice %get3A_341 {offsets = [7], sizes = [1], strides = [1]} : vector<16xf32> to vector<1xf32>
      %squeeze3A_343 = vector.extract %slice3A_342[0] : f32 from vector<1xf32>
      %mul3A_344 = vector.broadcast %squeeze3A_343 : f32 to vector<16xf32>
      %mul3A_345 = arith.mulf %mul3A_177, %mul3A_344 : vector<16xf32>
      %add3A_346 = arith.addf %add3A_339, %mul3A_345 : vector<16xf32>
      %mul3A_347 = arith.constant 0.00999999977 : f32
      %mul3A_348 = vector.broadcast %mul3A_347 : f32 to vector<16xf32>
      %mul3A_349 = arith.mulf %mul3A_348, %add3A_346 : vector<16xf32>
      %max3A_350 = arith.maximumf %add3A_346, %mul3A_349 : vector<16xf32>
      %get3A_351 = arith.constant 112 : index
      %get3A_352 = tpu.vector_load %arg14[%get3A_351] {strides = array<i32>} : memref<352xf32, #tpu.memory_space<vmem>>, vector<16xf32>,
      %slice3A_353 = vector.extract_strided_slice %get3A_352 {offsets = [12], sizes = [1], strides = [1]} : vector<16xf32> to vector<1xf32>
      %squeeze3A_354 = vector.extract %slice3A_353[0] : f32 from vector<1xf32>
      %get3A_355 = arith.constant 16 : index
      %get3A_356 = tpu.vector_load %arg14[%get3A_355] {strides = array<i32>} : memref<352xf32, #tpu.memory_space<vmem>>, vector<16xf32>,
      %slice3A_357 = vector.extract_strided_slice %get3A_356 {offsets = [8], sizes = [1], strides = [1]} : vector<16xf32> to vector<1xf32>
      %squeeze3A_358 = vector.extract %slice3A_357[0] : f32 from vector<1xf32>
      %mul3A_359 = vector.broadcast %squeeze3A_358 : f32 to vector<16xf32>
      %mul3A_360 = arith.mulf %mul3A_121, %mul3A_359 : vector<16xf32>
      %add3A_361 = vector.broadcast %squeeze3A_354 : f32 to vector<16xf32>
      %add3A_362 = arith.addf %add3A_361, %mul3A_360 : vector<16xf32>
      %get3A_363 = arith.constant 32 : index
      %get3A_364 = tpu.vector_load %arg14[%get3A_363] {strides = array<i32>} : memref<352xf32, #tpu.memory_space<vmem>>, vector<16xf32>,
      %slice3A_365 = vector.extract_strided_slice %get3A_364 {offsets = [12], sizes = [1], strides = [1]} : vector<16xf32> to vector<1xf32>
      %squeeze3A_366 = vector.extract %slice3A_365[0] : f32 from vector<1xf32>
      %mul3A_367 = vector.broadcast %squeeze3A_366 : f32 to vector<16xf32>
      %mul3A_368 = arith.mulf %mul3A_135, %mul3A_367 : vector<16xf32>
      %add3A_369 = arith.addf %add3A_362, %mul3A_368 : vector<16xf32>
      %get3A_370 = arith.constant 64 : index
      %get3A_371 = tpu.vector_load %arg14[%get3A_370] {strides = array<i32>} : memref<352xf32, #tpu.memory_space<vmem>>, vector<16xf32>,
      %slice3A_372 = vector.extract_strided_slice %get3A_371 {offsets = [0], sizes = [1], strides = [1]} : vector<16xf32> to vector<1xf32>
      %squeeze3A_373 = vector.extract %slice3A_372[0] : f32 from vector<1xf32>
      %mul3A_374 = vector.broadcast %squeeze3A_373 : f32 to vector<16xf32>
      %mul3A_375 = arith.mulf %mul3A_149, %mul3A_374 : vector<16xf32>
      %add3A_376 = arith.addf %add3A_369, %mul3A_375 : vector<16xf32>
      %get3A_377 = arith.constant 80 : index
      %get3A_378 = tpu.vector_load %arg14[%get3A_377] {strides = array<i32>} : memref<352xf32, #tpu.memory_space<vmem>>, vector<16xf32>,
      %slice3A_379 = vector.extract_strided_slice %get3A_378 {offsets = [4], sizes = [1], strides = [1]} : vector<16xf32> to vector<1xf32>
      %squeeze3A_380 = vector.extract %slice3A_379[0] : f32 from vector<1xf32>
      %mul3A_381 = vector.broadcast %squeeze3A_380 : f32 to vector<16xf32>
      %mul3A_382 = arith.mulf %mul3A_163, %mul3A_381 : vector<16xf32>
      %add3A_383 = arith.addf %add3A_376, %mul3A_382 : vector<16xf32>
      %get3A_384 = arith.constant 96 : index
      %get3A_385 = tpu.vector_load %arg14[%get3A_384] {strides = array<i32>} : memref<352xf32, #tpu.memory_space<vmem>>, vector<16xf32>,
      %slice3A_386 = vector.extract_strided_slice %get3A_385 {offsets = [8], sizes = [1], strides = [1]} : vector<16xf32> to vector<1xf32>
      %squeeze3A_387 = vector.extract %slice3A_386[0] : f32 from vector<1xf32>
      %mul3A_388 = vector.broadcast %squeeze3A_387 : f32 to vector<16xf32>
      %mul3A_389 = arith.mulf %mul3A_177, %mul3A_388 : vector<16xf32>
      %add3A_390 = arith.addf %add3A_383, %mul3A_389 : vector<16xf32>
      %mul3A_391 = arith.constant 0.00999999977 : f32
      %mul3A_392 = vector.broadcast %mul3A_391 : f32 to vector<16xf32>
      %mul3A_393 = arith.mulf %mul3A_392, %add3A_390 : vector<16xf32>
      %max3A_394 = arith.maximumf %add3A_390, %mul3A_393 : vector<16xf32>
      %get3A_395 = arith.constant 112 : index
      %get3A_396 = tpu.vector_load %arg14[%get3A_395] {strides = array<i32>} : memref<352xf32, #tpu.memory_space<vmem>>, vector<16xf32>,
      %slice3A_397 = vector.extract_strided_slice %get3A_396 {offsets = [13], sizes = [1], strides = [1]} : vector<16xf32> to vector<1xf32>
      %squeeze3A_398 = vector.extract %slice3A_397[0] : f32 from vector<1xf32>
      %get3A_399 = arith.constant 16 : index
      %get3A_400 = tpu.vector_load %arg14[%get3A_399] {strides = array<i32>} : memref<352xf32, #tpu.memory_space<vmem>>, vector<16xf32>,
      %slice3A_401 = vector.extract_strided_slice %get3A_400 {offsets = [9], sizes = [1], strides = [1]} : vector<16xf32> to vector<1xf32>
      %squeeze3A_402 = vector.extract %slice3A_401[0] : f32 from vector<1xf32>
      %mul3A_403 = vector.broadcast %squeeze3A_402 : f32 to vector<16xf32>
      %mul3A_404 = arith.mulf %mul3A_121, %mul3A_403 : vector<16xf32>
      %add3A_405 = vector.broadcast %squeeze3A_398 : f32 to vector<16xf32>
      %add3A_406 = arith.addf %add3A_405, %mul3A_404 : vector<16xf32>
      %get3A_407 = arith.constant 32 : index
      %get3A_408 = tpu.vector_load %arg14[%get3A_407] {strides = array<i32>} : memref<352xf32, #tpu.memory_space<vmem>>, vector<16xf32>,
      %slice3A_409 = vector.extract_strided_slice %get3A_408 {offsets = [13], sizes = [1], strides = [1]} : vector<16xf32> to vector<1xf32>
      %squeeze3A_410 = vector.extract %slice3A_409[0] : f32 from vector<1xf32>
      %mul3A_411 = vector.broadcast %squeeze3A_410 : f32 to vector<16xf32>
      %mul3A_412 = arith.mulf %mul3A_135, %mul3A_411 : vector<16xf32>
      %add3A_413 = arith.addf %add3A_406, %mul3A_412 : vector<16xf32>
      %get3A_414 = arith.constant 64 : index
      %get3A_415 = tpu.vector_load %arg14[%get3A_414] {strides = array<i32>} : memref<352xf32, #tpu.memory_space<vmem>>, vector<16xf32>,
      %slice3A_416 = vector.extract_strided_slice %get3A_415 {offsets = [1], sizes = [1], strides = [1]} : vector<16xf32> to vector<1xf32>
      %squeeze3A_417 = vector.extract %slice3A_416[0] : f32 from vector<1xf32>
      %mul3A_418 = vector.broadcast %squeeze3A_417 : f32 to vector<16xf32>
      %mul3A_419 = arith.mulf %mul3A_149, %mul3A_418 : vector<16xf32>
      %add3A_420 = arith.addf %add3A_413, %mul3A_419 : vector<16xf32>
      %get3A_421 = arith.constant 80 : index
      %get3A_422 = tpu.vector_load %arg14[%get3A_421] {strides = array<i32>} : memref<352xf32, #tpu.memory_space<vmem>>, vector<16xf32>,
      %slice3A_423 = vector.extract_strided_slice %get3A_422 {offsets = [5], sizes = [1], strides = [1]} : vector<16xf32> to vector<1xf32>
      %squeeze3A_424 = vector.extract %slice3A_423[0] : f32 from vector<1xf32>
      %mul3A_425 = vector.broadcast %squeeze3A_424 : f32 to vector<16xf32>
      %mul3A_426 = arith.mulf %mul3A_163, %mul3A_425 : vector<16xf32>
      %add3A_427 = arith.addf %add3A_420, %mul3A_426 : vector<16xf32>
      %get3A_428 = arith.constant 96 : index
      %get3A_429 = tpu.vector_load %arg14[%get3A_428] {strides = array<i32>} : memref<352xf32, #tpu.memory_space<vmem>>, vector<16xf32>,
      %slice3A_430 = vector.extract_strided_slice %get3A_429 {offsets = [9], sizes = [1], strides = [1]} : vector<16xf32> to vector<1xf32>
      %squeeze3A_431 = vector.extract %slice3A_430[0] : f32 from vector<1xf32>
      %mul3A_432 = vector.broadcast %squeeze3A_431 : f32 to vector<16xf32>
      %mul3A_433 = arith.mulf %mul3A_177, %mul3A_432 : vector<16xf32>
      %add3A_434 = arith.addf %add3A_427, %mul3A_433 : vector<16xf32>
      %mul3A_435 = arith.constant 0.00999999977 : f32
      %mul3A_436 = vector.broadcast %mul3A_435 : f32 to vector<16xf32>
      %mul3A_437 = arith.mulf %mul3A_436, %add3A_434 : vector<16xf32>
      %max3A_438 = arith.maximumf %add3A_434, %mul3A_437 : vector<16xf32>
      %get3A_439 = arith.constant 112 : index
      %get3A_440 = tpu.vector_load %arg14[%get3A_439] {strides = array<i32>} : memref<352xf32, #tpu.memory_space<vmem>>, vector<16xf32>,
      %slice3A_441 = vector.extract_strided_slice %get3A_440 {offsets = [14], sizes = [1], strides = [1]} : vector<16xf32> to vector<1xf32>
      %squeeze3A_442 = vector.extract %slice3A_441[0] : f32 from vector<1xf32>
      %get3A_443 = arith.constant 16 : index
      %get3A_444 = tpu.vector_load %arg14[%get3A_443] {strides = array<i32>} : memref<352xf32, #tpu.memory_space<vmem>>, vector<16xf32>,
      %slice3A_445 = vector.extract_strided_slice %get3A_444 {offsets = [10], sizes = [1], strides = [1]} : vector<16xf32> to vector<1xf32>
      %squeeze3A_446 = vector.extract %slice3A_445[0] : f32 from vector<1xf32>
      %mul3A_447 = vector.broadcast %squeeze3A_446 : f32 to vector<16xf32>
      %mul3A_448 = arith.mulf %mul3A_121, %mul3A_447 : vector<16xf32>
      %add3A_449 = vector.broadcast %squeeze3A_442 : f32 to vector<16xf32>
      %add3A_450 = arith.addf %add3A_449, %mul3A_448 : vector<16xf32>
      %get3A_451 = arith.constant 32 : index
      %get3A_452 = tpu.vector_load %arg14[%get3A_451] {strides = array<i32>} : memref<352xf32, #tpu.memory_space<vmem>>, vector<16xf32>,
      %slice3A_453 = vector.extract_strided_slice %get3A_452 {offsets = [14], sizes = [1], strides = [1]} : vector<16xf32> to vector<1xf32>
      %squeeze3A_454 = vector.extract %slice3A_453[0] : f32 from vector<1xf32>
      %mul3A_455 = vector.broadcast %squeeze3A_454 : f32 to vector<16xf32>
      %mul3A_456 = arith.mulf %mul3A_135, %mul3A_455 : vector<16xf32>
      %add3A_457 = arith.addf %add3A_450, %mul3A_456 : vector<16xf32>
      %get3A_458 = arith.constant 64 : index
      %get3A_459 = tpu.vector_load %arg14[%get3A_458] {strides = array<i32>} : memref<352xf32, #tpu.memory_space<vmem>>, vector<16xf32>,
      %slice3A_460 = vector.extract_strided_slice %get3A_459 {offsets = [2], sizes = [1], strides = [1]} : vector<16xf32> to vector<1xf32>
      %squeeze3A_461 = vector.extract %slice3A_460[0] : f32 from vector<1xf32>
      %mul3A_462 = vector.broadcast %squeeze3A_461 : f32 to vector<16xf32>
      %mul3A_463 = arith.mulf %mul3A_149, %mul3A_462 : vector<16xf32>
      %add3A_464 = arith.addf %add3A_457, %mul3A_463 : vector<16xf32>
      %get3A_465 = arith.constant 80 : index
      %get3A_466 = tpu.vector_load %arg14[%get3A_465] {strides = array<i32>} : memref<352xf32, #tpu.memory_space<vmem>>, vector<16xf32>,
      %slice3A_467 = vector.extract_strided_slice %get3A_466 {offsets = [6], sizes = [1], strides = [1]} : vector<16xf32> to vector<1xf32>
      %squeeze3A_468 = vector.extract %slice3A_467[0] : f32 from vector<1xf32>
      %mul3A_469 = vector.broadcast %squeeze3A_468 : f32 to vector<16xf32>
      %mul3A_470 = arith.mulf %mul3A_163, %mul3A_469 : vector<16xf32>
      %add3A_471 = arith.addf %add3A_464, %mul3A_470 : vector<16xf32>
      %get3A_472 = arith.constant 96 : index
      %get3A_473 = tpu.vector_load %arg14[%get3A_472] {strides = array<i32>} : memref<352xf32, #tpu.memory_space<vmem>>, vector<16xf32>,
      %slice3A_474 = vector.extract_strided_slice %get3A_473 {offsets = [10], sizes = [1], strides = [1]} : vector<16xf32> to vector<1xf32>
      %squeeze3A_475 = vector.extract %slice3A_474[0] : f32 from vector<1xf32>
      %mul3A_476 = vector.broadcast %squeeze3A_475 : f32 to vector<16xf32>
      %mul3A_477 = arith.mulf %mul3A_177, %mul3A_476 : vector<16xf32>
      %add3A_478 = arith.addf %add3A_471, %mul3A_477 : vector<16xf32>
      %mul3A_479 = arith.constant 0.00999999977 : f32
      %mul3A_480 = vector.broadcast %mul3A_479 : f32 to vector<16xf32>
      %mul3A_481 = arith.mulf %mul3A_480, %add3A_478 : vector<16xf32>
      %max3A_482 = arith.maximumf %add3A_478, %mul3A_481 : vector<16xf32>
      %get3A_483 = arith.constant 112 : index
      %get3A_484 = tpu.vector_load %arg14[%get3A_483] {strides = array<i32>} : memref<352xf32, #tpu.memory_space<vmem>>, vector<16xf32>,
      %slice3A_485 = vector.extract_strided_slice %get3A_484 {offsets = [15], sizes = [1], strides = [1]} : vector<16xf32> to vector<1xf32>
      %squeeze3A_486 = vector.extract %slice3A_485[0] : f32 from vector<1xf32>
      %get3A_487 = arith.constant 16 : index
      %get3A_488 = tpu.vector_load %arg14[%get3A_487] {strides = array<i32>} : memref<352xf32, #tpu.memory_space<vmem>>, vector<16xf32>,
      %slice3A_489 = vector.extract_strided_slice %get3A_488 {offsets = [11], sizes = [1], strides = [1]} : vector<16xf32> to vector<1xf32>
      %squeeze3A_490 = vector.extract %slice3A_489[0] : f32 from vector<1xf32>
      %mul3A_491 = vector.broadcast %squeeze3A_490 : f32 to vector<16xf32>
      %mul3A_492 = arith.mulf %mul3A_121, %mul3A_491 : vector<16xf32>
      %add3A_493 = vector.broadcast %squeeze3A_486 : f32 to vector<16xf32>
      %add3A_494 = arith.addf %add3A_493, %mul3A_492 : vector<16xf32>
      %get3A_495 = arith.constant 32 : index
      %get3A_496 = tpu.vector_load %arg14[%get3A_495] {strides = array<i32>} : memref<352xf32, #tpu.memory_space<vmem>>, vector<16xf32>,
      %slice3A_497 = vector.extract_strided_slice %get3A_496 {offsets = [15], sizes = [1], strides = [1]} : vector<16xf32> to vector<1xf32>
      %squeeze3A_498 = vector.extract %slice3A_497[0] : f32 from vector<1xf32>
      %mul3A_499 = vector.broadcast %squeeze3A_498 : f32 to vector<16xf32>
      %mul3A_500 = arith.mulf %mul3A_135, %mul3A_499 : vector<16xf32>
      %add3A_501 = arith.addf %add3A_494, %mul3A_500 : vector<16xf32>
      %get3A_502 = arith.constant 64 : index
      %get3A_503 = tpu.vector_load %arg14[%get3A_502] {strides = array<i32>} : memref<352xf32, #tpu.memory_space<vmem>>, vector<16xf32>,
      %slice3A_504 = vector.extract_strided_slice %get3A_503 {offsets = [3], sizes = [1], strides = [1]} : vector<16xf32> to vector<1xf32>
      %squeeze3A_505 = vector.extract %slice3A_504[0] : f32 from vector<1xf32>
      %mul3A_506 = vector.broadcast %squeeze3A_505 : f32 to vector<16xf32>
      %mul3A_507 = arith.mulf %mul3A_149, %mul3A_506 : vector<16xf32>
      %add3A_508 = arith.addf %add3A_501, %mul3A_507 : vector<16xf32>
      %get3A_509 = arith.constant 80 : index
      %get3A_510 = tpu.vector_load %arg14[%get3A_509] {strides = array<i32>} : memref<352xf32, #tpu.memory_space<vmem>>, vector<16xf32>,
      %slice3A_511 = vector.extract_strided_slice %get3A_510 {offsets = [7], sizes = [1], strides = [1]} : vector<16xf32> to vector<1xf32>
      %squeeze3A_512 = vector.extract %slice3A_511[0] : f32 from vector<1xf32>
      %mul3A_513 = vector.broadcast %squeeze3A_512 : f32 to vector<16xf32>
      %mul3A_514 = arith.mulf %mul3A_163, %mul3A_513 : vector<16xf32>
      %add3A_515 = arith.addf %add3A_508, %mul3A_514 : vector<16xf32>
      %get3A_516 = arith.constant 96 : index
      %get3A_517 = tpu.vector_load %arg14[%get3A_516] {strides = array<i32>} : memref<352xf32, #tpu.memory_space<vmem>>, vector<16xf32>,
      %slice3A_518 = vector.extract_strided_slice %get3A_517 {offsets = [11], sizes = [1], strides = [1]} : vector<16xf32> to vector<1xf32>
      %squeeze3A_519 = vector.extract %slice3A_518[0] : f32 from vector<1xf32>
      %mul3A_520 = vector.broadcast %squeeze3A_519 : f32 to vector<16xf32>
      %mul3A_521 = arith.mulf %mul3A_177, %mul3A_520 : vector<16xf32>
      %add3A_522 = arith.addf %add3A_515, %mul3A_521 : vector<16xf32>
      %mul3A_523 = arith.constant 0.00999999977 : f32
      %mul3A_524 = vector.broadcast %mul3A_523 : f32 to vector<16xf32>
      %mul3A_525 = arith.mulf %mul3A_524, %add3A_522 : vector<16xf32>
      %max3A_526 = arith.maximumf %add3A_522, %mul3A_525 : vector<16xf32>
      %get3A_527 = arith.constant 128 : index
      %get3A_528 = tpu.vector_load %arg14[%get3A_527] {strides = array<i32>} : memref<352xf32, #tpu.memory_space<vmem>>, vector<16xf32>,
      %slice3A_529 = vector.extract_strided_slice %get3A_528 {offsets = [0], sizes = [1], strides = [1]} : vector<16xf32> to vector<1xf32>
      %squeeze3A_530 = vector.extract %slice3A_529[0] : f32 from vector<1xf32>
      %get3A_531 = arith.constant 16 : index
      %get3A_532 = tpu.vector_load %arg14[%get3A_531] {strides = array<i32>} : memref<352xf32, #tpu.memory_space<vmem>>, vector<16xf32>,
      %slice3A_533 = vector.extract_strided_slice %get3A_532 {offsets = [12], sizes = [1], strides = [1]} : vector<16xf32> to vector<1xf32>
      %squeeze3A_534 = vector.extract %slice3A_533[0] : f32 from vector<1xf32>
      %mul3A_535 = vector.broadcast %squeeze3A_534 : f32 to vector<16xf32>
      %mul3A_536 = arith.mulf %mul3A_121, %mul3A_535 : vector<16xf32>
      %add3A_537 = vector.broadcast %squeeze3A_530 : f32 to vector<16xf32>
      %add3A_538 = arith.addf %add3A_537, %mul3A_536 : vector<16xf32>
      %get3A_539 = arith.constant 48 : index
      %get3A_540 = tpu.vector_load %arg14[%get3A_539] {strides = array<i32>} : memref<352xf32, #tpu.memory_space<vmem>>, vector<16xf32>,
      %slice3A_541 = vector.extract_strided_slice %get3A_540 {offsets = [0], sizes = [1], strides = [1]} : vector<16xf32> to vector<1xf32>
      %squeeze3A_542 = vector.extract %slice3A_541[0] : f32 from vector<1xf32>
      %mul3A_543 = vector.broadcast %squeeze3A_542 : f32 to vector<16xf32>
      %mul3A_544 = arith.mulf %mul3A_135, %mul3A_543 : vector<16xf32>
      %add3A_545 = arith.addf %add3A_538, %mul3A_544 : vector<16xf32>
      %get3A_546 = arith.constant 64 : index
      %get3A_547 = tpu.vector_load %arg14[%get3A_546] {strides = array<i32>} : memref<352xf32, #tpu.memory_space<vmem>>, vector<16xf32>,
      %slice3A_548 = vector.extract_strided_slice %get3A_547 {offsets = [4], sizes = [1], strides = [1]} : vector<16xf32> to vector<1xf32>
      %squeeze3A_549 = vector.extract %slice3A_548[0] : f32 from vector<1xf32>
      %mul3A_550 = vector.broadcast %squeeze3A_549 : f32 to vector<16xf32>
      %mul3A_551 = arith.mulf %mul3A_149, %mul3A_550 : vector<16xf32>
      %add3A_552 = arith.addf %add3A_545, %mul3A_551 : vector<16xf32>
      %get3A_553 = arith.constant 80 : index
      %get3A_554 = tpu.vector_load %arg14[%get3A_553] {strides = array<i32>} : memref<352xf32, #tpu.memory_space<vmem>>, vector<16xf32>,
      %slice3A_555 = vector.extract_strided_slice %get3A_554 {offsets = [8], sizes = [1], strides = [1]} : vector<16xf32> to vector<1xf32>
      %squeeze3A_556 = vector.extract %slice3A_555[0] : f32 from vector<1xf32>
      %mul3A_557 = vector.broadcast %squeeze3A_556 : f32 to vector<16xf32>
      %mul3A_558 = arith.mulf %mul3A_163, %mul3A_557 : vector<16xf32>
      %add3A_559 = arith.addf %add3A_552, %mul3A_558 : vector<16xf32>
      %get3A_560 = arith.constant 96 : index
      %get3A_561 = tpu.vector_load %arg14[%get3A_560] {strides = array<i32>} : memref<352xf32, #tpu.memory_space<vmem>>, vector<16xf32>,
      %slice3A_562 = vector.extract_strided_slice %get3A_561 {offsets = [12], sizes = [1], strides = [1]} : vector<16xf32> to vector<1xf32>
      %squeeze3A_563 = vector.extract %slice3A_562[0] : f32 from vector<1xf32>
      %mul3A_564 = vector.broadcast %squeeze3A_563 : f32 to vector<16xf32>
      %mul3A_565 = arith.mulf %mul3A_177, %mul3A_564 : vector<16xf32>
      %add3A_566 = arith.addf %add3A_559, %mul3A_565 : vector<16xf32>
      %mul3A_567 = arith.constant 0.00999999977 : f32
      %mul3A_568 = vector.broadcast %mul3A_567 : f32 to vector<16xf32>
      %mul3A_569 = arith.mulf %mul3A_568, %add3A_566 : vector<16xf32>
      %max3A_570 = arith.maximumf %add3A_566, %mul3A_569 : vector<16xf32>
      %get3A_571 = arith.constant 128 : index
      %get3A_572 = tpu.vector_load %arg14[%get3A_571] {strides = array<i32>} : memref<352xf32, #tpu.memory_space<vmem>>, vector<16xf32>,
      %slice3A_573 = vector.extract_strided_slice %get3A_572 {offsets = [1], sizes = [1], strides = [1]} : vector<16xf32> to vector<1xf32>
      %squeeze3A_574 = vector.extract %slice3A_573[0] : f32 from vector<1xf32>
      %get3A_575 = arith.constant 16 : index
      %get3A_576 = tpu.vector_load %arg14[%get3A_575] {strides = array<i32>} : memref<352xf32, #tpu.memory_space<vmem>>, vector<16xf32>,
      %slice3A_577 = vector.extract_strided_slice %get3A_576 {offsets = [13], sizes = [1], strides = [1]} : vector<16xf32> to vector<1xf32>
      %squeeze3A_578 = vector.extract %slice3A_577[0] : f32 from vector<1xf32>
      %mul3A_579 = vector.broadcast %squeeze3A_578 : f32 to vector<16xf32>
      %mul3A_580 = arith.mulf %mul3A_121, %mul3A_579 : vector<16xf32>
      %add3A_581 = vector.broadcast %squeeze3A_574 : f32 to vector<16xf32>
      %add3A_582 = arith.addf %add3A_581, %mul3A_580 : vector<16xf32>
      %get3A_583 = arith.constant 48 : index
      %get3A_584 = tpu.vector_load %arg14[%get3A_583] {strides = array<i32>} : memref<352xf32, #tpu.memory_space<vmem>>, vector<16xf32>,
      %slice3A_585 = vector.extract_strided_slice %get3A_584 {offsets = [1], sizes = [1], strides = [1]} : vector<16xf32> to vector<1xf32>
      %squeeze3A_586 = vector.extract %slice3A_585[0] : f32 from vector<1xf32>
      %mul3A_587 = vector.broadcast %squeeze3A_586 : f32 to vector<16xf32>
      %mul3A_588 = arith.mulf %mul3A_135, %mul3A_587 : vector<16xf32>
      %add3A_589 = arith.addf %add3A_582, %mul3A_588 : vector<16xf32>
      %get3A_590 = arith.constant 64 : index
      %get3A_591 = tpu.vector_load %arg14[%get3A_590] {strides = array<i32>} : memref<352xf32, #tpu.memory_space<vmem>>, vector<16xf32>,
      %slice3A_592 = vector.extract_strided_slice %get3A_591 {offsets = [5], sizes = [1], strides = [1]} : vector<16xf32> to vector<1xf32>
      %squeeze3A_593 = vector.extract %slice3A_592[0] : f32 from vector<1xf32>
      %mul3A_594 = vector.broadcast %squeeze3A_593 : f32 to vector<16xf32>
      %mul3A_595 = arith.mulf %mul3A_149, %mul3A_594 : vector<16xf32>
      %add3A_596 = arith.addf %add3A_589, %mul3A_595 : vector<16xf32>
      %get3A_597 = arith.constant 80 : index
      %get3A_598 = tpu.vector_load %arg14[%get3A_597] {strides = array<i32>} : memref<352xf32, #tpu.memory_space<vmem>>, vector<16xf32>,
      %slice3A_599 = vector.extract_strided_slice %get3A_598 {offsets = [9], sizes = [1], strides = [1]} : vector<16xf32> to vector<1xf32>
      %squeeze3A_600 = vector.extract %slice3A_599[0] : f32 from vector<1xf32>
      %mul3A_601 = vector.broadcast %squeeze3A_600 : f32 to vector<16xf32>
      %mul3A_602 = arith.mulf %mul3A_163, %mul3A_601 : vector<16xf32>
      %add3A_603 = arith.addf %add3A_596, %mul3A_602 : vector<16xf32>
      %get3A_604 = arith.constant 96 : index
      %get3A_605 = tpu.vector_load %arg14[%get3A_604] {strides = array<i32>} : memref<352xf32, #tpu.memory_space<vmem>>, vector<16xf32>,
      %slice3A_606 = vector.extract_strided_slice %get3A_605 {offsets = [13], sizes = [1], strides = [1]} : vector<16xf32> to vector<1xf32>
      %squeeze3A_607 = vector.extract %slice3A_606[0] : f32 from vector<1xf32>
      %mul3A_608 = vector.broadcast %squeeze3A_607 : f32 to vector<16xf32>
      %mul3A_609 = arith.mulf %mul3A_177, %mul3A_608 : vector<16xf32>
      %add3A_610 = arith.addf %add3A_603, %mul3A_609 : vector<16xf32>
      %mul3A_611 = arith.constant 0.00999999977 : f32
      %mul3A_612 = vector.broadcast %mul3A_611 : f32 to vector<16xf32>
      %mul3A_613 = arith.mulf %mul3A_612, %add3A_610 : vector<16xf32>
      %max3A_614 = arith.maximumf %add3A_610, %mul3A_613 : vector<16xf32>
      %get3A_615 = arith.constant 128 : index
      %get3A_616 = tpu.vector_load %arg14[%get3A_615] {strides = array<i32>} : memref<352xf32, #tpu.memory_space<vmem>>, vector<16xf32>,
      %slice3A_617 = vector.extract_strided_slice %get3A_616 {offsets = [2], sizes = [1], strides = [1]} : vector<16xf32> to vector<1xf32>
      %squeeze3A_618 = vector.extract %slice3A_617[0] : f32 from vector<1xf32>
      %get3A_619 = arith.constant 16 : index
      %get3A_620 = tpu.vector_load %arg14[%get3A_619] {strides = array<i32>} : memref<352xf32, #tpu.memory_space<vmem>>, vector<16xf32>,
      %slice3A_621 = vector.extract_strided_slice %get3A_620 {offsets = [14], sizes = [1], strides = [1]} : vector<16xf32> to vector<1xf32>
      %squeeze3A_622 = vector.extract %slice3A_621[0] : f32 from vector<1xf32>
      %mul3A_623 = vector.broadcast %squeeze3A_622 : f32 to vector<16xf32>
      %mul3A_624 = arith.mulf %mul3A_121, %mul3A_623 : vector<16xf32>
      %add3A_625 = vector.broadcast %squeeze3A_618 : f32 to vector<16xf32>
      %add3A_626 = arith.addf %add3A_625, %mul3A_624 : vector<16xf32>
      %get3A_627 = arith.constant 48 : index
      %get3A_628 = tpu.vector_load %arg14[%get3A_627] {strides = array<i32>} : memref<352xf32, #tpu.memory_space<vmem>>, vector<16xf32>,
      %slice3A_629 = vector.extract_strided_slice %get3A_628 {offsets = [2], sizes = [1], strides = [1]} : vector<16xf32> to vector<1xf32>
      %squeeze3A_630 = vector.extract %slice3A_629[0] : f32 from vector<1xf32>
      %mul3A_631 = vector.broadcast %squeeze3A_630 : f32 to vector<16xf32>
      %mul3A_632 = arith.mulf %mul3A_135, %mul3A_631 : vector<16xf32>
      %add3A_633 = arith.addf %add3A_626, %mul3A_632 : vector<16xf32>
      %get3A_634 = arith.constant 64 : index
      %get3A_635 = tpu.vector_load %arg14[%get3A_634] {strides = array<i32>} : memref<352xf32, #tpu.memory_space<vmem>>, vector<16xf32>,
      %slice3A_636 = vector.extract_strided_slice %get3A_635 {offsets = [6], sizes = [1], strides = [1]} : vector<16xf32> to vector<1xf32>
      %squeeze3A_637 = vector.extract %slice3A_636[0] : f32 from vector<1xf32>
      %mul3A_638 = vector.broadcast %squeeze3A_637 : f32 to vector<16xf32>
      %mul3A_639 = arith.mulf %mul3A_149, %mul3A_638 : vector<16xf32>
      %add3A_640 = arith.addf %add3A_633, %mul3A_639 : vector<16xf32>
      %get3A_641 = arith.constant 80 : index
      %get3A_642 = tpu.vector_load %arg14[%get3A_641] {strides = array<i32>} : memref<352xf32, #tpu.memory_space<vmem>>, vector<16xf32>,
      %slice3A_643 = vector.extract_strided_slice %get3A_642 {offsets = [10], sizes = [1], strides = [1]} : vector<16xf32> to vector<1xf32>
      %squeeze3A_644 = vector.extract %slice3A_643[0] : f32 from vector<1xf32>
      %mul3A_645 = vector.broadcast %squeeze3A_644 : f32 to vector<16xf32>
      %mul3A_646 = arith.mulf %mul3A_163, %mul3A_645 : vector<16xf32>
      %add3A_647 = arith.addf %add3A_640, %mul3A_646 : vector<16xf32>
      %get3A_648 = arith.constant 96 : index
      %get3A_649 = tpu.vector_load %arg14[%get3A_648] {strides = array<i32>} : memref<352xf32, #tpu.memory_space<vmem>>, vector<16xf32>,
      %slice3A_650 = vector.extract_strided_slice %get3A_649 {offsets = [14], sizes = [1], strides = [1]} : vector<16xf32> to vector<1xf32>
      %squeeze3A_651 = vector.extract %slice3A_650[0] : f32 from vector<1xf32>
      %mul3A_652 = vector.broadcast %squeeze3A_651 : f32 to vector<16xf32>
      %mul3A_653 = arith.mulf %mul3A_177, %mul3A_652 : vector<16xf32>
      %add3A_654 = arith.addf %add3A_647, %mul3A_653 : vector<16xf32>
      %mul3A_655 = arith.constant 0.00999999977 : f32
      %mul3A_656 = vector.broadcast %mul3A_655 : f32 to vector<16xf32>
      %mul3A_657 = arith.mulf %mul3A_656, %add3A_654 : vector<16xf32>
      %max3A_658 = arith.maximumf %add3A_654, %mul3A_657 : vector<16xf32>
      %get3A_659 = arith.constant 128 : index
      %get3A_660 = tpu.vector_load %arg14[%get3A_659] {strides = array<i32>} : memref<352xf32, #tpu.memory_space<vmem>>, vector<16xf32>,
      %slice3A_661 = vector.extract_strided_slice %get3A_660 {offsets = [3], sizes = [1], strides = [1]} : vector<16xf32> to vector<1xf32>
      %squeeze3A_662 = vector.extract %slice3A_661[0] : f32 from vector<1xf32>
      %get3A_663 = arith.constant 16 : index
      %get3A_664 = tpu.vector_load %arg14[%get3A_663] {strides = array<i32>} : memref<352xf32, #tpu.memory_space<vmem>>, vector<16xf32>,
      %slice3A_665 = vector.extract_strided_slice %get3A_664 {offsets = [15], sizes = [1], strides = [1]} : vector<16xf32> to vector<1xf32>
      %squeeze3A_666 = vector.extract %slice3A_665[0] : f32 from vector<1xf32>
      %mul3A_667 = vector.broadcast %squeeze3A_666 : f32 to vector<16xf32>
      %mul3A_668 = arith.mulf %mul3A_121, %mul3A_667 : vector<16xf32>
      %add3A_669 = vector.broadcast %squeeze3A_662 : f32 to vector<16xf32>
      %add3A_670 = arith.addf %add3A_669, %mul3A_668 : vector<16xf32>
      %get3A_671 = arith.constant 48 : index
      %get3A_672 = tpu.vector_load %arg14[%get3A_671] {strides = array<i32>} : memref<352xf32, #tpu.memory_space<vmem>>, vector<16xf32>,
      %slice3A_673 = vector.extract_strided_slice %get3A_672 {offsets = [3], sizes = [1], strides = [1]} : vector<16xf32> to vector<1xf32>
      %squeeze3A_674 = vector.extract %slice3A_673[0] : f32 from vector<1xf32>
      %mul3A_675 = vector.broadcast %squeeze3A_674 : f32 to vector<16xf32>
      %mul3A_676 = arith.mulf %mul3A_135, %mul3A_675 : vector<16xf32>
      %add3A_677 = arith.addf %add3A_670, %mul3A_676 : vector<16xf32>
      %get3A_678 = arith.constant 64 : index
      %get3A_679 = tpu.vector_load %arg14[%get3A_678] {strides = array<i32>} : memref<352xf32, #tpu.memory_space<vmem>>, vector<16xf32>,
      %slice3A_680 = vector.extract_strided_slice %get3A_679 {offsets = [7], sizes = [1], strides = [1]} : vector<16xf32> to vector<1xf32>
      %squeeze3A_681 = vector.extract %slice3A_680[0] : f32 from vector<1xf32>
      %mul3A_682 = vector.broadcast %squeeze3A_681 : f32 to vector<16xf32>
      %mul3A_683 = arith.mulf %mul3A_149, %mul3A_682 : vector<16xf32>
      %add3A_684 = arith.addf %add3A_677, %mul3A_683 : vector<16xf32>
      %get3A_685 = arith.constant 80 : index
      %get3A_686 = tpu.vector_load %arg14[%get3A_685] {strides = array<i32>} : memref<352xf32, #tpu.memory_space<vmem>>, vector<16xf32>,
      %slice3A_687 = vector.extract_strided_slice %get3A_686 {offsets = [11], sizes = [1], strides = [1]} : vector<16xf32> to vector<1xf32>
      %squeeze3A_688 = vector.extract %slice3A_687[0] : f32 from vector<1xf32>
      %mul3A_689 = vector.broadcast %squeeze3A_688 : f32 to vector<16xf32>
      %mul3A_690 = arith.mulf %mul3A_163, %mul3A_689 : vector<16xf32>
      %add3A_691 = arith.addf %add3A_684, %mul3A_690 : vector<16xf32>
      %get3A_692 = arith.constant 96 : index
      %get3A_693 = tpu.vector_load %arg14[%get3A_692] {strides = array<i32>} : memref<352xf32, #tpu.memory_space<vmem>>, vector<16xf32>,
      %slice3A_694 = vector.extract_strided_slice %get3A_693 {offsets = [15], sizes = [1], strides = [1]} : vector<16xf32> to vector<1xf32>
      %squeeze3A_695 = vector.extract %slice3A_694[0] : f32 from vector<1xf32>
      %mul3A_696 = vector.broadcast %squeeze3A_695 : f32 to vector<16xf32>
      %mul3A_697 = arith.mulf %mul3A_177, %mul3A_696 : vector<16xf32>
      %add3A_698 = arith.addf %add3A_691, %mul3A_697 : vector<16xf32>
      %mul3A_699 = arith.constant 0.00999999977 : f32
      %mul3A_700 = vector.broadcast %mul3A_699 : f32 to vector<16xf32>
      %mul3A_701 = arith.mulf %mul3A_700, %add3A_698 : vector<16xf32>
      %max3A_702 = arith.maximumf %add3A_698, %mul3A_701 : vector<16xf32>
      %get3A_703 = arith.constant 128 : index
      %get3A_704 = tpu.vector_load %arg14[%get3A_703] {strides = array<i32>} : memref<352xf32, #tpu.memory_space<vmem>>, vector<16xf32>,
      %slice3A_705 = vector.extract_strided_slice %get3A_704 {offsets = [4], sizes = [1], strides = [1]} : vector<16xf32> to vector<1xf32>
      %squeeze3A_706 = vector.extract %slice3A_705[0] : f32 from vector<1xf32>
      %get3A_707 = arith.constant 32 : index
      %get3A_708 = tpu.vector_load %arg14[%get3A_707] {strides = array<i32>} : memref<352xf32, #tpu.memory_space<vmem>>, vector<16xf32>,
      %slice3A_709 = vector.extract_strided_slice %get3A_708 {offsets = [0], sizes = [1], strides = [1]} : vector<16xf32> to vector<1xf32>
      %squeeze3A_710 = vector.extract %slice3A_709[0] : f32 from vector<1xf32>
      %mul3A_711 = vector.broadcast %squeeze3A_710 : f32 to vector<16xf32>
      %mul3A_712 = arith.mulf %mul3A_121, %mul3A_711 : vector<16xf32>
      %add3A_713 = vector.broadcast %squeeze3A_706 : f32 to vector<16xf32>
      %add3A_714 = arith.addf %add3A_713, %mul3A_712 : vector<16xf32>
      %get3A_715 = arith.constant 48 : index
      %get3A_716 = tpu.vector_load %arg14[%get3A_715] {strides = array<i32>} : memref<352xf32, #tpu.memory_space<vmem>>, vector<16xf32>,
      %slice3A_717 = vector.extract_strided_slice %get3A_716 {offsets = [4], sizes = [1], strides = [1]} : vector<16xf32> to vector<1xf32>
      %squeeze3A_718 = vector.extract %slice3A_717[0] : f32 from vector<1xf32>
      %mul3A_719 = vector.broadcast %squeeze3A_718 : f32 to vector<16xf32>
      %mul3A_720 = arith.mulf %mul3A_135, %mul3A_719 : vector<16xf32>
      %add3A_721 = arith.addf %add3A_714, %mul3A_720 : vector<16xf32>
      %get3A_722 = arith.constant 64 : index
      %get3A_723 = tpu.vector_load %arg14[%get3A_722] {strides = array<i32>} : memref<352xf32, #tpu.memory_space<vmem>>, vector<16xf32>,
      %slice3A_724 = vector.extract_strided_slice %get3A_723 {offsets = [8], sizes = [1], strides = [1]} : vector<16xf32> to vector<1xf32>
      %squeeze3A_725 = vector.extract %slice3A_724[0] : f32 from vector<1xf32>
      %mul3A_726 = vector.broadcast %squeeze3A_725 : f32 to vector<16xf32>
      %mul3A_727 = arith.mulf %mul3A_149, %mul3A_726 : vector<16xf32>
      %add3A_728 = arith.addf %add3A_721, %mul3A_727 : vector<16xf32>
      %get3A_729 = arith.constant 80 : index
      %get3A_730 = tpu.vector_load %arg14[%get3A_729] {strides = array<i32>} : memref<352xf32, #tpu.memory_space<vmem>>, vector<16xf32>,
      %slice3A_731 = vector.extract_strided_slice %get3A_730 {offsets = [12], sizes = [1], strides = [1]} : vector<16xf32> to vector<1xf32>
      %squeeze3A_732 = vector.extract %slice3A_731[0] : f32 from vector<1xf32>
      %mul3A_733 = vector.broadcast %squeeze3A_732 : f32 to vector<16xf32>
      %mul3A_734 = arith.mulf %mul3A_163, %mul3A_733 : vector<16xf32>
      %add3A_735 = arith.addf %add3A_728, %mul3A_734 : vector<16xf32>
      %get3A_736 = arith.constant 112 : index
      %get3A_737 = tpu.vector_load %arg14[%get3A_736] {strides = array<i32>} : memref<352xf32, #tpu.memory_space<vmem>>, vector<16xf32>,
      %slice3A_738 = vector.extract_strided_slice %get3A_737 {offsets = [0], sizes = [1], strides = [1]} : vector<16xf32> to vector<1xf32>
      %squeeze3A_739 = vector.extract %slice3A_738[0] : f32 from vector<1xf32>
      %mul3A_740 = vector.broadcast %squeeze3A_739 : f32 to vector<16xf32>
      %mul3A_741 = arith.mulf %mul3A_177, %mul3A_740 : vector<16xf32>
      %add3A_742 = arith.addf %add3A_735, %mul3A_741 : vector<16xf32>
      %mul3A_743 = arith.constant 0.00999999977 : f32
      %mul3A_744 = vector.broadcast %mul3A_743 : f32 to vector<16xf32>
      %mul3A_745 = arith.mulf %mul3A_744, %add3A_742 : vector<16xf32>
      %max3A_746 = arith.maximumf %add3A_742, %mul3A_745 : vector<16xf32>
      %get3A_747 = arith.constant 128 : index
      %get3A_748 = tpu.vector_load %arg14[%get3A_747] {strides = array<i32>} : memref<352xf32, #tpu.memory_space<vmem>>, vector<16xf32>,
      %slice3A_749 = vector.extract_strided_slice %get3A_748 {offsets = [5], sizes = [1], strides = [1]} : vector<16xf32> to vector<1xf32>
      %squeeze3A_750 = vector.extract %slice3A_749[0] : f32 from vector<1xf32>
      %get3A_751 = arith.constant 32 : index
      %get3A_752 = tpu.vector_load %arg14[%get3A_751] {strides = array<i32>} : memref<352xf32, #tpu.memory_space<vmem>>, vector<16xf32>,
      %slice3A_753 = vector.extract_strided_slice %get3A_752 {offsets = [1], sizes = [1], strides = [1]} : vector<16xf32> to vector<1xf32>
      %squeeze3A_754 = vector.extract %slice3A_753[0] : f32 from vector<1xf32>
      %mul3A_755 = vector.broadcast %squeeze3A_754 : f32 to vector<16xf32>
      %mul3A_756 = arith.mulf %mul3A_121, %mul3A_755 : vector<16xf32>
      %add3A_757 = vector.broadcast %squeeze3A_750 : f32 to vector<16xf32>
      %add3A_758 = arith.addf %add3A_757, %mul3A_756 : vector<16xf32>
      %get3A_759 = arith.constant 48 : index
      %get3A_760 = tpu.vector_load %arg14[%get3A_759] {strides = array<i32>} : memref<352xf32, #tpu.memory_space<vmem>>, vector<16xf32>,
      %slice3A_761 = vector.extract_strided_slice %get3A_760 {offsets = [5], sizes = [1], strides = [1]} : vector<16xf32> to vector<1xf32>
      %squeeze3A_762 = vector.extract %slice3A_761[0] : f32 from vector<1xf32>
      %mul3A_763 = vector.broadcast %squeeze3A_762 : f32 to vector<16xf32>
      %mul3A_764 = arith.mulf %mul3A_135, %mul3A_763 : vector<16xf32>
      %add3A_765 = arith.addf %add3A_758, %mul3A_764 : vector<16xf32>
      %get3A_766 = arith.constant 64 : index
      %get3A_767 = tpu.vector_load %arg14[%get3A_766] {strides = array<i32>} : memref<352xf32, #tpu.memory_space<vmem>>, vector<16xf32>,
      %slice3A_768 = vector.extract_strided_slice %get3A_767 {offsets = [9], sizes = [1], strides = [1]} : vector<16xf32> to vector<1xf32>
      %squeeze3A_769 = vector.extract %slice3A_768[0] : f32 from vector<1xf32>
      %mul3A_770 = vector.broadcast %squeeze3A_769 : f32 to vector<16xf32>
      %mul3A_771 = arith.mulf %mul3A_149, %mul3A_770 : vector<16xf32>
      %add3A_772 = arith.addf %add3A_765, %mul3A_771 : vector<16xf32>
      %get3A_773 = arith.constant 80 : index
      %get3A_774 = tpu.vector_load %arg14[%get3A_773] {strides = array<i32>} : memref<352xf32, #tpu.memory_space<vmem>>, vector<16xf32>,
      %slice3A_775 = vector.extract_strided_slice %get3A_774 {offsets = [13], sizes = [1], strides = [1]} : vector<16xf32> to vector<1xf32>
      %squeeze3A_776 = vector.extract %slice3A_775[0] : f32 from vector<1xf32>
      %mul3A_777 = vector.broadcast %squeeze3A_776 : f32 to vector<16xf32>
      %mul3A_778 = arith.mulf %mul3A_163, %mul3A_777 : vector<16xf32>
      %add3A_779 = arith.addf %add3A_772, %mul3A_778 : vector<16xf32>
      %get3A_780 = arith.constant 112 : index
      %get3A_781 = tpu.vector_load %arg14[%get3A_780] {strides = array<i32>} : memref<352xf32, #tpu.memory_space<vmem>>, vector<16xf32>,
      %slice3A_782 = vector.extract_strided_slice %get3A_781 {offsets = [1], sizes = [1], strides = [1]} : vector<16xf32> to vector<1xf32>
      %squeeze3A_783 = vector.extract %slice3A_782[0] : f32 from vector<1xf32>
      %mul3A_784 = vector.broadcast %squeeze3A_783 : f32 to vector<16xf32>
      %mul3A_785 = arith.mulf %mul3A_177, %mul3A_784 : vector<16xf32>
      %add3A_786 = arith.addf %add3A_779, %mul3A_785 : vector<16xf32>
      %mul3A_787 = arith.constant 0.00999999977 : f32
      %mul3A_788 = vector.broadcast %mul3A_787 : f32 to vector<16xf32>
      %mul3A_789 = arith.mulf %mul3A_788, %add3A_786 : vector<16xf32>
      %max3A_790 = arith.maximumf %add3A_786, %mul3A_789 : vector<16xf32>
      %get3A_791 = arith.constant 128 : index
      %get3A_792 = tpu.vector_load %arg14[%get3A_791] {strides = array<i32>} : memref<352xf32, #tpu.memory_space<vmem>>, vector<16xf32>,
      %slice3A_793 = vector.extract_strided_slice %get3A_792 {offsets = [6], sizes = [1], strides = [1]} : vector<16xf32> to vector<1xf32>
      %squeeze3A_794 = vector.extract %slice3A_793[0] : f32 from vector<1xf32>
      %get3A_795 = arith.constant 32 : index
      %get3A_796 = tpu.vector_load %arg14[%get3A_795] {strides = array<i32>} : memref<352xf32, #tpu.memory_space<vmem>>, vector<16xf32>,
      %slice3A_797 = vector.extract_strided_slice %get3A_796 {offsets = [2], sizes = [1], strides = [1]} : vector<16xf32> to vector<1xf32>
      %squeeze3A_798 = vector.extract %slice3A_797[0] : f32 from vector<1xf32>
      %mul3A_799 = vector.broadcast %squeeze3A_798 : f32 to vector<16xf32>
      %mul3A_800 = arith.mulf %mul3A_121, %mul3A_799 : vector<16xf32>
      %add3A_801 = vector.broadcast %squeeze3A_794 : f32 to vector<16xf32>
      %add3A_802 = arith.addf %add3A_801, %mul3A_800 : vector<16xf32>
      %get3A_803 = arith.constant 48 : index
      %get3A_804 = tpu.vector_load %arg14[%get3A_803] {strides = array<i32>} : memref<352xf32, #tpu.memory_space<vmem>>, vector<16xf32>,
      %slice3A_805 = vector.extract_strided_slice %get3A_804 {offsets = [6], sizes = [1], strides = [1]} : vector<16xf32> to vector<1xf32>
      %squeeze3A_806 = vector.extract %slice3A_805[0] : f32 from vector<1xf32>
      %mul3A_807 = vector.broadcast %squeeze3A_806 : f32 to vector<16xf32>
      %mul3A_808 = arith.mulf %mul3A_135, %mul3A_807 : vector<16xf32>
      %add3A_809 = arith.addf %add3A_802, %mul3A_808 : vector<16xf32>
      %get3A_810 = arith.constant 64 : index
      %get3A_811 = tpu.vector_load %arg14[%get3A_810] {strides = array<i32>} : memref<352xf32, #tpu.memory_space<vmem>>, vector<16xf32>,
      %slice3A_812 = vector.extract_strided_slice %get3A_811 {offsets = [10], sizes = [1], strides = [1]} : vector<16xf32> to vector<1xf32>
      %squeeze3A_813 = vector.extract %slice3A_812[0] : f32 from vector<1xf32>
      %mul3A_814 = vector.broadcast %squeeze3A_813 : f32 to vector<16xf32>
      %mul3A_815 = arith.mulf %mul3A_149, %mul3A_814 : vector<16xf32>
      %add3A_816 = arith.addf %add3A_809, %mul3A_815 : vector<16xf32>
      %get3A_817 = arith.constant 80 : index
      %get3A_818 = tpu.vector_load %arg14[%get3A_817] {strides = array<i32>} : memref<352xf32, #tpu.memory_space<vmem>>, vector<16xf32>,
      %slice3A_819 = vector.extract_strided_slice %get3A_818 {offsets = [14], sizes = [1], strides = [1]} : vector<16xf32> to vector<1xf32>
      %squeeze3A_820 = vector.extract %slice3A_819[0] : f32 from vector<1xf32>
      %mul3A_821 = vector.broadcast %squeeze3A_820 : f32 to vector<16xf32>
      %mul3A_822 = arith.mulf %mul3A_163, %mul3A_821 : vector<16xf32>
      %add3A_823 = arith.addf %add3A_816, %mul3A_822 : vector<16xf32>
      %get3A_824 = arith.constant 112 : index
      %get3A_825 = tpu.vector_load %arg14[%get3A_824] {strides = array<i32>} : memref<352xf32, #tpu.memory_space<vmem>>, vector<16xf32>,
      %slice3A_826 = vector.extract_strided_slice %get3A_825 {offsets = [2], sizes = [1], strides = [1]} : vector<16xf32> to vector<1xf32>
      %squeeze3A_827 = vector.extract %slice3A_826[0] : f32 from vector<1xf32>
      %mul3A_828 = vector.broadcast %squeeze3A_827 : f32 to vector<16xf32>
      %mul3A_829 = arith.mulf %mul3A_177, %mul3A_828 : vector<16xf32>
      %add3A_830 = arith.addf %add3A_823, %mul3A_829 : vector<16xf32>
      %mul3A_831 = arith.constant 0.00999999977 : f32
      %mul3A_832 = vector.broadcast %mul3A_831 : f32 to vector<16xf32>
      %mul3A_833 = arith.mulf %mul3A_832, %add3A_830 : vector<16xf32>
      %max3A_834 = arith.maximumf %add3A_830, %mul3A_833 : vector<16xf32>
      %get3A_835 = arith.constant 128 : index
      %get3A_836 = tpu.vector_load %arg14[%get3A_835] {strides = array<i32>} : memref<352xf32, #tpu.memory_space<vmem>>, vector<16xf32>,
      %slice3A_837 = vector.extract_strided_slice %get3A_836 {offsets = [7], sizes = [1], strides = [1]} : vector<16xf32> to vector<1xf32>
      %squeeze3A_838 = vector.extract %slice3A_837[0] : f32 from vector<1xf32>
      %get3A_839 = arith.constant 32 : index
      %get3A_840 = tpu.vector_load %arg14[%get3A_839] {strides = array<i32>} : memref<352xf32, #tpu.memory_space<vmem>>, vector<16xf32>,
      %slice3A_841 = vector.extract_strided_slice %get3A_840 {offsets = [3], sizes = [1], strides = [1]} : vector<16xf32> to vector<1xf32>
      %squeeze3A_842 = vector.extract %slice3A_841[0] : f32 from vector<1xf32>
      %mul3A_843 = vector.broadcast %squeeze3A_842 : f32 to vector<16xf32>
      %mul3A_844 = arith.mulf %mul3A_121, %mul3A_843 : vector<16xf32>
      %add3A_845 = vector.broadcast %squeeze3A_838 : f32 to vector<16xf32>
      %add3A_846 = arith.addf %add3A_845, %mul3A_844 : vector<16xf32>
      %get3A_847 = arith.constant 48 : index
      %get3A_848 = tpu.vector_load %arg14[%get3A_847] {strides = array<i32>} : memref<352xf32, #tpu.memory_space<vmem>>, vector<16xf32>,
      %slice3A_849 = vector.extract_strided_slice %get3A_848 {offsets = [7], sizes = [1], strides = [1]} : vector<16xf32> to vector<1xf32>
      %squeeze3A_850 = vector.extract %slice3A_849[0] : f32 from vector<1xf32>
      %mul3A_851 = vector.broadcast %squeeze3A_850 : f32 to vector<16xf32>
      %mul3A_852 = arith.mulf %mul3A_135, %mul3A_851 : vector<16xf32>
      %add3A_853 = arith.addf %add3A_846, %mul3A_852 : vector<16xf32>
      %get3A_854 = arith.constant 64 : index
      %get3A_855 = tpu.vector_load %arg14[%get3A_854] {strides = array<i32>} : memref<352xf32, #tpu.memory_space<vmem>>, vector<16xf32>,
      %slice3A_856 = vector.extract_strided_slice %get3A_855 {offsets = [11], sizes = [1], strides = [1]} : vector<16xf32> to vector<1xf32>
      %squeeze3A_857 = vector.extract %slice3A_856[0] : f32 from vector<1xf32>
      %mul3A_858 = vector.broadcast %squeeze3A_857 : f32 to vector<16xf32>
      %mul3A_859 = arith.mulf %mul3A_149, %mul3A_858 : vector<16xf32>
      %add3A_860 = arith.addf %add3A_853, %mul3A_859 : vector<16xf32>
      %get3A_861 = arith.constant 80 : index
      %get3A_862 = tpu.vector_load %arg14[%get3A_861] {strides = array<i32>} : memref<352xf32, #tpu.memory_space<vmem>>, vector<16xf32>,
      %slice3A_863 = vector.extract_strided_slice %get3A_862 {offsets = [15], sizes = [1], strides = [1]} : vector<16xf32> to vector<1xf32>
      %squeeze3A_864 = vector.extract %slice3A_863[0] : f32 from vector<1xf32>
      %mul3A_865 = vector.broadcast %squeeze3A_864 : f32 to vector<16xf32>
      %mul3A_866 = arith.mulf %mul3A_163, %mul3A_865 : vector<16xf32>
      %add3A_867 = arith.addf %add3A_860, %mul3A_866 : vector<16xf32>
      %get3A_868 = arith.constant 112 : index
      %get3A_869 = tpu.vector_load %arg14[%get3A_868] {strides = array<i32>} : memref<352xf32, #tpu.memory_space<vmem>>, vector<16xf32>,
      %slice3A_870 = vector.extract_strided_slice %get3A_869 {offsets = [3], sizes = [1], strides = [1]} : vector<16xf32> to vector<1xf32>
      %squeeze3A_871 = vector.extract %slice3A_870[0] : f32 from vector<1xf32>
      %mul3A_872 = vector.broadcast %squeeze3A_871 : f32 to vector<16xf32>
      %mul3A_873 = arith.mulf %mul3A_177, %mul3A_872 : vector<16xf32>
      %add3A_874 = arith.addf %add3A_867, %mul3A_873 : vector<16xf32>
      %mul3A_875 = arith.constant 0.00999999977 : f32
      %mul3A_876 = vector.broadcast %mul3A_875 : f32 to vector<16xf32>
      %mul3A_877 = arith.mulf %mul3A_876, %add3A_874 : vector<16xf32>
      %max3A_878 = arith.maximumf %add3A_874, %mul3A_877 : vector<16xf32>
      %get3A_879 = arith.constant 128 : index
      %get3A_880 = tpu.vector_load %arg14[%get3A_879] {strides = array<i32>} : memref<352xf32, #tpu.memory_space<vmem>>, vector<16xf32>,
      %slice3A_881 = vector.extract_strided_slice %get3A_880 {offsets = [8], sizes = [1], strides = [1]} : vector<16xf32> to vector<1xf32>
      %squeeze3A_882 = vector.extract %slice3A_881[0] : f32 from vector<1xf32>
      %get3A_883 = arith.constant 32 : index
      %get3A_884 = tpu.vector_load %arg14[%get3A_883] {strides = array<i32>} : memref<352xf32, #tpu.memory_space<vmem>>, vector<16xf32>,
      %slice3A_885 = vector.extract_strided_slice %get3A_884 {offsets = [4], sizes = [1], strides = [1]} : vector<16xf32> to vector<1xf32>
      %squeeze3A_886 = vector.extract %slice3A_885[0] : f32 from vector<1xf32>
      %mul3A_887 = vector.broadcast %squeeze3A_886 : f32 to vector<16xf32>
      %mul3A_888 = arith.mulf %mul3A_121, %mul3A_887 : vector<16xf32>
      %add3A_889 = vector.broadcast %squeeze3A_882 : f32 to vector<16xf32>
      %add3A_890 = arith.addf %add3A_889, %mul3A_888 : vector<16xf32>
      %get3A_891 = arith.constant 48 : index
      %get3A_892 = tpu.vector_load %arg14[%get3A_891] {strides = array<i32>} : memref<352xf32, #tpu.memory_space<vmem>>, vector<16xf32>,
      %slice3A_893 = vector.extract_strided_slice %get3A_892 {offsets = [8], sizes = [1], strides = [1]} : vector<16xf32> to vector<1xf32>
      %squeeze3A_894 = vector.extract %slice3A_893[0] : f32 from vector<1xf32>
      %mul3A_895 = vector.broadcast %squeeze3A_894 : f32 to vector<16xf32>
      %mul3A_896 = arith.mulf %mul3A_135, %mul3A_895 : vector<16xf32>
      %add3A_897 = arith.addf %add3A_890, %mul3A_896 : vector<16xf32>
      %get3A_898 = arith.constant 64 : index
      %get3A_899 = tpu.vector_load %arg14[%get3A_898] {strides = array<i32>} : memref<352xf32, #tpu.memory_space<vmem>>, vector<16xf32>,
      %slice3A_900 = vector.extract_strided_slice %get3A_899 {offsets = [12], sizes = [1], strides = [1]} : vector<16xf32> to vector<1xf32>
      %squeeze3A_901 = vector.extract %slice3A_900[0] : f32 from vector<1xf32>
      %mul3A_902 = vector.broadcast %squeeze3A_901 : f32 to vector<16xf32>
      %mul3A_903 = arith.mulf %mul3A_149, %mul3A_902 : vector<16xf32>
      %add3A_904 = arith.addf %add3A_897, %mul3A_903 : vector<16xf32>
      %get3A_905 = arith.constant 96 : index
      %get3A_906 = tpu.vector_load %arg14[%get3A_905] {strides = array<i32>} : memref<352xf32, #tpu.memory_space<vmem>>, vector<16xf32>,
      %slice3A_907 = vector.extract_strided_slice %get3A_906 {offsets = [0], sizes = [1], strides = [1]} : vector<16xf32> to vector<1xf32>
      %squeeze3A_908 = vector.extract %slice3A_907[0] : f32 from vector<1xf32>
      %mul3A_909 = vector.broadcast %squeeze3A_908 : f32 to vector<16xf32>
      %mul3A_910 = arith.mulf %mul3A_163, %mul3A_909 : vector<16xf32>
      %add3A_911 = arith.addf %add3A_904, %mul3A_910 : vector<16xf32>
      %get3A_912 = arith.constant 112 : index
      %get3A_913 = tpu.vector_load %arg14[%get3A_912] {strides = array<i32>} : memref<352xf32, #tpu.memory_space<vmem>>, vector<16xf32>,
      %slice3A_914 = vector.extract_strided_slice %get3A_913 {offsets = [4], sizes = [1], strides = [1]} : vector<16xf32> to vector<1xf32>
      %squeeze3A_915 = vector.extract %slice3A_914[0] : f32 from vector<1xf32>
      %mul3A_916 = vector.broadcast %squeeze3A_915 : f32 to vector<16xf32>
      %mul3A_917 = arith.mulf %mul3A_177, %mul3A_916 : vector<16xf32>
      %add3A_918 = arith.addf %add3A_911, %mul3A_917 : vector<16xf32>
      %mul3A_919 = arith.constant 0.00999999977 : f32
      %mul3A_920 = vector.broadcast %mul3A_919 : f32 to vector<16xf32>
      %mul3A_921 = arith.mulf %mul3A_920, %add3A_918 : vector<16xf32>
      %max3A_922 = arith.maximumf %add3A_918, %mul3A_921 : vector<16xf32>
      %get3A_923 = arith.constant 128 : index
      %get3A_924 = tpu.vector_load %arg14[%get3A_923] {strides = array<i32>} : memref<352xf32, #tpu.memory_space<vmem>>, vector<16xf32>,
      %slice3A_925 = vector.extract_strided_slice %get3A_924 {offsets = [9], sizes = [1], strides = [1]} : vector<16xf32> to vector<1xf32>
      %squeeze3A_926 = vector.extract %slice3A_925[0] : f32 from vector<1xf32>
      %get3A_927 = arith.constant 32 : index
      %get3A_928 = tpu.vector_load %arg14[%get3A_927] {strides = array<i32>} : memref<352xf32, #tpu.memory_space<vmem>>, vector<16xf32>,
      %slice3A_929 = vector.extract_strided_slice %get3A_928 {offsets = [5], sizes = [1], strides = [1]} : vector<16xf32> to vector<1xf32>
      %squeeze3A_930 = vector.extract %slice3A_929[0] : f32 from vector<1xf32>
      %mul3A_931 = vector.broadcast %squeeze3A_930 : f32 to vector<16xf32>
      %mul3A_932 = arith.mulf %mul3A_121, %mul3A_931 : vector<16xf32>
      %add3A_933 = vector.broadcast %squeeze3A_926 : f32 to vector<16xf32>
      %add3A_934 = arith.addf %add3A_933, %mul3A_932 : vector<16xf32>
      %get3A_935 = arith.constant 48 : index
      %get3A_936 = tpu.vector_load %arg14[%get3A_935] {strides = array<i32>} : memref<352xf32, #tpu.memory_space<vmem>>, vector<16xf32>,
      %slice3A_937 = vector.extract_strided_slice %get3A_936 {offsets = [9], sizes = [1], strides = [1]} : vector<16xf32> to vector<1xf32>
      %squeeze3A_938 = vector.extract %slice3A_937[0] : f32 from vector<1xf32>
      %mul3A_939 = vector.broadcast %squeeze3A_938 : f32 to vector<16xf32>
      %mul3A_940 = arith.mulf %mul3A_135, %mul3A_939 : vector<16xf32>
      %add3A_941 = arith.addf %add3A_934, %mul3A_940 : vector<16xf32>
      %get3A_942 = arith.constant 64 : index
      %get3A_943 = tpu.vector_load %arg14[%get3A_942] {strides = array<i32>} : memref<352xf32, #tpu.memory_space<vmem>>, vector<16xf32>,
      %slice3A_944 = vector.extract_strided_slice %get3A_943 {offsets = [13], sizes = [1], strides = [1]} : vector<16xf32> to vector<1xf32>
      %squeeze3A_945 = vector.extract %slice3A_944[0] : f32 from vector<1xf32>
      %mul3A_946 = vector.broadcast %squeeze3A_945 : f32 to vector<16xf32>
      %mul3A_947 = arith.mulf %mul3A_149, %mul3A_946 : vector<16xf32>
      %add3A_948 = arith.addf %add3A_941, %mul3A_947 : vector<16xf32>
      %get3A_949 = arith.constant 96 : index
      %get3A_950 = tpu.vector_load %arg14[%get3A_949] {strides = array<i32>} : memref<352xf32, #tpu.memory_space<vmem>>, vector<16xf32>,
      %slice3A_951 = vector.extract_strided_slice %get3A_950 {offsets = [1], sizes = [1], strides = [1]} : vector<16xf32> to vector<1xf32>
      %squeeze3A_952 = vector.extract %slice3A_951[0] : f32 from vector<1xf32>
      %mul3A_953 = vector.broadcast %squeeze3A_952 : f32 to vector<16xf32>
      %mul3A_954 = arith.mulf %mul3A_163, %mul3A_953 : vector<16xf32>
      %add3A_955 = arith.addf %add3A_948, %mul3A_954 : vector<16xf32>
      %get3A_956 = arith.constant 112 : index
      %get3A_957 = tpu.vector_load %arg14[%get3A_956] {strides = array<i32>} : memref<352xf32, #tpu.memory_space<vmem>>, vector<16xf32>,
      %slice3A_958 = vector.extract_strided_slice %get3A_957 {offsets = [5], sizes = [1], strides = [1]} : vector<16xf32> to vector<1xf32>
      %squeeze3A_959 = vector.extract %slice3A_958[0] : f32 from vector<1xf32>
      %mul3A_960 = vector.broadcast %squeeze3A_959 : f32 to vector<16xf32>
      %mul3A_961 = arith.mulf %mul3A_177, %mul3A_960 : vector<16xf32>
      %add3A_962 = arith.addf %add3A_955, %mul3A_961 : vector<16xf32>
      %mul3A_963 = arith.constant 0.00999999977 : f32
      %mul3A_964 = vector.broadcast %mul3A_963 : f32 to vector<16xf32>
      %mul3A_965 = arith.mulf %mul3A_964, %add3A_962 : vector<16xf32>
      %max3A_966 = arith.maximumf %add3A_962, %mul3A_965 : vector<16xf32>
      %get3A_967 = arith.constant 128 : index
      %get3A_968 = tpu.vector_load %arg14[%get3A_967] {strides = array<i32>} : memref<352xf32, #tpu.memory_space<vmem>>, vector<16xf32>,
      %slice3A_969 = vector.extract_strided_slice %get3A_968 {offsets = [10], sizes = [1], strides = [1]} : vector<16xf32> to vector<1xf32>
      %squeeze3A_970 = vector.extract %slice3A_969[0] : f32 from vector<1xf32>
      %get3A_971 = arith.constant 32 : index
      %get3A_972 = tpu.vector_load %arg14[%get3A_971] {strides = array<i32>} : memref<352xf32, #tpu.memory_space<vmem>>, vector<16xf32>,
      %slice3A_973 = vector.extract_strided_slice %get3A_972 {offsets = [6], sizes = [1], strides = [1]} : vector<16xf32> to vector<1xf32>
      %squeeze3A_974 = vector.extract %slice3A_973[0] : f32 from vector<1xf32>
      %mul3A_975 = vector.broadcast %squeeze3A_974 : f32 to vector<16xf32>
      %mul3A_976 = arith.mulf %mul3A_121, %mul3A_975 : vector<16xf32>
      %add3A_977 = vector.broadcast %squeeze3A_970 : f32 to vector<16xf32>
      %add3A_978 = arith.addf %add3A_977, %mul3A_976 : vector<16xf32>
      %get3A_979 = arith.constant 48 : index
      %get3A_980 = tpu.vector_load %arg14[%get3A_979] {strides = array<i32>} : memref<352xf32, #tpu.memory_space<vmem>>, vector<16xf32>,
      %slice3A_981 = vector.extract_strided_slice %get3A_980 {offsets = [10], sizes = [1], strides = [1]} : vector<16xf32> to vector<1xf32>
      %squeeze3A_982 = vector.extract %slice3A_981[0] : f32 from vector<1xf32>
      %mul3A_983 = vector.broadcast %squeeze3A_982 : f32 to vector<16xf32>
      %mul3A_984 = arith.mulf %mul3A_135, %mul3A_983 : vector<16xf32>
      %add3A_985 = arith.addf %add3A_978, %mul3A_984 : vector<16xf32>
      %get3A_986 = arith.constant 64 : index
      %get3A_987 = tpu.vector_load %arg14[%get3A_986] {strides = array<i32>} : memref<352xf32, #tpu.memory_space<vmem>>, vector<16xf32>,
      %slice3A_988 = vector.extract_strided_slice %get3A_987 {offsets = [14], sizes = [1], strides = [1]} : vector<16xf32> to vector<1xf32>
      %squeeze3A_989 = vector.extract %slice3A_988[0] : f32 from vector<1xf32>
      %mul3A_990 = vector.broadcast %squeeze3A_989 : f32 to vector<16xf32>
      %mul3A_991 = arith.mulf %mul3A_149, %mul3A_990 : vector<16xf32>
      %add3A_992 = arith.addf %add3A_985, %mul3A_991 : vector<16xf32>
      %get3A_993 = arith.constant 96 : index
      %get3A_994 = tpu.vector_load %arg14[%get3A_993] {strides = array<i32>} : memref<352xf32, #tpu.memory_space<vmem>>, vector<16xf32>,
      %slice3A_995 = vector.extract_strided_slice %get3A_994 {offsets = [2], sizes = [1], strides = [1]} : vector<16xf32> to vector<1xf32>
      %squeeze3A_996 = vector.extract %slice3A_995[0] : f32 from vector<1xf32>
      %mul3A_997 = vector.broadcast %squeeze3A_996 : f32 to vector<16xf32>
      %mul3A_998 = arith.mulf %mul3A_163, %mul3A_997 : vector<16xf32>
      %add3A_999 = arith.addf %add3A_992, %mul3A_998 : vector<16xf32>
      %get3A_1000 = arith.constant 112 : index
      %get3A_1001 = tpu.vector_load %arg14[%get3A_1000] {strides = array<i32>} : memref<352xf32, #tpu.memory_space<vmem>>, vector<16xf32>,
      %slice3A_1002 = vector.extract_strided_slice %get3A_1001 {offsets = [6], sizes = [1], strides = [1]} : vector<16xf32> to vector<1xf32>
      %squeeze3A_1003 = vector.extract %slice3A_1002[0] : f32 from vector<1xf32>
      %mul3A_1004 = vector.broadcast %squeeze3A_1003 : f32 to vector<16xf32>
      %mul3A_1005 = arith.mulf %mul3A_177, %mul3A_1004 : vector<16xf32>
      %add3A_1006 = arith.addf %add3A_999, %mul3A_1005 : vector<16xf32>
      %mul3A_1007 = arith.constant 0.00999999977 : f32
      %mul3A_1008 = vector.broadcast %mul3A_1007 : f32 to vector<16xf32>
      %mul3A_1009 = arith.mulf %mul3A_1008, %add3A_1006 : vector<16xf32>
      %max3A_1010 = arith.maximumf %add3A_1006, %mul3A_1009 : vector<16xf32>
      %get3A_1011 = arith.constant 128 : index
      %get3A_1012 = tpu.vector_load %arg14[%get3A_1011] {strides = array<i32>} : memref<352xf32, #tpu.memory_space<vmem>>, vector<16xf32>,
      %slice3A_1013 = vector.extract_strided_slice %get3A_1012 {offsets = [11], sizes = [1], strides = [1]} : vector<16xf32> to vector<1xf32>
      %squeeze3A_1014 = vector.extract %slice3A_1013[0] : f32 from vector<1xf32>
      %get3A_1015 = arith.constant 32 : index
      %get3A_1016 = tpu.vector_load %arg14[%get3A_1015] {strides = array<i32>} : memref<352xf32, #tpu.memory_space<vmem>>, vector<16xf32>,
      %slice3A_1017 = vector.extract_strided_slice %get3A_1016 {offsets = [7], sizes = [1], strides = [1]} : vector<16xf32> to vector<1xf32>
      %squeeze3A_1018 = vector.extract %slice3A_1017[0] : f32 from vector<1xf32>
      %mul3A_1019 = vector.broadcast %squeeze3A_1018 : f32 to vector<16xf32>
      %mul3A_1020 = arith.mulf %mul3A_121, %mul3A_1019 : vector<16xf32>
      %add3A_1021 = vector.broadcast %squeeze3A_1014 : f32 to vector<16xf32>
      %add3A_1022 = arith.addf %add3A_1021, %mul3A_1020 : vector<16xf32>
      %get3A_1023 = arith.constant 48 : index
      %get3A_1024 = tpu.vector_load %arg14[%get3A_1023] {strides = array<i32>} : memref<352xf32, #tpu.memory_space<vmem>>, vector<16xf32>,
      %slice3A_1025 = vector.extract_strided_slice %get3A_1024 {offsets = [11], sizes = [1], strides = [1]} : vector<16xf32> to vector<1xf32>
      %squeeze3A_1026 = vector.extract %slice3A_1025[0] : f32 from vector<1xf32>
      %mul3A_1027 = vector.broadcast %squeeze3A_1026 : f32 to vector<16xf32>
      %mul3A_1028 = arith.mulf %mul3A_135, %mul3A_1027 : vector<16xf32>
      %add3A_1029 = arith.addf %add3A_1022, %mul3A_1028 : vector<16xf32>
      %get3A_1030 = arith.constant 64 : index
      %get3A_1031 = tpu.vector_load %arg14[%get3A_1030] {strides = array<i32>} : memref<352xf32, #tpu.memory_space<vmem>>, vector<16xf32>,
      %slice3A_1032 = vector.extract_strided_slice %get3A_1031 {offsets = [15], sizes = [1], strides = [1]} : vector<16xf32> to vector<1xf32>
      %squeeze3A_1033 = vector.extract %slice3A_1032[0] : f32 from vector<1xf32>
      %mul3A_1034 = vector.broadcast %squeeze3A_1033 : f32 to vector<16xf32>
      %mul3A_1035 = arith.mulf %mul3A_149, %mul3A_1034 : vector<16xf32>
      %add3A_1036 = arith.addf %add3A_1029, %mul3A_1035 : vector<16xf32>
      %get3A_1037 = arith.constant 96 : index
      %get3A_1038 = tpu.vector_load %arg14[%get3A_1037] {strides = array<i32>} : memref<352xf32, #tpu.memory_space<vmem>>, vector<16xf32>,
      %slice3A_1039 = vector.extract_strided_slice %get3A_1038 {offsets = [3], sizes = [1], strides = [1]} : vector<16xf32> to vector<1xf32>
      %squeeze3A_1040 = vector.extract %slice3A_1039[0] : f32 from vector<1xf32>
      %mul3A_1041 = vector.broadcast %squeeze3A_1040 : f32 to vector<16xf32>
      %mul3A_1042 = arith.mulf %mul3A_163, %mul3A_1041 : vector<16xf32>
      %add3A_1043 = arith.addf %add3A_1036, %mul3A_1042 : vector<16xf32>
      %get3A_1044 = arith.constant 112 : index
      %get3A_1045 = tpu.vector_load %arg14[%get3A_1044] {strides = array<i32>} : memref<352xf32, #tpu.memory_space<vmem>>, vector<16xf32>,
      %slice3A_1046 = vector.extract_strided_slice %get3A_1045 {offsets = [7], sizes = [1], strides = [1]} : vector<16xf32> to vector<1xf32>
      %squeeze3A_1047 = vector.extract %slice3A_1046[0] : f32 from vector<1xf32>
      %mul3A_1048 = vector.broadcast %squeeze3A_1047 : f32 to vector<16xf32>
      %mul3A_1049 = arith.mulf %mul3A_177, %mul3A_1048 : vector<16xf32>
      %add3A_1050 = arith.addf %add3A_1043, %mul3A_1049 : vector<16xf32>
      %mul3A_1051 = arith.constant 0.00999999977 : f32
      %mul3A_1052 = vector.broadcast %mul3A_1051 : f32 to vector<16xf32>
      %mul3A_1053 = arith.mulf %mul3A_1052, %add3A_1050 : vector<16xf32>
      %max3A_1054 = arith.maximumf %add3A_1050, %mul3A_1053 : vector<16xf32>
      %mul3A_1055 = arith.constant 16 : i32
      %mul3A_1056 = arith.muli %scan3A_104, %mul3A_1055 : i32
      %add3A_1057 = vector.broadcast %mul3A_1056 : i32 to vector<16xi32>
      %add3A_1058 = arith.addi %add3A_1057, %iota3A : vector<16xi32>
      %mul3A_1059 = arith.constant 10 : i32
      %mul3A_1060 = vector.broadcast %mul3A_1059 : i32 to vector<16xi32>
      %mul3A_1061 = arith.muli %add3A_1058, %mul3A_1060 : vector<16xi32>
      %get3A_1062 = arith.constant 336 : index
      %get3A_1063 = tpu.vector_load %arg14[%get3A_1062] {strides = array<i32>} : memref<352xf32, #tpu.memory_space<vmem>>, vector<16xf32>,
      %slice3A_1064 = vector.extract_strided_slice %get3A_1063 {offsets = [4], sizes = [1], strides = [1]} : vector<16xf32> to vector<1xf32>
      %squeeze3A_1065 = vector.extract %slice3A_1064[0] : f32 from vector<1xf32>
      %get3A_1066 = arith.constant 128 : index
      %get3A_1067 = tpu.vector_load %arg14[%get3A_1066] {strides = array<i32>} : memref<352xf32, #tpu.memory_space<vmem>>, vector<16xf32>,
      %slice3A_1068 = vector.extract_strided_slice %get3A_1067 {offsets = [12], sizes = [1], strides = [1]} : vector<16xf32> to vector<1xf32>
      %squeeze3A_1069 = vector.extract %slice3A_1068[0] : f32 from vector<1xf32>
      %mul3A_1070 = vector.broadcast %squeeze3A_1069 : f32 to vector<16xf32>
      %mul3A_1071 = arith.mulf %max3A, %mul3A_1070 : vector<16xf32>
      %add3A_1072 = vector.broadcast %squeeze3A_1065 : f32 to vector<16xf32>
      %add3A_1073 = arith.addf %add3A_1072, %mul3A_1071 : vector<16xf32>
      %get3A_1074 = arith.constant 144 : index
      %get3A_1075 = tpu.vector_load %arg14[%get3A_1074] {strides = array<i32>} : memref<352xf32, #tpu.memory_space<vmem>>, vector<16xf32>,
      %slice3A_1076 = vector.extract_strided_slice %get3A_1075 {offsets = [6], sizes = [1], strides = [1]} : vector<16xf32> to vector<1xf32>
      %squeeze3A_1077 = vector.extract %slice3A_1076[0] : f32 from vector<1xf32>
      %mul3A_1078 = vector.broadcast %squeeze3A_1077 : f32 to vector<16xf32>
      %mul3A_1079 = arith.mulf %max3A_262, %mul3A_1078 : vector<16xf32>
      %add3A_1080 = arith.addf %add3A_1073, %mul3A_1079 : vector<16xf32>
      %get3A_1081 = arith.constant 160 : index
      %get3A_1082 = tpu.vector_load %arg14[%get3A_1081] {strides = array<i32>} : memref<352xf32, #tpu.memory_space<vmem>>, vector<16xf32>,
      %slice3A_1083 = vector.extract_strided_slice %get3A_1082 {offsets = [0], sizes = [1], strides = [1]} : vector<16xf32> to vector<1xf32>
      %squeeze3A_1084 = vector.extract %slice3A_1083[0] : f32 from vector<1xf32>
      %mul3A_1085 = vector.broadcast %squeeze3A_1084 : f32 to vector<16xf32>
      %mul3A_1086 = arith.mulf %max3A_306, %mul3A_1085 : vector<16xf32>
      %add3A_1087 = arith.addf %add3A_1080, %mul3A_1086 : vector<16xf32>
      %get3A_1088 = arith.constant 160 : index
      %get3A_1089 = tpu.vector_load %arg14[%get3A_1088] {strides = array<i32>} : memref<352xf32, #tpu.memory_space<vmem>>, vector<16xf32>,
      %slice3A_1090 = vector.extract_strided_slice %get3A_1089 {offsets = [10], sizes = [1], strides = [1]} : vector<16xf32> to vector<1xf32>
      %squeeze3A_1091 = vector.extract %slice3A_1090[0] : f32 from vector<1xf32>
      %mul3A_1092 = vector.broadcast %squeeze3A_1091 : f32 to vector<16xf32>
      %mul3A_1093 = arith.mulf %max3A_350, %mul3A_1092 : vector<16xf32>
      %add3A_1094 = arith.addf %add3A_1087, %mul3A_1093 : vector<16xf32>
      %get3A_1095 = arith.constant 176 : index
      %get3A_1096 = tpu.vector_load %arg14[%get3A_1095] {strides = array<i32>} : memref<352xf32, #tpu.memory_space<vmem>>, vector<16xf32>,
      %slice3A_1097 = vector.extract_strided_slice %get3A_1096 {offsets = [4], sizes = [1], strides = [1]} : vector<16xf32> to vector<1xf32>
      %squeeze3A_1098 = vector.extract %slice3A_1097[0] : f32 from vector<1xf32>
      %mul3A_1099 = vector.broadcast %squeeze3A_1098 : f32 to vector<16xf32>
      %mul3A_1100 = arith.mulf %max3A_394, %mul3A_1099 : vector<16xf32>
      %add3A_1101 = arith.addf %add3A_1094, %mul3A_1100 : vector<16xf32>
      %get3A_1102 = arith.constant 176 : index
      %get3A_1103 = tpu.vector_load %arg14[%get3A_1102] {strides = array<i32>} : memref<352xf32, #tpu.memory_space<vmem>>, vector<16xf32>,
      %slice3A_1104 = vector.extract_strided_slice %get3A_1103 {offsets = [14], sizes = [1], strides = [1]} : vector<16xf32> to vector<1xf32>
      %squeeze3A_1105 = vector.extract %slice3A_1104[0] : f32 from vector<1xf32>
      %mul3A_1106 = vector.broadcast %squeeze3A_1105 : f32 to vector<16xf32>
      %mul3A_1107 = arith.mulf %max3A_438, %mul3A_1106 : vector<16xf32>
      %add3A_1108 = arith.addf %add3A_1101, %mul3A_1107 : vector<16xf32>
      %get3A_1109 = arith.constant 192 : index
      %get3A_1110 = tpu.vector_load %arg14[%get3A_1109] {strides = array<i32>} : memref<352xf32, #tpu.memory_space<vmem>>, vector<16xf32>,
      %slice3A_1111 = vector.extract_strided_slice %get3A_1110 {offsets = [8], sizes = [1], strides = [1]} : vector<16xf32> to vector<1xf32>
      %squeeze3A_1112 = vector.extract %slice3A_1111[0] : f32 from vector<1xf32>
      %mul3A_1113 = vector.broadcast %squeeze3A_1112 : f32 to vector<16xf32>
      %mul3A_1114 = arith.mulf %max3A_482, %mul3A_1113 : vector<16xf32>
      %add3A_1115 = arith.addf %add3A_1108, %mul3A_1114 : vector<16xf32>
      %get3A_1116 = arith.constant 208 : index
      %get3A_1117 = tpu.vector_load %arg14[%get3A_1116] {strides = array<i32>} : memref<352xf32, #tpu.memory_space<vmem>>, vector<16xf32>,
      %slice3A_1118 = vector.extract_strided_slice %get3A_1117 {offsets = [2], sizes = [1], strides = [1]} : vector<16xf32> to vector<1xf32>
      %squeeze3A_1119 = vector.extract %slice3A_1118[0] : f32 from vector<1xf32>
      %mul3A_1120 = vector.broadcast %squeeze3A_1119 : f32 to vector<16xf32>
      %mul3A_1121 = arith.mulf %max3A_526, %mul3A_1120 : vector<16xf32>
      %add3A_1122 = arith.addf %add3A_1115, %mul3A_1121 : vector<16xf32>
      %get3A_1123 = arith.constant 208 : index
      %get3A_1124 = tpu.vector_load %arg14[%get3A_1123] {strides = array<i32>} : memref<352xf32, #tpu.memory_space<vmem>>, vector<16xf32>,
      %slice3A_1125 = vector.extract_strided_slice %get3A_1124 {offsets = [12], sizes = [1], strides = [1]} : vector<16xf32> to vector<1xf32>
      %squeeze3A_1126 = vector.extract %slice3A_1125[0] : f32 from vector<1xf32>
      %mul3A_1127 = vector.broadcast %squeeze3A_1126 : f32 to vector<16xf32>
      %mul3A_1128 = arith.mulf %max3A_570, %mul3A_1127 : vector<16xf32>
      %add3A_1129 = arith.addf %add3A_1122, %mul3A_1128 : vector<16xf32>
      %get3A_1130 = arith.constant 224 : index
      %get3A_1131 = tpu.vector_load %arg14[%get3A_1130] {strides = array<i32>} : memref<352xf32, #tpu.memory_space<vmem>>, vector<16xf32>,
      %slice3A_1132 = vector.extract_strided_slice %get3A_1131 {offsets = [6], sizes = [1], strides = [1]} : vector<16xf32> to vector<1xf32>
      %squeeze3A_1133 = vector.extract %slice3A_1132[0] : f32 from vector<1xf32>
      %mul3A_1134 = vector.broadcast %squeeze3A_1133 : f32 to vector<16xf32>
      %mul3A_1135 = arith.mulf %max3A_614, %mul3A_1134 : vector<16xf32>
      %add3A_1136 = arith.addf %add3A_1129, %mul3A_1135 : vector<16xf32>
      %get3A_1137 = arith.constant 240 : index
      %get3A_1138 = tpu.vector_load %arg14[%get3A_1137] {strides = array<i32>} : memref<352xf32, #tpu.memory_space<vmem>>, vector<16xf32>,
      %slice3A_1139 = vector.extract_strided_slice %get3A_1138 {offsets = [0], sizes = [1], strides = [1]} : vector<16xf32> to vector<1xf32>
      %squeeze3A_1140 = vector.extract %slice3A_1139[0] : f32 from vector<1xf32>
      %mul3A_1141 = vector.broadcast %squeeze3A_1140 : f32 to vector<16xf32>
      %mul3A_1142 = arith.mulf %max3A_658, %mul3A_1141 : vector<16xf32>
      %add3A_1143 = arith.addf %add3A_1136, %mul3A_1142 : vector<16xf32>
      %get3A_1144 = arith.constant 240 : index
      %get3A_1145 = tpu.vector_load %arg14[%get3A_1144] {strides = array<i32>} : memref<352xf32, #tpu.memory_space<vmem>>, vector<16xf32>,
      %slice3A_1146 = vector.extract_strided_slice %get3A_1145 {offsets = [10], sizes = [1], strides = [1]} : vector<16xf32> to vector<1xf32>
      %squeeze3A_1147 = vector.extract %slice3A_1146[0] : f32 from vector<1xf32>
      %mul3A_1148 = vector.broadcast %squeeze3A_1147 : f32 to vector<16xf32>
      %mul3A_1149 = arith.mulf %max3A_702, %mul3A_1148 : vector<16xf32>
      %add3A_1150 = arith.addf %add3A_1143, %mul3A_1149 : vector<16xf32>
      %get3A_1151 = arith.constant 256 : index
      %get3A_1152 = tpu.vector_load %arg14[%get3A_1151] {strides = array<i32>} : memref<352xf32, #tpu.memory_space<vmem>>, vector<16xf32>,
      %slice3A_1153 = vector.extract_strided_slice %get3A_1152 {offsets = [4], sizes = [1], strides = [1]} : vector<16xf32> to vector<1xf32>
      %squeeze3A_1154 = vector.extract %slice3A_1153[0] : f32 from vector<1xf32>
      %mul3A_1155 = vector.broadcast %squeeze3A_1154 : f32 to vector<16xf32>
      %mul3A_1156 = arith.mulf %max3A_746, %mul3A_1155 : vector<16xf32>
      %add3A_1157 = arith.addf %add3A_1150, %mul3A_1156 : vector<16xf32>
      %get3A_1158 = arith.constant 256 : index
      %get3A_1159 = tpu.vector_load %arg14[%get3A_1158] {strides = array<i32>} : memref<352xf32, #tpu.memory_space<vmem>>, vector<16xf32>,
      %slice3A_1160 = vector.extract_strided_slice %get3A_1159 {offsets = [14], sizes = [1], strides = [1]} : vector<16xf32> to vector<1xf32>
      %squeeze3A_1161 = vector.extract %slice3A_1160[0] : f32 from vector<1xf32>
      %mul3A_1162 = vector.broadcast %squeeze3A_1161 : f32 to vector<16xf32>
      %mul3A_1163 = arith.mulf %max3A_790, %mul3A_1162 : vector<16xf32>
      %add3A_1164 = arith.addf %add3A_1157, %mul3A_1163 : vector<16xf32>
      %get3A_1165 = arith.constant 272 : index
      %get3A_1166 = tpu.vector_load %arg14[%get3A_1165] {strides = array<i32>} : memref<352xf32, #tpu.memory_space<vmem>>, vector<16xf32>,
      %slice3A_1167 = vector.extract_strided_slice %get3A_1166 {offsets = [8], sizes = [1], strides = [1]} : vector<16xf32> to vector<1xf32>
      %squeeze3A_1168 = vector.extract %slice3A_1167[0] : f32 from vector<1xf32>
      %mul3A_1169 = vector.broadcast %squeeze3A_1168 : f32 to vector<16xf32>
      %mul3A_1170 = arith.mulf %max3A_834, %mul3A_1169 : vector<16xf32>
      %add3A_1171 = arith.addf %add3A_1164, %mul3A_1170 : vector<16xf32>
      %get3A_1172 = arith.constant 288 : index
      %get3A_1173 = tpu.vector_load %arg14[%get3A_1172] {strides = array<i32>} : memref<352xf32, #tpu.memory_space<vmem>>, vector<16xf32>,
      %slice3A_1174 = vector.extract_strided_slice %get3A_1173 {offsets = [2], sizes = [1], strides = [1]} : vector<16xf32> to vector<1xf32>
      %squeeze3A_1175 = vector.extract %slice3A_1174[0] : f32 from vector<1xf32>
      %mul3A_1176 = vector.broadcast %squeeze3A_1175 : f32 to vector<16xf32>
      %mul3A_1177 = arith.mulf %max3A_878, %mul3A_1176 : vector<16xf32>
      %add3A_1178 = arith.addf %add3A_1171, %mul3A_1177 : vector<16xf32>
      %get3A_1179 = arith.constant 288 : index
      %get3A_1180 = tpu.vector_load %arg14[%get3A_1179] {strides = array<i32>} : memref<352xf32, #tpu.memory_space<vmem>>, vector<16xf32>,
      %slice3A_1181 = vector.extract_strided_slice %get3A_1180 {offsets = [12], sizes = [1], strides = [1]} : vector<16xf32> to vector<1xf32>
      %squeeze3A_1182 = vector.extract %slice3A_1181[0] : f32 from vector<1xf32>
      %mul3A_1183 = vector.broadcast %squeeze3A_1182 : f32 to vector<16xf32>
      %mul3A_1184 = arith.mulf %max3A_922, %mul3A_1183 : vector<16xf32>
      %add3A_1185 = arith.addf %add3A_1178, %mul3A_1184 : vector<16xf32>
      %get3A_1186 = arith.constant 304 : index
      %get3A_1187 = tpu.vector_load %arg14[%get3A_1186] {strides = array<i32>} : memref<352xf32, #tpu.memory_space<vmem>>, vector<16xf32>,
      %slice3A_1188 = vector.extract_strided_slice %get3A_1187 {offsets = [6], sizes = [1], strides = [1]} : vector<16xf32> to vector<1xf32>
      %squeeze3A_1189 = vector.extract %slice3A_1188[0] : f32 from vector<1xf32>
      %mul3A_1190 = vector.broadcast %squeeze3A_1189 : f32 to vector<16xf32>
      %mul3A_1191 = arith.mulf %max3A_966, %mul3A_1190 : vector<16xf32>
      %add3A_1192 = arith.addf %add3A_1185, %mul3A_1191 : vector<16xf32>
      %get3A_1193 = arith.constant 320 : index
      %get3A_1194 = tpu.vector_load %arg14[%get3A_1193] {strides = array<i32>} : memref<352xf32, #tpu.memory_space<vmem>>, vector<16xf32>,
      %slice3A_1195 = vector.extract_strided_slice %get3A_1194 {offsets = [0], sizes = [1], strides = [1]} : vector<16xf32> to vector<1xf32>
      %squeeze3A_1196 = vector.extract %slice3A_1195[0] : f32 from vector<1xf32>
      %mul3A_1197 = vector.broadcast %squeeze3A_1196 : f32 to vector<16xf32>
      %mul3A_1198 = arith.mulf %max3A_1010, %mul3A_1197 : vector<16xf32>
      %add3A_1199 = arith.addf %add3A_1192, %mul3A_1198 : vector<16xf32>
      %get3A_1200 = arith.constant 320 : index
      %get3A_1201 = tpu.vector_load %arg14[%get3A_1200] {strides = array<i32>} : memref<352xf32, #tpu.memory_space<vmem>>, vector<16xf32>,
      %slice3A_1202 = vector.extract_strided_slice %get3A_1201 {offsets = [10], sizes = [1], strides = [1]} : vector<16xf32> to vector<1xf32>
      %squeeze3A_1203 = vector.extract %slice3A_1202[0] : f32 from vector<1xf32>
      %mul3A_1204 = vector.broadcast %squeeze3A_1203 : f32 to vector<16xf32>
      %mul3A_1205 = arith.mulf %max3A_1054, %mul3A_1204 : vector<16xf32>
      %add3A_1206 = arith.addf %add3A_1199, %mul3A_1205 : vector<16xf32>
      %mul3A_1207 = arith.constant 0.00999999977 : f32
      %mul3A_1208 = vector.broadcast %mul3A_1207 : f32 to vector<16xf32>
      %mul3A_1209 = arith.mulf %mul3A_1208, %add3A_1206 : vector<16xf32>
      %max3A_1210 = arith.maximumf %add3A_1206, %mul3A_1209 : vector<16xf32>
      %add3A_1211 = arith.constant 0 : i32
      %add3A_1212 = vector.broadcast %add3A_1211 : i32 to vector<16xi32>
      %add3A_1213 = arith.addi %mul3A_1061, %add3A_1212 : vector<16xi32>
      tpu.vector_store_idx %arg15[%add3A_1213], %max3A_1210 : memref<3680xf32, #tpu.memory_space<vmem>>[vector<16xi32>], vector<16xf32>,
      %get3A_1214 = arith.constant 336 : index
      %get3A_1215 = tpu.vector_load %arg14[%get3A_1214] {strides = array<i32>} : memref<352xf32, #tpu.memory_space<vmem>>, vector<16xf32>,
      %slice3A_1216 = vector.extract_strided_slice %get3A_1215 {offsets = [5], sizes = [1], strides = [1]} : vector<16xf32> to vector<1xf32>
      %squeeze3A_1217 = vector.extract %slice3A_1216[0] : f32 from vector<1xf32>
      %get3A_1218 = arith.constant 128 : index
      %get3A_1219 = tpu.vector_load %arg14[%get3A_1218] {strides = array<i32>} : memref<352xf32, #tpu.memory_space<vmem>>, vector<16xf32>,
      %slice3A_1220 = vector.extract_strided_slice %get3A_1219 {offsets = [13], sizes = [1], strides = [1]} : vector<16xf32> to vector<1xf32>
      %squeeze3A_1221 = vector.extract %slice3A_1220[0] : f32 from vector<1xf32>
      %mul3A_1222 = vector.broadcast %squeeze3A_1221 : f32 to vector<16xf32>
      %mul3A_1223 = arith.mulf %max3A, %mul3A_1222 : vector<16xf32>
      %add3A_1224 = vector.broadcast %squeeze3A_1217 : f32 to vector<16xf32>
      %add3A_1225 = arith.addf %add3A_1224, %mul3A_1223 : vector<16xf32>
      %get3A_1226 = arith.constant 144 : index
      %get3A_1227 = tpu.vector_load %arg14[%get3A_1226] {strides = array<i32>} : memref<352xf32, #tpu.memory_space<vmem>>, vector<16xf32>,
      %slice3A_1228 = vector.extract_strided_slice %get3A_1227 {offsets = [7], sizes = [1], strides = [1]} : vector<16xf32> to vector<1xf32>
      %squeeze3A_1229 = vector.extract %slice3A_1228[0] : f32 from vector<1xf32>
      %mul3A_1230 = vector.broadcast %squeeze3A_1229 : f32 to vector<16xf32>
      %mul3A_1231 = arith.mulf %max3A_262, %mul3A_1230 : vector<16xf32>
      %add3A_1232 = arith.addf %add3A_1225, %mul3A_1231 : vector<16xf32>
      %get3A_1233 = arith.constant 160 : index
      %get3A_1234 = tpu.vector_load %arg14[%get3A_1233] {strides = array<i32>} : memref<352xf32, #tpu.memory_space<vmem>>, vector<16xf32>,
      %slice3A_1235 = vector.extract_strided_slice %get3A_1234 {offsets = [1], sizes = [1], strides = [1]} : vector<16xf32> to vector<1xf32>
      %squeeze3A_1236 = vector.extract %slice3A_1235[0] : f32 from vector<1xf32>
      %mul3A_1237 = vector.broadcast %squeeze3A_1236 : f32 to vector<16xf32>
      %mul3A_1238 = arith.mulf %max3A_306, %mul3A_1237 : vector<16xf32>
      %add3A_1239 = arith.addf %add3A_1232, %mul3A_1238 : vector<16xf32>
      %get3A_1240 = arith.constant 160 : index
      %get3A_1241 = tpu.vector_load %arg14[%get3A_1240] {strides = array<i32>} : memref<352xf32, #tpu.memory_space<vmem>>, vector<16xf32>,
      %slice3A_1242 = vector.extract_strided_slice %get3A_1241 {offsets = [11], sizes = [1], strides = [1]} : vector<16xf32> to vector<1xf32>
      %squeeze3A_1243 = vector.extract %slice3A_1242[0] : f32 from vector<1xf32>
      %mul3A_1244 = vector.broadcast %squeeze3A_1243 : f32 to vector<16xf32>
      %mul3A_1245 = arith.mulf %max3A_350, %mul3A_1244 : vector<16xf32>
      %add3A_1246 = arith.addf %add3A_1239, %mul3A_1245 : vector<16xf32>
      %get3A_1247 = arith.constant 176 : index
      %get3A_1248 = tpu.vector_load %arg14[%get3A_1247] {strides = array<i32>} : memref<352xf32, #tpu.memory_space<vmem>>, vector<16xf32>,
      %slice3A_1249 = vector.extract_strided_slice %get3A_1248 {offsets = [5], sizes = [1], strides = [1]} : vector<16xf32> to vector<1xf32>
      %squeeze3A_1250 = vector.extract %slice3A_1249[0] : f32 from vector<1xf32>
      %mul3A_1251 = vector.broadcast %squeeze3A_1250 : f32 to vector<16xf32>
      %mul3A_1252 = arith.mulf %max3A_394, %mul3A_1251 : vector<16xf32>
      %add3A_1253 = arith.addf %add3A_1246, %mul3A_1252 : vector<16xf32>
      %get3A_1254 = arith.constant 176 : index
      %get3A_1255 = tpu.vector_load %arg14[%get3A_1254] {strides = array<i32>} : memref<352xf32, #tpu.memory_space<vmem>>, vector<16xf32>,
      %slice3A_1256 = vector.extract_strided_slice %get3A_1255 {offsets = [15], sizes = [1], strides = [1]} : vector<16xf32> to vector<1xf32>
      %squeeze3A_1257 = vector.extract %slice3A_1256[0] : f32 from vector<1xf32>
      %mul3A_1258 = vector.broadcast %squeeze3A_1257 : f32 to vector<16xf32>
      %mul3A_1259 = arith.mulf %max3A_438, %mul3A_1258 : vector<16xf32>
      %add3A_1260 = arith.addf %add3A_1253, %mul3A_1259 : vector<16xf32>
      %get3A_1261 = arith.constant 192 : index
      %get3A_1262 = tpu.vector_load %arg14[%get3A_1261] {strides = array<i32>} : memref<352xf32, #tpu.memory_space<vmem>>, vector<16xf32>,
      %slice3A_1263 = vector.extract_strided_slice %get3A_1262 {offsets = [9], sizes = [1], strides = [1]} : vector<16xf32> to vector<1xf32>
      %squeeze3A_1264 = vector.extract %slice3A_1263[0] : f32 from vector<1xf32>
      %mul3A_1265 = vector.broadcast %squeeze3A_1264 : f32 to vector<16xf32>
      %mul3A_1266 = arith.mulf %max3A_482, %mul3A_1265 : vector<16xf32>
      %add3A_1267 = arith.addf %add3A_1260, %mul3A_1266 : vector<16xf32>
      %get3A_1268 = arith.constant 208 : index
      %get3A_1269 = tpu.vector_load %arg14[%get3A_1268] {strides = array<i32>} : memref<352xf32, #tpu.memory_space<vmem>>, vector<16xf32>,
      %slice3A_1270 = vector.extract_strided_slice %get3A_1269 {offsets = [3], sizes = [1], strides = [1]} : vector<16xf32> to vector<1xf32>
      %squeeze3A_1271 = vector.extract %slice3A_1270[0] : f32 from vector<1xf32>
      %mul3A_1272 = vector.broadcast %squeeze3A_1271 : f32 to vector<16xf32>
      %mul3A_1273 = arith.mulf %max3A_526, %mul3A_1272 : vector<16xf32>
      %add3A_1274 = arith.addf %add3A_1267, %mul3A_1273 : vector<16xf32>
      %get3A_1275 = arith.constant 208 : index
      %get3A_1276 = tpu.vector_load %arg14[%get3A_1275] {strides = array<i32>} : memref<352xf32, #tpu.memory_space<vmem>>, vector<16xf32>,
      %slice3A_1277 = vector.extract_strided_slice %get3A_1276 {offsets = [13], sizes = [1], strides = [1]} : vector<16xf32> to vector<1xf32>
      %squeeze3A_1278 = vector.extract %slice3A_1277[0] : f32 from vector<1xf32>
      %mul3A_1279 = vector.broadcast %squeeze3A_1278 : f32 to vector<16xf32>
      %mul3A_1280 = arith.mulf %max3A_570, %mul3A_1279 : vector<16xf32>
      %add3A_1281 = arith.addf %add3A_1274, %mul3A_1280 : vector<16xf32>
      %get3A_1282 = arith.constant 224 : index
      %get3A_1283 = tpu.vector_load %arg14[%get3A_1282] {strides = array<i32>} : memref<352xf32, #tpu.memory_space<vmem>>, vector<16xf32>,
      %slice3A_1284 = vector.extract_strided_slice %get3A_1283 {offsets = [7], sizes = [1], strides = [1]} : vector<16xf32> to vector<1xf32>
      %squeeze3A_1285 = vector.extract %slice3A_1284[0] : f32 from vector<1xf32>
      %mul3A_1286 = vector.broadcast %squeeze3A_1285 : f32 to vector<16xf32>
      %mul3A_1287 = arith.mulf %max3A_614, %mul3A_1286 : vector<16xf32>
      %add3A_1288 = arith.addf %add3A_1281, %mul3A_1287 : vector<16xf32>
      %get3A_1289 = arith.constant 240 : index
      %get3A_1290 = tpu.vector_load %arg14[%get3A_1289] {strides = array<i32>} : memref<352xf32, #tpu.memory_space<vmem>>, vector<16xf32>,
      %slice3A_1291 = vector.extract_strided_slice %get3A_1290 {offsets = [1], sizes = [1], strides = [1]} : vector<16xf32> to vector<1xf32>
      %squeeze3A_1292 = vector.extract %slice3A_1291[0] : f32 from vector<1xf32>
      %mul3A_1293 = vector.broadcast %squeeze3A_1292 : f32 to vector<16xf32>
      %mul3A_1294 = arith.mulf %max3A_658, %mul3A_1293 : vector<16xf32>
      %add3A_1295 = arith.addf %add3A_1288, %mul3A_1294 : vector<16xf32>
      %get3A_1296 = arith.constant 240 : index
      %get3A_1297 = tpu.vector_load %arg14[%get3A_1296] {strides = array<i32>} : memref<352xf32, #tpu.memory_space<vmem>>, vector<16xf32>,
      %slice3A_1298 = vector.extract_strided_slice %get3A_1297 {offsets = [11], sizes = [1], strides = [1]} : vector<16xf32> to vector<1xf32>
      %squeeze3A_1299 = vector.extract %slice3A_1298[0] : f32 from vector<1xf32>
      %mul3A_1300 = vector.broadcast %squeeze3A_1299 : f32 to vector<16xf32>
      %mul3A_1301 = arith.mulf %max3A_702, %mul3A_1300 : vector<16xf32>
      %add3A_1302 = arith.addf %add3A_1295, %mul3A_1301 : vector<16xf32>
      %get3A_1303 = arith.constant 256 : index
      %get3A_1304 = tpu.vector_load %arg14[%get3A_1303] {strides = array<i32>} : memref<352xf32, #tpu.memory_space<vmem>>, vector<16xf32>,
      %slice3A_1305 = vector.extract_strided_slice %get3A_1304 {offsets = [5], sizes = [1], strides = [1]} : vector<16xf32> to vector<1xf32>
      %squeeze3A_1306 = vector.extract %slice3A_1305[0] : f32 from vector<1xf32>
      %mul3A_1307 = vector.broadcast %squeeze3A_1306 : f32 to vector<16xf32>
      %mul3A_1308 = arith.mulf %max3A_746, %mul3A_1307 : vector<16xf32>
      %add3A_1309 = arith.addf %add3A_1302, %mul3A_1308 : vector<16xf32>
      %get3A_1310 = arith.constant 256 : index
      %get3A_1311 = tpu.vector_load %arg14[%get3A_1310] {strides = array<i32>} : memref<352xf32, #tpu.memory_space<vmem>>, vector<16xf32>,
      %slice3A_1312 = vector.extract_strided_slice %get3A_1311 {offsets = [15], sizes = [1], strides = [1]} : vector<16xf32> to vector<1xf32>
      %squeeze3A_1313 = vector.extract %slice3A_1312[0] : f32 from vector<1xf32>
      %mul3A_1314 = vector.broadcast %squeeze3A_1313 : f32 to vector<16xf32>
      %mul3A_1315 = arith.mulf %max3A_790, %mul3A_1314 : vector<16xf32>
      %add3A_1316 = arith.addf %add3A_1309, %mul3A_1315 : vector<16xf32>
      %get3A_1317 = arith.constant 272 : index
      %get3A_1318 = tpu.vector_load %arg14[%get3A_1317] {strides = array<i32>} : memref<352xf32, #tpu.memory_space<vmem>>, vector<16xf32>,
      %slice3A_1319 = vector.extract_strided_slice %get3A_1318 {offsets = [9], sizes = [1], strides = [1]} : vector<16xf32> to vector<1xf32>
      %squeeze3A_1320 = vector.extract %slice3A_1319[0] : f32 from vector<1xf32>
      %mul3A_1321 = vector.broadcast %squeeze3A_1320 : f32 to vector<16xf32>
      %mul3A_1322 = arith.mulf %max3A_834, %mul3A_1321 : vector<16xf32>
      %add3A_1323 = arith.addf %add3A_1316, %mul3A_1322 : vector<16xf32>
      %get3A_1324 = arith.constant 288 : index
      %get3A_1325 = tpu.vector_load %arg14[%get3A_1324] {strides = array<i32>} : memref<352xf32, #tpu.memory_space<vmem>>, vector<16xf32>,
      %slice3A_1326 = vector.extract_strided_slice %get3A_1325 {offsets = [3], sizes = [1], strides = [1]} : vector<16xf32> to vector<1xf32>
      %squeeze3A_1327 = vector.extract %slice3A_1326[0] : f32 from vector<1xf32>
      %mul3A_1328 = vector.broadcast %squeeze3A_1327 : f32 to vector<16xf32>
      %mul3A_1329 = arith.mulf %max3A_878, %mul3A_1328 : vector<16xf32>
      %add3A_1330 = arith.addf %add3A_1323, %mul3A_1329 : vector<16xf32>
      %get3A_1331 = arith.constant 288 : index
      %get3A_1332 = tpu.vector_load %arg14[%get3A_1331] {strides = array<i32>} : memref<352xf32, #tpu.memory_space<vmem>>, vector<16xf32>,
      %slice3A_1333 = vector.extract_strided_slice %get3A_1332 {offsets = [13], sizes = [1], strides = [1]} : vector<16xf32> to vector<1xf32>
      %squeeze3A_1334 = vector.extract %slice3A_1333[0] : f32 from vector<1xf32>
      %mul3A_1335 = vector.broadcast %squeeze3A_1334 : f32 to vector<16xf32>
      %mul3A_1336 = arith.mulf %max3A_922, %mul3A_1335 : vector<16xf32>
      %add3A_1337 = arith.addf %add3A_1330, %mul3A_1336 : vector<16xf32>
      %get3A_1338 = arith.constant 304 : index
      %get3A_1339 = tpu.vector_load %arg14[%get3A_1338] {strides = array<i32>} : memref<352xf32, #tpu.memory_space<vmem>>, vector<16xf32>,
      %slice3A_1340 = vector.extract_strided_slice %get3A_1339 {offsets = [7], sizes = [1], strides = [1]} : vector<16xf32> to vector<1xf32>
      %squeeze3A_1341 = vector.extract %slice3A_1340[0] : f32 from vector<1xf32>
      %mul3A_1342 = vector.broadcast %squeeze3A_1341 : f32 to vector<16xf32>
      %mul3A_1343 = arith.mulf %max3A_966, %mul3A_1342 : vector<16xf32>
      %add3A_1344 = arith.addf %add3A_1337, %mul3A_1343 : vector<16xf32>
      %get3A_1345 = arith.constant 320 : index
      %get3A_1346 = tpu.vector_load %arg14[%get3A_1345] {strides = array<i32>} : memref<352xf32, #tpu.memory_space<vmem>>, vector<16xf32>,
      %slice3A_1347 = vector.extract_strided_slice %get3A_1346 {offsets = [1], sizes = [1], strides = [1]} : vector<16xf32> to vector<1xf32>
      %squeeze3A_1348 = vector.extract %slice3A_1347[0] : f32 from vector<1xf32>
      %mul3A_1349 = vector.broadcast %squeeze3A_1348 : f32 to vector<16xf32>
      %mul3A_1350 = arith.mulf %max3A_1010, %mul3A_1349 : vector<16xf32>
      %add3A_1351 = arith.addf %add3A_1344, %mul3A_1350 : vector<16xf32>
      %get3A_1352 = arith.constant 320 : index
      %get3A_1353 = tpu.vector_load %arg14[%get3A_1352] {strides = array<i32>} : memref<352xf32, #tpu.memory_space<vmem>>, vector<16xf32>,
      %slice3A_1354 = vector.extract_strided_slice %get3A_1353 {offsets = [11], sizes = [1], strides = [1]} : vector<16xf32> to vector<1xf32>
      %squeeze3A_1355 = vector.extract %slice3A_1354[0] : f32 from vector<1xf32>
      %mul3A_1356 = vector.broadcast %squeeze3A_1355 : f32 to vector<16xf32>
      %mul3A_1357 = arith.mulf %max3A_1054, %mul3A_1356 : vector<16xf32>
      %add3A_1358 = arith.addf %add3A_1351, %mul3A_1357 : vector<16xf32>
      %mul3A_1359 = arith.constant 0.00999999977 : f32
      %mul3A_1360 = vector.broadcast %mul3A_1359 : f32 to vector<16xf32>
      %mul3A_1361 = arith.mulf %mul3A_1360, %add3A_1358 : vector<16xf32>
      %max3A_1362 = arith.maximumf %add3A_1358, %mul3A_1361 : vector<16xf32>
      %add3A_1363 = arith.constant 1 : i32
      %add3A_1364 = vector.broadcast %add3A_1363 : i32 to vector<16xi32>
      %add3A_1365 = arith.addi %mul3A_1061, %add3A_1364 : vector<16xi32>
      tpu.vector_store_idx %arg15[%add3A_1365], %max3A_1362 : memref<3680xf32, #tpu.memory_space<vmem>>[vector<16xi32>], vector<16xf32>,
      %get3A_1366 = arith.constant 336 : index
      %get3A_1367 = tpu.vector_load %arg14[%get3A_1366] {strides = array<i32>} : memref<352xf32, #tpu.memory_space<vmem>>, vector<16xf32>,
      %slice3A_1368 = vector.extract_strided_slice %get3A_1367 {offsets = [6], sizes = [1], strides = [1]} : vector<16xf32> to vector<1xf32>
      %squeeze3A_1369 = vector.extract %slice3A_1368[0] : f32 from vector<1xf32>
      %get3A_1370 = arith.constant 128 : index
      %get3A_1371 = tpu.vector_load %arg14[%get3A_1370] {strides = array<i32>} : memref<352xf32, #tpu.memory_space<vmem>>, vector<16xf32>,
      %slice3A_1372 = vector.extract_strided_slice %get3A_1371 {offsets = [14], sizes = [1], strides = [1]} : vector<16xf32> to vector<1xf32>
      %squeeze3A_1373 = vector.extract %slice3A_1372[0] : f32 from vector<1xf32>
      %mul3A_1374 = vector.broadcast %squeeze3A_1373 : f32 to vector<16xf32>
      %mul3A_1375 = arith.mulf %max3A, %mul3A_1374 : vector<16xf32>
      %add3A_1376 = vector.broadcast %squeeze3A_1369 : f32 to vector<16xf32>
      %add3A_1377 = arith.addf %add3A_1376, %mul3A_1375 : vector<16xf32>
      %get3A_1378 = arith.constant 144 : index
      %get3A_1379 = tpu.vector_load %arg14[%get3A_1378] {strides = array<i32>} : memref<352xf32, #tpu.memory_space<vmem>>, vector<16xf32>,
      %slice3A_1380 = vector.extract_strided_slice %get3A_1379 {offsets = [8], sizes = [1], strides = [1]} : vector<16xf32> to vector<1xf32>
      %squeeze3A_1381 = vector.extract %slice3A_1380[0] : f32 from vector<1xf32>
      %mul3A_1382 = vector.broadcast %squeeze3A_1381 : f32 to vector<16xf32>
      %mul3A_1383 = arith.mulf %max3A_262, %mul3A_1382 : vector<16xf32>
      %add3A_1384 = arith.addf %add3A_1377, %mul3A_1383 : vector<16xf32>
      %get3A_1385 = arith.constant 160 : index
      %get3A_1386 = tpu.vector_load %arg14[%get3A_1385] {strides = array<i32>} : memref<352xf32, #tpu.memory_space<vmem>>, vector<16xf32>,
      %slice3A_1387 = vector.extract_strided_slice %get3A_1386 {offsets = [2], sizes = [1], strides = [1]} : vector<16xf32> to vector<1xf32>
      %squeeze3A_1388 = vector.extract %slice3A_1387[0] : f32 from vector<1xf32>
      %mul3A_1389 = vector.broadcast %squeeze3A_1388 : f32 to vector<16xf32>
      %mul3A_1390 = arith.mulf %max3A_306, %mul3A_1389 : vector<16xf32>
      %add3A_1391 = arith.addf %add3A_1384, %mul3A_1390 : vector<16xf32>
      %get3A_1392 = arith.constant 160 : index
      %get3A_1393 = tpu.vector_load %arg14[%get3A_1392] {strides = array<i32>} : memref<352xf32, #tpu.memory_space<vmem>>, vector<16xf32>,
      %slice3A_1394 = vector.extract_strided_slice %get3A_1393 {offsets = [12], sizes = [1], strides = [1]} : vector<16xf32> to vector<1xf32>
      %squeeze3A_1395 = vector.extract %slice3A_1394[0] : f32 from vector<1xf32>
      %mul3A_1396 = vector.broadcast %squeeze3A_1395 : f32 to vector<16xf32>
      %mul3A_1397 = arith.mulf %max3A_350, %mul3A_1396 : vector<16xf32>
      %add3A_1398 = arith.addf %add3A_1391, %mul3A_1397 : vector<16xf32>
      %get3A_1399 = arith.constant 176 : index
      %get3A_1400 = tpu.vector_load %arg14[%get3A_1399] {strides = array<i32>} : memref<352xf32, #tpu.memory_space<vmem>>, vector<16xf32>,
      %slice3A_1401 = vector.extract_strided_slice %get3A_1400 {offsets = [6], sizes = [1], strides = [1]} : vector<16xf32> to vector<1xf32>
      %squeeze3A_1402 = vector.extract %slice3A_1401[0] : f32 from vector<1xf32>
      %mul3A_1403 = vector.broadcast %squeeze3A_1402 : f32 to vector<16xf32>
      %mul3A_1404 = arith.mulf %max3A_394, %mul3A_1403 : vector<16xf32>
      %add3A_1405 = arith.addf %add3A_1398, %mul3A_1404 : vector<16xf32>
      %get3A_1406 = arith.constant 192 : index
      %get3A_1407 = tpu.vector_load %arg14[%get3A_1406] {strides = array<i32>} : memref<352xf32, #tpu.memory_space<vmem>>, vector<16xf32>,
      %slice3A_1408 = vector.extract_strided_slice %get3A_1407 {offsets = [0], sizes = [1], strides = [1]} : vector<16xf32> to vector<1xf32>
      %squeeze3A_1409 = vector.extract %slice3A_1408[0] : f32 from vector<1xf32>
      %mul3A_1410 = vector.broadcast %squeeze3A_1409 : f32 to vector<16xf32>
      %mul3A_1411 = arith.mulf %max3A_438, %mul3A_1410 : vector<16xf32>
      %add3A_1412 = arith.addf %add3A_1405, %mul3A_1411 : vector<16xf32>
      %get3A_1413 = arith.constant 192 : index
      %get3A_1414 = tpu.vector_load %arg14[%get3A_1413] {strides = array<i32>} : memref<352xf32, #tpu.memory_space<vmem>>, vector<16xf32>,
      %slice3A_1415 = vector.extract_strided_slice %get3A_1414 {offsets = [10], sizes = [1], strides = [1]} : vector<16xf32> to vector<1xf32>
      %squeeze3A_1416 = vector.extract %slice3A_1415[0] : f32 from vector<1xf32>
      %mul3A_1417 = vector.broadcast %squeeze3A_1416 : f32 to vector<16xf32>
      %mul3A_1418 = arith.mulf %max3A_482, %mul3A_1417 : vector<16xf32>
      %add3A_1419 = arith.addf %add3A_1412, %mul3A_1418 : vector<16xf32>
      %get3A_1420 = arith.constant 208 : index
      %get3A_1421 = tpu.vector_load %arg14[%get3A_1420] {strides = array<i32>} : memref<352xf32, #tpu.memory_space<vmem>>, vector<16xf32>,
      %slice3A_1422 = vector.extract_strided_slice %get3A_1421 {offsets = [4], sizes = [1], strides = [1]} : vector<16xf32> to vector<1xf32>
      %squeeze3A_1423 = vector.extract %slice3A_1422[0] : f32 from vector<1xf32>
      %mul3A_1424 = vector.broadcast %squeeze3A_1423 : f32 to vector<16xf32>
      %mul3A_1425 = arith.mulf %max3A_526, %mul3A_1424 : vector<16xf32>
      %add3A_1426 = arith.addf %add3A_1419, %mul3A_1425 : vector<16xf32>
      %get3A_1427 = arith.constant 208 : index
      %get3A_1428 = tpu.vector_load %arg14[%get3A_1427] {strides = array<i32>} : memref<352xf32, #tpu.memory_space<vmem>>, vector<16xf32>,
      %slice3A_1429 = vector.extract_strided_slice %get3A_1428 {offsets = [14], sizes = [1], strides = [1]} : vector<16xf32> to vector<1xf32>
      %squeeze3A_1430 = vector.extract %slice3A_1429[0] : f32 from vector<1xf32>
      %mul3A_1431 = vector.broadcast %squeeze3A_1430 : f32 to vector<16xf32>
      %mul3A_1432 = arith.mulf %max3A_570, %mul3A_1431 : vector<16xf32>
      %add3A_1433 = arith.addf %add3A_1426, %mul3A_1432 : vector<16xf32>
      %get3A_1434 = arith.constant 224 : index
      %get3A_1435 = tpu.vector_load %arg14[%get3A_1434] {strides = array<i32>} : memref<352xf32, #tpu.memory_space<vmem>>, vector<16xf32>,
      %slice3A_1436 = vector.extract_strided_slice %get3A_1435 {offsets = [8], sizes = [1], strides = [1]} : vector<16xf32> to vector<1xf32>
      %squeeze3A_1437 = vector.extract %slice3A_1436[0] : f32 from vector<1xf32>
      %mul3A_1438 = vector.broadcast %squeeze3A_1437 : f32 to vector<16xf32>
      %mul3A_1439 = arith.mulf %max3A_614, %mul3A_1438 : vector<16xf32>
      %add3A_1440 = arith.addf %add3A_1433, %mul3A_1439 : vector<16xf32>
      %get3A_1441 = arith.constant 240 : index
      %get3A_1442 = tpu.vector_load %arg14[%get3A_1441] {strides = array<i32>} : memref<352xf32, #tpu.memory_space<vmem>>, vector<16xf32>,
      %slice3A_1443 = vector.extract_strided_slice %get3A_1442 {offsets = [2], sizes = [1], strides = [1]} : vector<16xf32> to vector<1xf32>
      %squeeze3A_1444 = vector.extract %slice3A_1443[0] : f32 from vector<1xf32>
      %mul3A_1445 = vector.broadcast %squeeze3A_1444 : f32 to vector<16xf32>
      %mul3A_1446 = arith.mulf %max3A_658, %mul3A_1445 : vector<16xf32>
      %add3A_1447 = arith.addf %add3A_1440, %mul3A_1446 : vector<16xf32>
      %get3A_1448 = arith.constant 240 : index
      %get3A_1449 = tpu.vector_load %arg14[%get3A_1448] {strides = array<i32>} : memref<352xf32, #tpu.memory_space<vmem>>, vector<16xf32>,
      %slice3A_1450 = vector.extract_strided_slice %get3A_1449 {offsets = [12], sizes = [1], strides = [1]} : vector<16xf32> to vector<1xf32>
      %squeeze3A_1451 = vector.extract %slice3A_1450[0] : f32 from vector<1xf32>
      %mul3A_1452 = vector.broadcast %squeeze3A_1451 : f32 to vector<16xf32>
      %mul3A_1453 = arith.mulf %max3A_702, %mul3A_1452 : vector<16xf32>
      %add3A_1454 = arith.addf %add3A_1447, %mul3A_1453 : vector<16xf32>
      %get3A_1455 = arith.constant 256 : index
      %get3A_1456 = tpu.vector_load %arg14[%get3A_1455] {strides = array<i32>} : memref<352xf32, #tpu.memory_space<vmem>>, vector<16xf32>,
      %slice3A_1457 = vector.extract_strided_slice %get3A_1456 {offsets = [6], sizes = [1], strides = [1]} : vector<16xf32> to vector<1xf32>
      %squeeze3A_1458 = vector.extract %slice3A_1457[0] : f32 from vector<1xf32>
      %mul3A_1459 = vector.broadcast %squeeze3A_1458 : f32 to vector<16xf32>
      %mul3A_1460 = arith.mulf %max3A_746, %mul3A_1459 : vector<16xf32>
      %add3A_1461 = arith.addf %add3A_1454, %mul3A_1460 : vector<16xf32>
      %get3A_1462 = arith.constant 272 : index
      %get3A_1463 = tpu.vector_load %arg14[%get3A_1462] {strides = array<i32>} : memref<352xf32, #tpu.memory_space<vmem>>, vector<16xf32>,
      %slice3A_1464 = vector.extract_strided_slice %get3A_1463 {offsets = [0], sizes = [1], strides = [1]} : vector<16xf32> to vector<1xf32>
      %squeeze3A_1465 = vector.extract %slice3A_1464[0] : f32 from vector<1xf32>
      %mul3A_1466 = vector.broadcast %squeeze3A_1465 : f32 to vector<16xf32>
      %mul3A_1467 = arith.mulf %max3A_790, %mul3A_1466 : vector<16xf32>
      %add3A_1468 = arith.addf %add3A_1461, %mul3A_1467 : vector<16xf32>
      %get3A_1469 = arith.constant 272 : index
      %get3A_1470 = tpu.vector_load %arg14[%get3A_1469] {strides = array<i32>} : memref<352xf32, #tpu.memory_space<vmem>>, vector<16xf32>,
      %slice3A_1471 = vector.extract_strided_slice %get3A_1470 {offsets = [10], sizes = [1], strides = [1]} : vector<16xf32> to vector<1xf32>
      %squeeze3A_1472 = vector.extract %slice3A_1471[0] : f32 from vector<1xf32>
      %mul3A_1473 = vector.broadcast %squeeze3A_1472 : f32 to vector<16xf32>
      %mul3A_1474 = arith.mulf %max3A_834, %mul3A_1473 : vector<16xf32>
      %add3A_1475 = arith.addf %add3A_1468, %mul3A_1474 : vector<16xf32>
      %get3A_1476 = arith.constant 288 : index
      %get3A_1477 = tpu.vector_load %arg14[%get3A_1476] {strides = array<i32>} : memref<352xf32, #tpu.memory_space<vmem>>, vector<16xf32>,
      %slice3A_1478 = vector.extract_strided_slice %get3A_1477 {offsets = [4], sizes = [1], strides = [1]} : vector<16xf32> to vector<1xf32>
      %squeeze3A_1479 = vector.extract %slice3A_1478[0] : f32 from vector<1xf32>
      %mul3A_1480 = vector.broadcast %squeeze3A_1479 : f32 to vector<16xf32>
      %mul3A_1481 = arith.mulf %max3A_878, %mul3A_1480 : vector<16xf32>
      %add3A_1482 = arith.addf %add3A_1475, %mul3A_1481 : vector<16xf32>
      %get3A_1483 = arith.constant 288 : index
      %get3A_1484 = tpu.vector_load %arg14[%get3A_1483] {strides = array<i32>} : memref<352xf32, #tpu.memory_space<vmem>>, vector<16xf32>,
      %slice3A_1485 = vector.extract_strided_slice %get3A_1484 {offsets = [14], sizes = [1], strides = [1]} : vector<16xf32> to vector<1xf32>
      %squeeze3A_1486 = vector.extract %slice3A_1485[0] : f32 from vector<1xf32>
      %mul3A_1487 = vector.broadcast %squeeze3A_1486 : f32 to vector<16xf32>
      %mul3A_1488 = arith.mulf %max3A_922, %mul3A_1487 : vector<16xf32>
      %add3A_1489 = arith.addf %add3A_1482, %mul3A_1488 : vector<16xf32>
      %get3A_1490 = arith.constant 304 : index
      %get3A_1491 = tpu.vector_load %arg14[%get3A_1490] {strides = array<i32>} : memref<352xf32, #tpu.memory_space<vmem>>, vector<16xf32>,
      %slice3A_1492 = vector.extract_strided_slice %get3A_1491 {offsets = [8], sizes = [1], strides = [1]} : vector<16xf32> to vector<1xf32>
      %squeeze3A_1493 = vector.extract %slice3A_1492[0] : f32 from vector<1xf32>
      %mul3A_1494 = vector.broadcast %squeeze3A_1493 : f32 to vector<16xf32>
      %mul3A_1495 = arith.mulf %max3A_966, %mul3A_1494 : vector<16xf32>
      %add3A_1496 = arith.addf %add3A_1489, %mul3A_1495 : vector<16xf32>
      %get3A_1497 = arith.constant 320 : index
      %get3A_1498 = tpu.vector_load %arg14[%get3A_1497] {strides = array<i32>} : memref<352xf32, #tpu.memory_space<vmem>>, vector<16xf32>,
      %slice3A_1499 = vector.extract_strided_slice %get3A_1498 {offsets = [2], sizes = [1], strides = [1]} : vector<16xf32> to vector<1xf32>
      %squeeze3A_1500 = vector.extract %slice3A_1499[0] : f32 from vector<1xf32>
      %mul3A_1501 = vector.broadcast %squeeze3A_1500 : f32 to vector<16xf32>
      %mul3A_1502 = arith.mulf %max3A_1010, %mul3A_1501 : vector<16xf32>
      %add3A_1503 = arith.addf %add3A_1496, %mul3A_1502 : vector<16xf32>
      %get3A_1504 = arith.constant 320 : index
      %get3A_1505 = tpu.vector_load %arg14[%get3A_1504] {strides = array<i32>} : memref<352xf32, #tpu.memory_space<vmem>>, vector<16xf32>,
      %slice3A_1506 = vector.extract_strided_slice %get3A_1505 {offsets = [12], sizes = [1], strides = [1]} : vector<16xf32> to vector<1xf32>
      %squeeze3A_1507 = vector.extract %slice3A_1506[0] : f32 from vector<1xf32>
      %mul3A_1508 = vector.broadcast %squeeze3A_1507 : f32 to vector<16xf32>
      %mul3A_1509 = arith.mulf %max3A_1054, %mul3A_1508 : vector<16xf32>
      %add3A_1510 = arith.addf %add3A_1503, %mul3A_1509 : vector<16xf32>
      %mul3A_1511 = arith.constant 0.00999999977 : f32
      %mul3A_1512 = vector.broadcast %mul3A_1511 : f32 to vector<16xf32>
      %mul3A_1513 = arith.mulf %mul3A_1512, %add3A_1510 : vector<16xf32>
      %max3A_1514 = arith.maximumf %add3A_1510, %mul3A_1513 : vector<16xf32>
      %add3A_1515 = arith.constant 2 : i32
      %add3A_1516 = vector.broadcast %add3A_1515 : i32 to vector<16xi32>
      %add3A_1517 = arith.addi %mul3A_1061, %add3A_1516 : vector<16xi32>
      tpu.vector_store_idx %arg15[%add3A_1517], %max3A_1514 : memref<3680xf32, #tpu.memory_space<vmem>>[vector<16xi32>], vector<16xf32>,
      %get3A_1518 = arith.constant 336 : index
      %get3A_1519 = tpu.vector_load %arg14[%get3A_1518] {strides = array<i32>} : memref<352xf32, #tpu.memory_space<vmem>>, vector<16xf32>,
      %slice3A_1520 = vector.extract_strided_slice %get3A_1519 {offsets = [7], sizes = [1], strides = [1]} : vector<16xf32> to vector<1xf32>
      %squeeze3A_1521 = vector.extract %slice3A_1520[0] : f32 from vector<1xf32>
      %get3A_1522 = arith.constant 128 : index
      %get3A_1523 = tpu.vector_load %arg14[%get3A_1522] {strides = array<i32>} : memref<352xf32, #tpu.memory_space<vmem>>, vector<16xf32>,
      %slice3A_1524 = vector.extract_strided_slice %get3A_1523 {offsets = [15], sizes = [1], strides = [1]} : vector<16xf32> to vector<1xf32>
      %squeeze3A_1525 = vector.extract %slice3A_1524[0] : f32 from vector<1xf32>
      %mul3A_1526 = vector.broadcast %squeeze3A_1525 : f32 to vector<16xf32>
      %mul3A_1527 = arith.mulf %max3A, %mul3A_1526 : vector<16xf32>
      %add3A_1528 = vector.broadcast %squeeze3A_1521 : f32 to vector<16xf32>
      %add3A_1529 = arith.addf %add3A_1528, %mul3A_1527 : vector<16xf32>
      %get3A_1530 = arith.constant 144 : index
      %get3A_1531 = tpu.vector_load %arg14[%get3A_1530] {strides = array<i32>} : memref<352xf32, #tpu.memory_space<vmem>>, vector<16xf32>,
      %slice3A_1532 = vector.extract_strided_slice %get3A_1531 {offsets = [9], sizes = [1], strides = [1]} : vector<16xf32> to vector<1xf32>
      %squeeze3A_1533 = vector.extract %slice3A_1532[0] : f32 from vector<1xf32>
      %mul3A_1534 = vector.broadcast %squeeze3A_1533 : f32 to vector<16xf32>
      %mul3A_1535 = arith.mulf %max3A_262, %mul3A_1534 : vector<16xf32>
      %add3A_1536 = arith.addf %add3A_1529, %mul3A_1535 : vector<16xf32>
      %get3A_1537 = arith.constant 160 : index
      %get3A_1538 = tpu.vector_load %arg14[%get3A_1537] {strides = array<i32>} : memref<352xf32, #tpu.memory_space<vmem>>, vector<16xf32>,
      %slice3A_1539 = vector.extract_strided_slice %get3A_1538 {offsets = [3], sizes = [1], strides = [1]} : vector<16xf32> to vector<1xf32>
      %squeeze3A_1540 = vector.extract %slice3A_1539[0] : f32 from vector<1xf32>
      %mul3A_1541 = vector.broadcast %squeeze3A_1540 : f32 to vector<16xf32>
      %mul3A_1542 = arith.mulf %max3A_306, %mul3A_1541 : vector<16xf32>
      %add3A_1543 = arith.addf %add3A_1536, %mul3A_1542 : vector<16xf32>
      %get3A_1544 = arith.constant 160 : index
      %get3A_1545 = tpu.vector_load %arg14[%get3A_1544] {strides = array<i32>} : memref<352xf32, #tpu.memory_space<vmem>>, vector<16xf32>,
      %slice3A_1546 = vector.extract_strided_slice %get3A_1545 {offsets = [13], sizes = [1], strides = [1]} : vector<16xf32> to vector<1xf32>
      %squeeze3A_1547 = vector.extract %slice3A_1546[0] : f32 from vector<1xf32>
      %mul3A_1548 = vector.broadcast %squeeze3A_1547 : f32 to vector<16xf32>
      %mul3A_1549 = arith.mulf %max3A_350, %mul3A_1548 : vector<16xf32>
      %add3A_1550 = arith.addf %add3A_1543, %mul3A_1549 : vector<16xf32>
      %get3A_1551 = arith.constant 176 : index
      %get3A_1552 = tpu.vector_load %arg14[%get3A_1551] {strides = array<i32>} : memref<352xf32, #tpu.memory_space<vmem>>, vector<16xf32>,
      %slice3A_1553 = vector.extract_strided_slice %get3A_1552 {offsets = [7], sizes = [1], strides = [1]} : vector<16xf32> to vector<1xf32>
      %squeeze3A_1554 = vector.extract %slice3A_1553[0] : f32 from vector<1xf32>
      %mul3A_1555 = vector.broadcast %squeeze3A_1554 : f32 to vector<16xf32>
      %mul3A_1556 = arith.mulf %max3A_394, %mul3A_1555 : vector<16xf32>
      %add3A_1557 = arith.addf %add3A_1550, %mul3A_1556 : vector<16xf32>
      %get3A_1558 = arith.constant 192 : index
      %get3A_1559 = tpu.vector_load %arg14[%get3A_1558] {strides = array<i32>} : memref<352xf32, #tpu.memory_space<vmem>>, vector<16xf32>,
      %slice3A_1560 = vector.extract_strided_slice %get3A_1559 {offsets = [1], sizes = [1], strides = [1]} : vector<16xf32> to vector<1xf32>
      %squeeze3A_1561 = vector.extract %slice3A_1560[0] : f32 from vector<1xf32>
      %mul3A_1562 = vector.broadcast %squeeze3A_1561 : f32 to vector<16xf32>
      %mul3A_1563 = arith.mulf %max3A_438, %mul3A_1562 : vector<16xf32>
      %add3A_1564 = arith.addf %add3A_1557, %mul3A_1563 : vector<16xf32>
      %get3A_1565 = arith.constant 192 : index
      %get3A_1566 = tpu.vector_load %arg14[%get3A_1565] {strides = array<i32>} : memref<352xf32, #tpu.memory_space<vmem>>, vector<16xf32>,
      %slice3A_1567 = vector.extract_strided_slice %get3A_1566 {offsets = [11], sizes = [1], strides = [1]} : vector<16xf32> to vector<1xf32>
      %squeeze3A_1568 = vector.extract %slice3A_1567[0] : f32 from vector<1xf32>
      %mul3A_1569 = vector.broadcast %squeeze3A_1568 : f32 to vector<16xf32>
      %mul3A_1570 = arith.mulf %max3A_482, %mul3A_1569 : vector<16xf32>
      %add3A_1571 = arith.addf %add3A_1564, %mul3A_1570 : vector<16xf32>
      %get3A_1572 = arith.constant 208 : index
      %get3A_1573 = tpu.vector_load %arg14[%get3A_1572] {strides = array<i32>} : memref<352xf32, #tpu.memory_space<vmem>>, vector<16xf32>,
      %slice3A_1574 = vector.extract_strided_slice %get3A_1573 {offsets = [5], sizes = [1], strides = [1]} : vector<16xf32> to vector<1xf32>
      %squeeze3A_1575 = vector.extract %slice3A_1574[0] : f32 from vector<1xf32>
      %mul3A_1576 = vector.broadcast %squeeze3A_1575 : f32 to vector<16xf32>
      %mul3A_1577 = arith.mulf %max3A_526, %mul3A_1576 : vector<16xf32>
      %add3A_1578 = arith.addf %add3A_1571, %mul3A_1577 : vector<16xf32>
      %get3A_1579 = arith.constant 208 : index
      %get3A_1580 = tpu.vector_load %arg14[%get3A_1579] {strides = array<i32>} : memref<352xf32, #tpu.memory_space<vmem>>, vector<16xf32>,
      %slice3A_1581 = vector.extract_strided_slice %get3A_1580 {offsets = [15], sizes = [1], strides = [1]} : vector<16xf32> to vector<1xf32>
      %squeeze3A_1582 = vector.extract %slice3A_1581[0] : f32 from vector<1xf32>
      %mul3A_1583 = vector.broadcast %squeeze3A_1582 : f32 to vector<16xf32>
      %mul3A_1584 = arith.mulf %max3A_570, %mul3A_1583 : vector<16xf32>
      %add3A_1585 = arith.addf %add3A_1578, %mul3A_1584 : vector<16xf32>
      %get3A_1586 = arith.constant 224 : index
      %get3A_1587 = tpu.vector_load %arg14[%get3A_1586] {strides = array<i32>} : memref<352xf32, #tpu.memory_space<vmem>>, vector<16xf32>,
      %slice3A_1588 = vector.extract_strided_slice %get3A_1587 {offsets = [9], sizes = [1], strides = [1]} : vector<16xf32> to vector<1xf32>
      %squeeze3A_1589 = vector.extract %slice3A_1588[0] : f32 from vector<1xf32>
      %mul3A_1590 = vector.broadcast %squeeze3A_1589 : f32 to vector<16xf32>
      %mul3A_1591 = arith.mulf %max3A_614, %mul3A_1590 : vector<16xf32>
      %add3A_1592 = arith.addf %add3A_1585, %mul3A_1591 : vector<16xf32>
      %get3A_1593 = arith.constant 240 : index
      %get3A_1594 = tpu.vector_load %arg14[%get3A_1593] {strides = array<i32>} : memref<352xf32, #tpu.memory_space<vmem>>, vector<16xf32>,
      %slice3A_1595 = vector.extract_strided_slice %get3A_1594 {offsets = [3], sizes = [1], strides = [1]} : vector<16xf32> to vector<1xf32>
      %squeeze3A_1596 = vector.extract %slice3A_1595[0] : f32 from vector<1xf32>
      %mul3A_1597 = vector.broadcast %squeeze3A_1596 : f32 to vector<16xf32>
      %mul3A_1598 = arith.mulf %max3A_658, %mul3A_1597 : vector<16xf32>
      %add3A_1599 = arith.addf %add3A_1592, %mul3A_1598 : vector<16xf32>
      %get3A_1600 = arith.constant 240 : index
      %get3A_1601 = tpu.vector_load %arg14[%get3A_1600] {strides = array<i32>} : memref<352xf32, #tpu.memory_space<vmem>>, vector<16xf32>,
      %slice3A_1602 = vector.extract_strided_slice %get3A_1601 {offsets = [13], sizes = [1], strides = [1]} : vector<16xf32> to vector<1xf32>
      %squeeze3A_1603 = vector.extract %slice3A_1602[0] : f32 from vector<1xf32>
      %mul3A_1604 = vector.broadcast %squeeze3A_1603 : f32 to vector<16xf32>
      %mul3A_1605 = arith.mulf %max3A_702, %mul3A_1604 : vector<16xf32>
      %add3A_1606 = arith.addf %add3A_1599, %mul3A_1605 : vector<16xf32>
      %get3A_1607 = arith.constant 256 : index
      %get3A_1608 = tpu.vector_load %arg14[%get3A_1607] {strides = array<i32>} : memref<352xf32, #tpu.memory_space<vmem>>, vector<16xf32>,
      %slice3A_1609 = vector.extract_strided_slice %get3A_1608 {offsets = [7], sizes = [1], strides = [1]} : vector<16xf32> to vector<1xf32>
      %squeeze3A_1610 = vector.extract %slice3A_1609[0] : f32 from vector<1xf32>
      %mul3A_1611 = vector.broadcast %squeeze3A_1610 : f32 to vector<16xf32>
      %mul3A_1612 = arith.mulf %max3A_746, %mul3A_1611 : vector<16xf32>
      %add3A_1613 = arith.addf %add3A_1606, %mul3A_1612 : vector<16xf32>
      %get3A_1614 = arith.constant 272 : index
      %get3A_1615 = tpu.vector_load %arg14[%get3A_1614] {strides = array<i32>} : memref<352xf32, #tpu.memory_space<vmem>>, vector<16xf32>,
      %slice3A_1616 = vector.extract_strided_slice %get3A_1615 {offsets = [1], sizes = [1], strides = [1]} : vector<16xf32> to vector<1xf32>
      %squeeze3A_1617 = vector.extract %slice3A_1616[0] : f32 from vector<1xf32>
      %mul3A_1618 = vector.broadcast %squeeze3A_1617 : f32 to vector<16xf32>
      %mul3A_1619 = arith.mulf %max3A_790, %mul3A_1618 : vector<16xf32>
      %add3A_1620 = arith.addf %add3A_1613, %mul3A_1619 : vector<16xf32>
      %get3A_1621 = arith.constant 272 : index
      %get3A_1622 = tpu.vector_load %arg14[%get3A_1621] {strides = array<i32>} : memref<352xf32, #tpu.memory_space<vmem>>, vector<16xf32>,
      %slice3A_1623 = vector.extract_strided_slice %get3A_1622 {offsets = [11], sizes = [1], strides = [1]} : vector<16xf32> to vector<1xf32>
      %squeeze3A_1624 = vector.extract %slice3A_1623[0] : f32 from vector<1xf32>
      %mul3A_1625 = vector.broadcast %squeeze3A_1624 : f32 to vector<16xf32>
      %mul3A_1626 = arith.mulf %max3A_834, %mul3A_1625 : vector<16xf32>
      %add3A_1627 = arith.addf %add3A_1620, %mul3A_1626 : vector<16xf32>
      %get3A_1628 = arith.constant 288 : index
      %get3A_1629 = tpu.vector_load %arg14[%get3A_1628] {strides = array<i32>} : memref<352xf32, #tpu.memory_space<vmem>>, vector<16xf32>,
      %slice3A_1630 = vector.extract_strided_slice %get3A_1629 {offsets = [5], sizes = [1], strides = [1]} : vector<16xf32> to vector<1xf32>
      %squeeze3A_1631 = vector.extract %slice3A_1630[0] : f32 from vector<1xf32>
      %mul3A_1632 = vector.broadcast %squeeze3A_1631 : f32 to vector<16xf32>
      %mul3A_1633 = arith.mulf %max3A_878, %mul3A_1632 : vector<16xf32>
      %add3A_1634 = arith.addf %add3A_1627, %mul3A_1633 : vector<16xf32>
      %get3A_1635 = arith.constant 288 : index
      %get3A_1636 = tpu.vector_load %arg14[%get3A_1635] {strides = array<i32>} : memref<352xf32, #tpu.memory_space<vmem>>, vector<16xf32>,
      %slice3A_1637 = vector.extract_strided_slice %get3A_1636 {offsets = [15], sizes = [1], strides = [1]} : vector<16xf32> to vector<1xf32>
      %squeeze3A_1638 = vector.extract %slice3A_1637[0] : f32 from vector<1xf32>
      %mul3A_1639 = vector.broadcast %squeeze3A_1638 : f32 to vector<16xf32>
      %mul3A_1640 = arith.mulf %max3A_922, %mul3A_1639 : vector<16xf32>
      %add3A_1641 = arith.addf %add3A_1634, %mul3A_1640 : vector<16xf32>
      %get3A_1642 = arith.constant 304 : index
      %get3A_1643 = tpu.vector_load %arg14[%get3A_1642] {strides = array<i32>} : memref<352xf32, #tpu.memory_space<vmem>>, vector<16xf32>,
      %slice3A_1644 = vector.extract_strided_slice %get3A_1643 {offsets = [9], sizes = [1], strides = [1]} : vector<16xf32> to vector<1xf32>
      %squeeze3A_1645 = vector.extract %slice3A_1644[0] : f32 from vector<1xf32>
      %mul3A_1646 = vector.broadcast %squeeze3A_1645 : f32 to vector<16xf32>
      %mul3A_1647 = arith.mulf %max3A_966, %mul3A_1646 : vector<16xf32>
      %add3A_1648 = arith.addf %add3A_1641, %mul3A_1647 : vector<16xf32>
      %get3A_1649 = arith.constant 320 : index
      %get3A_1650 = tpu.vector_load %arg14[%get3A_1649] {strides = array<i32>} : memref<352xf32, #tpu.memory_space<vmem>>, vector<16xf32>,
      %slice3A_1651 = vector.extract_strided_slice %get3A_1650 {offsets = [3], sizes = [1], strides = [1]} : vector<16xf32> to vector<1xf32>
      %squeeze3A_1652 = vector.extract %slice3A_1651[0] : f32 from vector<1xf32>
      %mul3A_1653 = vector.broadcast %squeeze3A_1652 : f32 to vector<16xf32>
      %mul3A_1654 = arith.mulf %max3A_1010, %mul3A_1653 : vector<16xf32>
      %add3A_1655 = arith.addf %add3A_1648, %mul3A_1654 : vector<16xf32>
      %get3A_1656 = arith.constant 320 : index
      %get3A_1657 = tpu.vector_load %arg14[%get3A_1656] {strides = array<i32>} : memref<352xf32, #tpu.memory_space<vmem>>, vector<16xf32>,
      %slice3A_1658 = vector.extract_strided_slice %get3A_1657 {offsets = [13], sizes = [1], strides = [1]} : vector<16xf32> to vector<1xf32>
      %squeeze3A_1659 = vector.extract %slice3A_1658[0] : f32 from vector<1xf32>
      %mul3A_1660 = vector.broadcast %squeeze3A_1659 : f32 to vector<16xf32>
      %mul3A_1661 = arith.mulf %max3A_1054, %mul3A_1660 : vector<16xf32>
      %add3A_1662 = arith.addf %add3A_1655, %mul3A_1661 : vector<16xf32>
      %mul3A_1663 = arith.constant 0.00999999977 : f32
      %mul3A_1664 = vector.broadcast %mul3A_1663 : f32 to vector<16xf32>
      %mul3A_1665 = arith.mulf %mul3A_1664, %add3A_1662 : vector<16xf32>
      %max3A_1666 = arith.maximumf %add3A_1662, %mul3A_1665 : vector<16xf32>
      %add3A_1667 = arith.constant 3 : i32
      %add3A_1668 = vector.broadcast %add3A_1667 : i32 to vector<16xi32>
      %add3A_1669 = arith.addi %mul3A_1061, %add3A_1668 : vector<16xi32>
      tpu.vector_store_idx %arg15[%add3A_1669], %max3A_1666 : memref<3680xf32, #tpu.memory_space<vmem>>[vector<16xi32>], vector<16xf32>,
      %get3A_1670 = arith.constant 336 : index
      %get3A_1671 = tpu.vector_load %arg14[%get3A_1670] {strides = array<i32>} : memref<352xf32, #tpu.memory_space<vmem>>, vector<16xf32>,
      %slice3A_1672 = vector.extract_strided_slice %get3A_1671 {offsets = [8], sizes = [1], strides = [1]} : vector<16xf32> to vector<1xf32>
      %squeeze3A_1673 = vector.extract %slice3A_1672[0] : f32 from vector<1xf32>
      %get3A_1674 = arith.constant 144 : index
      %get3A_1675 = tpu.vector_load %arg14[%get3A_1674] {strides = array<i32>} : memref<352xf32, #tpu.memory_space<vmem>>, vector<16xf32>,
      %slice3A_1676 = vector.extract_strided_slice %get3A_1675 {offsets = [0], sizes = [1], strides = [1]} : vector<16xf32> to vector<1xf32>
      %squeeze3A_1677 = vector.extract %slice3A_1676[0] : f32 from vector<1xf32>
      %mul3A_1678 = vector.broadcast %squeeze3A_1677 : f32 to vector<16xf32>
      %mul3A_1679 = arith.mulf %max3A, %mul3A_1678 : vector<16xf32>
      %add3A_1680 = vector.broadcast %squeeze3A_1673 : f32 to vector<16xf32>
      %add3A_1681 = arith.addf %add3A_1680, %mul3A_1679 : vector<16xf32>
      %get3A_1682 = arith.constant 144 : index
      %get3A_1683 = tpu.vector_load %arg14[%get3A_1682] {strides = array<i32>} : memref<352xf32, #tpu.memory_space<vmem>>, vector<16xf32>,
      %slice3A_1684 = vector.extract_strided_slice %get3A_1683 {offsets = [10], sizes = [1], strides = [1]} : vector<16xf32> to vector<1xf32>
      %squeeze3A_1685 = vector.extract %slice3A_1684[0] : f32 from vector<1xf32>
      %mul3A_1686 = vector.broadcast %squeeze3A_1685 : f32 to vector<16xf32>
      %mul3A_1687 = arith.mulf %max3A_262, %mul3A_1686 : vector<16xf32>
      %add3A_1688 = arith.addf %add3A_1681, %mul3A_1687 : vector<16xf32>
      %get3A_1689 = arith.constant 160 : index
      %get3A_1690 = tpu.vector_load %arg14[%get3A_1689] {strides = array<i32>} : memref<352xf32, #tpu.memory_space<vmem>>, vector<16xf32>,
      %slice3A_1691 = vector.extract_strided_slice %get3A_1690 {offsets = [4], sizes = [1], strides = [1]} : vector<16xf32> to vector<1xf32>
      %squeeze3A_1692 = vector.extract %slice3A_1691[0] : f32 from vector<1xf32>
      %mul3A_1693 = vector.broadcast %squeeze3A_1692 : f32 to vector<16xf32>
      %mul3A_1694 = arith.mulf %max3A_306, %mul3A_1693 : vector<16xf32>
      %add3A_1695 = arith.addf %add3A_1688, %mul3A_1694 : vector<16xf32>
      %get3A_1696 = arith.constant 160 : index
      %get3A_1697 = tpu.vector_load %arg14[%get3A_1696] {strides = array<i32>} : memref<352xf32, #tpu.memory_space<vmem>>, vector<16xf32>,
      %slice3A_1698 = vector.extract_strided_slice %get3A_1697 {offsets = [14], sizes = [1], strides = [1]} : vector<16xf32> to vector<1xf32>
      %squeeze3A_1699 = vector.extract %slice3A_1698[0] : f32 from vector<1xf32>
      %mul3A_1700 = vector.broadcast %squeeze3A_1699 : f32 to vector<16xf32>
      %mul3A_1701 = arith.mulf %max3A_350, %mul3A_1700 : vector<16xf32>
      %add3A_1702 = arith.addf %add3A_1695, %mul3A_1701 : vector<16xf32>
      %get3A_1703 = arith.constant 176 : index
      %get3A_1704 = tpu.vector_load %arg14[%get3A_1703] {strides = array<i32>} : memref<352xf32, #tpu.memory_space<vmem>>, vector<16xf32>,
      %slice3A_1705 = vector.extract_strided_slice %get3A_1704 {offsets = [8], sizes = [1], strides = [1]} : vector<16xf32> to vector<1xf32>
      %squeeze3A_1706 = vector.extract %slice3A_1705[0] : f32 from vector<1xf32>
      %mul3A_1707 = vector.broadcast %squeeze3A_1706 : f32 to vector<16xf32>
      %mul3A_1708 = arith.mulf %max3A_394, %mul3A_1707 : vector<16xf32>
      %add3A_1709 = arith.addf %add3A_1702, %mul3A_1708 : vector<16xf32>
      %get3A_1710 = arith.constant 192 : index
      %get3A_1711 = tpu.vector_load %arg14[%get3A_1710] {strides = array<i32>} : memref<352xf32, #tpu.memory_space<vmem>>, vector<16xf32>,
      %slice3A_1712 = vector.extract_strided_slice %get3A_1711 {offsets = [2], sizes = [1], strides = [1]} : vector<16xf32> to vector<1xf32>
      %squeeze3A_1713 = vector.extract %slice3A_1712[0] : f32 from vector<1xf32>
      %mul3A_1714 = vector.broadcast %squeeze3A_1713 : f32 to vector<16xf32>
      %mul3A_1715 = arith.mulf %max3A_438, %mul3A_1714 : vector<16xf32>
      %add3A_1716 = arith.addf %add3A_1709, %mul3A_1715 : vector<16xf32>
      %get3A_1717 = arith.constant 192 : index
      %get3A_1718 = tpu.vector_load %arg14[%get3A_1717] {strides = array<i32>} : memref<352xf32, #tpu.memory_space<vmem>>, vector<16xf32>,
      %slice3A_1719 = vector.extract_strided_slice %get3A_1718 {offsets = [12], sizes = [1], strides = [1]} : vector<16xf32> to vector<1xf32>
      %squeeze3A_1720 = vector.extract %slice3A_1719[0] : f32 from vector<1xf32>
      %mul3A_1721 = vector.broadcast %squeeze3A_1720 : f32 to vector<16xf32>
      %mul3A_1722 = arith.mulf %max3A_482, %mul3A_1721 : vector<16xf32>
      %add3A_1723 = arith.addf %add3A_1716, %mul3A_1722 : vector<16xf32>
      %get3A_1724 = arith.constant 208 : index
      %get3A_1725 = tpu.vector_load %arg14[%get3A_1724] {strides = array<i32>} : memref<352xf32, #tpu.memory_space<vmem>>, vector<16xf32>,
      %slice3A_1726 = vector.extract_strided_slice %get3A_1725 {offsets = [6], sizes = [1], strides = [1]} : vector<16xf32> to vector<1xf32>
      %squeeze3A_1727 = vector.extract %slice3A_1726[0] : f32 from vector<1xf32>
      %mul3A_1728 = vector.broadcast %squeeze3A_1727 : f32 to vector<16xf32>
      %mul3A_1729 = arith.mulf %max3A_526, %mul3A_1728 : vector<16xf32>
      %add3A_1730 = arith.addf %add3A_1723, %mul3A_1729 : vector<16xf32>
      %get3A_1731 = arith.constant 224 : index
      %get3A_1732 = tpu.vector_load %arg14[%get3A_1731] {strides = array<i32>} : memref<352xf32, #tpu.memory_space<vmem>>, vector<16xf32>,
      %slice3A_1733 = vector.extract_strided_slice %get3A_1732 {offsets = [0], sizes = [1], strides = [1]} : vector<16xf32> to vector<1xf32>
      %squeeze3A_1734 = vector.extract %slice3A_1733[0] : f32 from vector<1xf32>
      %mul3A_1735 = vector.broadcast %squeeze3A_1734 : f32 to vector<16xf32>
      %mul3A_1736 = arith.mulf %max3A_570, %mul3A_1735 : vector<16xf32>
      %add3A_1737 = arith.addf %add3A_1730, %mul3A_1736 : vector<16xf32>
      %get3A_1738 = arith.constant 224 : index
      %get3A_1739 = tpu.vector_load %arg14[%get3A_1738] {strides = array<i32>} : memref<352xf32, #tpu.memory_space<vmem>>, vector<16xf32>,
      %slice3A_1740 = vector.extract_strided_slice %get3A_1739 {offsets = [10], sizes = [1], strides = [1]} : vector<16xf32> to vector<1xf32>
      %squeeze3A_1741 = vector.extract %slice3A_1740[0] : f32 from vector<1xf32>
      %mul3A_1742 = vector.broadcast %squeeze3A_1741 : f32 to vector<16xf32>
      %mul3A_1743 = arith.mulf %max3A_614, %mul3A_1742 : vector<16xf32>
      %add3A_1744 = arith.addf %add3A_1737, %mul3A_1743 : vector<16xf32>
      %get3A_1745 = arith.constant 240 : index
      %get3A_1746 = tpu.vector_load %arg14[%get3A_1745] {strides = array<i32>} : memref<352xf32, #tpu.memory_space<vmem>>, vector<16xf32>,
      %slice3A_1747 = vector.extract_strided_slice %get3A_1746 {offsets = [4], sizes = [1], strides = [1]} : vector<16xf32> to vector<1xf32>
      %squeeze3A_1748 = vector.extract %slice3A_1747[0] : f32 from vector<1xf32>
      %mul3A_1749 = vector.broadcast %squeeze3A_1748 : f32 to vector<16xf32>
      %mul3A_1750 = arith.mulf %max3A_658, %mul3A_1749 : vector<16xf32>
      %add3A_1751 = arith.addf %add3A_1744, %mul3A_1750 : vector<16xf32>
      %get3A_1752 = arith.constant 240 : index
      %get3A_1753 = tpu.vector_load %arg14[%get3A_1752] {strides = array<i32>} : memref<352xf32, #tpu.memory_space<vmem>>, vector<16xf32>,
      %slice3A_1754 = vector.extract_strided_slice %get3A_1753 {offsets = [14], sizes = [1], strides = [1]} : vector<16xf32> to vector<1xf32>
      %squeeze3A_1755 = vector.extract %slice3A_1754[0] : f32 from vector<1xf32>
      %mul3A_1756 = vector.broadcast %squeeze3A_1755 : f32 to vector<16xf32>
      %mul3A_1757 = arith.mulf %max3A_702, %mul3A_1756 : vector<16xf32>
      %add3A_1758 = arith.addf %add3A_1751, %mul3A_1757 : vector<16xf32>
      %get3A_1759 = arith.constant 256 : index
      %get3A_1760 = tpu.vector_load %arg14[%get3A_1759] {strides = array<i32>} : memref<352xf32, #tpu.memory_space<vmem>>, vector<16xf32>,
      %slice3A_1761 = vector.extract_strided_slice %get3A_1760 {offsets = [8], sizes = [1], strides = [1]} : vector<16xf32> to vector<1xf32>
      %squeeze3A_1762 = vector.extract %slice3A_1761[0] : f32 from vector<1xf32>
      %mul3A_1763 = vector.broadcast %squeeze3A_1762 : f32 to vector<16xf32>
      %mul3A_1764 = arith.mulf %max3A_746, %mul3A_1763 : vector<16xf32>
      %add3A_1765 = arith.addf %add3A_1758, %mul3A_1764 : vector<16xf32>
      %get3A_1766 = arith.constant 272 : index
      %get3A_1767 = tpu.vector_load %arg14[%get3A_1766] {strides = array<i32>} : memref<352xf32, #tpu.memory_space<vmem>>, vector<16xf32>,
      %slice3A_1768 = vector.extract_strided_slice %get3A_1767 {offsets = [2], sizes = [1], strides = [1]} : vector<16xf32> to vector<1xf32>
      %squeeze3A_1769 = vector.extract %slice3A_1768[0] : f32 from vector<1xf32>
      %mul3A_1770 = vector.broadcast %squeeze3A_1769 : f32 to vector<16xf32>
      %mul3A_1771 = arith.mulf %max3A_790, %mul3A_1770 : vector<16xf32>
      %add3A_1772 = arith.addf %add3A_1765, %mul3A_1771 : vector<16xf32>
      %get3A_1773 = arith.constant 272 : index
      %get3A_1774 = tpu.vector_load %arg14[%get3A_1773] {strides = array<i32>} : memref<352xf32, #tpu.memory_space<vmem>>, vector<16xf32>,
      %slice3A_1775 = vector.extract_strided_slice %get3A_1774 {offsets = [12], sizes = [1], strides = [1]} : vector<16xf32> to vector<1xf32>
      %squeeze3A_1776 = vector.extract %slice3A_1775[0] : f32 from vector<1xf32>
      %mul3A_1777 = vector.broadcast %squeeze3A_1776 : f32 to vector<16xf32>
      %mul3A_1778 = arith.mulf %max3A_834, %mul3A_1777 : vector<16xf32>
      %add3A_1779 = arith.addf %add3A_1772, %mul3A_1778 : vector<16xf32>
      %get3A_1780 = arith.constant 288 : index
      %get3A_1781 = tpu.vector_load %arg14[%get3A_1780] {strides = array<i32>} : memref<352xf32, #tpu.memory_space<vmem>>, vector<16xf32>,
      %slice3A_1782 = vector.extract_strided_slice %get3A_1781 {offsets = [6], sizes = [1], strides = [1]} : vector<16xf32> to vector<1xf32>
      %squeeze3A_1783 = vector.extract %slice3A_1782[0] : f32 from vector<1xf32>
      %mul3A_1784 = vector.broadcast %squeeze3A_1783 : f32 to vector<16xf32>
      %mul3A_1785 = arith.mulf %max3A_878, %mul3A_1784 : vector<16xf32>
      %add3A_1786 = arith.addf %add3A_1779, %mul3A_1785 : vector<16xf32>
      %get3A_1787 = arith.constant 304 : index
      %get3A_1788 = tpu.vector_load %arg14[%get3A_1787] {strides = array<i32>} : memref<352xf32, #tpu.memory_space<vmem>>, vector<16xf32>,
      %slice3A_1789 = vector.extract_strided_slice %get3A_1788 {offsets = [0], sizes = [1], strides = [1]} : vector<16xf32> to vector<1xf32>
      %squeeze3A_1790 = vector.extract %slice3A_1789[0] : f32 from vector<1xf32>
      %mul3A_1791 = vector.broadcast %squeeze3A_1790 : f32 to vector<16xf32>
      %mul3A_1792 = arith.mulf %max3A_922, %mul3A_1791 : vector<16xf32>
      %add3A_1793 = arith.addf %add3A_1786, %mul3A_1792 : vector<16xf32>
      %get3A_1794 = arith.constant 304 : index
      %get3A_1795 = tpu.vector_load %arg14[%get3A_1794] {strides = array<i32>} : memref<352xf32, #tpu.memory_space<vmem>>, vector<16xf32>,
      %slice3A_1796 = vector.extract_strided_slice %get3A_1795 {offsets = [10], sizes = [1], strides = [1]} : vector<16xf32> to vector<1xf32>
      %squeeze3A_1797 = vector.extract %slice3A_1796[0] : f32 from vector<1xf32>
      %mul3A_1798 = vector.broadcast %squeeze3A_1797 : f32 to vector<16xf32>
      %mul3A_1799 = arith.mulf %max3A_966, %mul3A_1798 : vector<16xf32>
      %add3A_1800 = arith.addf %add3A_1793, %mul3A_1799 : vector<16xf32>
      %get3A_1801 = arith.constant 320 : index
      %get3A_1802 = tpu.vector_load %arg14[%get3A_1801] {strides = array<i32>} : memref<352xf32, #tpu.memory_space<vmem>>, vector<16xf32>,
      %slice3A_1803 = vector.extract_strided_slice %get3A_1802 {offsets = [4], sizes = [1], strides = [1]} : vector<16xf32> to vector<1xf32>
      %squeeze3A_1804 = vector.extract %slice3A_1803[0] : f32 from vector<1xf32>
      %mul3A_1805 = vector.broadcast %squeeze3A_1804 : f32 to vector<16xf32>
      %mul3A_1806 = arith.mulf %max3A_1010, %mul3A_1805 : vector<16xf32>
      %add3A_1807 = arith.addf %add3A_1800, %mul3A_1806 : vector<16xf32>
      %get3A_1808 = arith.constant 320 : index
      %get3A_1809 = tpu.vector_load %arg14[%get3A_1808] {strides = array<i32>} : memref<352xf32, #tpu.memory_space<vmem>>, vector<16xf32>,
      %slice3A_1810 = vector.extract_strided_slice %get3A_1809 {offsets = [14], sizes = [1], strides = [1]} : vector<16xf32> to vector<1xf32>
      %squeeze3A_1811 = vector.extract %slice3A_1810[0] : f32 from vector<1xf32>
      %mul3A_1812 = vector.broadcast %squeeze3A_1811 : f32 to vector<16xf32>
      %mul3A_1813 = arith.mulf %max3A_1054, %mul3A_1812 : vector<16xf32>
      %add3A_1814 = arith.addf %add3A_1807, %mul3A_1813 : vector<16xf32>
      %mul3A_1815 = arith.constant 0.00999999977 : f32
      %mul3A_1816 = vector.broadcast %mul3A_1815 : f32 to vector<16xf32>
      %mul3A_1817 = arith.mulf %mul3A_1816, %add3A_1814 : vector<16xf32>
      %max3A_1818 = arith.maximumf %add3A_1814, %mul3A_1817 : vector<16xf32>
      %add3A_1819 = arith.constant 4 : i32
      %add3A_1820 = vector.broadcast %add3A_1819 : i32 to vector<16xi32>
      %add3A_1821 = arith.addi %mul3A_1061, %add3A_1820 : vector<16xi32>
      tpu.vector_store_idx %arg15[%add3A_1821], %max3A_1818 : memref<3680xf32, #tpu.memory_space<vmem>>[vector<16xi32>], vector<16xf32>,
      %get3A_1822 = arith.constant 336 : index
      %get3A_1823 = tpu.vector_load %arg14[%get3A_1822] {strides = array<i32>} : memref<352xf32, #tpu.memory_space<vmem>>, vector<16xf32>,
      %slice3A_1824 = vector.extract_strided_slice %get3A_1823 {offsets = [9], sizes = [1], strides = [1]} : vector<16xf32> to vector<1xf32>
      %squeeze3A_1825 = vector.extract %slice3A_1824[0] : f32 from vector<1xf32>
      %get3A_1826 = arith.constant 144 : index
      %get3A_1827 = tpu.vector_load %arg14[%get3A_1826] {strides = array<i32>} : memref<352xf32, #tpu.memory_space<vmem>>, vector<16xf32>,
      %slice3A_1828 = vector.extract_strided_slice %get3A_1827 {offsets = [1], sizes = [1], strides = [1]} : vector<16xf32> to vector<1xf32>
      %squeeze3A_1829 = vector.extract %slice3A_1828[0] : f32 from vector<1xf32>
      %mul3A_1830 = vector.broadcast %squeeze3A_1829 : f32 to vector<16xf32>
      %mul3A_1831 = arith.mulf %max3A, %mul3A_1830 : vector<16xf32>
      %add3A_1832 = vector.broadcast %squeeze3A_1825 : f32 to vector<16xf32>
      %add3A_1833 = arith.addf %add3A_1832, %mul3A_1831 : vector<16xf32>
      %get3A_1834 = arith.constant 144 : index
      %get3A_1835 = tpu.vector_load %arg14[%get3A_1834] {strides = array<i32>} : memref<352xf32, #tpu.memory_space<vmem>>, vector<16xf32>,
      %slice3A_1836 = vector.extract_strided_slice %get3A_1835 {offsets = [11], sizes = [1], strides = [1]} : vector<16xf32> to vector<1xf32>
      %squeeze3A_1837 = vector.extract %slice3A_1836[0] : f32 from vector<1xf32>
      %mul3A_1838 = vector.broadcast %squeeze3A_1837 : f32 to vector<16xf32>
      %mul3A_1839 = arith.mulf %max3A_262, %mul3A_1838 : vector<16xf32>
      %add3A_1840 = arith.addf %add3A_1833, %mul3A_1839 : vector<16xf32>
      %get3A_1841 = arith.constant 160 : index
      %get3A_1842 = tpu.vector_load %arg14[%get3A_1841] {strides = array<i32>} : memref<352xf32, #tpu.memory_space<vmem>>, vector<16xf32>,
      %slice3A_1843 = vector.extract_strided_slice %get3A_1842 {offsets = [5], sizes = [1], strides = [1]} : vector<16xf32> to vector<1xf32>
      %squeeze3A_1844 = vector.extract %slice3A_1843[0] : f32 from vector<1xf32>
      %mul3A_1845 = vector.broadcast %squeeze3A_1844 : f32 to vector<16xf32>
      %mul3A_1846 = arith.mulf %max3A_306, %mul3A_1845 : vector<16xf32>
      %add3A_1847 = arith.addf %add3A_1840, %mul3A_1846 : vector<16xf32>
      %get3A_1848 = arith.constant 160 : index
      %get3A_1849 = tpu.vector_load %arg14[%get3A_1848] {strides = array<i32>} : memref<352xf32, #tpu.memory_space<vmem>>, vector<16xf32>,
      %slice3A_1850 = vector.extract_strided_slice %get3A_1849 {offsets = [15], sizes = [1], strides = [1]} : vector<16xf32> to vector<1xf32>
      %squeeze3A_1851 = vector.extract %slice3A_1850[0] : f32 from vector<1xf32>
      %mul3A_1852 = vector.broadcast %squeeze3A_1851 : f32 to vector<16xf32>
      %mul3A_1853 = arith.mulf %max3A_350, %mul3A_1852 : vector<16xf32>
      %add3A_1854 = arith.addf %add3A_1847, %mul3A_1853 : vector<16xf32>
      %get3A_1855 = arith.constant 176 : index
      %get3A_1856 = tpu.vector_load %arg14[%get3A_1855] {strides = array<i32>} : memref<352xf32, #tpu.memory_space<vmem>>, vector<16xf32>,
      %slice3A_1857 = vector.extract_strided_slice %get3A_1856 {offsets = [9], sizes = [1], strides = [1]} : vector<16xf32> to vector<1xf32>
      %squeeze3A_1858 = vector.extract %slice3A_1857[0] : f32 from vector<1xf32>
      %mul3A_1859 = vector.broadcast %squeeze3A_1858 : f32 to vector<16xf32>
      %mul3A_1860 = arith.mulf %max3A_394, %mul3A_1859 : vector<16xf32>
      %add3A_1861 = arith.addf %add3A_1854, %mul3A_1860 : vector<16xf32>
      %get3A_1862 = arith.constant 192 : index
      %get3A_1863 = tpu.vector_load %arg14[%get3A_1862] {strides = array<i32>} : memref<352xf32, #tpu.memory_space<vmem>>, vector<16xf32>,
      %slice3A_1864 = vector.extract_strided_slice %get3A_1863 {offsets = [3], sizes = [1], strides = [1]} : vector<16xf32> to vector<1xf32>
      %squeeze3A_1865 = vector.extract %slice3A_1864[0] : f32 from vector<1xf32>
      %mul3A_1866 = vector.broadcast %squeeze3A_1865 : f32 to vector<16xf32>
      %mul3A_1867 = arith.mulf %max3A_438, %mul3A_1866 : vector<16xf32>
      %add3A_1868 = arith.addf %add3A_1861, %mul3A_1867 : vector<16xf32>
      %get3A_1869 = arith.constant 192 : index
      %get3A_1870 = tpu.vector_load %arg14[%get3A_1869] {strides = array<i32>} : memref<352xf32, #tpu.memory_space<vmem>>, vector<16xf32>,
      %slice3A_1871 = vector.extract_strided_slice %get3A_1870 {offsets = [13], sizes = [1], strides = [1]} : vector<16xf32> to vector<1xf32>
      %squeeze3A_1872 = vector.extract %slice3A_1871[0] : f32 from vector<1xf32>
      %mul3A_1873 = vector.broadcast %squeeze3A_1872 : f32 to vector<16xf32>
      %mul3A_1874 = arith.mulf %max3A_482, %mul3A_1873 : vector<16xf32>
      %add3A_1875 = arith.addf %add3A_1868, %mul3A_1874 : vector<16xf32>
      %get3A_1876 = arith.constant 208 : index
      %get3A_1877 = tpu.vector_load %arg14[%get3A_1876] {strides = array<i32>} : memref<352xf32, #tpu.memory_space<vmem>>, vector<16xf32>,
      %slice3A_1878 = vector.extract_strided_slice %get3A_1877 {offsets = [7], sizes = [1], strides = [1]} : vector<16xf32> to vector<1xf32>
      %squeeze3A_1879 = vector.extract %slice3A_1878[0] : f32 from vector<1xf32>
      %mul3A_1880 = vector.broadcast %squeeze3A_1879 : f32 to vector<16xf32>
      %mul3A_1881 = arith.mulf %max3A_526, %mul3A_1880 : vector<16xf32>
      %add3A_1882 = arith.addf %add3A_1875, %mul3A_1881 : vector<16xf32>
      %get3A_1883 = arith.constant 224 : index
      %get3A_1884 = tpu.vector_load %arg14[%get3A_1883] {strides = array<i32>} : memref<352xf32, #tpu.memory_space<vmem>>, vector<16xf32>,
      %slice3A_1885 = vector.extract_strided_slice %get3A_1884 {offsets = [1], sizes = [1], strides = [1]} : vector<16xf32> to vector<1xf32>
      %squeeze3A_1886 = vector.extract %slice3A_1885[0] : f32 from vector<1xf32>
      %mul3A_1887 = vector.broadcast %squeeze3A_1886 : f32 to vector<16xf32>
      %mul3A_1888 = arith.mulf %max3A_570, %mul3A_1887 : vector<16xf32>
      %add3A_1889 = arith.addf %add3A_1882, %mul3A_1888 : vector<16xf32>
      %get3A_1890 = arith.constant 224 : index
      %get3A_1891 = tpu.vector_load %arg14[%get3A_1890] {strides = array<i32>} : memref<352xf32, #tpu.memory_space<vmem>>, vector<16xf32>,
      %slice3A_1892 = vector.extract_strided_slice %get3A_1891 {offsets = [11], sizes = [1], strides = [1]} : vector<16xf32> to vector<1xf32>
      %squeeze3A_1893 = vector.extract %slice3A_1892[0] : f32 from vector<1xf32>
      %mul3A_1894 = vector.broadcast %squeeze3A_1893 : f32 to vector<16xf32>
      %mul3A_1895 = arith.mulf %max3A_614, %mul3A_1894 : vector<16xf32>
      %add3A_1896 = arith.addf %add3A_1889, %mul3A_1895 : vector<16xf32>
      %get3A_1897 = arith.constant 240 : index
      %get3A_1898 = tpu.vector_load %arg14[%get3A_1897] {strides = array<i32>} : memref<352xf32, #tpu.memory_space<vmem>>, vector<16xf32>,
      %slice3A_1899 = vector.extract_strided_slice %get3A_1898 {offsets = [5], sizes = [1], strides = [1]} : vector<16xf32> to vector<1xf32>
      %squeeze3A_1900 = vector.extract %slice3A_1899[0] : f32 from vector<1xf32>
      %mul3A_1901 = vector.broadcast %squeeze3A_1900 : f32 to vector<16xf32>
      %mul3A_1902 = arith.mulf %max3A_658, %mul3A_1901 : vector<16xf32>
      %add3A_1903 = arith.addf %add3A_1896, %mul3A_1902 : vector<16xf32>
      %get3A_1904 = arith.constant 240 : index
      %get3A_1905 = tpu.vector_load %arg14[%get3A_1904] {strides = array<i32>} : memref<352xf32, #tpu.memory_space<vmem>>, vector<16xf32>,
      %slice3A_1906 = vector.extract_strided_slice %get3A_1905 {offsets = [15], sizes = [1], strides = [1]} : vector<16xf32> to vector<1xf32>
      %squeeze3A_1907 = vector.extract %slice3A_1906[0] : f32 from vector<1xf32>
      %mul3A_1908 = vector.broadcast %squeeze3A_1907 : f32 to vector<16xf32>
      %mul3A_1909 = arith.mulf %max3A_702, %mul3A_1908 : vector<16xf32>
      %add3A_1910 = arith.addf %add3A_1903, %mul3A_1909 : vector<16xf32>
      %get3A_1911 = arith.constant 256 : index
      %get3A_1912 = tpu.vector_load %arg14[%get3A_1911] {strides = array<i32>} : memref<352xf32, #tpu.memory_space<vmem>>, vector<16xf32>,
      %slice3A_1913 = vector.extract_strided_slice %get3A_1912 {offsets = [9], sizes = [1], strides = [1]} : vector<16xf32> to vector<1xf32>
      %squeeze3A_1914 = vector.extract %slice3A_1913[0] : f32 from vector<1xf32>
      %mul3A_1915 = vector.broadcast %squeeze3A_1914 : f32 to vector<16xf32>
      %mul3A_1916 = arith.mulf %max3A_746, %mul3A_1915 : vector<16xf32>
      %add3A_1917 = arith.addf %add3A_1910, %mul3A_1916 : vector<16xf32>
      %get3A_1918 = arith.constant 272 : index
      %get3A_1919 = tpu.vector_load %arg14[%get3A_1918] {strides = array<i32>} : memref<352xf32, #tpu.memory_space<vmem>>, vector<16xf32>,
      %slice3A_1920 = vector.extract_strided_slice %get3A_1919 {offsets = [3], sizes = [1], strides = [1]} : vector<16xf32> to vector<1xf32>
      %squeeze3A_1921 = vector.extract %slice3A_1920[0] : f32 from vector<1xf32>
      %mul3A_1922 = vector.broadcast %squeeze3A_1921 : f32 to vector<16xf32>
      %mul3A_1923 = arith.mulf %max3A_790, %mul3A_1922 : vector<16xf32>
      %add3A_1924 = arith.addf %add3A_1917, %mul3A_1923 : vector<16xf32>
      %get3A_1925 = arith.constant 272 : index
      %get3A_1926 = tpu.vector_load %arg14[%get3A_1925] {strides = array<i32>} : memref<352xf32, #tpu.memory_space<vmem>>, vector<16xf32>,
      %slice3A_1927 = vector.extract_strided_slice %get3A_1926 {offsets = [13], sizes = [1], strides = [1]} : vector<16xf32> to vector<1xf32>
      %squeeze3A_1928 = vector.extract %slice3A_1927[0] : f32 from vector<1xf32>
      %mul3A_1929 = vector.broadcast %squeeze3A_1928 : f32 to vector<16xf32>
      %mul3A_1930 = arith.mulf %max3A_834, %mul3A_1929 : vector<16xf32>
      %add3A_1931 = arith.addf %add3A_1924, %mul3A_1930 : vector<16xf32>
      %get3A_1932 = arith.constant 288 : index
      %get3A_1933 = tpu.vector_load %arg14[%get3A_1932] {strides = array<i32>} : memref<352xf32, #tpu.memory_space<vmem>>, vector<16xf32>,
      %slice3A_1934 = vector.extract_strided_slice %get3A_1933 {offsets = [7], sizes = [1], strides = [1]} : vector<16xf32> to vector<1xf32>
      %squeeze3A_1935 = vector.extract %slice3A_1934[0] : f32 from vector<1xf32>
      %mul3A_1936 = vector.broadcast %squeeze3A_1935 : f32 to vector<16xf32>
      %mul3A_1937 = arith.mulf %max3A_878, %mul3A_1936 : vector<16xf32>
      %add3A_1938 = arith.addf %add3A_1931, %mul3A_1937 : vector<16xf32>
      %get3A_1939 = arith.constant 304 : index
      %get3A_1940 = tpu.vector_load %arg14[%get3A_1939] {strides = array<i32>} : memref<352xf32, #tpu.memory_space<vmem>>, vector<16xf32>,
      %slice3A_1941 = vector.extract_strided_slice %get3A_1940 {offsets = [1], sizes = [1], strides = [1]} : vector<16xf32> to vector<1xf32>
      %squeeze3A_1942 = vector.extract %slice3A_1941[0] : f32 from vector<1xf32>
      %mul3A_1943 = vector.broadcast %squeeze3A_1942 : f32 to vector<16xf32>
      %mul3A_1944 = arith.mulf %max3A_922, %mul3A_1943 : vector<16xf32>
      %add3A_1945 = arith.addf %add3A_1938, %mul3A_1944 : vector<16xf32>
      %get3A_1946 = arith.constant 304 : index
      %get3A_1947 = tpu.vector_load %arg14[%get3A_1946] {strides = array<i32>} : memref<352xf32, #tpu.memory_space<vmem>>, vector<16xf32>,
      %slice3A_1948 = vector.extract_strided_slice %get3A_1947 {offsets = [11], sizes = [1], strides = [1]} : vector<16xf32> to vector<1xf32>
      %squeeze3A_1949 = vector.extract %slice3A_1948[0] : f32 from vector<1xf32>
      %mul3A_1950 = vector.broadcast %squeeze3A_1949 : f32 to vector<16xf32>
      %mul3A_1951 = arith.mulf %max3A_966, %mul3A_1950 : vector<16xf32>
      %add3A_1952 = arith.addf %add3A_1945, %mul3A_1951 : vector<16xf32>
      %get3A_1953 = arith.constant 320 : index
      %get3A_1954 = tpu.vector_load %arg14[%get3A_1953] {strides = array<i32>} : memref<352xf32, #tpu.memory_space<vmem>>, vector<16xf32>,
      %slice3A_1955 = vector.extract_strided_slice %get3A_1954 {offsets = [5], sizes = [1], strides = [1]} : vector<16xf32> to vector<1xf32>
      %squeeze3A_1956 = vector.extract %slice3A_1955[0] : f32 from vector<1xf32>
      %mul3A_1957 = vector.broadcast %squeeze3A_1956 : f32 to vector<16xf32>
      %mul3A_1958 = arith.mulf %max3A_1010, %mul3A_1957 : vector<16xf32>
      %add3A_1959 = arith.addf %add3A_1952, %mul3A_1958 : vector<16xf32>
      %get3A_1960 = arith.constant 320 : index
      %get3A_1961 = tpu.vector_load %arg14[%get3A_1960] {strides = array<i32>} : memref<352xf32, #tpu.memory_space<vmem>>, vector<16xf32>,
      %slice3A_1962 = vector.extract_strided_slice %get3A_1961 {offsets = [15], sizes = [1], strides = [1]} : vector<16xf32> to vector<1xf32>
      %squeeze3A_1963 = vector.extract %slice3A_1962[0] : f32 from vector<1xf32>
      %mul3A_1964 = vector.broadcast %squeeze3A_1963 : f32 to vector<16xf32>
      %mul3A_1965 = arith.mulf %max3A_1054, %mul3A_1964 : vector<16xf32>
      %add3A_1966 = arith.addf %add3A_1959, %mul3A_1965 : vector<16xf32>
      %mul3A_1967 = arith.constant 0.00999999977 : f32
      %mul3A_1968 = vector.broadcast %mul3A_1967 : f32 to vector<16xf32>
      %mul3A_1969 = arith.mulf %mul3A_1968, %add3A_1966 : vector<16xf32>
      %max3A_1970 = arith.maximumf %add3A_1966, %mul3A_1969 : vector<16xf32>
      %add3A_1971 = arith.constant 5 : i32
      %add3A_1972 = vector.broadcast %add3A_1971 : i32 to vector<16xi32>
      %add3A_1973 = arith.addi %mul3A_1061, %add3A_1972 : vector<16xi32>
      tpu.vector_store_idx %arg15[%add3A_1973], %max3A_1970 : memref<3680xf32, #tpu.memory_space<vmem>>[vector<16xi32>], vector<16xf32>,
      %get3A_1974 = arith.constant 336 : index
      %get3A_1975 = tpu.vector_load %arg14[%get3A_1974] {strides = array<i32>} : memref<352xf32, #tpu.memory_space<vmem>>, vector<16xf32>,
      %slice3A_1976 = vector.extract_strided_slice %get3A_1975 {offsets = [10], sizes = [1], strides = [1]} : vector<16xf32> to vector<1xf32>
      %squeeze3A_1977 = vector.extract %slice3A_1976[0] : f32 from vector<1xf32>
      %get3A_1978 = arith.constant 144 : index
      %get3A_1979 = tpu.vector_load %arg14[%get3A_1978] {strides = array<i32>} : memref<352xf32, #tpu.memory_space<vmem>>, vector<16xf32>,
      %slice3A_1980 = vector.extract_strided_slice %get3A_1979 {offsets = [2], sizes = [1], strides = [1]} : vector<16xf32> to vector<1xf32>
      %squeeze3A_1981 = vector.extract %slice3A_1980[0] : f32 from vector<1xf32>
      %mul3A_1982 = vector.broadcast %squeeze3A_1981 : f32 to vector<16xf32>
      %mul3A_1983 = arith.mulf %max3A, %mul3A_1982 : vector<16xf32>
      %add3A_1984 = vector.broadcast %squeeze3A_1977 : f32 to vector<16xf32>
      %add3A_1985 = arith.addf %add3A_1984, %mul3A_1983 : vector<16xf32>
      %get3A_1986 = arith.constant 144 : index
      %get3A_1987 = tpu.vector_load %arg14[%get3A_1986] {strides = array<i32>} : memref<352xf32, #tpu.memory_space<vmem>>, vector<16xf32>,
      %slice3A_1988 = vector.extract_strided_slice %get3A_1987 {offsets = [12], sizes = [1], strides = [1]} : vector<16xf32> to vector<1xf32>
      %squeeze3A_1989 = vector.extract %slice3A_1988[0] : f32 from vector<1xf32>
      %mul3A_1990 = vector.broadcast %squeeze3A_1989 : f32 to vector<16xf32>
      %mul3A_1991 = arith.mulf %max3A_262, %mul3A_1990 : vector<16xf32>
      %add3A_1992 = arith.addf %add3A_1985, %mul3A_1991 : vector<16xf32>
      %get3A_1993 = arith.constant 160 : index
      %get3A_1994 = tpu.vector_load %arg14[%get3A_1993] {strides = array<i32>} : memref<352xf32, #tpu.memory_space<vmem>>, vector<16xf32>,
      %slice3A_1995 = vector.extract_strided_slice %get3A_1994 {offsets = [6], sizes = [1], strides = [1]} : vector<16xf32> to vector<1xf32>
      %squeeze3A_1996 = vector.extract %slice3A_1995[0] : f32 from vector<1xf32>
      %mul3A_1997 = vector.broadcast %squeeze3A_1996 : f32 to vector<16xf32>
      %mul3A_1998 = arith.mulf %max3A_306, %mul3A_1997 : vector<16xf32>
      %add3A_1999 = arith.addf %add3A_1992, %mul3A_1998 : vector<16xf32>
      %get3A_2000 = arith.constant 176 : index
      %get3A_2001 = tpu.vector_load %arg14[%get3A_2000] {strides = array<i32>} : memref<352xf32, #tpu.memory_space<vmem>>, vector<16xf32>,
      %slice3A_2002 = vector.extract_strided_slice %get3A_2001 {offsets = [0], sizes = [1], strides = [1]} : vector<16xf32> to vector<1xf32>
      %squeeze3A_2003 = vector.extract %slice3A_2002[0] : f32 from vector<1xf32>
      %mul3A_2004 = vector.broadcast %squeeze3A_2003 : f32 to vector<16xf32>
      %mul3A_2005 = arith.mulf %max3A_350, %mul3A_2004 : vector<16xf32>
      %add3A_2006 = arith.addf %add3A_1999, %mul3A_2005 : vector<16xf32>
      %get3A_2007 = arith.constant 176 : index
      %get3A_2008 = tpu.vector_load %arg14[%get3A_2007] {strides = array<i32>} : memref<352xf32, #tpu.memory_space<vmem>>, vector<16xf32>,
      %slice3A_2009 = vector.extract_strided_slice %get3A_2008 {offsets = [10], sizes = [1], strides = [1]} : vector<16xf32> to vector<1xf32>
      %squeeze3A_2010 = vector.extract %slice3A_2009[0] : f32 from vector<1xf32>
      %mul3A_2011 = vector.broadcast %squeeze3A_2010 : f32 to vector<16xf32>
      %mul3A_2012 = arith.mulf %max3A_394, %mul3A_2011 : vector<16xf32>
      %add3A_2013 = arith.addf %add3A_2006, %mul3A_2012 : vector<16xf32>
      %get3A_2014 = arith.constant 192 : index
      %get3A_2015 = tpu.vector_load %arg14[%get3A_2014] {strides = array<i32>} : memref<352xf32, #tpu.memory_space<vmem>>, vector<16xf32>,
      %slice3A_2016 = vector.extract_strided_slice %get3A_2015 {offsets = [4], sizes = [1], strides = [1]} : vector<16xf32> to vector<1xf32>
      %squeeze3A_2017 = vector.extract %slice3A_2016[0] : f32 from vector<1xf32>
      %mul3A_2018 = vector.broadcast %squeeze3A_2017 : f32 to vector<16xf32>
      %mul3A_2019 = arith.mulf %max3A_438, %mul3A_2018 : vector<16xf32>
      %add3A_2020 = arith.addf %add3A_2013, %mul3A_2019 : vector<16xf32>
      %get3A_2021 = arith.constant 192 : index
      %get3A_2022 = tpu.vector_load %arg14[%get3A_2021] {strides = array<i32>} : memref<352xf32, #tpu.memory_space<vmem>>, vector<16xf32>,
      %slice3A_2023 = vector.extract_strided_slice %get3A_2022 {offsets = [14], sizes = [1], strides = [1]} : vector<16xf32> to vector<1xf32>
      %squeeze3A_2024 = vector.extract %slice3A_2023[0] : f32 from vector<1xf32>
      %mul3A_2025 = vector.broadcast %squeeze3A_2024 : f32 to vector<16xf32>
      %mul3A_2026 = arith.mulf %max3A_482, %mul3A_2025 : vector<16xf32>
      %add3A_2027 = arith.addf %add3A_2020, %mul3A_2026 : vector<16xf32>
      %get3A_2028 = arith.constant 208 : index
      %get3A_2029 = tpu.vector_load %arg14[%get3A_2028] {strides = array<i32>} : memref<352xf32, #tpu.memory_space<vmem>>, vector<16xf32>,
      %slice3A_2030 = vector.extract_strided_slice %get3A_2029 {offsets = [8], sizes = [1], strides = [1]} : vector<16xf32> to vector<1xf32>
      %squeeze3A_2031 = vector.extract %slice3A_2030[0] : f32 from vector<1xf32>
      %mul3A_2032 = vector.broadcast %squeeze3A_2031 : f32 to vector<16xf32>
      %mul3A_2033 = arith.mulf %max3A_526, %mul3A_2032 : vector<16xf32>
      %add3A_2034 = arith.addf %add3A_2027, %mul3A_2033 : vector<16xf32>
      %get3A_2035 = arith.constant 224 : index
      %get3A_2036 = tpu.vector_load %arg14[%get3A_2035] {strides = array<i32>} : memref<352xf32, #tpu.memory_space<vmem>>, vector<16xf32>,
      %slice3A_2037 = vector.extract_strided_slice %get3A_2036 {offsets = [2], sizes = [1], strides = [1]} : vector<16xf32> to vector<1xf32>
      %squeeze3A_2038 = vector.extract %slice3A_2037[0] : f32 from vector<1xf32>
      %mul3A_2039 = vector.broadcast %squeeze3A_2038 : f32 to vector<16xf32>
      %mul3A_2040 = arith.mulf %max3A_570, %mul3A_2039 : vector<16xf32>
      %add3A_2041 = arith.addf %add3A_2034, %mul3A_2040 : vector<16xf32>
      %get3A_2042 = arith.constant 224 : index
      %get3A_2043 = tpu.vector_load %arg14[%get3A_2042] {strides = array<i32>} : memref<352xf32, #tpu.memory_space<vmem>>, vector<16xf32>,
      %slice3A_2044 = vector.extract_strided_slice %get3A_2043 {offsets = [12], sizes = [1], strides = [1]} : vector<16xf32> to vector<1xf32>
      %squeeze3A_2045 = vector.extract %slice3A_2044[0] : f32 from vector<1xf32>
      %mul3A_2046 = vector.broadcast %squeeze3A_2045 : f32 to vector<16xf32>
      %mul3A_2047 = arith.mulf %max3A_614, %mul3A_2046 : vector<16xf32>
      %add3A_2048 = arith.addf %add3A_2041, %mul3A_2047 : vector<16xf32>
      %get3A_2049 = arith.constant 240 : index
      %get3A_2050 = tpu.vector_load %arg14[%get3A_2049] {strides = array<i32>} : memref<352xf32, #tpu.memory_space<vmem>>, vector<16xf32>,
      %slice3A_2051 = vector.extract_strided_slice %get3A_2050 {offsets = [6], sizes = [1], strides = [1]} : vector<16xf32> to vector<1xf32>
      %squeeze3A_2052 = vector.extract %slice3A_2051[0] : f32 from vector<1xf32>
      %mul3A_2053 = vector.broadcast %squeeze3A_2052 : f32 to vector<16xf32>
      %mul3A_2054 = arith.mulf %max3A_658, %mul3A_2053 : vector<16xf32>
      %add3A_2055 = arith.addf %add3A_2048, %mul3A_2054 : vector<16xf32>
      %get3A_2056 = arith.constant 256 : index
      %get3A_2057 = tpu.vector_load %arg14[%get3A_2056] {strides = array<i32>} : memref<352xf32, #tpu.memory_space<vmem>>, vector<16xf32>,
      %slice3A_2058 = vector.extract_strided_slice %get3A_2057 {offsets = [0], sizes = [1], strides = [1]} : vector<16xf32> to vector<1xf32>
      %squeeze3A_2059 = vector.extract %slice3A_2058[0] : f32 from vector<1xf32>
      %mul3A_2060 = vector.broadcast %squeeze3A_2059 : f32 to vector<16xf32>
      %mul3A_2061 = arith.mulf %max3A_702, %mul3A_2060 : vector<16xf32>
      %add3A_2062 = arith.addf %add3A_2055, %mul3A_2061 : vector<16xf32>
      %get3A_2063 = arith.constant 256 : index
      %get3A_2064 = tpu.vector_load %arg14[%get3A_2063] {strides = array<i32>} : memref<352xf32, #tpu.memory_space<vmem>>, vector<16xf32>,
      %slice3A_2065 = vector.extract_strided_slice %get3A_2064 {offsets = [10], sizes = [1], strides = [1]} : vector<16xf32> to vector<1xf32>
      %squeeze3A_2066 = vector.extract %slice3A_2065[0] : f32 from vector<1xf32>
      %mul3A_2067 = vector.broadcast %squeeze3A_2066 : f32 to vector<16xf32>
      %mul3A_2068 = arith.mulf %max3A_746, %mul3A_2067 : vector<16xf32>
      %add3A_2069 = arith.addf %add3A_2062, %mul3A_2068 : vector<16xf32>
      %get3A_2070 = arith.constant 272 : index
      %get3A_2071 = tpu.vector_load %arg14[%get3A_2070] {strides = array<i32>} : memref<352xf32, #tpu.memory_space<vmem>>, vector<16xf32>,
      %slice3A_2072 = vector.extract_strided_slice %get3A_2071 {offsets = [4], sizes = [1], strides = [1]} : vector<16xf32> to vector<1xf32>
      %squeeze3A_2073 = vector.extract %slice3A_2072[0] : f32 from vector<1xf32>
      %mul3A_2074 = vector.broadcast %squeeze3A_2073 : f32 to vector<16xf32>
      %mul3A_2075 = arith.mulf %max3A_790, %mul3A_2074 : vector<16xf32>
      %add3A_2076 = arith.addf %add3A_2069, %mul3A_2075 : vector<16xf32>
      %get3A_2077 = arith.constant 272 : index
      %get3A_2078 = tpu.vector_load %arg14[%get3A_2077] {strides = array<i32>} : memref<352xf32, #tpu.memory_space<vmem>>, vector<16xf32>,
      %slice3A_2079 = vector.extract_strided_slice %get3A_2078 {offsets = [14], sizes = [1], strides = [1]} : vector<16xf32> to vector<1xf32>
      %squeeze3A_2080 = vector.extract %slice3A_2079[0] : f32 from vector<1xf32>
      %mul3A_2081 = vector.broadcast %squeeze3A_2080 : f32 to vector<16xf32>
      %mul3A_2082 = arith.mulf %max3A_834, %mul3A_2081 : vector<16xf32>
      %add3A_2083 = arith.addf %add3A_2076, %mul3A_2082 : vector<16xf32>
      %get3A_2084 = arith.constant 288 : index
      %get3A_2085 = tpu.vector_load %arg14[%get3A_2084] {strides = array<i32>} : memref<352xf32, #tpu.memory_space<vmem>>, vector<16xf32>,
      %slice3A_2086 = vector.extract_strided_slice %get3A_2085 {offsets = [8], sizes = [1], strides = [1]} : vector<16xf32> to vector<1xf32>
      %squeeze3A_2087 = vector.extract %slice3A_2086[0] : f32 from vector<1xf32>
      %mul3A_2088 = vector.broadcast %squeeze3A_2087 : f32 to vector<16xf32>
      %mul3A_2089 = arith.mulf %max3A_878, %mul3A_2088 : vector<16xf32>
      %add3A_2090 = arith.addf %add3A_2083, %mul3A_2089 : vector<16xf32>
      %get3A_2091 = arith.constant 304 : index
      %get3A_2092 = tpu.vector_load %arg14[%get3A_2091] {strides = array<i32>} : memref<352xf32, #tpu.memory_space<vmem>>, vector<16xf32>,
      %slice3A_2093 = vector.extract_strided_slice %get3A_2092 {offsets = [2], sizes = [1], strides = [1]} : vector<16xf32> to vector<1xf32>
      %squeeze3A_2094 = vector.extract %slice3A_2093[0] : f32 from vector<1xf32>
      %mul3A_2095 = vector.broadcast %squeeze3A_2094 : f32 to vector<16xf32>
      %mul3A_2096 = arith.mulf %max3A_922, %mul3A_2095 : vector<16xf32>
      %add3A_2097 = arith.addf %add3A_2090, %mul3A_2096 : vector<16xf32>
      %get3A_2098 = arith.constant 304 : index
      %get3A_2099 = tpu.vector_load %arg14[%get3A_2098] {strides = array<i32>} : memref<352xf32, #tpu.memory_space<vmem>>, vector<16xf32>,
      %slice3A_2100 = vector.extract_strided_slice %get3A_2099 {offsets = [12], sizes = [1], strides = [1]} : vector<16xf32> to vector<1xf32>
      %squeeze3A_2101 = vector.extract %slice3A_2100[0] : f32 from vector<1xf32>
      %mul3A_2102 = vector.broadcast %squeeze3A_2101 : f32 to vector<16xf32>
      %mul3A_2103 = arith.mulf %max3A_966, %mul3A_2102 : vector<16xf32>
      %add3A_2104 = arith.addf %add3A_2097, %mul3A_2103 : vector<16xf32>
      %get3A_2105 = arith.constant 320 : index
      %get3A_2106 = tpu.vector_load %arg14[%get3A_2105] {strides = array<i32>} : memref<352xf32, #tpu.memory_space<vmem>>, vector<16xf32>,
      %slice3A_2107 = vector.extract_strided_slice %get3A_2106 {offsets = [6], sizes = [1], strides = [1]} : vector<16xf32> to vector<1xf32>
      %squeeze3A_2108 = vector.extract %slice3A_2107[0] : f32 from vector<1xf32>
      %mul3A_2109 = vector.broadcast %squeeze3A_2108 : f32 to vector<16xf32>
      %mul3A_2110 = arith.mulf %max3A_1010, %mul3A_2109 : vector<16xf32>
      %add3A_2111 = arith.addf %add3A_2104, %mul3A_2110 : vector<16xf32>
      %get3A_2112 = arith.constant 336 : index
      %get3A_2113 = tpu.vector_load %arg14[%get3A_2112] {strides = array<i32>} : memref<352xf32, #tpu.memory_space<vmem>>, vector<16xf32>,
      %slice3A_2114 = vector.extract_strided_slice %get3A_2113 {offsets = [0], sizes = [1], strides = [1]} : vector<16xf32> to vector<1xf32>
      %squeeze3A_2115 = vector.extract %slice3A_2114[0] : f32 from vector<1xf32>
      %mul3A_2116 = vector.broadcast %squeeze3A_2115 : f32 to vector<16xf32>
      %mul3A_2117 = arith.mulf %max3A_1054, %mul3A_2116 : vector<16xf32>
      %add3A_2118 = arith.addf %add3A_2111, %mul3A_2117 : vector<16xf32>
      %mul3A_2119 = arith.constant 0.00999999977 : f32
      %mul3A_2120 = vector.broadcast %mul3A_2119 : f32 to vector<16xf32>
      %mul3A_2121 = arith.mulf %mul3A_2120, %add3A_2118 : vector<16xf32>
      %max3A_2122 = arith.maximumf %add3A_2118, %mul3A_2121 : vector<16xf32>
      %add3A_2123 = arith.constant 6 : i32
      %add3A_2124 = vector.broadcast %add3A_2123 : i32 to vector<16xi32>
      %add3A_2125 = arith.addi %mul3A_1061, %add3A_2124 : vector<16xi32>
      tpu.vector_store_idx %arg15[%add3A_2125], %max3A_2122 : memref<3680xf32, #tpu.memory_space<vmem>>[vector<16xi32>], vector<16xf32>,
      %get3A_2126 = arith.constant 336 : index
      %get3A_2127 = tpu.vector_load %arg14[%get3A_2126] {strides = array<i32>} : memref<352xf32, #tpu.memory_space<vmem>>, vector<16xf32>,
      %slice3A_2128 = vector.extract_strided_slice %get3A_2127 {offsets = [11], sizes = [1], strides = [1]} : vector<16xf32> to vector<1xf32>
      %squeeze3A_2129 = vector.extract %slice3A_2128[0] : f32 from vector<1xf32>
      %get3A_2130 = arith.constant 144 : index
      %get3A_2131 = tpu.vector_load %arg14[%get3A_2130] {strides = array<i32>} : memref<352xf32, #tpu.memory_space<vmem>>, vector<16xf32>,
      %slice3A_2132 = vector.extract_strided_slice %get3A_2131 {offsets = [3], sizes = [1], strides = [1]} : vector<16xf32> to vector<1xf32>
      %squeeze3A_2133 = vector.extract %slice3A_2132[0] : f32 from vector<1xf32>
      %mul3A_2134 = vector.broadcast %squeeze3A_2133 : f32 to vector<16xf32>
      %mul3A_2135 = arith.mulf %max3A, %mul3A_2134 : vector<16xf32>
      %add3A_2136 = vector.broadcast %squeeze3A_2129 : f32 to vector<16xf32>
      %add3A_2137 = arith.addf %add3A_2136, %mul3A_2135 : vector<16xf32>
      %get3A_2138 = arith.constant 144 : index
      %get3A_2139 = tpu.vector_load %arg14[%get3A_2138] {strides = array<i32>} : memref<352xf32, #tpu.memory_space<vmem>>, vector<16xf32>,
      %slice3A_2140 = vector.extract_strided_slice %get3A_2139 {offsets = [13], sizes = [1], strides = [1]} : vector<16xf32> to vector<1xf32>
      %squeeze3A_2141 = vector.extract %slice3A_2140[0] : f32 from vector<1xf32>
      %mul3A_2142 = vector.broadcast %squeeze3A_2141 : f32 to vector<16xf32>
      %mul3A_2143 = arith.mulf %max3A_262, %mul3A_2142 : vector<16xf32>
      %add3A_2144 = arith.addf %add3A_2137, %mul3A_2143 : vector<16xf32>
      %get3A_2145 = arith.constant 160 : index
      %get3A_2146 = tpu.vector_load %arg14[%get3A_2145] {strides = array<i32>} : memref<352xf32, #tpu.memory_space<vmem>>, vector<16xf32>,
      %slice3A_2147 = vector.extract_strided_slice %get3A_2146 {offsets = [7], sizes = [1], strides = [1]} : vector<16xf32> to vector<1xf32>
      %squeeze3A_2148 = vector.extract %slice3A_2147[0] : f32 from vector<1xf32>
      %mul3A_2149 = vector.broadcast %squeeze3A_2148 : f32 to vector<16xf32>
      %mul3A_2150 = arith.mulf %max3A_306, %mul3A_2149 : vector<16xf32>
      %add3A_2151 = arith.addf %add3A_2144, %mul3A_2150 : vector<16xf32>
      %get3A_2152 = arith.constant 176 : index
      %get3A_2153 = tpu.vector_load %arg14[%get3A_2152] {strides = array<i32>} : memref<352xf32, #tpu.memory_space<vmem>>, vector<16xf32>,
      %slice3A_2154 = vector.extract_strided_slice %get3A_2153 {offsets = [1], sizes = [1], strides = [1]} : vector<16xf32> to vector<1xf32>
      %squeeze3A_2155 = vector.extract %slice3A_2154[0] : f32 from vector<1xf32>
      %mul3A_2156 = vector.broadcast %squeeze3A_2155 : f32 to vector<16xf32>
      %mul3A_2157 = arith.mulf %max3A_350, %mul3A_2156 : vector<16xf32>
      %add3A_2158 = arith.addf %add3A_2151, %mul3A_2157 : vector<16xf32>
      %get3A_2159 = arith.constant 176 : index
      %get3A_2160 = tpu.vector_load %arg14[%get3A_2159] {strides = array<i32>} : memref<352xf32, #tpu.memory_space<vmem>>, vector<16xf32>,
      %slice3A_2161 = vector.extract_strided_slice %get3A_2160 {offsets = [11], sizes = [1], strides = [1]} : vector<16xf32> to vector<1xf32>
      %squeeze3A_2162 = vector.extract %slice3A_2161[0] : f32 from vector<1xf32>
      %mul3A_2163 = vector.broadcast %squeeze3A_2162 : f32 to vector<16xf32>
      %mul3A_2164 = arith.mulf %max3A_394, %mul3A_2163 : vector<16xf32>
      %add3A_2165 = arith.addf %add3A_2158, %mul3A_2164 : vector<16xf32>
      %get3A_2166 = arith.constant 192 : index
      %get3A_2167 = tpu.vector_load %arg14[%get3A_2166] {strides = array<i32>} : memref<352xf32, #tpu.memory_space<vmem>>, vector<16xf32>,
      %slice3A_2168 = vector.extract_strided_slice %get3A_2167 {offsets = [5], sizes = [1], strides = [1]} : vector<16xf32> to vector<1xf32>
      %squeeze3A_2169 = vector.extract %slice3A_2168[0] : f32 from vector<1xf32>
      %mul3A_2170 = vector.broadcast %squeeze3A_2169 : f32 to vector<16xf32>
      %mul3A_2171 = arith.mulf %max3A_438, %mul3A_2170 : vector<16xf32>
      %add3A_2172 = arith.addf %add3A_2165, %mul3A_2171 : vector<16xf32>
      %get3A_2173 = arith.constant 192 : index
      %get3A_2174 = tpu.vector_load %arg14[%get3A_2173] {strides = array<i32>} : memref<352xf32, #tpu.memory_space<vmem>>, vector<16xf32>,
      %slice3A_2175 = vector.extract_strided_slice %get3A_2174 {offsets = [15], sizes = [1], strides = [1]} : vector<16xf32> to vector<1xf32>
      %squeeze3A_2176 = vector.extract %slice3A_2175[0] : f32 from vector<1xf32>
      %mul3A_2177 = vector.broadcast %squeeze3A_2176 : f32 to vector<16xf32>
      %mul3A_2178 = arith.mulf %max3A_482, %mul3A_2177 : vector<16xf32>
      %add3A_2179 = arith.addf %add3A_2172, %mul3A_2178 : vector<16xf32>
      %get3A_2180 = arith.constant 208 : index
      %get3A_2181 = tpu.vector_load %arg14[%get3A_2180] {strides = array<i32>} : memref<352xf32, #tpu.memory_space<vmem>>, vector<16xf32>,
      %slice3A_2182 = vector.extract_strided_slice %get3A_2181 {offsets = [9], sizes = [1], strides = [1]} : vector<16xf32> to vector<1xf32>
      %squeeze3A_2183 = vector.extract %slice3A_2182[0] : f32 from vector<1xf32>
      %mul3A_2184 = vector.broadcast %squeeze3A_2183 : f32 to vector<16xf32>
      %mul3A_2185 = arith.mulf %max3A_526, %mul3A_2184 : vector<16xf32>
      %add3A_2186 = arith.addf %add3A_2179, %mul3A_2185 : vector<16xf32>
      %get3A_2187 = arith.constant 224 : index
      %get3A_2188 = tpu.vector_load %arg14[%get3A_2187] {strides = array<i32>} : memref<352xf32, #tpu.memory_space<vmem>>, vector<16xf32>,
      %slice3A_2189 = vector.extract_strided_slice %get3A_2188 {offsets = [3], sizes = [1], strides = [1]} : vector<16xf32> to vector<1xf32>
      %squeeze3A_2190 = vector.extract %slice3A_2189[0] : f32 from vector<1xf32>
      %mul3A_2191 = vector.broadcast %squeeze3A_2190 : f32 to vector<16xf32>
      %mul3A_2192 = arith.mulf %max3A_570, %mul3A_2191 : vector<16xf32>
      %add3A_2193 = arith.addf %add3A_2186, %mul3A_2192 : vector<16xf32>
      %get3A_2194 = arith.constant 224 : index
      %get3A_2195 = tpu.vector_load %arg14[%get3A_2194] {strides = array<i32>} : memref<352xf32, #tpu.memory_space<vmem>>, vector<16xf32>,
      %slice3A_2196 = vector.extract_strided_slice %get3A_2195 {offsets = [13], sizes = [1], strides = [1]} : vector<16xf32> to vector<1xf32>
      %squeeze3A_2197 = vector.extract %slice3A_2196[0] : f32 from vector<1xf32>
      %mul3A_2198 = vector.broadcast %squeeze3A_2197 : f32 to vector<16xf32>
      %mul3A_2199 = arith.mulf %max3A_614, %mul3A_2198 : vector<16xf32>
      %add3A_2200 = arith.addf %add3A_2193, %mul3A_2199 : vector<16xf32>
      %get3A_2201 = arith.constant 240 : index
      %get3A_2202 = tpu.vector_load %arg14[%get3A_2201] {strides = array<i32>} : memref<352xf32, #tpu.memory_space<vmem>>, vector<16xf32>,
      %slice3A_2203 = vector.extract_strided_slice %get3A_2202 {offsets = [7], sizes = [1], strides = [1]} : vector<16xf32> to vector<1xf32>
      %squeeze3A_2204 = vector.extract %slice3A_2203[0] : f32 from vector<1xf32>
      %mul3A_2205 = vector.broadcast %squeeze3A_2204 : f32 to vector<16xf32>
      %mul3A_2206 = arith.mulf %max3A_658, %mul3A_2205 : vector<16xf32>
      %add3A_2207 = arith.addf %add3A_2200, %mul3A_2206 : vector<16xf32>
      %get3A_2208 = arith.constant 256 : index
      %get3A_2209 = tpu.vector_load %arg14[%get3A_2208] {strides = array<i32>} : memref<352xf32, #tpu.memory_space<vmem>>, vector<16xf32>,
      %slice3A_2210 = vector.extract_strided_slice %get3A_2209 {offsets = [1], sizes = [1], strides = [1]} : vector<16xf32> to vector<1xf32>
      %squeeze3A_2211 = vector.extract %slice3A_2210[0] : f32 from vector<1xf32>
      %mul3A_2212 = vector.broadcast %squeeze3A_2211 : f32 to vector<16xf32>
      %mul3A_2213 = arith.mulf %max3A_702, %mul3A_2212 : vector<16xf32>
      %add3A_2214 = arith.addf %add3A_2207, %mul3A_2213 : vector<16xf32>
      %get3A_2215 = arith.constant 256 : index
      %get3A_2216 = tpu.vector_load %arg14[%get3A_2215] {strides = array<i32>} : memref<352xf32, #tpu.memory_space<vmem>>, vector<16xf32>,
      %slice3A_2217 = vector.extract_strided_slice %get3A_2216 {offsets = [11], sizes = [1], strides = [1]} : vector<16xf32> to vector<1xf32>
      %squeeze3A_2218 = vector.extract %slice3A_2217[0] : f32 from vector<1xf32>
      %mul3A_2219 = vector.broadcast %squeeze3A_2218 : f32 to vector<16xf32>
      %mul3A_2220 = arith.mulf %max3A_746, %mul3A_2219 : vector<16xf32>
      %add3A_2221 = arith.addf %add3A_2214, %mul3A_2220 : vector<16xf32>
      %get3A_2222 = arith.constant 272 : index
      %get3A_2223 = tpu.vector_load %arg14[%get3A_2222] {strides = array<i32>} : memref<352xf32, #tpu.memory_space<vmem>>, vector<16xf32>,
      %slice3A_2224 = vector.extract_strided_slice %get3A_2223 {offsets = [5], sizes = [1], strides = [1]} : vector<16xf32> to vector<1xf32>
      %squeeze3A_2225 = vector.extract %slice3A_2224[0] : f32 from vector<1xf32>
      %mul3A_2226 = vector.broadcast %squeeze3A_2225 : f32 to vector<16xf32>
      %mul3A_2227 = arith.mulf %max3A_790, %mul3A_2226 : vector<16xf32>
      %add3A_2228 = arith.addf %add3A_2221, %mul3A_2227 : vector<16xf32>
      %get3A_2229 = arith.constant 272 : index
      %get3A_2230 = tpu.vector_load %arg14[%get3A_2229] {strides = array<i32>} : memref<352xf32, #tpu.memory_space<vmem>>, vector<16xf32>,
      %slice3A_2231 = vector.extract_strided_slice %get3A_2230 {offsets = [15], sizes = [1], strides = [1]} : vector<16xf32> to vector<1xf32>
      %squeeze3A_2232 = vector.extract %slice3A_2231[0] : f32 from vector<1xf32>
      %mul3A_2233 = vector.broadcast %squeeze3A_2232 : f32 to vector<16xf32>
      %mul3A_2234 = arith.mulf %max3A_834, %mul3A_2233 : vector<16xf32>
      %add3A_2235 = arith.addf %add3A_2228, %mul3A_2234 : vector<16xf32>
      %get3A_2236 = arith.constant 288 : index
      %get3A_2237 = tpu.vector_load %arg14[%get3A_2236] {strides = array<i32>} : memref<352xf32, #tpu.memory_space<vmem>>, vector<16xf32>,
      %slice3A_2238 = vector.extract_strided_slice %get3A_2237 {offsets = [9], sizes = [1], strides = [1]} : vector<16xf32> to vector<1xf32>
      %squeeze3A_2239 = vector.extract %slice3A_2238[0] : f32 from vector<1xf32>
      %mul3A_2240 = vector.broadcast %squeeze3A_2239 : f32 to vector<16xf32>
      %mul3A_2241 = arith.mulf %max3A_878, %mul3A_2240 : vector<16xf32>
      %add3A_2242 = arith.addf %add3A_2235, %mul3A_2241 : vector<16xf32>
      %get3A_2243 = arith.constant 304 : index
      %get3A_2244 = tpu.vector_load %arg14[%get3A_2243] {strides = array<i32>} : memref<352xf32, #tpu.memory_space<vmem>>, vector<16xf32>,
      %slice3A_2245 = vector.extract_strided_slice %get3A_2244 {offsets = [3], sizes = [1], strides = [1]} : vector<16xf32> to vector<1xf32>
      %squeeze3A_2246 = vector.extract %slice3A_2245[0] : f32 from vector<1xf32>
      %mul3A_2247 = vector.broadcast %squeeze3A_2246 : f32 to vector<16xf32>
      %mul3A_2248 = arith.mulf %max3A_922, %mul3A_2247 : vector<16xf32>
      %add3A_2249 = arith.addf %add3A_2242, %mul3A_2248 : vector<16xf32>
      %get3A_2250 = arith.constant 304 : index
      %get3A_2251 = tpu.vector_load %arg14[%get3A_2250] {strides = array<i32>} : memref<352xf32, #tpu.memory_space<vmem>>, vector<16xf32>,
      %slice3A_2252 = vector.extract_strided_slice %get3A_2251 {offsets = [13], sizes = [1], strides = [1]} : vector<16xf32> to vector<1xf32>
      %squeeze3A_2253 = vector.extract %slice3A_2252[0] : f32 from vector<1xf32>
      %mul3A_2254 = vector.broadcast %squeeze3A_2253 : f32 to vector<16xf32>
      %mul3A_2255 = arith.mulf %max3A_966, %mul3A_2254 : vector<16xf32>
      %add3A_2256 = arith.addf %add3A_2249, %mul3A_2255 : vector<16xf32>
      %get3A_2257 = arith.constant 320 : index
      %get3A_2258 = tpu.vector_load %arg14[%get3A_2257] {strides = array<i32>} : memref<352xf32, #tpu.memory_space<vmem>>, vector<16xf32>,
      %slice3A_2259 = vector.extract_strided_slice %get3A_2258 {offsets = [7], sizes = [1], strides = [1]} : vector<16xf32> to vector<1xf32>
      %squeeze3A_2260 = vector.extract %slice3A_2259[0] : f32 from vector<1xf32>
      %mul3A_2261 = vector.broadcast %squeeze3A_2260 : f32 to vector<16xf32>
      %mul3A_2262 = arith.mulf %max3A_1010, %mul3A_2261 : vector<16xf32>
      %add3A_2263 = arith.addf %add3A_2256, %mul3A_2262 : vector<16xf32>
      %get3A_2264 = arith.constant 336 : index
      %get3A_2265 = tpu.vector_load %arg14[%get3A_2264] {strides = array<i32>} : memref<352xf32, #tpu.memory_space<vmem>>, vector<16xf32>,
      %slice3A_2266 = vector.extract_strided_slice %get3A_2265 {offsets = [1], sizes = [1], strides = [1]} : vector<16xf32> to vector<1xf32>
      %squeeze3A_2267 = vector.extract %slice3A_2266[0] : f32 from vector<1xf32>
      %mul3A_2268 = vector.broadcast %squeeze3A_2267 : f32 to vector<16xf32>
      %mul3A_2269 = arith.mulf %max3A_1054, %mul3A_2268 : vector<16xf32>
      %add3A_2270 = arith.addf %add3A_2263, %mul3A_2269 : vector<16xf32>
      %mul3A_2271 = arith.constant 0.00999999977 : f32
      %mul3A_2272 = vector.broadcast %mul3A_2271 : f32 to vector<16xf32>
      %mul3A_2273 = arith.mulf %mul3A_2272, %add3A_2270 : vector<16xf32>
      %max3A_2274 = arith.maximumf %add3A_2270, %mul3A_2273 : vector<16xf32>
      %add3A_2275 = arith.constant 7 : i32
      %add3A_2276 = vector.broadcast %add3A_2275 : i32 to vector<16xi32>
      %add3A_2277 = arith.addi %mul3A_1061, %add3A_2276 : vector<16xi32>
      tpu.vector_store_idx %arg15[%add3A_2277], %max3A_2274 : memref<3680xf32, #tpu.memory_space<vmem>>[vector<16xi32>], vector<16xf32>,
      %get3A_2278 = arith.constant 336 : index
      %get3A_2279 = tpu.vector_load %arg14[%get3A_2278] {strides = array<i32>} : memref<352xf32, #tpu.memory_space<vmem>>, vector<16xf32>,
      %slice3A_2280 = vector.extract_strided_slice %get3A_2279 {offsets = [12], sizes = [1], strides = [1]} : vector<16xf32> to vector<1xf32>
      %squeeze3A_2281 = vector.extract %slice3A_2280[0] : f32 from vector<1xf32>
      %get3A_2282 = arith.constant 144 : index
      %get3A_2283 = tpu.vector_load %arg14[%get3A_2282] {strides = array<i32>} : memref<352xf32, #tpu.memory_space<vmem>>, vector<16xf32>,
      %slice3A_2284 = vector.extract_strided_slice %get3A_2283 {offsets = [4], sizes = [1], strides = [1]} : vector<16xf32> to vector<1xf32>
      %squeeze3A_2285 = vector.extract %slice3A_2284[0] : f32 from vector<1xf32>
      %mul3A_2286 = vector.broadcast %squeeze3A_2285 : f32 to vector<16xf32>
      %mul3A_2287 = arith.mulf %max3A, %mul3A_2286 : vector<16xf32>
      %add3A_2288 = vector.broadcast %squeeze3A_2281 : f32 to vector<16xf32>
      %add3A_2289 = arith.addf %add3A_2288, %mul3A_2287 : vector<16xf32>
      %get3A_2290 = arith.constant 144 : index
      %get3A_2291 = tpu.vector_load %arg14[%get3A_2290] {strides = array<i32>} : memref<352xf32, #tpu.memory_space<vmem>>, vector<16xf32>,
      %slice3A_2292 = vector.extract_strided_slice %get3A_2291 {offsets = [14], sizes = [1], strides = [1]} : vector<16xf32> to vector<1xf32>
      %squeeze3A_2293 = vector.extract %slice3A_2292[0] : f32 from vector<1xf32>
      %mul3A_2294 = vector.broadcast %squeeze3A_2293 : f32 to vector<16xf32>
      %mul3A_2295 = arith.mulf %max3A_262, %mul3A_2294 : vector<16xf32>
      %add3A_2296 = arith.addf %add3A_2289, %mul3A_2295 : vector<16xf32>
      %get3A_2297 = arith.constant 160 : index
      %get3A_2298 = tpu.vector_load %arg14[%get3A_2297] {strides = array<i32>} : memref<352xf32, #tpu.memory_space<vmem>>, vector<16xf32>,
      %slice3A_2299 = vector.extract_strided_slice %get3A_2298 {offsets = [8], sizes = [1], strides = [1]} : vector<16xf32> to vector<1xf32>
      %squeeze3A_2300 = vector.extract %slice3A_2299[0] : f32 from vector<1xf32>
      %mul3A_2301 = vector.broadcast %squeeze3A_2300 : f32 to vector<16xf32>
      %mul3A_2302 = arith.mulf %max3A_306, %mul3A_2301 : vector<16xf32>
      %add3A_2303 = arith.addf %add3A_2296, %mul3A_2302 : vector<16xf32>
      %get3A_2304 = arith.constant 176 : index
      %get3A_2305 = tpu.vector_load %arg14[%get3A_2304] {strides = array<i32>} : memref<352xf32, #tpu.memory_space<vmem>>, vector<16xf32>,
      %slice3A_2306 = vector.extract_strided_slice %get3A_2305 {offsets = [2], sizes = [1], strides = [1]} : vector<16xf32> to vector<1xf32>
      %squeeze3A_2307 = vector.extract %slice3A_2306[0] : f32 from vector<1xf32>
      %mul3A_2308 = vector.broadcast %squeeze3A_2307 : f32 to vector<16xf32>
      %mul3A_2309 = arith.mulf %max3A_350, %mul3A_2308 : vector<16xf32>
      %add3A_2310 = arith.addf %add3A_2303, %mul3A_2309 : vector<16xf32>
      %get3A_2311 = arith.constant 176 : index
      %get3A_2312 = tpu.vector_load %arg14[%get3A_2311] {strides = array<i32>} : memref<352xf32, #tpu.memory_space<vmem>>, vector<16xf32>,
      %slice3A_2313 = vector.extract_strided_slice %get3A_2312 {offsets = [12], sizes = [1], strides = [1]} : vector<16xf32> to vector<1xf32>
      %squeeze3A_2314 = vector.extract %slice3A_2313[0] : f32 from vector<1xf32>
      %mul3A_2315 = vector.broadcast %squeeze3A_2314 : f32 to vector<16xf32>
      %mul3A_2316 = arith.mulf %max3A_394, %mul3A_2315 : vector<16xf32>
      %add3A_2317 = arith.addf %add3A_2310, %mul3A_2316 : vector<16xf32>
      %get3A_2318 = arith.constant 192 : index
      %get3A_2319 = tpu.vector_load %arg14[%get3A_2318] {strides = array<i32>} : memref<352xf32, #tpu.memory_space<vmem>>, vector<16xf32>,
      %slice3A_2320 = vector.extract_strided_slice %get3A_2319 {offsets = [6], sizes = [1], strides = [1]} : vector<16xf32> to vector<1xf32>
      %squeeze3A_2321 = vector.extract %slice3A_2320[0] : f32 from vector<1xf32>
      %mul3A_2322 = vector.broadcast %squeeze3A_2321 : f32 to vector<16xf32>
      %mul3A_2323 = arith.mulf %max3A_438, %mul3A_2322 : vector<16xf32>
      %add3A_2324 = arith.addf %add3A_2317, %mul3A_2323 : vector<16xf32>
      %get3A_2325 = arith.constant 208 : index
      %get3A_2326 = tpu.vector_load %arg14[%get3A_2325] {strides = array<i32>} : memref<352xf32, #tpu.memory_space<vmem>>, vector<16xf32>,
      %slice3A_2327 = vector.extract_strided_slice %get3A_2326 {offsets = [0], sizes = [1], strides = [1]} : vector<16xf32> to vector<1xf32>
      %squeeze3A_2328 = vector.extract %slice3A_2327[0] : f32 from vector<1xf32>
      %mul3A_2329 = vector.broadcast %squeeze3A_2328 : f32 to vector<16xf32>
      %mul3A_2330 = arith.mulf %max3A_482, %mul3A_2329 : vector<16xf32>
      %add3A_2331 = arith.addf %add3A_2324, %mul3A_2330 : vector<16xf32>
      %get3A_2332 = arith.constant 208 : index
      %get3A_2333 = tpu.vector_load %arg14[%get3A_2332] {strides = array<i32>} : memref<352xf32, #tpu.memory_space<vmem>>, vector<16xf32>,
      %slice3A_2334 = vector.extract_strided_slice %get3A_2333 {offsets = [10], sizes = [1], strides = [1]} : vector<16xf32> to vector<1xf32>
      %squeeze3A_2335 = vector.extract %slice3A_2334[0] : f32 from vector<1xf32>
      %mul3A_2336 = vector.broadcast %squeeze3A_2335 : f32 to vector<16xf32>
      %mul3A_2337 = arith.mulf %max3A_526, %mul3A_2336 : vector<16xf32>
      %add3A_2338 = arith.addf %add3A_2331, %mul3A_2337 : vector<16xf32>
      %get3A_2339 = arith.constant 224 : index
      %get3A_2340 = tpu.vector_load %arg14[%get3A_2339] {strides = array<i32>} : memref<352xf32, #tpu.memory_space<vmem>>, vector<16xf32>,
      %slice3A_2341 = vector.extract_strided_slice %get3A_2340 {offsets = [4], sizes = [1], strides = [1]} : vector<16xf32> to vector<1xf32>
      %squeeze3A_2342 = vector.extract %slice3A_2341[0] : f32 from vector<1xf32>
      %mul3A_2343 = vector.broadcast %squeeze3A_2342 : f32 to vector<16xf32>
      %mul3A_2344 = arith.mulf %max3A_570, %mul3A_2343 : vector<16xf32>
      %add3A_2345 = arith.addf %add3A_2338, %mul3A_2344 : vector<16xf32>
      %get3A_2346 = arith.constant 224 : index
      %get3A_2347 = tpu.vector_load %arg14[%get3A_2346] {strides = array<i32>} : memref<352xf32, #tpu.memory_space<vmem>>, vector<16xf32>,
      %slice3A_2348 = vector.extract_strided_slice %get3A_2347 {offsets = [14], sizes = [1], strides = [1]} : vector<16xf32> to vector<1xf32>
      %squeeze3A_2349 = vector.extract %slice3A_2348[0] : f32 from vector<1xf32>
      %mul3A_2350 = vector.broadcast %squeeze3A_2349 : f32 to vector<16xf32>
      %mul3A_2351 = arith.mulf %max3A_614, %mul3A_2350 : vector<16xf32>
      %add3A_2352 = arith.addf %add3A_2345, %mul3A_2351 : vector<16xf32>
      %get3A_2353 = arith.constant 240 : index
      %get3A_2354 = tpu.vector_load %arg14[%get3A_2353] {strides = array<i32>} : memref<352xf32, #tpu.memory_space<vmem>>, vector<16xf32>,
      %slice3A_2355 = vector.extract_strided_slice %get3A_2354 {offsets = [8], sizes = [1], strides = [1]} : vector<16xf32> to vector<1xf32>
      %squeeze3A_2356 = vector.extract %slice3A_2355[0] : f32 from vector<1xf32>
      %mul3A_2357 = vector.broadcast %squeeze3A_2356 : f32 to vector<16xf32>
      %mul3A_2358 = arith.mulf %max3A_658, %mul3A_2357 : vector<16xf32>
      %add3A_2359 = arith.addf %add3A_2352, %mul3A_2358 : vector<16xf32>
      %get3A_2360 = arith.constant 256 : index
      %get3A_2361 = tpu.vector_load %arg14[%get3A_2360] {strides = array<i32>} : memref<352xf32, #tpu.memory_space<vmem>>, vector<16xf32>,
      %slice3A_2362 = vector.extract_strided_slice %get3A_2361 {offsets = [2], sizes = [1], strides = [1]} : vector<16xf32> to vector<1xf32>
      %squeeze3A_2363 = vector.extract %slice3A_2362[0] : f32 from vector<1xf32>
      %mul3A_2364 = vector.broadcast %squeeze3A_2363 : f32 to vector<16xf32>
      %mul3A_2365 = arith.mulf %max3A_702, %mul3A_2364 : vector<16xf32>
      %add3A_2366 = arith.addf %add3A_2359, %mul3A_2365 : vector<16xf32>
      %get3A_2367 = arith.constant 256 : index
      %get3A_2368 = tpu.vector_load %arg14[%get3A_2367] {strides = array<i32>} : memref<352xf32, #tpu.memory_space<vmem>>, vector<16xf32>,
      %slice3A_2369 = vector.extract_strided_slice %get3A_2368 {offsets = [12], sizes = [1], strides = [1]} : vector<16xf32> to vector<1xf32>
      %squeeze3A_2370 = vector.extract %slice3A_2369[0] : f32 from vector<1xf32>
      %mul3A_2371 = vector.broadcast %squeeze3A_2370 : f32 to vector<16xf32>
      %mul3A_2372 = arith.mulf %max3A_746, %mul3A_2371 : vector<16xf32>
      %add3A_2373 = arith.addf %add3A_2366, %mul3A_2372 : vector<16xf32>
      %get3A_2374 = arith.constant 272 : index
      %get3A_2375 = tpu.vector_load %arg14[%get3A_2374] {strides = array<i32>} : memref<352xf32, #tpu.memory_space<vmem>>, vector<16xf32>,
      %slice3A_2376 = vector.extract_strided_slice %get3A_2375 {offsets = [6], sizes = [1], strides = [1]} : vector<16xf32> to vector<1xf32>
      %squeeze3A_2377 = vector.extract %slice3A_2376[0] : f32 from vector<1xf32>
      %mul3A_2378 = vector.broadcast %squeeze3A_2377 : f32 to vector<16xf32>
      %mul3A_2379 = arith.mulf %max3A_790, %mul3A_2378 : vector<16xf32>
      %add3A_2380 = arith.addf %add3A_2373, %mul3A_2379 : vector<16xf32>
      %get3A_2381 = arith.constant 288 : index
      %get3A_2382 = tpu.vector_load %arg14[%get3A_2381] {strides = array<i32>} : memref<352xf32, #tpu.memory_space<vmem>>, vector<16xf32>,
      %slice3A_2383 = vector.extract_strided_slice %get3A_2382 {offsets = [0], sizes = [1], strides = [1]} : vector<16xf32> to vector<1xf32>
      %squeeze3A_2384 = vector.extract %slice3A_2383[0] : f32 from vector<1xf32>
      %mul3A_2385 = vector.broadcast %squeeze3A_2384 : f32 to vector<16xf32>
      %mul3A_2386 = arith.mulf %max3A_834, %mul3A_2385 : vector<16xf32>
      %add3A_2387 = arith.addf %add3A_2380, %mul3A_2386 : vector<16xf32>
      %get3A_2388 = arith.constant 288 : index
      %get3A_2389 = tpu.vector_load %arg14[%get3A_2388] {strides = array<i32>} : memref<352xf32, #tpu.memory_space<vmem>>, vector<16xf32>,
      %slice3A_2390 = vector.extract_strided_slice %get3A_2389 {offsets = [10], sizes = [1], strides = [1]} : vector<16xf32> to vector<1xf32>
      %squeeze3A_2391 = vector.extract %slice3A_2390[0] : f32 from vector<1xf32>
      %mul3A_2392 = vector.broadcast %squeeze3A_2391 : f32 to vector<16xf32>
      %mul3A_2393 = arith.mulf %max3A_878, %mul3A_2392 : vector<16xf32>
      %add3A_2394 = arith.addf %add3A_2387, %mul3A_2393 : vector<16xf32>
      %get3A_2395 = arith.constant 304 : index
      %get3A_2396 = tpu.vector_load %arg14[%get3A_2395] {strides = array<i32>} : memref<352xf32, #tpu.memory_space<vmem>>, vector<16xf32>,
      %slice3A_2397 = vector.extract_strided_slice %get3A_2396 {offsets = [4], sizes = [1], strides = [1]} : vector<16xf32> to vector<1xf32>
      %squeeze3A_2398 = vector.extract %slice3A_2397[0] : f32 from vector<1xf32>
      %mul3A_2399 = vector.broadcast %squeeze3A_2398 : f32 to vector<16xf32>
      %mul3A_2400 = arith.mulf %max3A_922, %mul3A_2399 : vector<16xf32>
      %add3A_2401 = arith.addf %add3A_2394, %mul3A_2400 : vector<16xf32>
      %get3A_2402 = arith.constant 304 : index
      %get3A_2403 = tpu.vector_load %arg14[%get3A_2402] {strides = array<i32>} : memref<352xf32, #tpu.memory_space<vmem>>, vector<16xf32>,
      %slice3A_2404 = vector.extract_strided_slice %get3A_2403 {offsets = [14], sizes = [1], strides = [1]} : vector<16xf32> to vector<1xf32>
      %squeeze3A_2405 = vector.extract %slice3A_2404[0] : f32 from vector<1xf32>
      %mul3A_2406 = vector.broadcast %squeeze3A_2405 : f32 to vector<16xf32>
      %mul3A_2407 = arith.mulf %max3A_966, %mul3A_2406 : vector<16xf32>
      %add3A_2408 = arith.addf %add3A_2401, %mul3A_2407 : vector<16xf32>
      %get3A_2409 = arith.constant 320 : index
      %get3A_2410 = tpu.vector_load %arg14[%get3A_2409] {strides = array<i32>} : memref<352xf32, #tpu.memory_space<vmem>>, vector<16xf32>,
      %slice3A_2411 = vector.extract_strided_slice %get3A_2410 {offsets = [8], sizes = [1], strides = [1]} : vector<16xf32> to vector<1xf32>
      %squeeze3A_2412 = vector.extract %slice3A_2411[0] : f32 from vector<1xf32>
      %mul3A_2413 = vector.broadcast %squeeze3A_2412 : f32 to vector<16xf32>
      %mul3A_2414 = arith.mulf %max3A_1010, %mul3A_2413 : vector<16xf32>
      %add3A_2415 = arith.addf %add3A_2408, %mul3A_2414 : vector<16xf32>
      %get3A_2416 = arith.constant 336 : index
      %get3A_2417 = tpu.vector_load %arg14[%get3A_2416] {strides = array<i32>} : memref<352xf32, #tpu.memory_space<vmem>>, vector<16xf32>,
      %slice3A_2418 = vector.extract_strided_slice %get3A_2417 {offsets = [2], sizes = [1], strides = [1]} : vector<16xf32> to vector<1xf32>
      %squeeze3A_2419 = vector.extract %slice3A_2418[0] : f32 from vector<1xf32>
      %mul3A_2420 = vector.broadcast %squeeze3A_2419 : f32 to vector<16xf32>
      %mul3A_2421 = arith.mulf %max3A_1054, %mul3A_2420 : vector<16xf32>
      %add3A_2422 = arith.addf %add3A_2415, %mul3A_2421 : vector<16xf32>
      %mul3A_2423 = arith.constant 0.00999999977 : f32
      %mul3A_2424 = vector.broadcast %mul3A_2423 : f32 to vector<16xf32>
      %mul3A_2425 = arith.mulf %mul3A_2424, %add3A_2422 : vector<16xf32>
      %max3A_2426 = arith.maximumf %add3A_2422, %mul3A_2425 : vector<16xf32>
      %add3A_2427 = arith.constant 8 : i32
      %add3A_2428 = vector.broadcast %add3A_2427 : i32 to vector<16xi32>
      %add3A_2429 = arith.addi %mul3A_1061, %add3A_2428 : vector<16xi32>
      tpu.vector_store_idx %arg15[%add3A_2429], %max3A_2426 : memref<3680xf32, #tpu.memory_space<vmem>>[vector<16xi32>], vector<16xf32>,
      %get3A_2430 = arith.constant 336 : index
      %get3A_2431 = tpu.vector_load %arg14[%get3A_2430] {strides = array<i32>} : memref<352xf32, #tpu.memory_space<vmem>>, vector<16xf32>,
      %slice3A_2432 = vector.extract_strided_slice %get3A_2431 {offsets = [13], sizes = [1], strides = [1]} : vector<16xf32> to vector<1xf32>
      %squeeze3A_2433 = vector.extract %slice3A_2432[0] : f32 from vector<1xf32>
      %get3A_2434 = arith.constant 144 : index
      %get3A_2435 = tpu.vector_load %arg14[%get3A_2434] {strides = array<i32>} : memref<352xf32, #tpu.memory_space<vmem>>, vector<16xf32>,
      %slice3A_2436 = vector.extract_strided_slice %get3A_2435 {offsets = [5], sizes = [1], strides = [1]} : vector<16xf32> to vector<1xf32>
      %squeeze3A_2437 = vector.extract %slice3A_2436[0] : f32 from vector<1xf32>
      %mul3A_2438 = vector.broadcast %squeeze3A_2437 : f32 to vector<16xf32>
      %mul3A_2439 = arith.mulf %max3A, %mul3A_2438 : vector<16xf32>
      %add3A_2440 = vector.broadcast %squeeze3A_2433 : f32 to vector<16xf32>
      %add3A_2441 = arith.addf %add3A_2440, %mul3A_2439 : vector<16xf32>
      %get3A_2442 = arith.constant 144 : index
      %get3A_2443 = tpu.vector_load %arg14[%get3A_2442] {strides = array<i32>} : memref<352xf32, #tpu.memory_space<vmem>>, vector<16xf32>,
      %slice3A_2444 = vector.extract_strided_slice %get3A_2443 {offsets = [15], sizes = [1], strides = [1]} : vector<16xf32> to vector<1xf32>
      %squeeze3A_2445 = vector.extract %slice3A_2444[0] : f32 from vector<1xf32>
      %mul3A_2446 = vector.broadcast %squeeze3A_2445 : f32 to vector<16xf32>
      %mul3A_2447 = arith.mulf %max3A_262, %mul3A_2446 : vector<16xf32>
      %add3A_2448 = arith.addf %add3A_2441, %mul3A_2447 : vector<16xf32>
      %get3A_2449 = arith.constant 160 : index
      %get3A_2450 = tpu.vector_load %arg14[%get3A_2449] {strides = array<i32>} : memref<352xf32, #tpu.memory_space<vmem>>, vector<16xf32>,
      %slice3A_2451 = vector.extract_strided_slice %get3A_2450 {offsets = [9], sizes = [1], strides = [1]} : vector<16xf32> to vector<1xf32>
      %squeeze3A_2452 = vector.extract %slice3A_2451[0] : f32 from vector<1xf32>
      %mul3A_2453 = vector.broadcast %squeeze3A_2452 : f32 to vector<16xf32>
      %mul3A_2454 = arith.mulf %max3A_306, %mul3A_2453 : vector<16xf32>
      %add3A_2455 = arith.addf %add3A_2448, %mul3A_2454 : vector<16xf32>
      %get3A_2456 = arith.constant 176 : index
      %get3A_2457 = tpu.vector_load %arg14[%get3A_2456] {strides = array<i32>} : memref<352xf32, #tpu.memory_space<vmem>>, vector<16xf32>,
      %slice3A_2458 = vector.extract_strided_slice %get3A_2457 {offsets = [3], sizes = [1], strides = [1]} : vector<16xf32> to vector<1xf32>
      %squeeze3A_2459 = vector.extract %slice3A_2458[0] : f32 from vector<1xf32>
      %mul3A_2460 = vector.broadcast %squeeze3A_2459 : f32 to vector<16xf32>
      %mul3A_2461 = arith.mulf %max3A_350, %mul3A_2460 : vector<16xf32>
      %add3A_2462 = arith.addf %add3A_2455, %mul3A_2461 : vector<16xf32>
      %get3A_2463 = arith.constant 176 : index
      %get3A_2464 = tpu.vector_load %arg14[%get3A_2463] {strides = array<i32>} : memref<352xf32, #tpu.memory_space<vmem>>, vector<16xf32>,
      %slice3A_2465 = vector.extract_strided_slice %get3A_2464 {offsets = [13], sizes = [1], strides = [1]} : vector<16xf32> to vector<1xf32>
      %squeeze3A_2466 = vector.extract %slice3A_2465[0] : f32 from vector<1xf32>
      %mul3A_2467 = vector.broadcast %squeeze3A_2466 : f32 to vector<16xf32>
      %mul3A_2468 = arith.mulf %max3A_394, %mul3A_2467 : vector<16xf32>
      %add3A_2469 = arith.addf %add3A_2462, %mul3A_2468 : vector<16xf32>
      %get3A_2470 = arith.constant 192 : index
      %get3A_2471 = tpu.vector_load %arg14[%get3A_2470] {strides = array<i32>} : memref<352xf32, #tpu.memory_space<vmem>>, vector<16xf32>,
      %slice3A_2472 = vector.extract_strided_slice %get3A_2471 {offsets = [7], sizes = [1], strides = [1]} : vector<16xf32> to vector<1xf32>
      %squeeze3A_2473 = vector.extract %slice3A_2472[0] : f32 from vector<1xf32>
      %mul3A_2474 = vector.broadcast %squeeze3A_2473 : f32 to vector<16xf32>
      %mul3A_2475 = arith.mulf %max3A_438, %mul3A_2474 : vector<16xf32>
      %add3A_2476 = arith.addf %add3A_2469, %mul3A_2475 : vector<16xf32>
      %get3A_2477 = arith.constant 208 : index
      %get3A_2478 = tpu.vector_load %arg14[%get3A_2477] {strides = array<i32>} : memref<352xf32, #tpu.memory_space<vmem>>, vector<16xf32>,
      %slice3A_2479 = vector.extract_strided_slice %get3A_2478 {offsets = [1], sizes = [1], strides = [1]} : vector<16xf32> to vector<1xf32>
      %squeeze3A_2480 = vector.extract %slice3A_2479[0] : f32 from vector<1xf32>
      %mul3A_2481 = vector.broadcast %squeeze3A_2480 : f32 to vector<16xf32>
      %mul3A_2482 = arith.mulf %max3A_482, %mul3A_2481 : vector<16xf32>
      %add3A_2483 = arith.addf %add3A_2476, %mul3A_2482 : vector<16xf32>
      %get3A_2484 = arith.constant 208 : index
      %get3A_2485 = tpu.vector_load %arg14[%get3A_2484] {strides = array<i32>} : memref<352xf32, #tpu.memory_space<vmem>>, vector<16xf32>,
      %slice3A_2486 = vector.extract_strided_slice %get3A_2485 {offsets = [11], sizes = [1], strides = [1]} : vector<16xf32> to vector<1xf32>
      %squeeze3A_2487 = vector.extract %slice3A_2486[0] : f32 from vector<1xf32>
      %mul3A_2488 = vector.broadcast %squeeze3A_2487 : f32 to vector<16xf32>
      %mul3A_2489 = arith.mulf %max3A_526, %mul3A_2488 : vector<16xf32>
      %add3A_2490 = arith.addf %add3A_2483, %mul3A_2489 : vector<16xf32>
      %get3A_2491 = arith.constant 224 : index
      %get3A_2492 = tpu.vector_load %arg14[%get3A_2491] {strides = array<i32>} : memref<352xf32, #tpu.memory_space<vmem>>, vector<16xf32>,
      %slice3A_2493 = vector.extract_strided_slice %get3A_2492 {offsets = [5], sizes = [1], strides = [1]} : vector<16xf32> to vector<1xf32>
      %squeeze3A_2494 = vector.extract %slice3A_2493[0] : f32 from vector<1xf32>
      %mul3A_2495 = vector.broadcast %squeeze3A_2494 : f32 to vector<16xf32>
      %mul3A_2496 = arith.mulf %max3A_570, %mul3A_2495 : vector<16xf32>
      %add3A_2497 = arith.addf %add3A_2490, %mul3A_2496 : vector<16xf32>
      %get3A_2498 = arith.constant 224 : index
      %get3A_2499 = tpu.vector_load %arg14[%get3A_2498] {strides = array<i32>} : memref<352xf32, #tpu.memory_space<vmem>>, vector<16xf32>,
      %slice3A_2500 = vector.extract_strided_slice %get3A_2499 {offsets = [15], sizes = [1], strides = [1]} : vector<16xf32> to vector<1xf32>
      %squeeze3A_2501 = vector.extract %slice3A_2500[0] : f32 from vector<1xf32>
      %mul3A_2502 = vector.broadcast %squeeze3A_2501 : f32 to vector<16xf32>
      %mul3A_2503 = arith.mulf %max3A_614, %mul3A_2502 : vector<16xf32>
      %add3A_2504 = arith.addf %add3A_2497, %mul3A_2503 : vector<16xf32>
      %get3A_2505 = arith.constant 240 : index
      %get3A_2506 = tpu.vector_load %arg14[%get3A_2505] {strides = array<i32>} : memref<352xf32, #tpu.memory_space<vmem>>, vector<16xf32>,
      %slice3A_2507 = vector.extract_strided_slice %get3A_2506 {offsets = [9], sizes = [1], strides = [1]} : vector<16xf32> to vector<1xf32>
      %squeeze3A_2508 = vector.extract %slice3A_2507[0] : f32 from vector<1xf32>
      %mul3A_2509 = vector.broadcast %squeeze3A_2508 : f32 to vector<16xf32>
      %mul3A_2510 = arith.mulf %max3A_658, %mul3A_2509 : vector<16xf32>
      %add3A_2511 = arith.addf %add3A_2504, %mul3A_2510 : vector<16xf32>
      %get3A_2512 = arith.constant 256 : index
      %get3A_2513 = tpu.vector_load %arg14[%get3A_2512] {strides = array<i32>} : memref<352xf32, #tpu.memory_space<vmem>>, vector<16xf32>,
      %slice3A_2514 = vector.extract_strided_slice %get3A_2513 {offsets = [3], sizes = [1], strides = [1]} : vector<16xf32> to vector<1xf32>
      %squeeze3A_2515 = vector.extract %slice3A_2514[0] : f32 from vector<1xf32>
      %mul3A_2516 = vector.broadcast %squeeze3A_2515 : f32 to vector<16xf32>
      %mul3A_2517 = arith.mulf %max3A_702, %mul3A_2516 : vector<16xf32>
      %add3A_2518 = arith.addf %add3A_2511, %mul3A_2517 : vector<16xf32>
      %get3A_2519 = arith.constant 256 : index
      %get3A_2520 = tpu.vector_load %arg14[%get3A_2519] {strides = array<i32>} : memref<352xf32, #tpu.memory_space<vmem>>, vector<16xf32>,
      %slice3A_2521 = vector.extract_strided_slice %get3A_2520 {offsets = [13], sizes = [1], strides = [1]} : vector<16xf32> to vector<1xf32>
      %squeeze3A_2522 = vector.extract %slice3A_2521[0] : f32 from vector<1xf32>
      %mul3A_2523 = vector.broadcast %squeeze3A_2522 : f32 to vector<16xf32>
      %mul3A_2524 = arith.mulf %max3A_746, %mul3A_2523 : vector<16xf32>
      %add3A_2525 = arith.addf %add3A_2518, %mul3A_2524 : vector<16xf32>
      %get3A_2526 = arith.constant 272 : index
      %get3A_2527 = tpu.vector_load %arg14[%get3A_2526] {strides = array<i32>} : memref<352xf32, #tpu.memory_space<vmem>>, vector<16xf32>,
      %slice3A_2528 = vector.extract_strided_slice %get3A_2527 {offsets = [7], sizes = [1], strides = [1]} : vector<16xf32> to vector<1xf32>
      %squeeze3A_2529 = vector.extract %slice3A_2528[0] : f32 from vector<1xf32>
      %mul3A_2530 = vector.broadcast %squeeze3A_2529 : f32 to vector<16xf32>
      %mul3A_2531 = arith.mulf %max3A_790, %mul3A_2530 : vector<16xf32>
      %add3A_2532 = arith.addf %add3A_2525, %mul3A_2531 : vector<16xf32>
      %get3A_2533 = arith.constant 288 : index
      %get3A_2534 = tpu.vector_load %arg14[%get3A_2533] {strides = array<i32>} : memref<352xf32, #tpu.memory_space<vmem>>, vector<16xf32>,
      %slice3A_2535 = vector.extract_strided_slice %get3A_2534 {offsets = [1], sizes = [1], strides = [1]} : vector<16xf32> to vector<1xf32>
      %squeeze3A_2536 = vector.extract %slice3A_2535[0] : f32 from vector<1xf32>
      %mul3A_2537 = vector.broadcast %squeeze3A_2536 : f32 to vector<16xf32>
      %mul3A_2538 = arith.mulf %max3A_834, %mul3A_2537 : vector<16xf32>
      %add3A_2539 = arith.addf %add3A_2532, %mul3A_2538 : vector<16xf32>
      %get3A_2540 = arith.constant 288 : index
      %get3A_2541 = tpu.vector_load %arg14[%get3A_2540] {strides = array<i32>} : memref<352xf32, #tpu.memory_space<vmem>>, vector<16xf32>,
      %slice3A_2542 = vector.extract_strided_slice %get3A_2541 {offsets = [11], sizes = [1], strides = [1]} : vector<16xf32> to vector<1xf32>
      %squeeze3A_2543 = vector.extract %slice3A_2542[0] : f32 from vector<1xf32>
      %mul3A_2544 = vector.broadcast %squeeze3A_2543 : f32 to vector<16xf32>
      %mul3A_2545 = arith.mulf %max3A_878, %mul3A_2544 : vector<16xf32>
      %add3A_2546 = arith.addf %add3A_2539, %mul3A_2545 : vector<16xf32>
      %get3A_2547 = arith.constant 304 : index
      %get3A_2548 = tpu.vector_load %arg14[%get3A_2547] {strides = array<i32>} : memref<352xf32, #tpu.memory_space<vmem>>, vector<16xf32>,
      %slice3A_2549 = vector.extract_strided_slice %get3A_2548 {offsets = [5], sizes = [1], strides = [1]} : vector<16xf32> to vector<1xf32>
      %squeeze3A_2550 = vector.extract %slice3A_2549[0] : f32 from vector<1xf32>
      %mul3A_2551 = vector.broadcast %squeeze3A_2550 : f32 to vector<16xf32>
      %mul3A_2552 = arith.mulf %max3A_922, %mul3A_2551 : vector<16xf32>
      %add3A_2553 = arith.addf %add3A_2546, %mul3A_2552 : vector<16xf32>
      %get3A_2554 = arith.constant 304 : index
      %get3A_2555 = tpu.vector_load %arg14[%get3A_2554] {strides = array<i32>} : memref<352xf32, #tpu.memory_space<vmem>>, vector<16xf32>,
      %slice3A_2556 = vector.extract_strided_slice %get3A_2555 {offsets = [15], sizes = [1], strides = [1]} : vector<16xf32> to vector<1xf32>
      %squeeze3A_2557 = vector.extract %slice3A_2556[0] : f32 from vector<1xf32>
      %mul3A_2558 = vector.broadcast %squeeze3A_2557 : f32 to vector<16xf32>
      %mul3A_2559 = arith.mulf %max3A_966, %mul3A_2558 : vector<16xf32>
      %add3A_2560 = arith.addf %add3A_2553, %mul3A_2559 : vector<16xf32>
      %get3A_2561 = arith.constant 320 : index
      %get3A_2562 = tpu.vector_load %arg14[%get3A_2561] {strides = array<i32>} : memref<352xf32, #tpu.memory_space<vmem>>, vector<16xf32>,
      %slice3A_2563 = vector.extract_strided_slice %get3A_2562 {offsets = [9], sizes = [1], strides = [1]} : vector<16xf32> to vector<1xf32>
      %squeeze3A_2564 = vector.extract %slice3A_2563[0] : f32 from vector<1xf32>
      %mul3A_2565 = vector.broadcast %squeeze3A_2564 : f32 to vector<16xf32>
      %mul3A_2566 = arith.mulf %max3A_1010, %mul3A_2565 : vector<16xf32>
      %add3A_2567 = arith.addf %add3A_2560, %mul3A_2566 : vector<16xf32>
      %get3A_2568 = arith.constant 336 : index
      %get3A_2569 = tpu.vector_load %arg14[%get3A_2568] {strides = array<i32>} : memref<352xf32, #tpu.memory_space<vmem>>, vector<16xf32>,
      %slice3A_2570 = vector.extract_strided_slice %get3A_2569 {offsets = [3], sizes = [1], strides = [1]} : vector<16xf32> to vector<1xf32>
      %squeeze3A_2571 = vector.extract %slice3A_2570[0] : f32 from vector<1xf32>
      %mul3A_2572 = vector.broadcast %squeeze3A_2571 : f32 to vector<16xf32>
      %mul3A_2573 = arith.mulf %max3A_1054, %mul3A_2572 : vector<16xf32>
      %add3A_2574 = arith.addf %add3A_2567, %mul3A_2573 : vector<16xf32>
      %mul3A_2575 = arith.constant 0.00999999977 : f32
      %mul3A_2576 = vector.broadcast %mul3A_2575 : f32 to vector<16xf32>
      %mul3A_2577 = arith.mulf %mul3A_2576, %add3A_2574 : vector<16xf32>
      %max3A_2578 = arith.maximumf %add3A_2574, %mul3A_2577 : vector<16xf32>
      %add3A_2579 = arith.constant 9 : i32
      %add3A_2580 = vector.broadcast %add3A_2579 : i32 to vector<16xi32>
      %add3A_2581 = arith.addi %mul3A_1061, %add3A_2580 : vector<16xi32>
      tpu.vector_store_idx %arg15[%add3A_2581], %max3A_2578 : memref<3680xf32, #tpu.memory_space<vmem>>[vector<16xi32>], vector<16xf32>,
    }
    %scan3A_101 = arith.constant 23 : i32
    %mul3A_102 = arith.constant 3680 : i32
    %mul3A_103 = arith.muli %arg1, %mul3A_102 : i32
    "tpu.region"() ({
      %run_scoped3A = tpu.sem_alloc : memref<!tpu.dma_semaphore, #tpu.memory_space<semaphore_mem>>
      %dma_start3A = tpu.memref_slice %arg4[%mul3A_103] : memref<58880xf32, #tpu.memory_space<hbm>> -> memref<3680xf32, #tpu.memory_space<hbm>>
      %dma_start3A_104 = tpu.memref_slice %arg4[%mul3A_103] : memref<58880xf32, #tpu.memory_space<hbm>> -> memref<3680xf32, #tpu.memory_space<hbm>>
      tpu.enqueue_dma source(%arg15 : memref<3680xf32, #tpu.memory_space<vmem>>) target(%dma_start3A_104 : memref<3680xf32, #tpu.memory_space<hbm>>) target_semaphore(%run_scoped3A : memref<!tpu.dma_semaphore, #tpu.memory_space<semaphore_mem>>)
      %dma_wait3A = tpu.memref_slice %arg4[%mul3A_103] : memref<58880xf32, #tpu.memory_space<hbm>> -> memref<3680xf32, #tpu.memory_space<hbm>>
      %dma_wait3A_105 = tpu.memref_slice %arg4[%mul3A_103] : memref<58880xf32, #tpu.memory_space<hbm>> -> memref<3680xf32, #tpu.memory_space<hbm>>
      tpu.wait_dma2 semaphore(%run_scoped3A : memref<!tpu.dma_semaphore, #tpu.memory_space<semaphore_mem>>) src(%arg15 : memref<3680xf32, #tpu.memory_space<vmem>>) dst(%dma_wait3A_105 : memref<3680xf32, #tpu.memory_space<hbm>>)
      tpu.yield
    }) : () -> ()
    return
  }
}

module attributes {stable_mosaic.version = 14 : i64} {
  func.func @_fc2_body(%arg0: memref<13x4500xf32, #tpu.memory_space<vmem>>, %arg1: memref<58500x100xf32, #tpu.memory_space<vmem>>, %arg2: memref<1x100xf32, #tpu.memory_space<vmem>>, %arg3: memref<1x100xf32, #tpu.memory_space<vmem>>) attributes {dimension_semantics = [], scalar_prefetch = 0 : i64, scratch_operands = 0 : i64, tpu.core_type = #tpu.core_type<tc>} {
    %get3A = arith.constant 0 : index
    %get3A_0 = arith.constant 0 : index
    %get3A_1 = vector.load %arg2[%get3A, %get3A_0] : memref<1x100xf32, #tpu.memory_space<vmem>>, vector<1x100xf32>
    %get3A_2 = arith.constant 0 : index
    %get3A_3 = arith.constant 0 : index
    %get3A_4 = vector.load %arg0[%get3A_2, %get3A_3] : memref<13x4500xf32, #tpu.memory_space<vmem>>, vector<1x4500xf32>
    %get3A_5 = arith.constant 0 : index
    %get3A_6 = arith.constant 0 : index
    %get3A_7 = vector.load %arg1[%get3A_5, %get3A_6] : memref<58500x100xf32, #tpu.memory_space<vmem>>, vector<4500x100xf32>
    %dot_general3A = arith.constant dense<0.000000e+00> : vector<1x100xf32>
    %dot_general3A_8 = tpu.matmul %get3A_4, %get3A_7, %dot_general3A {dimension_numbers = #tpu.dot_dimension_numbers<[1], [0], [0], [1], [0, 0, 1, 1], [], []>, transpose_lhs_hint = false} : vector<1x4500xf32>, vector<4500x100xf32>, vector<1x100xf32> -> vector<1x100xf32>
    %add3A = arith.addf %get3A_1, %dot_general3A_8 : vector<1x100xf32>
    %get3A_9 = arith.constant 1 : index
    %get3A_10 = arith.constant 0 : index
    %get3A_11 = vector.load %arg0[%get3A_9, %get3A_10] : memref<13x4500xf32, #tpu.memory_space<vmem>>, vector<1x4500xf32>
    %get3A_12 = arith.constant 4500 : index
    %get3A_13 = arith.constant 0 : index
    %get3A_14 = vector.load %arg1[%get3A_12, %get3A_13] : memref<58500x100xf32, #tpu.memory_space<vmem>>, vector<4500x100xf32>
    %dot_general3A_15 = arith.constant dense<0.000000e+00> : vector<1x100xf32>
    %dot_general3A_16 = tpu.matmul %get3A_11, %get3A_14, %dot_general3A_15 {dimension_numbers = #tpu.dot_dimension_numbers<[1], [0], [0], [1], [0, 0, 1, 1], [], []>, transpose_lhs_hint = false} : vector<1x4500xf32>, vector<4500x100xf32>, vector<1x100xf32> -> vector<1x100xf32>
    %add3A_17 = arith.addf %add3A, %dot_general3A_16 : vector<1x100xf32>
    %get3A_18 = arith.constant 2 : index
    %get3A_19 = arith.constant 0 : index
    %get3A_20 = vector.load %arg0[%get3A_18, %get3A_19] : memref<13x4500xf32, #tpu.memory_space<vmem>>, vector<1x4500xf32>
    %get3A_21 = arith.constant 9000 : index
    %get3A_22 = arith.constant 0 : index
    %get3A_23 = vector.load %arg1[%get3A_21, %get3A_22] : memref<58500x100xf32, #tpu.memory_space<vmem>>, vector<4500x100xf32>
    %dot_general3A_24 = arith.constant dense<0.000000e+00> : vector<1x100xf32>
    %dot_general3A_25 = tpu.matmul %get3A_20, %get3A_23, %dot_general3A_24 {dimension_numbers = #tpu.dot_dimension_numbers<[1], [0], [0], [1], [0, 0, 1, 1], [], []>, transpose_lhs_hint = false} : vector<1x4500xf32>, vector<4500x100xf32>, vector<1x100xf32> -> vector<1x100xf32>
    %add3A_26 = arith.addf %add3A_17, %dot_general3A_25 : vector<1x100xf32>
    %get3A_27 = arith.constant 3 : index
    %get3A_28 = arith.constant 0 : index
    %get3A_29 = vector.load %arg0[%get3A_27, %get3A_28] : memref<13x4500xf32, #tpu.memory_space<vmem>>, vector<1x4500xf32>
    %get3A_30 = arith.constant 13500 : index
    %get3A_31 = arith.constant 0 : index
    %get3A_32 = vector.load %arg1[%get3A_30, %get3A_31] : memref<58500x100xf32, #tpu.memory_space<vmem>>, vector<4500x100xf32>
    %dot_general3A_33 = arith.constant dense<0.000000e+00> : vector<1x100xf32>
    %dot_general3A_34 = tpu.matmul %get3A_29, %get3A_32, %dot_general3A_33 {dimension_numbers = #tpu.dot_dimension_numbers<[1], [0], [0], [1], [0, 0, 1, 1], [], []>, transpose_lhs_hint = false} : vector<1x4500xf32>, vector<4500x100xf32>, vector<1x100xf32> -> vector<1x100xf32>
    %add3A_35 = arith.addf %add3A_26, %dot_general3A_34 : vector<1x100xf32>
    %get3A_36 = arith.constant 4 : index
    %get3A_37 = arith.constant 0 : index
    %get3A_38 = vector.load %arg0[%get3A_36, %get3A_37] : memref<13x4500xf32, #tpu.memory_space<vmem>>, vector<1x4500xf32>
    %get3A_39 = arith.constant 18000 : index
    %get3A_40 = arith.constant 0 : index
    %get3A_41 = vector.load %arg1[%get3A_39, %get3A_40] : memref<58500x100xf32, #tpu.memory_space<vmem>>, vector<4500x100xf32>
    %dot_general3A_42 = arith.constant dense<0.000000e+00> : vector<1x100xf32>
    %dot_general3A_43 = tpu.matmul %get3A_38, %get3A_41, %dot_general3A_42 {dimension_numbers = #tpu.dot_dimension_numbers<[1], [0], [0], [1], [0, 0, 1, 1], [], []>, transpose_lhs_hint = false} : vector<1x4500xf32>, vector<4500x100xf32>, vector<1x100xf32> -> vector<1x100xf32>
    %add3A_44 = arith.addf %add3A_35, %dot_general3A_43 : vector<1x100xf32>
    %get3A_45 = arith.constant 5 : index
    %get3A_46 = arith.constant 0 : index
    %get3A_47 = vector.load %arg0[%get3A_45, %get3A_46] : memref<13x4500xf32, #tpu.memory_space<vmem>>, vector<1x4500xf32>
    %get3A_48 = arith.constant 22500 : index
    %get3A_49 = arith.constant 0 : index
    %get3A_50 = vector.load %arg1[%get3A_48, %get3A_49] : memref<58500x100xf32, #tpu.memory_space<vmem>>, vector<4500x100xf32>
    %dot_general3A_51 = arith.constant dense<0.000000e+00> : vector<1x100xf32>
    %dot_general3A_52 = tpu.matmul %get3A_47, %get3A_50, %dot_general3A_51 {dimension_numbers = #tpu.dot_dimension_numbers<[1], [0], [0], [1], [0, 0, 1, 1], [], []>, transpose_lhs_hint = false} : vector<1x4500xf32>, vector<4500x100xf32>, vector<1x100xf32> -> vector<1x100xf32>
    %add3A_53 = arith.addf %add3A_44, %dot_general3A_52 : vector<1x100xf32>
    %get3A_54 = arith.constant 6 : index
    %get3A_55 = arith.constant 0 : index
    %get3A_56 = vector.load %arg0[%get3A_54, %get3A_55] : memref<13x4500xf32, #tpu.memory_space<vmem>>, vector<1x4500xf32>
    %get3A_57 = arith.constant 27000 : index
    %get3A_58 = arith.constant 0 : index
    %get3A_59 = vector.load %arg1[%get3A_57, %get3A_58] : memref<58500x100xf32, #tpu.memory_space<vmem>>, vector<4500x100xf32>
    %dot_general3A_60 = arith.constant dense<0.000000e+00> : vector<1x100xf32>
    %dot_general3A_61 = tpu.matmul %get3A_56, %get3A_59, %dot_general3A_60 {dimension_numbers = #tpu.dot_dimension_numbers<[1], [0], [0], [1], [0, 0, 1, 1], [], []>, transpose_lhs_hint = false} : vector<1x4500xf32>, vector<4500x100xf32>, vector<1x100xf32> -> vector<1x100xf32>
    %add3A_62 = arith.addf %add3A_53, %dot_general3A_61 : vector<1x100xf32>
    %get3A_63 = arith.constant 7 : index
    %get3A_64 = arith.constant 0 : index
    %get3A_65 = vector.load %arg0[%get3A_63, %get3A_64] : memref<13x4500xf32, #tpu.memory_space<vmem>>, vector<1x4500xf32>
    %get3A_66 = arith.constant 31500 : index
    %get3A_67 = arith.constant 0 : index
    %get3A_68 = vector.load %arg1[%get3A_66, %get3A_67] : memref<58500x100xf32, #tpu.memory_space<vmem>>, vector<4500x100xf32>
    %dot_general3A_69 = arith.constant dense<0.000000e+00> : vector<1x100xf32>
    %dot_general3A_70 = tpu.matmul %get3A_65, %get3A_68, %dot_general3A_69 {dimension_numbers = #tpu.dot_dimension_numbers<[1], [0], [0], [1], [0, 0, 1, 1], [], []>, transpose_lhs_hint = false} : vector<1x4500xf32>, vector<4500x100xf32>, vector<1x100xf32> -> vector<1x100xf32>
    %add3A_71 = arith.addf %add3A_62, %dot_general3A_70 : vector<1x100xf32>
    %get3A_72 = arith.constant 8 : index
    %get3A_73 = arith.constant 0 : index
    %get3A_74 = vector.load %arg0[%get3A_72, %get3A_73] : memref<13x4500xf32, #tpu.memory_space<vmem>>, vector<1x4500xf32>
    %get3A_75 = arith.constant 36000 : index
    %get3A_76 = arith.constant 0 : index
    %get3A_77 = vector.load %arg1[%get3A_75, %get3A_76] : memref<58500x100xf32, #tpu.memory_space<vmem>>, vector<4500x100xf32>
    %dot_general3A_78 = arith.constant dense<0.000000e+00> : vector<1x100xf32>
    %dot_general3A_79 = tpu.matmul %get3A_74, %get3A_77, %dot_general3A_78 {dimension_numbers = #tpu.dot_dimension_numbers<[1], [0], [0], [1], [0, 0, 1, 1], [], []>, transpose_lhs_hint = false} : vector<1x4500xf32>, vector<4500x100xf32>, vector<1x100xf32> -> vector<1x100xf32>
    %add3A_80 = arith.addf %add3A_71, %dot_general3A_79 : vector<1x100xf32>
    %get3A_81 = arith.constant 9 : index
    %get3A_82 = arith.constant 0 : index
    %get3A_83 = vector.load %arg0[%get3A_81, %get3A_82] : memref<13x4500xf32, #tpu.memory_space<vmem>>, vector<1x4500xf32>
    %get3A_84 = arith.constant 40500 : index
    %get3A_85 = arith.constant 0 : index
    %get3A_86 = vector.load %arg1[%get3A_84, %get3A_85] : memref<58500x100xf32, #tpu.memory_space<vmem>>, vector<4500x100xf32>
    %dot_general3A_87 = arith.constant dense<0.000000e+00> : vector<1x100xf32>
    %dot_general3A_88 = tpu.matmul %get3A_83, %get3A_86, %dot_general3A_87 {dimension_numbers = #tpu.dot_dimension_numbers<[1], [0], [0], [1], [0, 0, 1, 1], [], []>, transpose_lhs_hint = false} : vector<1x4500xf32>, vector<4500x100xf32>, vector<1x100xf32> -> vector<1x100xf32>
    %add3A_89 = arith.addf %add3A_80, %dot_general3A_88 : vector<1x100xf32>
    %get3A_90 = arith.constant 10 : index
    %get3A_91 = arith.constant 0 : index
    %get3A_92 = vector.load %arg0[%get3A_90, %get3A_91] : memref<13x4500xf32, #tpu.memory_space<vmem>>, vector<1x4500xf32>
    %get3A_93 = arith.constant 45000 : index
    %get3A_94 = arith.constant 0 : index
    %get3A_95 = vector.load %arg1[%get3A_93, %get3A_94] : memref<58500x100xf32, #tpu.memory_space<vmem>>, vector<4500x100xf32>
    %dot_general3A_96 = arith.constant dense<0.000000e+00> : vector<1x100xf32>
    %dot_general3A_97 = tpu.matmul %get3A_92, %get3A_95, %dot_general3A_96 {dimension_numbers = #tpu.dot_dimension_numbers<[1], [0], [0], [1], [0, 0, 1, 1], [], []>, transpose_lhs_hint = false} : vector<1x4500xf32>, vector<4500x100xf32>, vector<1x100xf32> -> vector<1x100xf32>
    %add3A_98 = arith.addf %add3A_89, %dot_general3A_97 : vector<1x100xf32>
    %get3A_99 = arith.constant 11 : index
    %get3A_100 = arith.constant 0 : index
    %get3A_101 = vector.load %arg0[%get3A_99, %get3A_100] : memref<13x4500xf32, #tpu.memory_space<vmem>>, vector<1x4500xf32>
    %get3A_102 = arith.constant 49500 : index
    %get3A_103 = arith.constant 0 : index
    %get3A_104 = vector.load %arg1[%get3A_102, %get3A_103] : memref<58500x100xf32, #tpu.memory_space<vmem>>, vector<4500x100xf32>
    %dot_general3A_105 = arith.constant dense<0.000000e+00> : vector<1x100xf32>
    %dot_general3A_106 = tpu.matmul %get3A_101, %get3A_104, %dot_general3A_105 {dimension_numbers = #tpu.dot_dimension_numbers<[1], [0], [0], [1], [0, 0, 1, 1], [], []>, transpose_lhs_hint = false} : vector<1x4500xf32>, vector<4500x100xf32>, vector<1x100xf32> -> vector<1x100xf32>
    %add3A_107 = arith.addf %add3A_98, %dot_general3A_106 : vector<1x100xf32>
    %get3A_108 = arith.constant 12 : index
    %get3A_109 = arith.constant 0 : index
    %get3A_110 = vector.load %arg0[%get3A_108, %get3A_109] : memref<13x4500xf32, #tpu.memory_space<vmem>>, vector<1x4500xf32>
    %get3A_111 = arith.constant 54000 : index
    %get3A_112 = arith.constant 0 : index
    %get3A_113 = vector.load %arg1[%get3A_111, %get3A_112] : memref<58500x100xf32, #tpu.memory_space<vmem>>, vector<4500x100xf32>
    %dot_general3A_114 = arith.constant dense<0.000000e+00> : vector<1x100xf32>
    %dot_general3A_115 = tpu.matmul %get3A_110, %get3A_113, %dot_general3A_114 {dimension_numbers = #tpu.dot_dimension_numbers<[1], [0], [0], [1], [0, 0, 1, 1], [], []>, transpose_lhs_hint = false} : vector<1x4500xf32>, vector<4500x100xf32>, vector<1x100xf32> -> vector<1x100xf32>
    %add3A_116 = arith.addf %add3A_107, %dot_general3A_115 : vector<1x100xf32>
    %mul3A = arith.constant 0.00999999977 : f32
    %mul3A_117 = vector.broadcast %mul3A : f32 to vector<1x100xf32>
    %mul3A_118 = arith.mulf %mul3A_117, %add3A_116 : vector<1x100xf32>
    %max3A = arith.maximumf %add3A_116, %mul3A_118 : vector<1x100xf32>
    %swap3A = arith.constant 0 : index
    %swap3A_119 = arith.constant 0 : index
    %swap3A_120 = vector.load %arg3[%swap3A, %swap3A_119] : memref<1x100xf32, #tpu.memory_space<vmem>>, vector<1x100xf32>
    tpu.vector_store %arg3[%swap3A, %swap3A_119], %max3A {strides = array<i32>} : memref<1x100xf32, #tpu.memory_space<vmem>>, vector<1x100xf32>,
    return
  }
}

</mosaic_0001>

<sc_bundles>
// kernel: kernel.4.cloned.1.call-start
scs
__scs_entry_jumppad:
0x0: {  	(pc) =	sbr.rel $0x88, $3  }
0x1: {  	(tag) =	ssettag $0x0;
	lr =	simm.s32 $0x1  }
0x2: {  	[smem:$0x3F97] =	sst lr;
	_ =	strace $0xD0000000  }
0x3: {  	_ = 	snop  }
0x4: {  	_ = 	snop  }
0x5: {  	_ = 	snop  }
0x6: {  	_ = 	snop  }
0x7: {  	_ = 	snop  }
__scs_overlays_trampoline_lowered:
0x8: {  	[smem:$0x3FA6] =	sst s0  }
0x9: {  	[smem:$0x3FA7] =	sst s1  }
0xa: {  	[smem:$0x3FA8] =	sst s2  }
0xb: {  	[smem:$0x3FA9] =	sst s3  }
0xc: {  	[smem:$0x3FAA] =	sst s4  }
0xd: {  	[smem:$0x3FAB] =	sst s5  }
0xe: {  	[smem:$0x3FAC] =	sst s6  }
0xf: {  	[smem:$0x3FAD] =	sst s7  }
0x10: {  	[smem:$0x3FAE] =	sst s8  }
0x11: {  	[smem:$0x3FAF] =	sst s9;
	s0 =	simm.s32 @!p0 $0x0  }
0x12: {  	s1 =	sld [smem:$0x3F95];
	s0 =	simm.s32 @p0 $0x1  }
0x13: {  	[smem:$0x3FB0] =	sst s0;
	s0 =	simm.s32 @!p1 $0x0  }
0x14: {  	s2 =	sld [smem:$0x3F94];
	s0 =	simm.s32 @p1 $0x1  }
0x15: {  	[smem:$0x3FB1] =	sst s0;
	s0 =	simm.s32 @!p2 $0x0  }
0x16: {  	s3 =	sld [smem:$0x3FDB];
	s0 =	simm.s32 @p2 $0x1  }
0x17: {  	s4 =	simm.s32 $0x1BF5;
	[smem:$0x3FB3] =	sst s0  }
0x18: {  	s0 =	sld [smem:$0x3F96];
	_ =	swait.ge [sflag:s4], $0x0  }
0x19: {  	s7 =	sld [smem:$0x3F97]  }
0x1a: {  	s8 =	sadd.s32 $0xFFFFE003, lr  }
0x1b: {  	s9 =	sadd.s32 $0xFFFFFEF7, lr;
	s5 =	simm.s32 $0xFFFFFFFF;
	p2 =	slt.u32 s8, $0xFFFFF086  }
0x1c: {  	p1 =	slt.u32 s9, $0xF7A;
	s5 =	simm.s32 @!p2 $0x0  }
0x1d: {  	s5 =	simm.s32 @p1 $0x1;
	p0 =	seq.s32 s7, s2  }
0x1e: {  	s7 =	smul.u32 @!p0 $0xF7A, s2;
	p2 =	seq.s32 @!p0 s5, $0x0  }
0x1f: {  	s9 =	smul.u32 $0xF7A, s1;
	s8 =	simm.s32 @!p0 $0x1BF5;
	p2 =	por !p2, p0  }
0x20: {  	[sflag:s8] =	ssyncset.s32 @!p0 $0xFFFFF086;
	s6 =	sadd.s32 @!p0 s3, s7;
	s7 =	simm.s32 @!p0 $0x108  }
0x21: {  	s3 =	sadd.s32 s3, s9;
	s6 =	sadd.s32 @!p0 $0x88, s6;
	s7 =	simm.s32 @p2 $0x1082  }
0x22: {  	[simem:s7], [sflag:s8] =	dma.local @!p0 [hbm:s6], $0xF7A  }
0x23: {  	s9 =	sor.u32 $0xD0000000, s2;
	s6 =	simm.s32 $0x108;
	_ =	swait.ge @!p0 [sflag:s8], $0x0  }
0x24: {  	s3 =	sadd.s32 $0x88, s3;
	s6 =	simm.s32 @!p1 $0x1082;
	[sflag:s4] =	ssyncset.s32 $0xFFFFF086  }
0x25: {  	[simem:s6], [sflag:s4] =	dma.local [hbm:s3], $0xF7A  }
0x26: {  	[smem:$0x3F97] =	sst s1;
	(tag) =	ssettag s2;
	_ =	strace s9  }
0x27: {  	s1 =	sld [smem:$0x3FA7]  }
0x28: {  	s2 =	sld [smem:$0x3FA8]  }
0x29: {  	s4 =	sld [smem:$0x3FAA]  }
0x2a: {  	p0 =	seq.s32 s5, $0x0;
	s5 =	sld [smem:$0x3FAB]  }
0x2b: {  	s6 =	sld [smem:$0x3FAC]  }
0x2c: {  	s7 =	sld [smem:$0x3FAD]  }
0x2d: {  	s3 =	simm.s32 $0x108;
	s8 =	sld [smem:$0x3FAE]  }
0x2e: {  	s3 =	simm.s32 @!p0 $0x1082;
	s9 =	sld [smem:$0x3FAF]  }
0x2f: {  	lr =	sadd.s32 s0, s3;
	s0 =	sld [smem:$0x3FA6]  }
0x30: {  	s3 =	sld [smem:$0x3FA9]  }
0x31: {  	[smem:$0x3FB2] =	sst s10  }
0x32: {  	s10 =	sld [smem:$0x3FB0];
	_ =	sdelay $0x3  }
0x33: {  	p0 =	seq.s32 s10, $0x1;
	s10 =	sld [smem:$0x3FB2];
	_ =	sdelay $0x3  }
0x34: {  	[smem:$0x3FB2] =	sst s10  }
0x35: {  	s10 =	sld [smem:$0x3FB1];
	_ =	sdelay $0x3  }
0x36: {  	p1 =	seq.s32 s10, $0x1;
	s10 =	sld [smem:$0x3FB2];
	_ =	sdelay $0x3  }
0x37: {  	[smem:$0x3FB2] =	sst s10  }
0x38: {  	s10 =	sld [smem:$0x3FB3]  }
0x39: {  	_ = 	snop;
	(pc) =	sbr.ind lr, $3  }
0x3a: {  	_ = 	snop  }
0x3b: {  	_ = 	snop  }
0x3c: {  	p2 =	seq.s32 s10, $0x1;
	s10 =	sld [smem:$0x3FB2]  }
0x3d: {  	_ =	shalt  }
0x3e: {  	_ =	shalt  }
0x3f: {  	_ =	shalt  }
0x40: {  	_ =	shalt  }
0x41: {  	_ =	shalt  }
0x42: {  	_ =	shalt  }
0x43: {  	_ =	shalt  }
0x44: {  	_ =	shalt  }
0x45: {  	_ =	shalt  }
0x46: {  	_ =	shalt  }
0x47: {  	_ =	shalt  }
0x48: {  	_ =	shalt  }
0x49: {  	_ =	shalt  }
0x4a: {  	_ =	shalt  }
0x4b: {  	_ =	shalt  }
0x4c: {  	_ =	shalt  }
0x4d: {  	_ =	shalt  }
0x4e: {  	_ =	shalt  }
0x4f: {  	_ =	shalt  }
0x50: {  	_ =	shalt  }
0x51: {  	_ =	shalt  }
0x52: {  	_ =	shalt  }
0x53: {  	_ =	shalt  }
0x54: {  	_ =	shalt  }
0x55: {  	_ =	shalt  }
0x56: {  	_ =	shalt  }
0x57: {  	_ =	shalt  }
0x58: {  	_ =	shalt  }
0x59: {  	_ =	shalt  }
0x5a: {  	_ =	shalt  }
0x5b: {  	_ =	shalt  }
0x5c: {  	_ =	shalt  }
0x5d: {  	_ =	shalt  }
0x5e: {  	_ =	shalt  }
0x5f: {  	_ =	shalt  }
0x60: {  	_ =	shalt  }
0x61: {  	_ =	shalt  }
0x62: {  	_ =	shalt  }
0x63: {  	_ =	shalt  }
0x64: {  	_ =	shalt  }
0x65: {  	_ =	shalt  }
0x66: {  	_ =	shalt  }
0x67: {  	_ =	shalt  }
0x68: {  	_ =	shalt  }
0x69: {  	_ =	shalt  }
0x6a: {  	_ =	shalt  }
0x6b: {  	_ =	shalt  }
0x6c: {  	_ =	shalt  }
0x6d: {  	_ =	shalt  }
0x6e: {  	_ =	shalt  }
0x6f: {  	_ =	shalt  }
0x70: {  	_ =	shalt  }
0x71: {  	_ =	shalt  }
0x72: {  	_ =	shalt  }
0x73: {  	_ =	shalt  }
0x74: {  	_ =	shalt  }
0x75: {  	_ =	shalt  }
0x76: {  	_ =	shalt  }
0x77: {  	_ =	shalt  }
0x78: {  	_ =	shalt  }
0x79: {  	_ =	shalt  }
0x7a: {  	_ =	shalt  }
0x7b: {  	_ =	shalt  }
0x7c: {  	_ =	shalt  }
0x7d: {  	_ =	shalt  }
0x7e: {  	_ =	shalt  }
0x7f: {  	_ =	shalt  }
0x80: {  	_ =	shalt  }
0x81: {  	_ =	shalt  }
0x82: {  	_ =	shalt  }
0x83: {  	_ =	shalt  }
0x84: {  	_ =	shalt  }
0x85: {  	_ =	shalt  }
0x86: {  	_ =	shalt  }
0x87: {  	_ =	shalt  }
.Lfunc_end0:
.L_simem_size_0:
called_computation_lowered:
.L_overlay_start_0:
0x88: {  	s0 =	sld [smem:$0x3FD9]  }
0x89: {  	s1 =	sld [smem:$0x3FFE];
	_ =	sdelay $0x3  }
0x8a: {  	s0 =	sadd.s32 s1, s0  }
0x8b: {  	[smem:$0x3FBE] =	sst s0  }
0x8c: {  	_ = 	snop  }
0x8d: {  	(tm) =	ssettm $0x1  }
0x8e: {  	s15 =	sld [smem:$0x3FFB];
	_ =	sdelay $0x3  }
0x8f: {  	_ =	strace s15  }
0x90: {  	s0 =	sld [smem:$0x3FFC];
	_ =	sdelay $0x3  }
0x91: {  	_ =	strace s0  }
0x92: {  	s0 =	sld [smem:$0x3FFD];
	_ =	sdelay $0x3  }
0x93: {  	_ =	strace s0  }
0x94: {  	_ =	strace $0x8FFFFFFF  }
0x95: {  	s16 =	sld [smem:$0x3FDB];
	_ =	sdelay $0x1  }
0x96: {  	s17 =	simm.s32 $_scs_section_size  }
0x97: {  	s2 =	simm.s32 $_size__tile_overlayer_lowered;
	s3 =	simm.s32 $_tile_overlayer_lowered  }
0x98: {  	s20 =	simm.s32 $0x1BFF;
	s19 =	sshll.u32 s3, $0x1;
	s0 =	sadd.s32 s17, s16  }
0x99: {  	s4 =	simm.s32 $0x0;
	s18 =	sshll.u32 s2, $0x1;
	s2 =	sadd.s32 s19, s0  }
0x9a: {  	[timem:s4], [sflag:s20] =	dma.local [hbm:s2], s18  }
0x9b: {  	_ =	swait.ge [sflag:s20], s18  }
0x9c: {  	s1 =	ssub.s32 $0x0, s18;
	[sflag:s20] =	ssyncset.done $0x0  }
0x9d: {  	[sflag:s20] =	ssyncadd.s32 s1;
	_ =	sdelay $0x1  }
0x9e: {  	s21 =	simm.s32 $0x1B8B  }
0x9f: {  	_ =	swait.ge [sflag:s21], $0x1  }
0xa0: {  	[sflag:s21] =	ssyncset.done $0x0  }
0xa1: {  	s23 =	simm.s32 $0x1B8E;
	s22 =	sld [smem:$0x3FFE];
	[sflag:s21] =	ssyncadd.s32 $0xFFFFFFFF  }
0xa2: {  	s24 =	simm.s32 $execute0_lowered;
	[smem:$0x3FD2] =	sst s23  }
0xa3: {  	s2 =	sshll.u32 s24, $0x1;
	_ =	strace $0x80000046;
	[dreg:$0x1] =	wrdreg $0xFFFFFFFF  }
0xa4: {  	s25 =	simm.s32 $_size_execute0_lowered;
	s0 =	sadd.s32 s0, s2;
	[dreg:$0x0] =	wrdreg $0x0  }
0xa5: {  	s2 =	sshll.u32 s25, $0x1;
	[dreg:$0x2] =	wrdreg s0  }
0xa6: {  	[dreg:$0x3] =	wrdreg s2  }
0xa7: {  	[dreg:$0x4] =	wrdreg $0xC0  }
0xa8: {  	_ =	task [dreg:s4], $0x5FFFF  }
0xa9: {  	[dreg:$0x1] =	wrdreg $0xFFFFFFFF  }
0xaa: {  	[dreg:$0x0] =	wrdreg $0x60  }
0xab: {  	[dreg:$0x2] =	wrdreg s22  }
0xac: {  	[dreg:$0x3] =	wrdreg $0xCF000  }
0xad: {  	[dreg:$0x4] =	wrdreg $0x9  }
0xae: {  	_ =	task.clear_ibuf [dreg:s4], $0x5FFFF;
	_ =	strace $0x90000046  }
0xaf: {  	s26 =	simm.s32 $0x9;
	_ =	strace $0x80000048  }
0xb0: {  	_ =	swait.ge [sflag:s26], $0x1  }
0xb1: {  	[sflag:s26] =	ssyncadd.s32 $0xFFFFFFFF  }
0xb2: {  	_ =	strace $0x90000048  }
0xb3: {  	_ =	sfence  }
0xb4: {  	s28 =	sld [smem:$0x0];
	_ =	sdelay $0x1  }
0xb5: {  	s29 =	srdreg.scid  }
0xb6: {  	s30 =	sshll.u32 s29, $0xD;
	s31 =	sshrl.u32 s29, $0x2  }
0xb7: {  	s1 =	sand.u32 $0x1, s29;
	s2 =	sand.u32 $0x4000, s30;
	s0 =	sadd.s32 s31, s28  }
0xb8: {  	s1 =	sor.u32 s2, s1;
	s0 =	sshll.u32 s0, $0x11  }
0xb9: {  	s0 =	sor.u32 s0, s1  }
0xba: {  	s0 =	sadd.s32 $0x8F2B, s0  }
0xbb: {  	[sflag:s0] =	ssyncadd.remote.s32 $0x1  }
0xbc: {  	_ =	sfence.sel $0xFFFF  }
0xbd: {  	[dreg:$0x0] =	wrdreg $0xFFFFFFFF;
	(pc) =	sbr.abs _section_cstart, $3  }
0xbe: {  	[dreg:$0x1] =	wrdreg $0xFFFFFFFF  }
0xbf: {  	_ =	task.clear_ibuf [dreg:s4], $0x2FFFF;
	_ =	strace $0x9FFFFFFF  }
0xc0: {  	(tm) =	ssettm $0x7FFFFFFF  }
0xc1: {  	_ =	shalt  }
tec
execute0_lowered:
.L_overlay_start_1:
0x0: {  	(tag) =	ssettag $0x1  }
0x1: {  	s0 =	rddreg [dreg:$0x0]  }
0x2: {  	s6 =	rddreg [dreg:$0x1];
	s1 =	simm.s32 $0x0;
	s13 =	stileid.u32  }
0x3: {  	s3 =	simm.s32 $0xBF00;
	s12 =	simm.s32 $0x2;
	s14 =	smul.u32 $0x1CC, s13  }
0x4: {  	[smem:$0x7FF] =	sst s1;
	s2 =	sadd.s32 $0x6A92, s0;
	s4 =	smul.u32 $0x5C0, s13  }
0x5: {  	p0 =	seq.s32 s13, $0xF;
	s9 =	sadd.s32 $0x600, s0;
	s15 =	smul.u32 $0x33C0, s13  }
0x6: {  	s30 =	sadd.s32 $0xCF00, s6;
	s31 =	sadd.s32 $0xFD00, s6;
	s26 =	sadd.s32 $0x1700, s6  }
0x7: {  	s28 =	sadd.s32 $0x2E00, s6;
	s29 =	sadd.s32 $0x4500, s6;
	_ =	strace $0x80000047  }
0x8: {  	[tilespmem:s3], [sflag:$0x2] =	stream.linear.gather [hbm4b:s2+s1], $0x160, $0x38;
	[tilespmem:$0xE770] =	vst v63  }
0x9: {  	s8 =	simm.s32 @p0 $0x0;
	s10 =	simm.s32 @p0 $0x2;
	s3 =	sadd.s32 $0x6200, s0  }
0xa: {  	s11 =	sadd.s32 s14, s0;
	s16 =	sshrl.u32 s4, $0x2;
	_ =	swait.ge [sflag:s12], $0x160  }
0xb: {  	s0 =	sadd.s32 @p0 $0x2AE4, s9;
	s2 =	simm.s32 @p0 $0x1E00;
	[sflag:s12] =	ssyncset.done $0x0  }
0xc: {  	s14 =	sadd.s32 $0x17000, s6;
	s1 =	sadd.s32 @p0 $0x816, s3;
	[sflag:s12] =	ssyncadd.s32 $0xFFFFFEA0  }
0xd: {  	[tilespmem:s8], [sflag:$0x2] =	stream.linear.gather @p0 [hbm4b:s1+s8], $0x3DE, $0x38;
	[tilespmem:$0xE770] =	vst v63  }
0xe: {  	s7 =	sadd.s32 s16, s6;
	s16 =	sadd.s32 $0x12B00, s6;
	_ =	swait.ge @p0 [sflag:s10], $0x3DE  }
0xf: {  	s18 =	sadd.s32 $0x6C00, s11;
	s11 =	sadd.s32 $0x8A00, s6;
	[sflag:s10] =	ssyncset.done @p0 $0x0  }
0x10: {  	s5 =	sadd.s32 $0xCF00, s7;
	s24 =	sadd.s32 $0x1700, s7;
	[sflag:s10] =	ssyncadd.s32 @p0 $0xFFFFFC22  }
0x11: {  	[tilespmem:s2], [sflag:$0x2] =	stream.linear.gather @p0 [hbm4b:s0+s8], $0x1680, $0x38;
	[tilespmem:$0xE770] =	vst v63  }
0x12: {  	s25 =	sadd.s32 $0x2E00, s7;
	s23 =	sadd.s32 $0x4500, s7;
	_ =	swait.ge @p0 [sflag:s10], $0x1680  }
0x13: {  	s22 =	sadd.s32 $0x11400, s7;
	s21 =	sadd.s32 $0x14200, s7;
	[sflag:s10] =	ssyncset.done @p0 $0x0  }
0x14: {  	s12 =	simm.s32 @p0 $0x3500;
	s0 =	sadd.s32 @p0 $0x5898, s9;
	[sflag:s10] =	ssyncadd.s32 @p0 $0xFFFFE980  }
0x15: {  	[tilespmem:s12], [sflag:$0x2] =	stream.linear.gather @p0 [hbm4b:s0+s8], $0x1680, $0x38;
	[tilespmem:$0xE770] =	vst v63  }
0x16: {  	s20 =	sadd.s32 $0x15900, s7;
	s8 =	smul.u32 @!p0 $0x8A, s13;
	_ =	swait.ge @p0 [sflag:s10], $0x1680  }
0x17: {  	s17 =	sadd.s32 $0x17000, s7;
	s19 =	sadd.s32 $0x5C00, s7;
	[sflag:s10] =	ssyncset.done @p0 $0x0  }
0x18: {  	s3 =	sadd.s32 @!p0 s3, s8;
	s8 =	simm.s32 @!p0 $0x0;
	[sflag:s10] =	ssyncadd.s32 @p0 $0xFFFFE980  }
0x19: {  	[tilespmem:s8], [sflag:$0x2] =	stream.linear.gather @!p0 [hbm4b:s3+s8], $0x450, $0x38;
	[tilespmem:$0xE770] =	vst v63  }
0x1a: {  	s1 =	sshrl.u32 s15, $0x2;
	s10 =	simm.s32 @!p0 $0x2;
	s3 =	smul.u32 @!p0 $0x16E0, s13  }
0x1b: {  	s15 =	sadd.s32 $0x11400, s6;
	s4 =	sadd.s32 s1, s6;
	_ =	swait.ge @!p0 [sflag:s10], $0x450  }
0x1c: {  	s1 =	sadd.s32 $0xE600, s7;
	s3 =	sshrl.u32 @!p0 s3, $0x3;
	[sflag:s10] =	ssyncset.done @!p0 $0x0  }
0x1d: {  	s9 =	sadd.s32 @!p0 s9, s3;
	[sflag:s10] =	ssyncadd.s32 @!p0 $0xFFFFFBB0;
	s3 =	simm.s32 @!p0 $0x1E00  }
0x1e: {  	[tilespmem:s3], [sflag:$0x2] =	stream.linear.gather @!p0 [hbm4b:s9+s8], $0x16E0, $0x38;
	[tilespmem:$0xE770] =	vst v63  }
0x1f: {  	s2 =	sadd.s32 $0xFD00, s7;
	s0 =	sadd.s32 $0xE600, s6;
	_ =	swait.ge @!p0 [sflag:s10], $0x16E0  }
0x20: {  	s12 =	simm.s32 @!p0 $0x3500;
	s13 =	sadd.s32 $0xB800, s6;
	[sflag:s10] =	ssyncset.done @!p0 $0x0  }
0x21: {  	s3 =	sadd.s32 $0x12B00, s7;
	s9 =	sadd.s32 @!p0 $0x2DB4, s9;
	[sflag:s10] =	ssyncadd.s32 @!p0 $0xFFFFE920  }
0x22: {  	[tilespmem:s12], [sflag:$0x2] =	stream.linear.gather @!p0 [hbm4b:s9+s8], $0x16E0, $0x38;
	[tilespmem:$0xE770] =	vst v63  }
0x23: {  	s9 =	sadd.s32 $0x5C00, s6;
	_ =	swait.ge @!p0 [sflag:s10], $0x16E0;
	[dreg:$0x9] =	wrdreg s17  }
0x24: {  	s12 =	sadd.s32 $0xA100, s6;
	s8 =	simm.s32 $0x40;
	[dreg:$0x3] =	wrdreg s18  }
0x25: {  	s17 =	sadd.s32 $0x14200, s6;
	[dreg:$0x8] =	wrdreg s19;
	s19 =	sadd.s32 $0x7300, s7  }
0x26: {  	s18 =	sadd.s32 $0x15900, s6;
	[dreg:$0x7] =	wrdreg s19;
	s19 =	sadd.s32 $0x8A00, s7  }
0x27: {  	[sflag:s10] =	ssyncset.done @!p0 $0x0;
	[dreg:$0x6] =	wrdreg s19;
	s19 =	sadd.s32 $0xA100, s7  }
0x28: {  	[sflag:s10] =	ssyncadd.s32 @!p0 $0xFFFFE920;
	[dreg:$0x5] =	wrdreg s19;
	s19 =	sadd.s32 $0xB800, s7  }
0x29: {  	v0 =	vimm.f32 $0.0e+00;
	s10 =	sadd.s32 $0x7300, s6;
	[dreg:$0x4] =	wrdreg s19;
	s19 =	simm.s32 $0x0  }
.LBB2_1:
0x2a: {  	p1 =	sne.s32 s8, $0x3380;
	[tilespmem:s19+$0x4C00] =	vst v0;
	s19 =	smov.u32 s8;
	s8 =	sadd.s32 $0x40, s8  }
.Ltmp0:
0x2b: {  	(pc) =	sbr.rel @p1 .LBB2_1-.Ltmp0, $2  }
0x2c: {  	_ =	sdelay $0x2  }
0x2d: {  	s19 =	sshra.s32 s19, $0x2  }
0x2e: {  	[tilespmem:s19+$0x4C00] =	vst v0;
	s8 =	simm.s32 $0x4C00;
	s19 =	simm.s32 $0x2  }
0x2f: {  	[spmem:s4] =	stream.linear.scatter [tilespmem:s8], [sflag:$0x2], $0xCF0, $0x38;
	[tilespmem:$0xE770] =	vst v63  }
0x30: {  	_ =	swait.ge [sflag:s19], $0xCF0  }
0x31: {  	[sflag:s19] =	ssyncset.done $0x0  }
0x32: {  	[sflag:s19] =	ssyncadd.s32 $0xFFFFF310  }
0x33: {  	v0 =	vimm.f32 $1.000000000e+00;
	s4 =	simm.s32 $0x40;
	s8 =	simm.s32 $0x0;
	[bflag:$0x0] =	sbarrier.arrive $0xFFFF  }
.LBB2_3:
0x34: {  	p1 =	sne.s32 s4, $0x5B40;
	[tilespmem:s8+$0x4C00] =	vst v0;
	s8 =	smov.u32 s4;
	s4 =	sadd.s32 $0x40, s4  }
.Ltmp1:
0x35: {  	(pc) =	sbr.rel @p1 .LBB2_3-.Ltmp1, $2  }
0x36: {  	_ =	sdelay $0x2  }
0x37: {  	s8 =	sshra.s32 s8, $0x2  }
0x38: {  	[tilespmem:s8+$0x4C00] =	vst v0;
	s4 =	simm.s32 @p0 $0x1680;
	s8 =	simm.s32 @p0 $0x3500;
	s19 =	simm.s32 @p0 $0x4C00  }
0x39: {  	[spmem:s6] =	stream.indirect.scatter.add.f32 @p0 [tilespmem:s19], [sflag:$0x2], $0x1, s8, s4, $0xb8;
	[tilespmem:$0xE770] =	vst v63  }
0x3a: {  	s4 =	simm.s32 @p0 $0x2  }
0x3b: {  	_ =	swait.ge @p0 [sflag:s4], $0x1680  }
0x3c: {  	s8 =	simm.s32 @!p0 $0x3500;
	[sflag:s4] =	ssyncset.done @p0 $0x0  }
0x3d: {  	s19 =	simm.s32 @!p0 $0x4C00;
	[sflag:s4] =	ssyncadd.s32 @p0 $0xFFFFE980;
	s4 =	simm.s32 @!p0 $0x16E0  }
0x3e: {  	[spmem:s6] =	stream.indirect.scatter.add.f32 @!p0 [tilespmem:s19], [sflag:$0x2], $0x1, s8, s4, $0xb8;
	[tilespmem:$0xE770] =	vst v63  }
0x3f: {  	s4 =	simm.s32 @!p0 $0x2  }
0x40: {  	_ =	swait.ge @!p0 [sflag:s4], $0x16E0  }
0x41: {  	[sflag:s4] =	ssyncset.done @!p0 $0x0  }
0x42: {  	[sflag:s4] =	ssyncadd.s32 @!p0 $0xFFFFE920  }
0x43: {  	s6 =	simm.s32 $0x480;
	s19 =	simm.s32 $0x2;
	[bflag:$0x0] =	sbarrier.arrive $0xFFFF  }
0x44: {  	[tilespmem:s6], [sflag:$0x2] =	stream.linear.gather [spmem:s7], $0x170, $0x38;
	[tilespmem:$0xE770] =	vst v63  }
0x45: {  	_ =	swait.ge [sflag:s19], $0x170  }
0x46: {  	[sflag:s19] =	ssyncset.done $0x0  }
0x47: {  	[sflag:s19] =	ssyncadd.s32 $0xFFFFFE90  }
0x48: {  	v0 =	vld [tilespmem:s6+$0x0];
	_ =	sdelay $0x4  }
0x49: {  	v0 =	vadd.f32 $1.000000000e+00, v0;
	_ =	sdelay $0x1  }
0x4a: {  	v1 =	vshrl.u32 v0, $0x1;
	v0 =	vmul.f32 $5.000000000e-01, v0  }
0x4b: {  	v1 =	vsub.s32 $0x5F3759DF, v1  }
0x4c: {  	v2 =	vmul.f32 v1, v0;
	_ =	sdelay $0x1  }
0x4d: {  	v2 =	vmul.f32 v1, v2;
	_ =	sdelay $0x1  }
0x4e: {  	v2 =	vsub.f32 $1.500000000e+00, v2;
	_ =	sdelay $0x1  }
0x4f: {  	v1 =	vmul.f32 v1, v2;
	_ =	sdelay $0x1  }
0x50: {  	v2 =	vmul.f32 v1, v0;
	_ =	sdelay $0x1  }
0x51: {  	v2 =	vmul.f32 v2, v1;
	_ =	sdelay $0x1  }
0x52: {  	v2 =	vsub.f32 $1.500000000e+00, v2;
	_ =	sdelay $0x1  }
0x53: {  	s7 =	simm.s32 $0x0;
	v1 =	vmul.f32 v2, v1  }
0x54: {  	v2 =	vmov s7  }
0x55: {  	v2 =	vmul.u32 $0x3, v2;
	v3 =	vmul.f32 v1, v0  }
0x56: {  	v0 =	vlaneseq.u32  }
0x57: {  	v0 =	vmul.u32 $0x3, v0;
	v4 =	vbroadcast v2, $0x0;
	v3 =	vmul.f32 v3, v1;
	_ =	sdelay $0x1  }
0x58: {  	v2 =	vsub.f32 $1.500000000e+00, v3;
	v3 =	vadd.s32 v0, v4;
	_ =	sdelay $0x1  }
0x59: {  	v5 =	vmul.f32 v2, v1;
	_ =	sdelay $0x1  }
0x5a: {  	[tilespmem:s6+$0x0] =	vst v5  }
0x5b: {  	v2 =	vld.idx.msk [tilespmem:v3+s7+$0x0], $0xffff;
	_ =	sdelay $0x1  }
0x5c: {  	v1 =	vadd.s32 $0x1, v0  }
0x5d: {  	v3 =	vadd.s32 v1, v4;
	_ =	sdelay $0x1  }
0x5e: {  	v2 =	vmul.f32 v5, v2  }
0x5f: {  	s4 =	simm.s32 $0x770  }
0x60: {  	[tilespmem:s4+$0xFFFFFE90] =	vst v2  }
0x61: {  	v3 =	vld.idx.msk [tilespmem:v3+s7+$0x0], $0xffff;
	_ =	sdelay $0x1  }
0x62: {  	v2 =	vadd.s32 $0x2, v0  }
0x63: {  	v4 =	vadd.s32 v2, v4;
	_ =	sdelay $0x1  }
0x64: {  	v3 =	vmul.f32 v5, v3;
	_ =	sdelay $0x1  }
0x65: {  	[tilespmem:s4+$0x0] =	vst v3  }
0x66: {  	v3 =	vld.idx.msk [tilespmem:v4+s7+$0x0], $0xffff;
	_ =	sdelay $0x4  }
0x67: {  	s8 =	simm.s32 $0x10;
	v3 =	vmul.f32 v5, v3  }
.LBB2_5:
0x68: {  	_ = 	snop  }
0x69: {  	p1 =	sne.s32 s8, $0x160;
	s6 =	sadd.s32 $0x10, s6;
	[tilespmem:s4+$0x170] =	vst v3;
	s4 =	sadd.s32 $0x10, s4  }
0x6a: {  	s19 =	smov.u32 s8;
	s8 =	sadd.s32 $0x10, s8;
	v3 =	vld [tilespmem:s6+$0x0];
	_ =	sdelay $0x4  }
0x6b: {  	v3 =	vadd.f32 $1.000000000e+00, v3;
	_ =	sdelay $0x1  }
0x6c: {  	v4 =	vshrl.u32 v3, $0x1;
	v3 =	vmul.f32 $5.000000000e-01, v3  }
0x6d: {  	v4 =	vsub.s32 $0x5F3759DF, v4  }
0x6e: {  	v5 =	vmul.f32 v4, v3;
	_ =	sdelay $0x1  }
0x6f: {  	v5 =	vmul.f32 v4, v5;
	_ =	sdelay $0x1  }
0x70: {  	v5 =	vsub.f32 $1.500000000e+00, v5;
	_ =	sdelay $0x1  }
0x71: {  	v4 =	vmul.f32 v4, v5;
	_ =	sdelay $0x1  }
0x72: {  	v5 =	vmul.f32 v4, v3;
	_ =	sdelay $0x1  }
0x73: {  	v5 =	vmul.f32 v5, v4;
	_ =	sdelay $0x1  }
0x74: {  	v5 =	vsub.f32 $1.500000000e+00, v5;
	_ =	sdelay $0x1  }
0x75: {  	v4 =	vmul.f32 v5, v4  }
0x76: {  	v5 =	vmov s19  }
0x77: {  	v5 =	vmul.u32 $0x3, v5;
	v3 =	vmul.f32 v4, v3;
	_ =	sdelay $0x1  }
0x78: {  	v5 =	vbroadcast v5, $0x0;
	v3 =	vmul.f32 v3, v4;
	_ =	sdelay $0x1  }
0x79: {  	v6 =	vadd.s32 v0, v5;
	v3 =	vsub.f32 $1.500000000e+00, v3;
	_ =	sdelay $0x1  }
0x7a: {  	v3 =	vmul.f32 v3, v4;
	_ =	sdelay $0x1  }
0x7b: {  	[tilespmem:s6+$0x0] =	vst v3  }
0x7c: {  	v4 =	vld.idx.msk [tilespmem:v6+s7+$0x0], $0xffff;
	_ =	sdelay $0x3  }
0x7d: {  	v6 =	vadd.s32 v1, v5;
	_ =	sdelay $0x1  }
0x7e: {  	v4 =	vmul.f32 v3, v4;
	_ =	sdelay $0x1  }
0x7f: {  	[tilespmem:s4+$0xFFFFFE90] =	vst v4  }
0x80: {  	v4 =	vld.idx.msk [tilespmem:v6+s7+$0x0], $0xffff;
	_ =	sdelay $0x3  }
0x81: {  	v5 =	vadd.s32 v2, v5;
	_ =	sdelay $0x1  }
0x82: {  	v4 =	vmul.f32 v3, v4;
	_ =	sdelay $0x1  }
0x83: {  	[tilespmem:s4+$0x0] =	vst v4  }
0x84: {  	v4 =	vld.idx.msk [tilespmem:v5+s7+$0x0], $0xffff;
	_ =	sdelay $0x1  }
.Ltmp2:
0x85: {  	(pc) =	sbr.rel @p1 .LBB2_5-.Ltmp2, $2  }
0x86: {  	_ =	sdelay $0x2  }
0x87: {  	v3 =	vmul.f32 v3, v4  }
0x88: {  	_ = 	snop  }
0x89: {  	s7 =	simm.s32 $0x600;
	[tilespmem:s4+$0x170] =	vst v3;
	s4 =	simm.s32 $0x2  }
0x8a: {  	[spmem:s5] =	stream.linear.scatter [tilespmem:s7], [sflag:$0x2], $0x170, $0x38;
	[tilespmem:$0xE770] =	vst v63  }
0x8b: {  	_ =	swait.ge [sflag:s4], $0x170  }
0x8c: {  	[sflag:s4] =	ssyncset.done $0x0  }
0x8d: {  	s8 =	simm.s32 $0x770;
	[sflag:s4] =	ssyncadd.s32 $0xFFFFFE90  }
0x8e: {  	[spmem:s1] =	stream.linear.scatter [tilespmem:s8], [sflag:$0x2], $0x170, $0x38;
	[tilespmem:$0xE770] =	vst v63  }
0x8f: {  	_ =	swait.ge [sflag:s4], $0x170  }
0x90: {  	[sflag:s4] =	ssyncset.done $0x0  }
0x91: {  	s19 =	simm.s32 $0x8E0;
	[sflag:s4] =	ssyncadd.s32 $0xFFFFFE90  }
0x92: {  	[spmem:s2] =	stream.linear.scatter [tilespmem:s19], [sflag:$0x2], $0x170, $0x38;
	[tilespmem:$0xE770] =	vst v63  }
0x93: {  	_ =	swait.ge [sflag:s4], $0x170  }
0x94: {  	[sflag:s4] =	ssyncset.done $0x0  }
0x95: {  	s5 =	simm.s32 @p0 $0x4C00;
	[sflag:s4] =	ssyncadd.s32 $0xFFFFFE90  }
0x96: {  	s1 =	simm.s32 @p0 $0x1680;
	s2 =	simm.s32 @p0 $0x1E00;
	[bflag:$0x0] =	sbarrier.arrive $0xFFFF  }
0x97: {  	[tilespmem:s5], [sflag:$0x1] =	stream.indirect.gather @p0 [spmem:s30], $0x1, s2, s1, $0xb8;
	[tilespmem:$0xE770] =	vst v63  }
0x98: {  	s6 =	simm.s32 @p0 $0x6300  }
0x99: {  	[tilespmem:s6], [sflag:$0x1] =	stream.indirect.gather @p0 [spmem:s0], $0x1, s2, s1, $0xb8;
	[tilespmem:$0xE770] =	vst v63  }
0x9a: {  	s7 =	simm.s32 @p0 $0x7A00  }
0x9b: {  	[tilespmem:s7], [sflag:$0x1] =	stream.indirect.gather @p0 [spmem:s31], $0x1, s2, s1, $0xb8;
	[tilespmem:$0xE770] =	vst v63  }
0x9c: {  	s2 =	simm.s32 @p0 $0x1  }
0x9d: {  	_ =	swait.ge @p0 [sflag:s2], $0x1680  }
0x9e: {  	[sflag:s2] =	ssyncset.done @p0 $0x0  }
0x9f: {  	[sflag:s2] =	ssyncadd.s32 @p0 $0xFFFFE980  }
0xa0: {  	_ =	swait.ge @p0 [sflag:s2], $0x1680  }
0xa1: {  	[sflag:s2] =	ssyncset.done @p0 $0x0  }
0xa2: {  	[sflag:s2] =	ssyncadd.s32 @p0 $0xFFFFE980  }
0xa3: {  	_ =	swait.ge @p0 [sflag:s2], $0x1680  }
0xa4: {  	[sflag:s2] =	ssyncset.done @p0 $0x0  }
0xa5: {  	s8 =	simm.s32 @p0 $0x3500;
	[sflag:s2] =	ssyncadd.s32 @p0 $0xFFFFE980  }
0xa6: {  	[spmem:s26] =	stream.indirect.scatter.add.f32 @p0 [tilespmem:s5], [sflag:$0x1], $0x1, s8, s1, $0xb8;
	[tilespmem:$0xE770] =	vst v63  }
0xa7: {  	_ = 	snop  }
0xa8: {  	[spmem:s28] =	stream.indirect.scatter.add.f32 @p0 [tilespmem:s6], [sflag:$0x1], $0x1, s8, s1, $0xb8;
	[tilespmem:$0xE770] =	vst v63  }
0xa9: {  	_ = 	snop  }
0xaa: {  	[spmem:s29] =	stream.indirect.scatter.add.f32 @p0 [tilespmem:s7], [sflag:$0x1], $0x1, s8, s1, $0xb8;
	[tilespmem:$0xE770] =	vst v63  }
0xab: {  	_ =	swait.ge @p0 [sflag:s2], $0x1680  }
0xac: {  	[sflag:s2] =	ssyncset.done @p0 $0x0  }
0xad: {  	[sflag:s2] =	ssyncadd.s32 @p0 $0xFFFFE980  }
0xae: {  	_ =	swait.ge @p0 [sflag:s2], $0x1680  }
0xaf: {  	[sflag:s2] =	ssyncset.done @p0 $0x0  }
0xb0: {  	[sflag:s2] =	ssyncadd.s32 @p0 $0xFFFFE980  }
0xb1: {  	_ =	swait.ge @p0 [sflag:s2], $0x1680  }
0xb2: {  	s5 =	simm.s32 @!p0 $0x4C00;
	[sflag:s2] =	ssyncset.done @p0 $0x0  }
0xb3: {  	s1 =	simm.s32 @!p0 $0x16E0;
	[sflag:s2] =	ssyncadd.s32 @p0 $0xFFFFE980;
	s2 =	simm.s32 @!p0 $0x1E00  }
0xb4: {  	[tilespmem:s5], [sflag:$0x1] =	stream.indirect.gather @!p0 [spmem:s30], $0x1, s2, s1, $0xb8;
	[tilespmem:$0xE770] =	vst v63  }
0xb5: {  	s6 =	simm.s32 @!p0 $0x6300  }
0xb6: {  	[tilespmem:s6], [sflag:$0x1] =	stream.indirect.gather @!p0 [spmem:s0], $0x1, s2, s1, $0xb8;
	[tilespmem:$0xE770] =	vst v63  }
0xb7: {  	s0 =	simm.s32 @!p0 $0x7A00  }
0xb8: {  	[tilespmem:s0], [sflag:$0x1] =	stream.indirect.gather @!p0 [spmem:s31], $0x1, s2, s1, $0xb8;
	[tilespmem:$0xE770] =	vst v63  }
0xb9: {  	s2 =	simm.s32 @!p0 $0x1  }
0xba: {  	_ =	swait.ge @!p0 [sflag:s2], $0x16E0  }
0xbb: {  	[sflag:s2] =	ssyncset.done @!p0 $0x0  }
0xbc: {  	[sflag:s2] =	ssyncadd.s32 @!p0 $0xFFFFE920  }
0xbd: {  	_ =	swait.ge @!p0 [sflag:s2], $0x16E0  }
0xbe: {  	[sflag:s2] =	ssyncset.done @!p0 $0x0  }
0xbf: {  	[sflag:s2] =	ssyncadd.s32 @!p0 $0xFFFFE920  }
0xc0: {  	_ =	swait.ge @!p0 [sflag:s2], $0x16E0  }
0xc1: {  	[sflag:s2] =	ssyncset.done @!p0 $0x0  }
0xc2: {  	s7 =	simm.s32 @!p0 $0x3500;
	[sflag:s2] =	ssyncadd.s32 @!p0 $0xFFFFE920  }
0xc3: {  	[spmem:s26] =	stream.indirect.scatter.add.f32 @!p0 [tilespmem:s5], [sflag:$0x1], $0x1, s7, s1, $0xb8;
	[tilespmem:$0xE770] =	vst v63  }
0xc4: {  	_ = 	snop  }
0xc5: {  	[spmem:s28] =	stream.indirect.scatter.add.f32 @!p0 [tilespmem:s6], [sflag:$0x1], $0x1, s7, s1, $0xb8;
	[tilespmem:$0xE770] =	vst v63  }
0xc6: {  	_ = 	snop  }
0xc7: {  	[spmem:s29] =	stream.indirect.scatter.add.f32 @!p0 [tilespmem:s0], [sflag:$0x1], $0x1, s7, s1, $0xb8;
	[tilespmem:$0xE770] =	vst v63  }
0xc8: {  	_ =	swait.ge @!p0 [sflag:s2], $0x16E0  }
0xc9: {  	[sflag:s2] =	ssyncset.done @!p0 $0x0  }
0xca: {  	[sflag:s2] =	ssyncadd.s32 @!p0 $0xFFFFE920  }
0xcb: {  	_ =	swait.ge @!p0 [sflag:s2], $0x16E0  }
0xcc: {  	[sflag:s2] =	ssyncset.done @!p0 $0x0  }
0xcd: {  	[sflag:s2] =	ssyncadd.s32 @!p0 $0xFFFFE920  }
0xce: {  	_ =	swait.ge @!p0 [sflag:s2], $0x16E0  }
0xcf: {  	[sflag:s2] =	ssyncset.done @!p0 $0x0  }
0xd0: {  	[sflag:s2] =	ssyncadd.s32 @!p0 $0xFFFFE920  }
0xd1: {  	s29 =	simm.s32 $0xA80;
	[bflag:$0x0] =	sbarrier.arrive $0xFFFF  }
0xd2: {  	[tilespmem:s29], [sflag:$0x2] =	stream.linear.gather [spmem:s24], $0x170, $0x38;
	[tilespmem:$0xE770] =	vst v63  }
0xd3: {  	_ =	swait.ge [sflag:s4], $0x170  }
0xd4: {  	[sflag:s4] =	ssyncset.done $0x0  }
0xd5: {  	s30 =	simm.s32 $0xBF0;
	[sflag:s4] =	ssyncadd.s32 $0xFFFFFE90  }
0xd6: {  	[tilespmem:s30], [sflag:$0x2] =	stream.linear.gather [spmem:s25], $0x170, $0x38;
	[tilespmem:$0xE770] =	vst v63  }
0xd7: {  	_ =	swait.ge [sflag:s4], $0x170  }
0xd8: {  	[sflag:s4] =	ssyncset.done $0x0  }
0xd9: {  	s31 =	simm.s32 $0xD60;
	[sflag:s4] =	ssyncadd.s32 $0xFFFFFE90  }
0xda: {  	[tilespmem:s31], [sflag:$0x2] =	stream.linear.gather [spmem:s23], $0x170, $0x38;
	[tilespmem:$0xE770] =	vst v63  }
0xdb: {  	_ =	swait.ge [sflag:s4], $0x170  }
0xdc: {  	[sflag:s4] =	ssyncset.done $0x0  }
0xdd: {  	s0 =	simm.s32 $0x0;
	[sflag:s4] =	ssyncadd.s32 $0xFFFFFE90  }
0xde: {  	v0 =	vld [tilespmem:s0+$0xD60]  }
0xdf: {  	v5 =	vld [tilespmem:s0+$0x480]  }
0xe0: {  	v1 =	vld [tilespmem:s0+$0xBF0]  }
0xe1: {  	v2 =	vld [tilespmem:s0+$0xA80]  }
0xe2: {  	v3 =	vld [tilespmem:s0+$0x600]  }
0xe3: {  	v4 =	vld [tilespmem:s0+$0x770]  }
0xe4: {  	v6 =	vld [tilespmem:$0xBF00]  }
0xe5: {  	v7 =	vld [tilespmem:s0+$0x8E0];
	_ =	sdelay $0x1  }
0xe6: {  	v2 =	vadd.f32 v3, v2;
	_ =	sdelay $0x1  }
0xe7: {  	v1 =	vadd.f32 v4, v1;
	v3 =	vbroadcast v6, $0x0;
	v2 =	vmul.f32 v2, v5  }
0xe8: {  	v0 =	vadd.f32 v7, v0;
	v4 =	vbroadcast v6, $0xF;
	v7 =	vbroadcast v6, $0x5  }
0xe9: {  	v1 =	vmul.f32 v1, v5;
	v3 =	vmul.f32 v3, v2  }
0xea: {  	v6 =	vbroadcast v6, $0xA  }
0xeb: {  	v0 =	vmul.f32 v0, v5;
	v3 =	vadd.f32 v3, v4;
	v4 =	vmul.f32 v7, v1;
	_ =	sdelay $0x1  }
0xec: {  	v3 =	vadd.f32 v3, v4;
	v4 =	vmul.f32 v6, v0;
	_ =	sdelay $0x1  }
0xed: {  	v3 =	vadd.f32 v3, v4;
	_ =	sdelay $0x1  }
0xee: {  	v4 =	vmul.f32 $9.999999770e-03, v3;
	_ =	sdelay $0x1  }
0xef: {  	v3 =	vmax.f32 v3, v4  }
0xf0: {  	v3 =	vmul.f32 v3, v5;
	_ =	sdelay $0x1  }
0xf1: {  	[tilespmem:s0+$0xF00] =	vst v3  }
0xf2: {  	v3 =	vld [tilespmem:$0xBF00];
	_ =	sdelay $0x3  }
0xf3: {  	v4 =	vld.msk [tilespmem:$0xBF10 ss:$0x0], $0xffff  }
0xf4: {  	v6 =	vbroadcast v3, $0x1;
	_ =	sdelay $0x1  }
0xf5: {  	v7 =	vbroadcast v3, $0x6;
	v6 =	vmul.f32 v6, v2;
	_ =	sdelay $0x1  }
0xf6: {  	v3 =	vbroadcast v3, $0xB;
	v4 =	vadd.f32 v6, v4;
	v6 =	vmul.f32 v7, v1;
	_ =	sdelay $0x1  }
0xf7: {  	v3 =	vmul.f32 v3, v0;
	v4 =	vadd.f32 v4, v6;
	_ =	sdelay $0x1  }
0xf8: {  	v3 =	vadd.f32 v4, v3;
	_ =	sdelay $0x1  }
0xf9: {  	v4 =	vmul.f32 $9.999999770e-03, v3;
	_ =	sdelay $0x1  }
0xfa: {  	v3 =	vmax.f32 v3, v4  }
0xfb: {  	v3 =	vmul.f32 v3, v5;
	_ =	sdelay $0x1  }
0xfc: {  	[tilespmem:s0+$0x1070] =	vst v3  }
0xfd: {  	v3 =	vld [tilespmem:$0xBF00]  }
0xfe: {  	v4 =	vld [tilespmem:$0xBF10];
	_ =	sdelay $0x3  }
0xff: {  	v6 =	vbroadcast v3, $0x2  }
0x100: {  	v4 =	vbroadcast v4, $0x1  }
0x101: {  	v7 =	vbroadcast v3, $0x7;
	v6 =	vmul.f32 v6, v2;
	_ =	sdelay $0x1  }
0x102: {  	v3 =	vbroadcast v3, $0xC;
	v4 =	vadd.f32 v6, v4;
	v6 =	vmul.f32 v7, v1;
	_ =	sdelay $0x1  }
0x103: {  	v3 =	vmul.f32 v3, v0;
	v4 =	vadd.f32 v4, v6;
	_ =	sdelay $0x1  }
0x104: {  	v3 =	vadd.f32 v4, v3;
	_ =	sdelay $0x1  }
0x105: {  	v4 =	vmul.f32 $9.999999770e-03, v3;
	_ =	sdelay $0x1  }
0x106: {  	v3 =	vmax.f32 v3, v4  }
0x107: {  	v3 =	vmul.f32 v3, v5;
	_ =	sdelay $0x1  }
0x108: {  	[tilespmem:s0+$0x11E0] =	vst v3  }
0x109: {  	v3 =	vld [tilespmem:$0xBF00]  }
0x10a: {  	v4 =	vld [tilespmem:$0xBF10];
	_ =	sdelay $0x3  }
0x10b: {  	v6 =	vbroadcast v3, $0x3  }
0x10c: {  	v4 =	vbroadcast v4, $0x2  }
0x10d: {  	v7 =	vbroadcast v3, $0x8;
	v6 =	vmul.f32 v6, v2;
	_ =	sdelay $0x1  }
0x10e: {  	v3 =	vbroadcast v3, $0xD;
	v4 =	vadd.f32 v6, v4;
	v6 =	vmul.f32 v7, v1;
	_ =	sdelay $0x1  }
0x10f: {  	v3 =	vmul.f32 v3, v0;
	v4 =	vadd.f32 v4, v6;
	_ =	sdelay $0x1  }
0x110: {  	v3 =	vadd.f32 v4, v3;
	_ =	sdelay $0x1  }
0x111: {  	v4 =	vmul.f32 $9.999999770e-03, v3;
	_ =	sdelay $0x1  }
0x112: {  	v3 =	vmax.f32 v3, v4  }
0x113: {  	v3 =	vmul.f32 v3, v5;
	_ =	sdelay $0x1  }
0x114: {  	[tilespmem:s0+$0x1350] =	vst v3  }
0x115: {  	v3 =	vld [tilespmem:$0xBF00];
	_ =	sdelay $0x1  }
0x116: {  	v4 =	vld [tilespmem:$0xBF10];
	_ =	sdelay $0x2  }
0x117: {  	v6 =	vbroadcast v3, $0x4  }
0x118: {  	v7 =	vbroadcast v3, $0x9  }
0x119: {  	v4 =	vbroadcast v4, $0x3;
	v2 =	vmul.f32 v6, v2;
	_ =	sdelay $0x1  }
0x11a: {  	v3 =	vbroadcast v3, $0xE;
	v1 =	vmul.f32 v7, v1;
	v2 =	vadd.f32 v2, v4;
	_ =	sdelay $0x1  }
0x11b: {  	v0 =	vmul.f32 v3, v0;
	v1 =	vadd.f32 v2, v1;
	_ =	sdelay $0x1  }
0x11c: {  	v0 =	vadd.f32 v1, v0  }
0x11d: {  	s2 =	simm.s32 $0x10  }
0x11e: {  	v3 =	vld [tilespmem:s2+$0xD60];
	v4 =	vmul.f32 $9.999999770e-03, v0  }
0x11f: {  	v1 =	vld [tilespmem:s2+$0x480]  }
0x120: {  	v2 =	vld [tilespmem:s2+$0xBF0];
	v0 =	vmax.f32 v0, v4  }
0x121: {  	s1 =	simm.s32 $0x80;
	v4 =	vld [tilespmem:s2+$0xA80];
	v0 =	vmul.f32 v0, v5  }
.LBB2_7:
0x122: {  	p1 =	sne.s32 s1, $0x580;
	v5 =	vld [tilespmem:s2+$0x600]  }
0x123: {  	v6 =	vld [tilespmem:s2+$0x770];
	[tilespmem:s0+$0x14C0] =	vst v0;
	s0 =	smov.u32 s2  }
0x124: {  	v7 =	vld [tilespmem:$0xBF00];
	v0 =	vmov v1  }
0x125: {  	v8 =	vld [tilespmem:s0+$0x8E0];
	_ =	sdelay $0x1  }
0x126: {  	v1 =	vadd.f32 v5, v4  }
0x127: {  	v4 =	vadd.f32 v6, v2  }
0x128: {  	v2 =	vmul.f32 v1, v0;
	v5 =	vbroadcast v7, $0x0  }
0x129: {  	v1 =	vmul.f32 v4, v0;
	v3 =	vadd.f32 v8, v3;
	v4 =	vbroadcast v7, $0xF  }
0x12a: {  	v6 =	vbroadcast v7, $0x5;
	v5 =	vmul.f32 v5, v2  }
0x12b: {  	v3 =	vmul.f32 v3, v0  }
0x12c: {  	v4 =	vadd.f32 v5, v4;
	v5 =	vmul.f32 v6, v1;
	v6 =	vbroadcast v7, $0xA;
	_ =	sdelay $0x1  }
0x12d: {  	v4 =	vadd.f32 v4, v5;
	v5 =	vmul.f32 v6, v3;
	_ =	sdelay $0x1  }
0x12e: {  	v4 =	vadd.f32 v4, v5;
	_ =	sdelay $0x1  }
0x12f: {  	v5 =	vmul.f32 $9.999999770e-03, v4;
	_ =	sdelay $0x1  }
0x130: {  	v4 =	vmax.f32 v4, v5  }
0x131: {  	v4 =	vmul.f32 v4, v0;
	_ =	sdelay $0x1  }
0x132: {  	[tilespmem:s0+$0xF00] =	vst v4  }
0x133: {  	v4 =	vld [tilespmem:$0xBF00];
	_ =	sdelay $0x2  }
0x134: {  	v5 =	vld.msk [tilespmem:$0xBF10 ss:$0x0], $0xffff;
	_ =	sdelay $0x1  }
0x135: {  	v6 =	vbroadcast v4, $0x1;
	_ =	sdelay $0x1  }
0x136: {  	v7 =	vbroadcast v4, $0x6;
	v6 =	vmul.f32 v6, v2;
	_ =	sdelay $0x1  }
0x137: {  	v4 =	vbroadcast v4, $0xB;
	v5 =	vadd.f32 v6, v5;
	v6 =	vmul.f32 v7, v1;
	_ =	sdelay $0x1  }
0x138: {  	v4 =	vmul.f32 v4, v3;
	v5 =	vadd.f32 v5, v6;
	_ =	sdelay $0x1  }
0x139: {  	v4 =	vadd.f32 v5, v4;
	_ =	sdelay $0x1  }
0x13a: {  	v5 =	vmul.f32 $9.999999770e-03, v4;
	_ =	sdelay $0x1  }
0x13b: {  	v4 =	vmax.f32 v4, v5  }
0x13c: {  	v4 =	vmul.f32 v4, v0;
	_ =	sdelay $0x1  }
0x13d: {  	[tilespmem:s0+$0x1070] =	vst v4  }
0x13e: {  	v4 =	vld [tilespmem:$0xBF00]  }
0x13f: {  	v5 =	vld [tilespmem:$0xBF10];
	_ =	sdelay $0x3  }
0x140: {  	v6 =	vbroadcast v4, $0x2  }
0x141: {  	v5 =	vbroadcast v5, $0x1  }
0x142: {  	v7 =	vbroadcast v4, $0x7;
	v6 =	vmul.f32 v6, v2;
	_ =	sdelay $0x1  }
0x143: {  	v4 =	vbroadcast v4, $0xC;
	v5 =	vadd.f32 v6, v5;
	v6 =	vmul.f32 v7, v1;
	_ =	sdelay $0x1  }
0x144: {  	v4 =	vmul.f32 v4, v3;
	v5 =	vadd.f32 v5, v6;
	_ =	sdelay $0x1  }
0x145: {  	v4 =	vadd.f32 v5, v4;
	_ =	sdelay $0x1  }
0x146: {  	v5 =	vmul.f32 $9.999999770e-03, v4;
	_ =	sdelay $0x1  }
0x147: {  	v4 =	vmax.f32 v4, v5  }
0x148: {  	v4 =	vmul.f32 v4, v0;
	_ =	sdelay $0x1  }
0x149: {  	[tilespmem:s0+$0x11E0] =	vst v4  }
0x14a: {  	v4 =	vld [tilespmem:$0xBF00]  }
0x14b: {  	v5 =	vld [tilespmem:$0xBF10];
	_ =	sdelay $0x3  }
0x14c: {  	v6 =	vbroadcast v4, $0x3  }
0x14d: {  	v5 =	vbroadcast v5, $0x2  }
0x14e: {  	v7 =	vbroadcast v4, $0x8;
	v6 =	vmul.f32 v6, v2;
	_ =	sdelay $0x1  }
0x14f: {  	v4 =	vbroadcast v4, $0xD;
	v5 =	vadd.f32 v6, v5;
	v6 =	vmul.f32 v7, v1;
	_ =	sdelay $0x1  }
0x150: {  	v4 =	vmul.f32 v4, v3;
	v5 =	vadd.f32 v5, v6;
	_ =	sdelay $0x1  }
0x151: {  	v4 =	vadd.f32 v5, v4;
	_ =	sdelay $0x1  }
0x152: {  	v5 =	vmul.f32 $9.999999770e-03, v4;
	_ =	sdelay $0x1  }
0x153: {  	v4 =	vmax.f32 v4, v5  }
0x154: {  	v4 =	vmul.f32 v4, v0;
	_ =	sdelay $0x1  }
0x155: {  	[tilespmem:s0+$0x1350] =	vst v4  }
0x156: {  	v4 =	vld [tilespmem:$0xBF00]  }
0x157: {  	v5 =	vld [tilespmem:$0xBF10];
	_ =	sdelay $0x3  }
0x158: {  	v6 =	vbroadcast v4, $0x4;
	v7 =	vbroadcast v4, $0x9  }
0x159: {  	v4 =	vbroadcast v4, $0xE  }
0x15a: {  	v5 =	vbroadcast v5, $0x3;
	v2 =	vmul.f32 v6, v2;
	_ =	sdelay $0x1  }
0x15b: {  	v1 =	vmul.f32 v7, v1;
	v2 =	vadd.f32 v2, v5;
	_ =	sdelay $0x1  }
0x15c: {  	v1 =	vadd.f32 v2, v1;
	v2 =	vmul.f32 v4, v3;
	_ =	sdelay $0x1  }
0x15d: {  	v4 =	vadd.f32 v1, v2  }
.Ltmp3:
0x15e: {  	s2 =	sshra.s32 s1, $0x2;
	(pc) =	sbr.rel @p1 .LBB2_7-.Ltmp3, $4  }
0x15f: {  	v3 =	vld [tilespmem:s2+$0xD60];
	v5 =	vmul.f32 $9.999999770e-03, v4  }
0x160: {  	v1 =	vld [tilespmem:s2+$0x480]  }
0x161: {  	v2 =	vld [tilespmem:s2+$0xBF0];
	v5 =	vmax.f32 v4, v5  }
0x162: {  	s1 =	sadd.s32 $0x40, s1;
	v4 =	vld [tilespmem:s2+$0xA80];
	v0 =	vmul.f32 v5, v0  }
0x163: {  	v5 =	vld [tilespmem:s2+$0x600]  }
0x164: {  	v6 =	vld [tilespmem:s2+$0x770];
	[tilespmem:s0+$0x14C0] =	vst v0  }
0x165: {  	v0 =	vld [tilespmem:$0xBF00];
	_ =	sdelay $0x1  }
0x166: {  	v7 =	vld [tilespmem:s2+$0x8E0]  }
0x167: {  	v4 =	vadd.f32 v5, v4  }
0x168: {  	v2 =	vadd.f32 v6, v2  }
0x169: {  	v4 =	vmul.f32 v4, v1;
	v5 =	vbroadcast v0, $0x0  }
0x16a: {  	v2 =	vmul.f32 v2, v1;
	v6 =	vbroadcast v0, $0xF  }
0x16b: {  	v3 =	vadd.f32 v7, v3;
	v7 =	vbroadcast v0, $0x5;
	v5 =	vmul.f32 v5, v4  }
0x16c: {  	v0 =	vbroadcast v0, $0xA  }
0x16d: {  	v3 =	vmul.f32 v3, v1;
	v5 =	vadd.f32 v5, v6;
	v6 =	vmul.f32 v7, v2;
	_ =	sdelay $0x1  }
0x16e: {  	v0 =	vmul.f32 v0, v3;
	v5 =	vadd.f32 v5, v6;
	_ =	sdelay $0x1  }
0x16f: {  	v0 =	vadd.f32 v5, v0;
	_ =	sdelay $0x1  }
0x170: {  	v5 =	vmul.f32 $9.999999770e-03, v0;
	_ =	sdelay $0x1  }
0x171: {  	v0 =	vmax.f32 v0, v5  }
0x172: {  	v0 =	vmul.f32 v0, v1;
	_ =	sdelay $0x1  }
0x173: {  	[tilespmem:s2+$0xF00] =	vst v0  }
0x174: {  	v0 =	vld [tilespmem:$0xBF00];
	_ =	sdelay $0x3  }
0x175: {  	v5 =	vld.msk [tilespmem:$0xBF10 ss:$0x0], $0xffff  }
0x176: {  	v6 =	vbroadcast v0, $0x1;
	_ =	sdelay $0x1  }
0x177: {  	v7 =	vbroadcast v0, $0x6;
	v6 =	vmul.f32 v6, v4;
	_ =	sdelay $0x1  }
0x178: {  	v0 =	vbroadcast v0, $0xB;
	v5 =	vadd.f32 v6, v5;
	v6 =	vmul.f32 v7, v2;
	_ =	sdelay $0x1  }
0x179: {  	v0 =	vmul.f32 v0, v3;
	v5 =	vadd.f32 v5, v6;
	_ =	sdelay $0x1  }
0x17a: {  	v0 =	vadd.f32 v5, v0;
	_ =	sdelay $0x1  }
0x17b: {  	v5 =	vmul.f32 $9.999999770e-03, v0;
	_ =	sdelay $0x1  }
0x17c: {  	v0 =	vmax.f32 v0, v5  }
0x17d: {  	v0 =	vmul.f32 v0, v1;
	_ =	sdelay $0x1  }
0x17e: {  	[tilespmem:s2+$0x1070] =	vst v0  }
0x17f: {  	v0 =	vld [tilespmem:$0xBF00]  }
0x180: {  	v5 =	vld [tilespmem:$0xBF10];
	_ =	sdelay $0x3  }
0x181: {  	v6 =	vbroadcast v0, $0x2  }
0x182: {  	v5 =	vbroadcast v5, $0x1  }
0x183: {  	v7 =	vbroadcast v0, $0x7;
	v6 =	vmul.f32 v6, v4;
	_ =	sdelay $0x1  }
0x184: {  	v0 =	vbroadcast v0, $0xC;
	v5 =	vadd.f32 v6, v5;
	v6 =	vmul.f32 v7, v2;
	_ =	sdelay $0x1  }
0x185: {  	v0 =	vmul.f32 v0, v3;
	v5 =	vadd.f32 v5, v6;
	_ =	sdelay $0x1  }
0x186: {  	v0 =	vadd.f32 v5, v0;
	_ =	sdelay $0x1  }
0x187: {  	v5 =	vmul.f32 $9.999999770e-03, v0;
	_ =	sdelay $0x1  }
0x188: {  	v0 =	vmax.f32 v0, v5  }
0x189: {  	v0 =	vmul.f32 v0, v1;
	_ =	sdelay $0x1  }
0x18a: {  	[tilespmem:s2+$0x11E0] =	vst v0  }
0x18b: {  	v0 =	vld [tilespmem:$0xBF00]  }
0x18c: {  	v5 =	vld [tilespmem:$0xBF10];
	_ =	sdelay $0x3  }
0x18d: {  	v6 =	vbroadcast v0, $0x3  }
0x18e: {  	v5 =	vbroadcast v5, $0x2  }
0x18f: {  	v7 =	vbroadcast v0, $0x8;
	v6 =	vmul.f32 v6, v4;
	_ =	sdelay $0x1  }
0x190: {  	v0 =	vbroadcast v0, $0xD;
	v5 =	vadd.f32 v6, v5;
	v6 =	vmul.f32 v7, v2;
	_ =	sdelay $0x1  }
0x191: {  	v0 =	vmul.f32 v0, v3;
	v5 =	vadd.f32 v5, v6;
	_ =	sdelay $0x1  }
0x192: {  	v0 =	vadd.f32 v5, v0;
	_ =	sdelay $0x1  }
0x193: {  	v5 =	vmul.f32 $9.999999770e-03, v0;
	_ =	sdelay $0x1  }
0x194: {  	v0 =	vmax.f32 v0, v5  }
0x195: {  	v0 =	vmul.f32 v0, v1;
	_ =	sdelay $0x1  }
0x196: {  	[tilespmem:s2+$0x1350] =	vst v0  }
0x197: {  	v0 =	vld [tilespmem:$0xBF00];
	_ =	sdelay $0x1  }
0x198: {  	v5 =	vld [tilespmem:$0xBF10];
	_ =	sdelay $0x2  }
0x199: {  	v6 =	vbroadcast v0, $0x4  }
0x19a: {  	v7 =	vbroadcast v0, $0x9  }
0x19b: {  	v5 =	vbroadcast v5, $0x3;
	v4 =	vmul.f32 v6, v4;
	_ =	sdelay $0x1  }
0x19c: {  	v0 =	vbroadcast v0, $0xE;
	v2 =	vmul.f32 v7, v2;
	v4 =	vadd.f32 v4, v5;
	_ =	sdelay $0x1  }
0x19d: {  	v0 =	vmul.f32 v0, v3;
	v2 =	vadd.f32 v4, v2;
	_ =	sdelay $0x1  }
0x19e: {  	v0 =	vadd.f32 v2, v0;
	_ =	sdelay $0x1  }
0x19f: {  	v2 =	vmul.f32 $9.999999770e-03, v0;
	_ =	sdelay $0x1  }
0x1a0: {  	v0 =	vmax.f32 v0, v2  }
0x1a1: {  	v0 =	vmul.f32 v0, v1;
	_ =	sdelay $0x1  }
0x1a2: {  	s8 =	simm.s32 $0xF00;
	s0 =	simm.s32 $0x2;
	[tilespmem:s2+$0x14C0] =	vst v0  }
0x1a3: {  	[spmem:s22] =	stream.linear.scatter [tilespmem:s8], [sflag:$0x2], $0x170, $0x38;
	[tilespmem:$0xE770] =	vst v63  }
0x1a4: {  	_ =	swait.ge [sflag:s0], $0x170  }
0x1a5: {  	[sflag:s0] =	ssyncset.done $0x0  }
0x1a6: {  	s1 =	simm.s32 $0x1070;
	[sflag:s0] =	ssyncadd.s32 $0xFFFFFE90  }
0x1a7: {  	[spmem:s3] =	stream.linear.scatter [tilespmem:s1], [sflag:$0x2], $0x170, $0x38;
	[tilespmem:$0xE770] =	vst v63  }
0x1a8: {  	_ =	swait.ge [sflag:s0], $0x170  }
0x1a9: {  	[sflag:s0] =	ssyncset.done $0x0  }
0x1aa: {  	s3 =	simm.s32 $0x11E0;
	[sflag:s0] =	ssyncadd.s32 $0xFFFFFE90  }
0x1ab: {  	[spmem:s21] =	stream.linear.scatter [tilespmem:s3], [sflag:$0x2], $0x170, $0x38;
	[tilespmem:$0xE770] =	vst v63  }
0x1ac: {  	_ =	swait.ge [sflag:s0], $0x170  }
0x1ad: {  	[sflag:s0] =	ssyncset.done $0x0  }
0x1ae: {  	s19 =	simm.s32 $0x1350;
	[sflag:s0] =	ssyncadd.s32 $0xFFFFFE90  }
0x1af: {  	[spmem:s20] =	stream.linear.scatter [tilespmem:s19], [sflag:$0x2], $0x170, $0x38;
	[tilespmem:$0xE770] =	vst v63  }
0x1b0: {  	_ =	swait.ge [sflag:s0], $0x170  }
0x1b1: {  	[sflag:s0] =	ssyncset.done $0x0  }
0x1b2: {  	s20 =	simm.s32 $0x14C0;
	s21 =	rddreg [dreg:$0x9];
	[sflag:s0] =	ssyncadd.s32 $0xFFFFFE90  }
0x1b3: {  	[spmem:s21] =	stream.linear.scatter [tilespmem:s20], [sflag:$0x2], $0x170, $0x38;
	[tilespmem:$0xE770] =	vst v63  }
0x1b4: {  	_ =	swait.ge [sflag:s0], $0x170  }
0x1b5: {  	[sflag:s0] =	ssyncset.done $0x0  }
0x1b6: {  	s4 =	simm.s32 @p0 $0x4C00;
	[sflag:s0] =	ssyncadd.s32 $0xFFFFFE90  }
0x1b7: {  	s2 =	simm.s32 @p0 $0x1E00;
	s1 =	simm.s32 @p0 $0x1680;
	[bflag:$0x0] =	sbarrier.arrive $0xFFFF  }
0x1b8: {  	[tilespmem:s4], [sflag:$0x1] =	stream.indirect.gather @p0 [spmem:s15], $0x1, s2, s1, $0xb8;
	[tilespmem:$0xE770] =	vst v63  }
0x1b9: {  	s5 =	simm.s32 @p0 $0x6300  }
0x1ba: {  	[tilespmem:s5], [sflag:$0x1] =	stream.indirect.gather @p0 [spmem:s16], $0x1, s2, s1, $0xb8;
	[tilespmem:$0xE770] =	vst v63  }
0x1bb: {  	s6 =	simm.s32 @p0 $0x7A00  }
0x1bc: {  	[tilespmem:s6], [sflag:$0x1] =	stream.indirect.gather @p0 [spmem:s17], $0x1, s2, s1, $0xb8;
	[tilespmem:$0xE770] =	vst v63  }
0x1bd: {  	s7 =	simm.s32 @p0 $0x9100  }
0x1be: {  	[tilespmem:s7], [sflag:$0x1] =	stream.indirect.gather @p0 [spmem:s18], $0x1, s2, s1, $0xb8;
	[tilespmem:$0xE770] =	vst v63  }
0x1bf: {  	s8 =	simm.s32 @p0 $0xA800  }
0x1c0: {  	[tilespmem:s8], [sflag:$0x1] =	stream.indirect.gather @p0 [spmem:s14], $0x1, s2, s1, $0xb8;
	[tilespmem:$0xE770] =	vst v63  }
0x1c1: {  	s2 =	simm.s32 @p0 $0x1  }
0x1c2: {  	_ =	swait.ge @p0 [sflag:s2], $0x1680  }
0x1c3: {  	[sflag:s2] =	ssyncset.done @p0 $0x0  }
0x1c4: {  	[sflag:s2] =	ssyncadd.s32 @p0 $0xFFFFE980  }
0x1c5: {  	_ =	swait.ge @p0 [sflag:s2], $0x1680  }
0x1c6: {  	[sflag:s2] =	ssyncset.done @p0 $0x0  }
0x1c7: {  	[sflag:s2] =	ssyncadd.s32 @p0 $0xFFFFE980  }
0x1c8: {  	_ =	swait.ge @p0 [sflag:s2], $0x1680  }
0x1c9: {  	[sflag:s2] =	ssyncset.done @p0 $0x0  }
0x1ca: {  	[sflag:s2] =	ssyncadd.s32 @p0 $0xFFFFE980  }
0x1cb: {  	_ =	swait.ge @p0 [sflag:s2], $0x1680  }
0x1cc: {  	[sflag:s2] =	ssyncset.done @p0 $0x0  }
0x1cd: {  	[sflag:s2] =	ssyncadd.s32 @p0 $0xFFFFE980  }
0x1ce: {  	_ =	swait.ge @p0 [sflag:s2], $0x1680  }
0x1cf: {  	[sflag:s2] =	ssyncset.done @p0 $0x0  }
0x1d0: {  	s19 =	simm.s32 @p0 $0x3500;
	[sflag:s2] =	ssyncadd.s32 @p0 $0xFFFFE980  }
0x1d1: {  	[spmem:s9] =	stream.indirect.scatter.add.f32 @p0 [tilespmem:s4], [sflag:$0x1], $0x1, s19, s1, $0xb8;
	[tilespmem:$0xE770] =	vst v63  }
0x1d2: {  	_ = 	snop  }
0x1d3: {  	[spmem:s10] =	stream.indirect.scatter.add.f32 @p0 [tilespmem:s5], [sflag:$0x1], $0x1, s19, s1, $0xb8;
	[tilespmem:$0xE770] =	vst v63  }
0x1d4: {  	_ = 	snop  }
0x1d5: {  	[spmem:s11] =	stream.indirect.scatter.add.f32 @p0 [tilespmem:s6], [sflag:$0x1], $0x1, s19, s1, $0xb8;
	[tilespmem:$0xE770] =	vst v63  }
0x1d6: {  	_ = 	snop  }
0x1d7: {  	[spmem:s12] =	stream.indirect.scatter.add.f32 @p0 [tilespmem:s7], [sflag:$0x1], $0x1, s19, s1, $0xb8;
	[tilespmem:$0xE770] =	vst v63  }
0x1d8: {  	_ = 	snop  }
0x1d9: {  	[spmem:s13] =	stream.indirect.scatter.add.f32 @p0 [tilespmem:s8], [sflag:$0x1], $0x1, s19, s1, $0xb8;
	[tilespmem:$0xE770] =	vst v63  }
0x1da: {  	_ =	swait.ge @p0 [sflag:s2], $0x1680  }
0x1db: {  	[sflag:s2] =	ssyncset.done @p0 $0x0  }
0x1dc: {  	[sflag:s2] =	ssyncadd.s32 @p0 $0xFFFFE980  }
0x1dd: {  	_ =	swait.ge @p0 [sflag:s2], $0x1680  }
0x1de: {  	[sflag:s2] =	ssyncset.done @p0 $0x0  }
0x1df: {  	[sflag:s2] =	ssyncadd.s32 @p0 $0xFFFFE980  }
0x1e0: {  	_ =	swait.ge @p0 [sflag:s2], $0x1680  }
0x1e1: {  	[sflag:s2] =	ssyncset.done @p0 $0x0  }
0x1e2: {  	[sflag:s2] =	ssyncadd.s32 @p0 $0xFFFFE980  }
0x1e3: {  	_ =	swait.ge @p0 [sflag:s2], $0x1680  }
0x1e4: {  	[sflag:s2] =	ssyncset.done @p0 $0x0  }
0x1e5: {  	[sflag:s2] =	ssyncadd.s32 @p0 $0xFFFFE980  }
0x1e6: {  	_ =	swait.ge @p0 [sflag:s2], $0x1680  }
0x1e7: {  	s4 =	simm.s32 @!p0 $0x4C00;
	[sflag:s2] =	ssyncset.done @p0 $0x0  }
0x1e8: {  	s1 =	simm.s32 @!p0 $0x16E0;
	[sflag:s2] =	ssyncadd.s32 @p0 $0xFFFFE980;
	s2 =	simm.s32 @!p0 $0x1E00  }
0x1e9: {  	[tilespmem:s4], [sflag:$0x1] =	stream.indirect.gather @!p0 [spmem:s15], $0x1, s2, s1, $0xb8;
	[tilespmem:$0xE770] =	vst v63  }
0x1ea: {  	s5 =	simm.s32 @!p0 $0x6300  }
0x1eb: {  	[tilespmem:s5], [sflag:$0x1] =	stream.indirect.gather @!p0 [spmem:s16], $0x1, s2, s1, $0xb8;
	[tilespmem:$0xE770] =	vst v63  }
0x1ec: {  	s6 =	simm.s32 @!p0 $0x7A00  }
0x1ed: {  	[tilespmem:s6], [sflag:$0x1] =	stream.indirect.gather @!p0 [spmem:s17], $0x1, s2, s1, $0xb8;
	[tilespmem:$0xE770] =	vst v63  }
0x1ee: {  	s7 =	simm.s32 @!p0 $0x9100  }
0x1ef: {  	[tilespmem:s7], [sflag:$0x1] =	stream.indirect.gather @!p0 [spmem:s18], $0x1, s2, s1, $0xb8;
	[tilespmem:$0xE770] =	vst v63  }
0x1f0: {  	s8 =	simm.s32 @!p0 $0xA800  }
0x1f1: {  	[tilespmem:s8], [sflag:$0x1] =	stream.indirect.gather @!p0 [spmem:s14], $0x1, s2, s1, $0xb8;
	[tilespmem:$0xE770] =	vst v63  }
0x1f2: {  	s2 =	simm.s32 @!p0 $0x1  }
0x1f3: {  	_ =	swait.ge @!p0 [sflag:s2], $0x16E0  }
0x1f4: {  	[sflag:s2] =	ssyncset.done @!p0 $0x0  }
0x1f5: {  	[sflag:s2] =	ssyncadd.s32 @!p0 $0xFFFFE920  }
0x1f6: {  	_ =	swait.ge @!p0 [sflag:s2], $0x16E0  }
0x1f7: {  	[sflag:s2] =	ssyncset.done @!p0 $0x0  }
0x1f8: {  	[sflag:s2] =	ssyncadd.s32 @!p0 $0xFFFFE920  }
0x1f9: {  	_ =	swait.ge @!p0 [sflag:s2], $0x16E0  }
0x1fa: {  	[sflag:s2] =	ssyncset.done @!p0 $0x0  }
0x1fb: {  	[sflag:s2] =	ssyncadd.s32 @!p0 $0xFFFFE920  }
0x1fc: {  	_ =	swait.ge @!p0 [sflag:s2], $0x16E0  }
0x1fd: {  	[sflag:s2] =	ssyncset.done @!p0 $0x0  }
0x1fe: {  	[sflag:s2] =	ssyncadd.s32 @!p0 $0xFFFFE920  }
0x1ff: {  	_ =	swait.ge @!p0 [sflag:s2], $0x16E0  }
0x200: {  	[sflag:s2] =	ssyncset.done @!p0 $0x0  }
0x201: {  	s14 =	simm.s32 @!p0 $0x3500;
	[sflag:s2] =	ssyncadd.s32 @!p0 $0xFFFFE920  }
0x202: {  	[spmem:s9] =	stream.indirect.scatter.add.f32 @!p0 [tilespmem:s4], [sflag:$0x1], $0x1, s14, s1, $0xb8;
	[tilespmem:$0xE770] =	vst v63  }
0x203: {  	_ = 	snop  }
0x204: {  	[spmem:s10] =	stream.indirect.scatter.add.f32 @!p0 [tilespmem:s5], [sflag:$0x1], $0x1, s14, s1, $0xb8;
	[tilespmem:$0xE770] =	vst v63  }
0x205: {  	_ = 	snop  }
0x206: {  	[spmem:s11] =	stream.indirect.scatter.add.f32 @!p0 [tilespmem:s6], [sflag:$0x1], $0x1, s14, s1, $0xb8;
	[tilespmem:$0xE770] =	vst v63  }
0x207: {  	_ = 	snop  }
0x208: {  	[spmem:s12] =	stream.indirect.scatter.add.f32 @!p0 [tilespmem:s7], [sflag:$0x1], $0x1, s14, s1, $0xb8;
	[tilespmem:$0xE770] =	vst v63  }
0x209: {  	_ = 	snop  }
0x20a: {  	[spmem:s13] =	stream.indirect.scatter.add.f32 @!p0 [tilespmem:s8], [sflag:$0x1], $0x1, s14, s1, $0xb8;
	[tilespmem:$0xE770] =	vst v63  }
0x20b: {  	_ =	swait.ge @!p0 [sflag:s2], $0x16E0  }
0x20c: {  	[sflag:s2] =	ssyncset.done @!p0 $0x0  }
0x20d: {  	[sflag:s2] =	ssyncadd.s32 @!p0 $0xFFFFE920  }
0x20e: {  	_ =	swait.ge @!p0 [sflag:s2], $0x16E0  }
0x20f: {  	[sflag:s2] =	ssyncset.done @!p0 $0x0  }
0x210: {  	[sflag:s2] =	ssyncadd.s32 @!p0 $0xFFFFE920  }
0x211: {  	_ =	swait.ge @!p0 [sflag:s2], $0x16E0  }
0x212: {  	[sflag:s2] =	ssyncset.done @!p0 $0x0  }
0x213: {  	[sflag:s2] =	ssyncadd.s32 @!p0 $0xFFFFE920  }
0x214: {  	_ =	swait.ge @!p0 [sflag:s2], $0x16E0  }
0x215: {  	[sflag:s2] =	ssyncset.done @!p0 $0x0  }
0x216: {  	[sflag:s2] =	ssyncadd.s32 @!p0 $0xFFFFE920  }
0x217: {  	_ =	swait.ge @!p0 [sflag:s2], $0x16E0  }
0x218: {  	[sflag:s2] =	ssyncset.done @!p0 $0x0  }
0x219: {  	[sflag:s2] =	ssyncadd.s32 @!p0 $0xFFFFE920  }
0x21a: {  	[bflag:$0x0] =	sbarrier.arrive $0xFFFF  }
0x21b: {  	s22 =	simm.s32 $0x1680;
	s23 =	rddreg [dreg:$0x8]  }
0x21c: {  	[tilespmem:s22], [sflag:$0x2] =	stream.linear.gather [spmem:s23], $0x170, $0x38;
	[tilespmem:$0xE770] =	vst v63  }
0x21d: {  	_ =	swait.ge [sflag:s0], $0x170  }
0x21e: {  	[sflag:s0] =	ssyncset.done $0x0  }
0x21f: {  	s24 =	simm.s32 $0x17F0;
	s25 =	rddreg [dreg:$0x7];
	[sflag:s0] =	ssyncadd.s32 $0xFFFFFE90  }
0x220: {  	[tilespmem:s24], [sflag:$0x2] =	stream.linear.gather [spmem:s25], $0x170, $0x38;
	[tilespmem:$0xE770] =	vst v63  }
0x221: {  	_ =	swait.ge [sflag:s0], $0x170  }
0x222: {  	[sflag:s0] =	ssyncset.done $0x0  }
0x223: {  	s4 =	simm.s32 $0x1960;
	s26 =	rddreg [dreg:$0x6];
	[sflag:s0] =	ssyncadd.s32 $0xFFFFFE90  }
0x224: {  	[tilespmem:s4], [sflag:$0x2] =	stream.linear.gather [spmem:s26], $0x170, $0x38;
	[tilespmem:$0xE770] =	vst v63  }
0x225: {  	_ =	swait.ge [sflag:s0], $0x170  }
0x226: {  	[sflag:s0] =	ssyncset.done $0x0  }
0x227: {  	s28 =	simm.s32 $0x1AD0;
	s29 =	rddreg [dreg:$0x5];
	[sflag:s0] =	ssyncadd.s32 $0xFFFFFE90  }
0x228: {  	[tilespmem:s28], [sflag:$0x2] =	stream.linear.gather [spmem:s29], $0x170, $0x38;
	[tilespmem:$0xE770] =	vst v63  }
0x229: {  	_ =	swait.ge [sflag:s0], $0x170  }
0x22a: {  	v0 =	vlaneseq.u32;
	[sflag:s0] =	ssyncset.done $0x0  }
0x22b: {  	s30 =	simm.s32 $0x1C40;
	v0 =	vmul.u32 $0xA, v0;
	s31 =	rddreg [dreg:$0x4];
	[sflag:s0] =	ssyncadd.s32 $0xFFFFFE90  }
0x22c: {  	[tilespmem:s30], [sflag:$0x2] =	stream.linear.gather [spmem:s31], $0x170, $0x38;
	[tilespmem:$0xE770] =	vst v63  }
0x22d: {  	v1 =	vor.u32 $0x1, v0;
	v2 =	vadd.s32 $0x2, v0;
	v3 =	vadd.s32 $0x3, v0;
	_ =	swait.ge [sflag:s0], $0x170  }
0x22e: {  	v4 =	vadd.s32 $0x4, v0;
	v5 =	vadd.s32 $0x5, v0;
	v6 =	vadd.s32 $0x6, v0;
	s5 =	simm.s32 $0x0;
	[sflag:s0] =	ssyncset.done $0x0  }
0x22f: {  	v7 =	vadd.s32 $0x7, v0;
	v8 =	vadd.s32 $0x8, v0;
	v9 =	vadd.s32 $0x9, v0;
	s6 =	simm.s32 $0x480;
	s7 =	simm.s32 $0xC080;
	[sflag:s0] =	ssyncadd.s32 $0xFFFFFE90  }
.LBB2_9:
0x230: {  	v15 =	vld [tilespmem:s4+$0x0]  }
0x231: {  	v16 =	vld [tilespmem:s3+$0x0]  }
0x232: {  	v17 =	vld [tilespmem:$0xBF10]  }
0x233: {  	v22 =	vld [tilespmem:$0xBF50]  }
0x234: {  	v32 =	vld [tilespmem:$0xBF60]  }
0x235: {  	v28 =	vld [tilespmem:$0xBF70]  }
0x236: {  	v36 =	vld [tilespmem:$0xBF20]  }
0x237: {  	v10 =	vld [tilespmem:s6+$0x0]  }
0x238: {  	v34 =	vld [tilespmem:$0xBF30];
	v63 =	vadd.f32 v16, v15;
	v16 =	vbroadcast v17, $0x4  }
0x239: {  	v11 =	vld [tilespmem:s4+$0xFFFFFD20];
	v23 =	vbroadcast v22, $0x0;
	v24 =	vbroadcast v32, $0x4  }
0x23a: {  	v12 =	vld [tilespmem:s3+$0xFFFFFD20];
	v26 =	vbroadcast v17, $0x5;
	v27 =	vbroadcast v17, $0x6  }
0x23b: {  	v13 =	vld [tilespmem:s4+$0xFFFFFE90];
	v37 =	vbroadcast v28, $0x9;
	v38 =	vbroadcast v36, $0x9  }
0x23c: {  	v14 =	vld [tilespmem:s3+$0xFFFFFE90];
	v39 =	vbroadcast v28, $0xA;
	v40 =	vbroadcast v36, $0xA  }
0x23d: {  	v18 =	vld [tilespmem:s4+$0x170];
	v42 =	vbroadcast v34, $0xD;
	v44 =	vbroadcast v34, $0xE  }
0x23e: {  	v19 =	vld [tilespmem:s3+$0x170];
	v46 =	vbroadcast v22, $0x1;
	v48 =	vbroadcast v22, $0x2  }
0x23f: {  	v50 =	vbroadcast v32, $0x5;
	v52 =	vbroadcast v32, $0x6  }
0x240: {  	v20 =	vld [tilespmem:s4+$0x2E0];
	v11 =	vadd.f32 v12, v11;
	v55 =	vbroadcast v17, $0x7;
	v56 =	vbroadcast v36, $0xB  }
0x241: {  	v21 =	vld [tilespmem:s3+$0x2E0];
	v62 =	vadd.f32 v14, v13;
	v57 =	vbroadcast v34, $0xF;
	v58 =	vbroadcast v28, $0xB  }
0x242: {  	v59 =	vbroadcast v22, $0x3;
	v61 =	vbroadcast v32, $0x8  }
0x243: {  	v35 =	vmul.f32 v11, v10;
	v11 =	vadd.f32 v19, v18;
	v33 =	vmul.f32 v62, v10  }
0x244: {  	v31 =	vmul.f32 v63, v10;
	v19 =	vbroadcast v28, $0x8  }
0x245: {  	v30 =	vmul.f32 v11, v10;
	v18 =	vmul.f32 v16, v35  }
0x246: {  	v11 =	vadd.f32 v21, v20;
	v20 =	vbroadcast v36, $0x8;
	v15 =	vmul.f32 v27, v35  }
0x247: {  	v41 =	vmul.f32 v38, v33;
	v43 =	vmul.f32 v40, v33  }
0x248: {  	v45 =	vmul.f32 v42, v31;
	v47 =	vmul.f32 v44, v31  }
0x249: {  	v16 =	vmul.f32 v56, v33;
	v27 =	vbroadcast v22, $0x4  }
0x24a: {  	v38 =	vbroadcast v17, $0x9;
	v42 =	vbroadcast v28, $0xD  }
0x24b: {  	v56 =	vbroadcast v32, $0xA;
	v29 =	vmul.f32 v11, v10  }
0x24c: {  	v10 =	vbroadcast v34, $0xC;
	v21 =	vmul.f32 v20, v33  }
0x24d: {  	v25 =	vmul.f32 v23, v30;
	v49 =	vmul.f32 v46, v30  }
0x24e: {  	v12 =	vadd.f32 v15, v39;
	v51 =	vmul.f32 v48, v30;
	v15 =	vmul.f32 v55, v35  }
0x24f: {  	v11 =	vadd.f32 v18, v19;
	v19 =	vmul.f32 v57, v31;
	v23 =	vbroadcast v32, $0x7  }
0x250: {  	v63 =	vmul.f32 v27, v30;
	v39 =	vbroadcast v22, $0x6  }
0x251: {  	v10 =	vmul.f32 v10, v31;
	v14 =	vmul.f32 v24, v29  }
0x252: {  	v53 =	vmul.f32 v50, v29;
	v54 =	vmul.f32 v52, v29  }
0x253: {  	v11 =	vadd.f32 v21, v11;
	v24 =	vbroadcast v17, $0x8;
	v21 =	vmul.f32 v59, v30  }
0x254: {  	v23 =	vmul.f32 v23, v29;
	v40 =	vmul.f32 v61, v29  }
0x255: {  	v12 =	vadd.f32 v43, v12;
	v43 =	vbroadcast v36, $0xD;
	v50 =	vbroadcast v32, $0x9  }
0x256: {  	v15 =	vadd.f32 v15, v58;
	v52 =	vbroadcast v36, $0xE;
	v57 =	vmul.f32 v39, v30  }
0x257: {  	v58 =	vbroadcast v17, $0xB;
	v59 =	vmul.f32 v56, v29;
	v10 =	vadd.f32 v10, v11  }
0x258: {  	v11 =	vmul.f32 v26, v35;
	v12 =	vadd.f32 v47, v12;
	v24 =	vmul.f32 v24, v35  }
0x259: {  	v26 =	vbroadcast v28, $0xC;
	v15 =	vadd.f32 v16, v15;
	v46 =	vmul.f32 v43, v33  }
0x25a: {  	v47 =	vbroadcast v17, $0xA;
	v61 =	vmul.f32 v58, v35;
	v10 =	vadd.f32 v25, v10  }
0x25b: {  	v43 =	vbroadcast v34, $0x1;
	v11 =	vadd.f32 v11, v37;
	v12 =	vadd.f32 v51, v12  }
0x25c: {  	v25 =	vbroadcast v36, $0xC;
	v15 =	vadd.f32 v19, v15;
	v27 =	vmul.f32 v47, v35  }
0x25d: {  	v37 =	vld [tilespmem:$0xBF40];
	v51 =	vbroadcast v28, $0xE;
	v43 =	vmul.f32 v43, v33;
	v11 =	vadd.f32 v41, v11  }
0x25e: {  	v10 =	vadd.f32 v14, v10;
	v12 =	vadd.f32 v54, v12;
	v25 =	vmul.f32 v25, v33  }
0x25f: {  	v41 =	vmul.f32 v38, v35;
	v15 =	vadd.f32 v21, v15;
	v54 =	vmul.f32 v52, v33  }
0x260: {  	v11 =	vadd.f32 v45, v11;
	v13 =	vmul.f32 $9.999999770e-03, v10;
	v18 =	vmul.f32 $9.999999770e-03, v12  }
0x261: {  	v38 =	vld [tilespmem:$0xBF80];
	v45 =	vbroadcast v22, $0x5;
	v23 =	vadd.f32 v23, v15;
	v15 =	vmul.f32 v50, v29  }
0x262: {  	v24 =	vadd.f32 v24, v26;
	v60 =	vbroadcast v37, $0x0;
	v44 =	vbroadcast v37, $0x1  }
0x263: {  	v47 =	vbroadcast v37, $0x4;
	v11 =	vadd.f32 v49, v11;
	v49 =	vmul.f32 v45, v30  }
0x264: {  	v19 =	vadd.f32 v41, v42;
	v45 =	vbroadcast v37, $0x3;
	v62 =	vmul.f32 v60, v31  }
0x265: {  	v24 =	vadd.f32 v25, v24;
	v48 =	vmul.f32 v44, v31;
	v60 =	vbroadcast v17, $0xC  }
0x266: {  	v19 =	vadd.f32 v46, v19;
	v44 =	vbroadcast v38, $0x0;
	v50 =	vmul.f32 v47, v31  }
0x267: {  	v47 =	vbroadcast v32, $0xF;
	v11 =	vadd.f32 v53, v11;
	v53 =	vbroadcast v37, $0x2  }
0x268: {  	v16 =	vadd.f32 v62, v24;
	v62 =	vbroadcast v28, $0xF;
	v26 =	vmul.f32 v60, v35  }
0x269: {  	v19 =	vadd.f32 v48, v19;
	v48 =	vmul.f32 v45, v31;
	v60 =	vmul.f32 $9.999999770e-03, v23  }
0x26a: {  	v45 =	vbroadcast v38, $0x1;
	v14 =	vmul.f32 $9.999999770e-03, v11  }
0x26b: {  	v55 =	vmul.f32 v53, v31;
	v53 =	vbroadcast v32, $0xB  }
0x26c: {  	v16 =	vadd.f32 v16, v63;
	v19 =	vadd.f32 v19, v49;
	v63 =	vbroadcast v36, $0xF  }
0x26d: {  	v21 =	vadd.f32 v61, v62;
	v26 =	vadd.f32 v44, v26;
	v49 =	vbroadcast v22, $0x7  }
0x26e: {  	v25 =	vadd.f32 v16, v40;
	v40 =	vbroadcast v34, $0x0;
	v24 =	vmul.f32 v63, v33  }
0x26f: {  	v16 =	vadd.f32 v27, v51;
	v51 =	vbroadcast v22, $0x8;
	v52 =	vmul.f32 v49, v30  }
0x270: {  	v19 =	vadd.f32 v19, v15;
	v15 =	vmax.f32 v11, v14;
	v14 =	vmax.f32 v12, v18  }
0x271: {  	v12 =	vmax.f32 v23, v60;
	v11 =	vbroadcast v32, $0xD;
	v16 =	vadd.f32 v54, v16  }
0x272: {  	v60 =	vbroadcast v34, $0x3;
	v46 =	vmul.f32 v40, v33;
	v21 =	vadd.f32 v24, v21  }
0x273: {  	v54 =	vmul.f32 v51, v30;
	v61 =	vmul.f32 $9.999999770e-03, v25;
	v16 =	vadd.f32 v55, v16  }
0x274: {  	v26 =	vadd.f32 v26, v46;
	v21 =	vadd.f32 v48, v21;
	v48 =	vbroadcast v17, $0xD  }
0x275: {  	v62 =	vmul.f32 $9.999999770e-03, v19;
	v55 =	vbroadcast v32, $0xC;
	v16 =	vadd.f32 v16, v57  }
0x276: {  	v26 =	vadd.f32 v26, v50;
	v57 =	vmul.f32 v53, v29;
	v44 =	vmul.f32 v48, v35  }
0x277: {  	v56 =	vadd.f32 v21, v52;
	v50 =	vbroadcast v17, $0xE;
	v52 =	vbroadcast v34, $0x2  }
0x278: {  	v53 =	vmul.f32 v11, v29;
	v17 =	vbroadcast v17, $0xF  }
0x279: {  	v48 =	vbroadcast v38, $0x4;
	v20 =	vadd.f32 v16, v59;
	v59 =	vmul.f32 v55, v29  }
0x27a: {  	v16 =	vmax.f32 v10, v13;
	v10 =	vbroadcast v37, $0x5;
	v23 =	vmul.f32 v50, v35  }
0x27b: {  	v58 =	vadd.f32 v26, v54;
	v54 =	vbroadcast v38, $0x2;
	v26 =	vmul.f32 v52, v33  }
0x27c: {  	v21 =	vadd.f32 v56, v57;
	v56 =	vbroadcast v37, $0x6;
	v57 =	vbroadcast v22, $0xA  }
0x27d: {  	v13 =	vmax.f32 v25, v61;
	v17 =	vmul.f32 v17, v35;
	v61 =	vbroadcast v37, $0x7  }
0x27e: {  	v55 =	vadd.f32 v45, v44;
	v45 =	vbroadcast v36, $0x0;
	v50 =	vbroadcast v37, $0x8  }
0x27f: {  	v52 =	vbroadcast v22, $0xC;
	v63 =	vmul.f32 $9.999999770e-03, v20  }
0x280: {  	v41 =	vmul.f32 $9.999999770e-03, v21;
	v49 =	vmul.f32 v10, v31  }
0x281: {  	v24 =	vadd.f32 v58, v59;
	v10 =	vbroadcast v22, $0x9;
	v58 =	vbroadcast v32, $0xE  }
0x282: {  	v39 =	vmul.f32 v56, v31;
	v40 =	vmul.f32 v57, v30  }
0x283: {  	v27 =	vadd.f32 v55, v43;
	v59 =	vbroadcast v38, $0x3;
	v55 =	vmul.f32 v52, v30  }
0x284: {  	v56 =	vbroadcast v36, $0x1;
	v57 =	vbroadcast v36, $0x2  }
0x285: {  	v42 =	vmul.f32 $9.999999770e-03, v24;
	v51 =	vmul.f32 v10, v30  }
0x286: {  	v11 =	vmax.f32 v20, v63;
	v20 =	vadd.f32 v54, v23;
	v23 =	vmul.f32 v58, v29  }
0x287: {  	v10 =	vmax.f32 v19, v62;
	v62 =	vbroadcast v22, $0xB;
	v63 =	vmul.f32 v60, v33  }
0x288: {  	v18 =	vadd.f32 v27, v49;
	v27 =	vmul.f32 v45, v35;
	v49 =	vbroadcast v34, $0x4  }
0x289: {  	v19 =	vmul.f32 v47, v29;
	v54 =	vbroadcast v28, $0x0  }
0x28a: {  	v17 =	vadd.f32 v59, v17;
	v58 =	vmul.f32 v56, v35;
	v59 =	vbroadcast v38, $0x5  }
0x28b: {  	v60 =	vbroadcast v34, $0x5;
	v47 =	vbroadcast v38, $0xC;
	v20 =	vadd.f32 v20, v26  }
0x28c: {  	v18 =	vadd.f32 v18, v51;
	v46 =	vmul.f32 v62, v30;
	v51 =	vmul.f32 v49, v33  }
0x28d: {  	v17 =	vadd.f32 v17, v63;
	v26 =	vmul.f32 v54, v29;
	v62 =	vbroadcast v34, $0x6  }
0x28e: {  	v25 =	vadd.f32 v59, v58;
	v63 =	vbroadcast v37, $0x9;
	v20 =	vadd.f32 v20, v39  }
0x28f: {  	v49 =	vbroadcast v37, $0xA;
	v39 =	vmul.f32 v61, v31;
	v18 =	vadd.f32 v18, v53  }
0x290: {  	v53 =	vmul.f32 v50, v31;
	v61 =	vbroadcast v38, $0x6;
	v20 =	vadd.f32 v20, v40  }
0x291: {  	v50 =	vmul.f32 v63, v31;
	v52 =	vmul.f32 v49, v31;
	v17 =	vadd.f32 v17, v39  }
0x292: {  	v39 =	vmul.f32 v57, v35;
	v57 =	vbroadcast v28, $0x2;
	v23 =	vadd.f32 v20, v23  }
0x293: {  	v40 =	vmul.f32 v60, v33;
	v20 =	vadd.f32 v48, v27;
	v17 =	vadd.f32 v17, v46  }
0x294: {  	v27 =	vadd.f32 v61, v39;
	v48 =	vmul.f32 v62, v33;
	v61 =	vmul.f32 v57, v29  }
0x295: {  	v25 =	vadd.f32 v25, v40;
	v62 =	vmul.f32 $9.999999770e-03, v18;
	v57 =	vbroadcast v22, $0xF  }
0x296: {  	v20 =	vadd.f32 v20, v51;
	v51 =	vbroadcast v22, $0xD;
	v27 =	vadd.f32 v27, v48  }
0x297: {  	v25 =	vadd.f32 v25, v50;
	v17 =	vadd.f32 v17, v19;
	v63 =	vmul.f32 $9.999999770e-03, v23  }
0x298: {  	v20 =	vadd.f32 v20, v53;
	v53 =	vbroadcast v22, $0xE;
	v54 =	vmul.f32 v51, v30  }
0x299: {  	v27 =	vadd.f32 v27, v52;
	v48 =	vmul.f32 $9.999999770e-03, v17;
	v51 =	vbroadcast v36, $0x3  }
0x29a: {  	v52 =	vbroadcast v34, $0x7;
	v20 =	vadd.f32 v20, v55;
	v55 =	vbroadcast v28, $0x1  }
0x29b: {  	v56 =	vmul.f32 v53, v30;
	v58 =	vadd.f32 v25, v54;
	v53 =	vmul.f32 v51, v35  }
0x29c: {  	v54 =	vbroadcast v38, $0x7;
	v17 =	vmax.f32 v17, v48;
	v48 =	vbroadcast v38, $0x8  }
0x29d: {  	v51 =	vbroadcast v32, $0x0;
	v59 =	vmul.f32 v55, v29;
	v26 =	vadd.f32 v20, v26  }
0x29e: {  	v60 =	vadd.f32 v27, v56;
	v20 =	vmax.f32 v18, v62;
	v55 =	vmul.f32 v52, v33  }
0x29f: {  	v18 =	vmax.f32 v23, v63;
	v56 =	vbroadcast v37, $0xB;
	v63 =	vbroadcast v34, $0x8  }
0x2a0: {  	v39 =	vadd.f32 v54, v53;
	v52 =	vbroadcast v36, $0x5;
	v54 =	vmul.f32 v51, v30  }
0x2a1: {  	v25 =	vadd.f32 v58, v59;
	v49 =	vmul.f32 $9.999999770e-03, v26;
	v58 =	vbroadcast v28, $0x3  }
0x2a2: {  	v27 =	vadd.f32 v60, v61;
	v40 =	vmul.f32 v56, v31;
	v59 =	vbroadcast v36, $0x4  }
0x2a3: {  	v60 =	vmul.f32 v57, v30;
	v39 =	vadd.f32 v39, v55;
	v55 =	vbroadcast v28, $0x4  }
0x2a4: {  	v21 =	vmax.f32 v21, v41;
	v56 =	vmul.f32 v52, v35;
	v57 =	vbroadcast v34, $0x9  }
0x2a5: {  	v19 =	vmax.f32 v24, v42;
	v53 =	vld [tilespmem:$0xC050];
	v50 =	vmul.f32 $9.999999770e-03, v25;
	v24 =	vmul.f32 $9.999999770e-03, v27  }
0x2a6: {  	v46 =	vld [tilespmem:$0xBF90];
	v22 =	vmax.f32 v26, v49;
	v61 =	vmul.f32 v58, v29;
	v62 =	vmul.f32 v59, v35  }
0x2a7: {  	v49 =	vbroadcast v37, $0xC;
	v39 =	vadd.f32 v39, v40;
	v58 =	vbroadcast v38, $0x9  }
0x2a8: {  	v59 =	vmul.f32 v55, v29;
	v43 =	vmul.f32 v57, v33;
	v23 =	vmax.f32 v25, v50  }
0x2a9: {  	v50 =	vmul.f32 v63, v33;
	v25 =	vadd.f32 v48, v62;
	v41 =	vmul.f32 v49, v31  }
0x2aa: {  	v26 =	vadd.f32 v39, v60;
	v60 =	vbroadcast v37, $0xD;
	v62 =	vbroadcast v53, $0x4  }
0x2ab: {  	v48 =	vld [tilespmem:$0xBFA0];
	v63 =	vbroadcast v46, $0x6;
	v49 =	vbroadcast v32, $0x1  }
0x2ac: {  	v53 =	vbroadcast v28, $0x5;
	v26 =	vadd.f32 v26, v61;
	v61 =	vmul.f32 v16, v47  }
0x2ad: {  	v25 =	vadd.f32 v25, v50;
	v42 =	vmul.f32 v60, v31;
	v50 =	vmul.f32 v63, v15  }
0x2ae: {  	v46 =	vld [tilespmem:$0xBFB0];
	v52 =	vmul.f32 v49, v30;
	v57 =	vmul.f32 v53, v29  }
0x2af: {  	v40 =	vadd.f32 v58, v56;
	v53 =	vbroadcast v36, $0x6;
	v36 =	vbroadcast v36, $0x7  }
0x2b0: {  	v58 =	vld [tilespmem:$0xBFC0];
	v25 =	vadd.f32 v25, v41;
	v39 =	vadd.f32 v61, v62;
	v51 =	vbroadcast v48, $0x0  }
0x2b1: {  	v40 =	vadd.f32 v40, v43;
	v61 =	vmul.f32 $9.999999770e-03, v26;
	v55 =	vbroadcast v48, $0xA  }
0x2b2: {  	v63 =	vld [tilespmem:$0xBFD0];
	v25 =	vadd.f32 v25, v54;
	v39 =	vadd.f32 v39, v50;
	v54 =	vmul.f32 v51, v14  }
0x2b3: {  	v40 =	vadd.f32 v40, v42;
	v44 =	vmul.f32 v53, v35;
	v60 =	vbroadcast v46, $0x4  }
0x2b4: {  	v41 =	vadd.f32 v25, v59;
	v59 =	vmul.f32 v55, v12;
	v39 =	vadd.f32 v39, v54  }
0x2b5: {  	v35 =	vmul.f32 v36, v35;
	v42 =	vbroadcast v58, $0x8;
	v56 =	vadd.f32 v40, v52  }
0x2b6: {  	v50 =	vmul.f32 v13, v60;
	v51 =	vbroadcast v46, $0xE;
	v49 =	vadd.f32 v39, v59  }
0x2b7: {  	v42 =	vmul.f32 v42, v11;
	v60 =	vbroadcast v63, $0xC;
	v40 =	vadd.f32 v56, v57  }
0x2b8: {  	v58 =	vld [tilespmem:$0xBFF0];
	v56 =	vbroadcast v63, $0x2;
	v43 =	vmul.f32 v10, v51;
	v39 =	vadd.f32 v49, v50  }
0x2b9: {  	v25 =	vmax.f32 v26, v61;
	v55 =	vld [tilespmem:$0xBFE0];
	v57 =	vbroadcast v38, $0xA;
	v61 =	vbroadcast v37, $0xE  }
0x2ba: {  	v38 =	vbroadcast v38, $0xB;
	v37 =	vbroadcast v37, $0xF;
	v39 =	vadd.f32 v39, v43  }
0x2bb: {  	v54 =	vbroadcast v34, $0xA;
	v63 =	vmul.f32 v19, v60  }
0x2bc: {  	v34 =	vbroadcast v34, $0xB;
	v59 =	vmul.f32 v56, v21;
	v39 =	vadd.f32 v39, v42  }
0x2bd: {  	v62 =	vmul.f32 $9.999999770e-03, v41;
	v52 =	vmul.f32 $9.999999770e-03, v40  }
0x2be: {  	v53 =	vbroadcast v58, $0x0;
	v49 =	vbroadcast v55, $0x6;
	v39 =	vadd.f32 v39, v59  }
0x2bf: {  	v24 =	vmax.f32 v27, v24;
	v51 =	vld [tilespmem:$0xC000];
	v45 =	vmul.f32 v54, v33;
	v54 =	vbroadcast v28, $0x6  }
0x2c0: {  	v27 =	vmax.f32 v40, v52;
	v52 =	vmul.f32 v49, v20;
	v39 =	vadd.f32 v39, v63  }
0x2c1: {  	v56 =	vbroadcast v58, $0xA;
	v33 =	vmul.f32 v34, v33  }
0x2c2: {  	v28 =	vbroadcast v28, $0x7;
	v55 =	vmul.f32 v53, v18;
	v39 =	vadd.f32 v39, v52  }
0x2c3: {  	v26 =	vmax.f32 v41, v62;
	v62 =	vbroadcast v32, $0x2;
	v41 =	vadd.f32 v57, v44;
	v57 =	vld [tilespmem:$0xC010]  }
0x2c4: {  	v60 =	vld [tilespmem:$0xC020];
	v58 =	vmul.f32 v56, v17;
	v59 =	vbroadcast v51, $0x4;
	v39 =	vadd.f32 v39, v55  }
0x2c5: {  	v35 =	vadd.f32 v38, v35;
	v40 =	vmul.f32 v61, v31;
	v50 =	vmul.f32 v62, v30  }
0x2c6: {  	v62 =	vbroadcast v51, $0xE;
	v61 =	vmul.f32 v59, v22;
	v39 =	vadd.f32 v39, v58  }
0x2c7: {  	v31 =	vmul.f32 v37, v31;
	v32 =	vbroadcast v32, $0x3;
	v41 =	vadd.f32 v41, v45  }
0x2c8: {  	v44 =	vmul.f32 v62, v23;
	v36 =	vbroadcast v57, $0x8;
	v39 =	vadd.f32 v39, v61  }
0x2c9: {  	v33 =	vadd.f32 v35, v33;
	v45 =	vld [tilespmem:$0xC030];
	v47 =	vbroadcast v60, $0x2;
	v40 =	vadd.f32 v41, v40  }
0x2ca: {  	v30 =	vmul.f32 v32, v30;
	v36 =	vmul.f32 v36, v24;
	v46 =	vadd.f32 v39, v44  }
0x2cb: {  	v48 =	vld [tilespmem:$0xC040];
	v31 =	vadd.f32 v33, v31;
	v40 =	vadd.f32 v40, v50;
	v63 =	vmul.f32 v54, v29  }
0x2cc: {  	v34 =	vbroadcast v60, $0xC;
	v50 =	vmul.f32 v47, v25;
	v49 =	vadd.f32 v46, v36  }
0x2cd: {  	v28 =	vmul.f32 v28, v29;
	v30 =	vadd.f32 v31, v30;
	v51 =	vadd.f32 v40, v63  }
0x2ce: {  	v53 =	vmul.f32 v34, v26;
	v54 =	vbroadcast v45, $0x6;
	v52 =	vadd.f32 v49, v50  }
0x2cf: {  	v56 =	vmov s5;
	v30 =	vadd.f32 v30, v28;
	v55 =	vmul.f32 $9.999999770e-03, v51  }
0x2d0: {  	v57 =	vmul.f32 v54, v27;
	v58 =	vbroadcast v48, $0x0;
	v29 =	vadd.f32 v52, v53  }
0x2d1: {  	v35 =	vmul.u32 $0xA, v56;
	v59 =	vmul.f32 $9.999999770e-03, v30;
	v28 =	vmax.f32 v51, v55  }
0x2d2: {  	v32 =	vbroadcast v48, $0xA;
	v33 =	vmul.f32 v58, v28;
	v31 =	vadd.f32 v29, v57  }
0x2d3: {  	v30 =	vmax.f32 v30, v59  }
0x2d4: {  	v32 =	vmul.f32 v32, v30;
	v29 =	vbroadcast v35, $0x0;
	v31 =	vadd.f32 v31, v33;
	_ =	sdelay $0x1  }
0x2d5: {  	v60 =	vadd.s32 v0, v29;
	v31 =	vadd.f32 v31, v32;
	_ =	sdelay $0x1  }
0x2d6: {  	v32 =	vmul.f32 $9.999999770e-03, v31;
	_ =	sdelay $0x1  }
0x2d7: {  	v31 =	vmax.f32 v31, v32  }
0x2d8: {  	[tilespmem:v60+s7+$0x0] =	vst.idx.msk $0xffff, v31  }
0x2d9: {  	v31 =	vld [tilespmem:$0xBF80]  }
0x2da: {  	v61 =	vld [tilespmem:$0xC050]  }
0x2db: {  	v33 =	vld [tilespmem:$0xBF90];
	_ =	sdelay $0x1  }
0x2dc: {  	v62 =	vld [tilespmem:$0xBFA0]  }
0x2dd: {  	v31 =	vbroadcast v31, $0xD  }
0x2de: {  	v32 =	vbroadcast v61, $0x5  }
0x2df: {  	v33 =	vbroadcast v33, $0x7;
	v31 =	vmul.f32 v31, v16  }
0x2e0: {  	v63 =	vld [tilespmem:$0xBFB0]  }
0x2e1: {  	v39 =	vbroadcast v62, $0x1;
	v38 =	vmul.f32 v33, v15;
	v31 =	vadd.f32 v31, v32;
	_ =	sdelay $0x1  }
0x2e2: {  	v41 =	vbroadcast v62, $0xB;
	v40 =	vmul.f32 v39, v14;
	v31 =	vadd.f32 v38, v31  }
0x2e3: {  	v42 =	vld [tilespmem:$0xBFC0]  }
0x2e4: {  	v44 =	vbroadcast v63, $0x5;
	v43 =	vmul.f32 v41, v12;
	v31 =	vadd.f32 v40, v31  }
0x2e5: {  	v45 =	vld [tilespmem:$0xBFD0]  }
0x2e6: {  	v47 =	vbroadcast v63, $0xF;
	v46 =	vmul.f32 v44, v13;
	v31 =	vadd.f32 v31, v43;
	_ =	sdelay $0x1  }
0x2e7: {  	v49 =	vbroadcast v42, $0x9;
	v48 =	vmul.f32 v47, v10;
	v31 =	vadd.f32 v31, v46  }
0x2e8: {  	v50 =	vld [tilespmem:$0xBFE0]  }
0x2e9: {  	v52 =	vbroadcast v45, $0x3;
	v51 =	vmul.f32 v49, v11;
	v31 =	vadd.f32 v31, v48  }
0x2ea: {  	v53 =	vld [tilespmem:$0xBFF0]  }
0x2eb: {  	v55 =	vbroadcast v45, $0xD;
	v54 =	vmul.f32 v52, v21;
	v31 =	vadd.f32 v31, v51;
	_ =	sdelay $0x1  }
0x2ec: {  	v57 =	vbroadcast v50, $0x7;
	v56 =	vmul.f32 v55, v19;
	v31 =	vadd.f32 v31, v54  }
0x2ed: {  	v58 =	vld [tilespmem:$0xC000]  }
0x2ee: {  	v60 =	vbroadcast v53, $0x1;
	v59 =	vmul.f32 v57, v20;
	v31 =	vadd.f32 v31, v56;
	_ =	sdelay $0x1  }
0x2ef: {  	v62 =	vbroadcast v53, $0xB;
	v61 =	vmul.f32 v60, v18;
	v31 =	vadd.f32 v31, v59  }
0x2f0: {  	v63 =	vld [tilespmem:$0xC010]  }
0x2f1: {  	v41 =	vbroadcast v58, $0x5;
	v40 =	vmul.f32 v62, v17;
	v31 =	vadd.f32 v31, v61  }
0x2f2: {  	v42 =	vld [tilespmem:$0xC020]  }
0x2f3: {  	v44 =	vbroadcast v58, $0xF;
	v43 =	vmul.f32 v41, v22;
	v31 =	vadd.f32 v31, v40;
	_ =	sdelay $0x1  }
0x2f4: {  	v45 =	vmul.f32 v44, v23;
	v46 =	vbroadcast v63, $0x9;
	v31 =	vadd.f32 v31, v43  }
0x2f5: {  	v47 =	vld [tilespmem:$0xC030]  }
0x2f6: {  	v49 =	vbroadcast v42, $0x3;
	v48 =	vmul.f32 v46, v24;
	v31 =	vadd.f32 v31, v45  }
0x2f7: {  	v50 =	vld [tilespmem:$0xC040]  }
0x2f8: {  	v52 =	vbroadcast v42, $0xD;
	v51 =	vmul.f32 v49, v25;
	v31 =	vadd.f32 v31, v48;
	_ =	sdelay $0x1  }
0x2f9: {  	v53 =	vmul.f32 v52, v26;
	v54 =	vbroadcast v47, $0x7;
	v31 =	vadd.f32 v31, v51;
	_ =	sdelay $0x1  }
0x2fa: {  	v55 =	vmul.f32 v54, v27;
	v56 =	vbroadcast v50, $0x1;
	v31 =	vadd.f32 v31, v53;
	_ =	sdelay $0x1  }
0x2fb: {  	v58 =	vbroadcast v50, $0xB;
	v57 =	vmul.f32 v56, v28;
	v31 =	vadd.f32 v31, v55;
	_ =	sdelay $0x1  }
0x2fc: {  	v59 =	vmul.f32 v58, v30;
	v31 =	vadd.f32 v31, v57;
	_ =	sdelay $0x1  }
0x2fd: {  	v60 =	vadd.s32 v1, v29;
	v31 =	vadd.f32 v31, v59;
	_ =	sdelay $0x1  }
0x2fe: {  	v61 =	vmul.f32 $9.999999770e-03, v31;
	_ =	sdelay $0x1  }
0x2ff: {  	v31 =	vmax.f32 v31, v61  }
0x300: {  	[tilespmem:v60+s7+$0x0] =	vst.idx.msk $0xffff, v31  }
0x301: {  	v31 =	vld [tilespmem:$0xBF80]  }
0x302: {  	v32 =	vld [tilespmem:$0xC050]  }
0x303: {  	v62 =	vld [tilespmem:$0xBF90];
	_ =	sdelay $0x1  }
0x304: {  	v63 =	vld [tilespmem:$0xBFA0]  }
0x305: {  	v31 =	vbroadcast v31, $0xE  }
0x306: {  	v32 =	vbroadcast v32, $0x6  }
0x307: {  	v33 =	vbroadcast v62, $0x8;
	v31 =	vmul.f32 v31, v16  }
0x308: {  	v40 =	vld [tilespmem:$0xBFB0]  }
0x309: {  	v42 =	vbroadcast v63, $0x2;
	v41 =	vmul.f32 v33, v15;
	v31 =	vadd.f32 v31, v32  }
0x30a: {  	v43 =	vld [tilespmem:$0xBFC0]  }
0x30b: {  	v45 =	vbroadcast v63, $0xC;
	v44 =	vmul.f32 v42, v14;
	v31 =	vadd.f32 v41, v31;
	_ =	sdelay $0x1  }
0x30c: {  	v47 =	vbroadcast v40, $0x6;
	v46 =	vmul.f32 v45, v12;
	v31 =	vadd.f32 v44, v31  }
0x30d: {  	v48 =	vld [tilespmem:$0xBFD0]  }
0x30e: {  	v50 =	vbroadcast v43, $0x0;
	v49 =	vmul.f32 v47, v13;
	v31 =	vadd.f32 v31, v46;
	_ =	sdelay $0x1  }
0x30f: {  	v52 =	vbroadcast v43, $0xA;
	v51 =	vmul.f32 v50, v10;
	v31 =	vadd.f32 v31, v49  }
0x310: {  	v53 =	vld [tilespmem:$0xBFE0]  }
0x311: {  	v55 =	vbroadcast v48, $0x4;
	v54 =	vmul.f32 v52, v11;
	v31 =	vadd.f32 v31, v51  }
0x312: {  	v56 =	vld [tilespmem:$0xBFF0]  }
0x313: {  	v58 =	vbroadcast v48, $0xE;
	v57 =	vmul.f32 v55, v21;
	v31 =	vadd.f32 v31, v54;
	_ =	sdelay $0x1  }
0x314: {  	v60 =	vbroadcast v53, $0x8;
	v59 =	vmul.f32 v58, v19;
	v31 =	vadd.f32 v31, v57  }
0x315: {  	v61 =	vld [tilespmem:$0xC000]  }
0x316: {  	v63 =	vbroadcast v56, $0x2;
	v62 =	vmul.f32 v60, v20;
	v31 =	vadd.f32 v31, v59  }
0x317: {  	v37 =	vld [tilespmem:$0xC010]  }
0x318: {  	v39 =	vbroadcast v56, $0xC;
	v38 =	vmul.f32 v63, v18;
	v31 =	vadd.f32 v31, v62;
	_ =	sdelay $0x1  }
0x319: {  	v40 =	vmul.f32 v39, v17;
	v41 =	vbroadcast v61, $0x6;
	v31 =	vadd.f32 v31, v38  }
0x31a: {  	v42 =	vld [tilespmem:$0xC020]  }
0x31b: {  	v43 =	vmul.f32 v41, v22;
	v44 =	vbroadcast v37, $0x0;
	v31 =	vadd.f32 v31, v40;
	_ =	sdelay $0x1  }
0x31c: {  	v45 =	vmul.f32 v44, v23;
	v46 =	vbroadcast v37, $0xA;
	v31 =	vadd.f32 v31, v43  }
0x31d: {  	v47 =	vld [tilespmem:$0xC030]  }
0x31e: {  	v48 =	vmul.f32 v46, v24;
	v49 =	vbroadcast v42, $0x4;
	v31 =	vadd.f32 v31, v45  }
0x31f: {  	v50 =	vld [tilespmem:$0xC040]  }
0x320: {  	v52 =	vbroadcast v42, $0xE;
	v51 =	vmul.f32 v49, v25;
	v31 =	vadd.f32 v31, v48;
	_ =	sdelay $0x1  }
0x321: {  	v53 =	vmul.f32 v52, v26;
	v54 =	vbroadcast v47, $0x8;
	v31 =	vadd.f32 v31, v51;
	_ =	sdelay $0x1  }
0x322: {  	v56 =	vbroadcast v50, $0x2;
	v55 =	vmul.f32 v54, v27;
	v31 =	vadd.f32 v31, v53;
	_ =	sdelay $0x1  }
0x323: {  	v58 =	vbroadcast v50, $0xC;
	v57 =	vmul.f32 v56, v28;
	v31 =	vadd.f32 v31, v55;
	_ =	sdelay $0x1  }
0x324: {  	v59 =	vmul.f32 v58, v30;
	v31 =	vadd.f32 v31, v57;
	_ =	sdelay $0x1  }
0x325: {  	v60 =	vadd.s32 v2, v29;
	v31 =	vadd.f32 v31, v59;
	_ =	sdelay $0x1  }
0x326: {  	v61 =	vmul.f32 $9.999999770e-03, v31;
	_ =	sdelay $0x1  }
0x327: {  	v31 =	vmax.f32 v31, v61  }
0x328: {  	[tilespmem:v60+s7+$0x0] =	vst.idx.msk $0xffff, v31  }
0x329: {  	v31 =	vld [tilespmem:$0xBF80]  }
0x32a: {  	v32 =	vld [tilespmem:$0xC050]  }
0x32b: {  	v62 =	vld [tilespmem:$0xBF90];
	_ =	sdelay $0x1  }
0x32c: {  	v63 =	vld [tilespmem:$0xBFA0]  }
0x32d: {  	v31 =	vbroadcast v31, $0xF  }
0x32e: {  	v32 =	vbroadcast v32, $0x7  }
0x32f: {  	v33 =	vbroadcast v62, $0x9;
	v31 =	vmul.f32 v31, v16  }
0x330: {  	v40 =	vld [tilespmem:$0xBFB0]  }
0x331: {  	v42 =	vbroadcast v63, $0x3;
	v41 =	vmul.f32 v33, v15;
	v31 =	vadd.f32 v31, v32  }
0x332: {  	v43 =	vld [tilespmem:$0xBFC0]  }
0x333: {  	v45 =	vbroadcast v63, $0xD;
	v44 =	vmul.f32 v42, v14;
	v31 =	vadd.f32 v41, v31;
	_ =	sdelay $0x1  }
0x334: {  	v47 =	vbroadcast v40, $0x7;
	v46 =	vmul.f32 v45, v12;
	v31 =	vadd.f32 v44, v31  }
0x335: {  	v48 =	vld [tilespmem:$0xBFD0]  }
0x336: {  	v50 =	vbroadcast v43, $0x1;
	v49 =	vmul.f32 v47, v13;
	v31 =	vadd.f32 v31, v46;
	_ =	sdelay $0x1  }
0x337: {  	v52 =	vbroadcast v43, $0xB;
	v51 =	vmul.f32 v50, v10;
	v31 =	vadd.f32 v31, v49  }
0x338: {  	v53 =	vld [tilespmem:$0xBFE0]  }
0x339: {  	v55 =	vbroadcast v48, $0x5;
	v54 =	vmul.f32 v52, v11;
	v31 =	vadd.f32 v31, v51  }
0x33a: {  	v56 =	vld [tilespmem:$0xBFF0]  }
0x33b: {  	v58 =	vbroadcast v48, $0xF;
	v57 =	vmul.f32 v55, v21;
	v31 =	vadd.f32 v31, v54;
	_ =	sdelay $0x1  }
0x33c: {  	v60 =	vbroadcast v53, $0x9;
	v59 =	vmul.f32 v58, v19;
	v31 =	vadd.f32 v31, v57  }
0x33d: {  	v61 =	vld [tilespmem:$0xC000]  }
0x33e: {  	v63 =	vbroadcast v56, $0x3;
	v62 =	vmul.f32 v60, v20;
	v31 =	vadd.f32 v31, v59  }
0x33f: {  	v37 =	vld [tilespmem:$0xC010]  }
0x340: {  	v39 =	vbroadcast v56, $0xD;
	v38 =	vmul.f32 v63, v18;
	v31 =	vadd.f32 v31, v62;
	_ =	sdelay $0x1  }
0x341: {  	v40 =	vmul.f32 v39, v17;
	v41 =	vbroadcast v61, $0x7;
	v31 =	vadd.f32 v31, v38  }
0x342: {  	v42 =	vld [tilespmem:$0xC020]  }
0x343: {  	v43 =	vmul.f32 v41, v22;
	v44 =	vbroadcast v37, $0x1;
	v31 =	vadd.f32 v31, v40;
	_ =	sdelay $0x1  }
0x344: {  	v45 =	vmul.f32 v44, v23;
	v46 =	vbroadcast v37, $0xB;
	v31 =	vadd.f32 v31, v43  }
0x345: {  	v47 =	vld [tilespmem:$0xC030]  }
0x346: {  	v48 =	vmul.f32 v46, v24;
	v49 =	vbroadcast v42, $0x5;
	v31 =	vadd.f32 v31, v45  }
0x347: {  	v50 =	vld [tilespmem:$0xC040]  }
0x348: {  	v52 =	vbroadcast v42, $0xF;
	v51 =	vmul.f32 v49, v25;
	v31 =	vadd.f32 v31, v48;
	_ =	sdelay $0x1  }
0x349: {  	v53 =	vmul.f32 v52, v26;
	v54 =	vbroadcast v47, $0x9;
	v31 =	vadd.f32 v31, v51;
	_ =	sdelay $0x1  }
0x34a: {  	v56 =	vbroadcast v50, $0x3;
	v55 =	vmul.f32 v54, v27;
	v31 =	vadd.f32 v31, v53;
	_ =	sdelay $0x1  }
0x34b: {  	v58 =	vbroadcast v50, $0xD;
	v57 =	vmul.f32 v56, v28;
	v31 =	vadd.f32 v31, v55;
	_ =	sdelay $0x1  }
0x34c: {  	v59 =	vmul.f32 v58, v30;
	v31 =	vadd.f32 v31, v57;
	_ =	sdelay $0x1  }
0x34d: {  	v60 =	vadd.s32 v3, v29;
	v31 =	vadd.f32 v31, v59;
	_ =	sdelay $0x1  }
0x34e: {  	v61 =	vmul.f32 $9.999999770e-03, v31;
	_ =	sdelay $0x1  }
0x34f: {  	v31 =	vmax.f32 v31, v61  }
0x350: {  	[tilespmem:v60+s7+$0x0] =	vst.idx.msk $0xffff, v31  }
0x351: {  	v31 =	vld [tilespmem:$0xBF90]  }
0x352: {  	v32 =	vld [tilespmem:$0xC050];
	_ =	sdelay $0x2  }
0x353: {  	v63 =	vld [tilespmem:$0xBFA0]  }
0x354: {  	v62 =	vbroadcast v31, $0x0  }
0x355: {  	v32 =	vbroadcast v32, $0x8  }
0x356: {  	v31 =	vbroadcast v31, $0xA;
	v33 =	vmul.f32 v62, v16  }
0x357: {  	v40 =	vld [tilespmem:$0xBFB0]  }
0x358: {  	v41 =	vbroadcast v63, $0x4;
	v31 =	vmul.f32 v31, v15;
	v32 =	vadd.f32 v33, v32  }
0x359: {  	v42 =	vld [tilespmem:$0xBFC0]  }
0x35a: {  	v44 =	vbroadcast v63, $0xE;
	v43 =	vmul.f32 v41, v14;
	v31 =	vadd.f32 v32, v31;
	_ =	sdelay $0x1  }
0x35b: {  	v46 =	vbroadcast v40, $0x8;
	v45 =	vmul.f32 v44, v12;
	v31 =	vadd.f32 v31, v43  }
0x35c: {  	v47 =	vld [tilespmem:$0xBFD0]  }
0x35d: {  	v49 =	vbroadcast v42, $0x2;
	v48 =	vmul.f32 v46, v13;
	v31 =	vadd.f32 v31, v45  }
0x35e: {  	v50 =	vld [tilespmem:$0xBFE0]  }
0x35f: {  	v52 =	vbroadcast v42, $0xC;
	v51 =	vmul.f32 v49, v10;
	v31 =	vadd.f32 v31, v48;
	_ =	sdelay $0x1  }
0x360: {  	v54 =	vbroadcast v47, $0x6;
	v53 =	vmul.f32 v52, v11;
	v31 =	vadd.f32 v31, v51  }
0x361: {  	v55 =	vld [tilespmem:$0xBFF0]  }
0x362: {  	v57 =	vbroadcast v50, $0x0;
	v56 =	vmul.f32 v54, v21;
	v31 =	vadd.f32 v31, v53;
	_ =	sdelay $0x1  }
0x363: {  	v59 =	vbroadcast v50, $0xA;
	v58 =	vmul.f32 v57, v19;
	v31 =	vadd.f32 v31, v56  }
0x364: {  	v60 =	vld [tilespmem:$0xC000]  }
0x365: {  	v61 =	vmul.f32 v59, v20;
	v62 =	vbroadcast v55, $0x4;
	v31 =	vadd.f32 v31, v58  }
0x366: {  	v63 =	vld [tilespmem:$0xC010]  }
0x367: {  	v39 =	vbroadcast v55, $0xE;
	v38 =	vmul.f32 v62, v18;
	v31 =	vadd.f32 v31, v61;
	_ =	sdelay $0x1  }
0x368: {  	v40 =	vmul.f32 v39, v17;
	v41 =	vbroadcast v60, $0x8;
	v31 =	vadd.f32 v31, v38  }
0x369: {  	v42 =	vld [tilespmem:$0xC020]  }
0x36a: {  	v44 =	vbroadcast v63, $0x2;
	v43 =	vmul.f32 v41, v22;
	v31 =	vadd.f32 v31, v40  }
0x36b: {  	v45 =	vld [tilespmem:$0xC030]  }
0x36c: {  	v47 =	vbroadcast v63, $0xC;
	v46 =	vmul.f32 v44, v23;
	v31 =	vadd.f32 v31, v43;
	_ =	sdelay $0x1  }
0x36d: {  	v49 =	vbroadcast v42, $0x6;
	v48 =	vmul.f32 v47, v24;
	v31 =	vadd.f32 v31, v46  }
0x36e: {  	v50 =	vld [tilespmem:$0xC040]  }
0x36f: {  	v51 =	vmul.f32 v49, v25;
	v52 =	vbroadcast v45, $0x0;
	v31 =	vadd.f32 v31, v48;
	_ =	sdelay $0x1  }
0x370: {  	v54 =	vbroadcast v45, $0xA;
	v53 =	vmul.f32 v52, v26;
	v31 =	vadd.f32 v31, v51;
	_ =	sdelay $0x1  }
0x371: {  	v55 =	vmul.f32 v54, v27;
	v56 =	vbroadcast v50, $0x4;
	v31 =	vadd.f32 v31, v53;
	_ =	sdelay $0x1  }
0x372: {  	v57 =	vmul.f32 v56, v28;
	v58 =	vbroadcast v50, $0xE;
	v31 =	vadd.f32 v31, v55;
	_ =	sdelay $0x1  }
0x373: {  	v59 =	vmul.f32 v58, v30;
	v31 =	vadd.f32 v31, v57;
	_ =	sdelay $0x1  }
0x374: {  	v60 =	vadd.s32 v4, v29;
	v31 =	vadd.f32 v31, v59;
	_ =	sdelay $0x1  }
0x375: {  	v61 =	vmul.f32 $9.999999770e-03, v31;
	_ =	sdelay $0x1  }
0x376: {  	v31 =	vmax.f32 v31, v61  }
0x377: {  	[tilespmem:v60+s7+$0x0] =	vst.idx.msk $0xffff, v31  }
0x378: {  	v31 =	vld [tilespmem:$0xBF90]  }
0x379: {  	v32 =	vld [tilespmem:$0xC050];
	_ =	sdelay $0x2  }
0x37a: {  	v63 =	vld [tilespmem:$0xBFA0]  }
0x37b: {  	v62 =	vbroadcast v31, $0x1  }
0x37c: {  	v32 =	vbroadcast v32, $0x9  }
0x37d: {  	v31 =	vbroadcast v31, $0xB;
	v33 =	vmul.f32 v62, v16  }
0x37e: {  	v40 =	vld [tilespmem:$0xBFB0]  }
0x37f: {  	v41 =	vbroadcast v63, $0x5;
	v31 =	vmul.f32 v31, v15;
	v32 =	vadd.f32 v33, v32  }
0x380: {  	v42 =	vld [tilespmem:$0xBFC0]  }
0x381: {  	v44 =	vbroadcast v63, $0xF;
	v43 =	vmul.f32 v41, v14;
	v31 =	vadd.f32 v32, v31;
	_ =	sdelay $0x1  }
0x382: {  	v46 =	vbroadcast v40, $0x9;
	v45 =	vmul.f32 v44, v12;
	v31 =	vadd.f32 v31, v43  }
0x383: {  	v47 =	vld [tilespmem:$0xBFD0]  }
0x384: {  	v49 =	vbroadcast v42, $0x3;
	v48 =	vmul.f32 v46, v13;
	v31 =	vadd.f32 v31, v45  }
0x385: {  	v50 =	vld [tilespmem:$0xBFE0]  }
0x386: {  	v52 =	vbroadcast v42, $0xD;
	v51 =	vmul.f32 v49, v10;
	v31 =	vadd.f32 v31, v48;
	_ =	sdelay $0x1  }
0x387: {  	v54 =	vbroadcast v47, $0x7;
	v53 =	vmul.f32 v52, v11;
	v31 =	vadd.f32 v31, v51  }
0x388: {  	v55 =	vld [tilespmem:$0xBFF0]  }
0x389: {  	v57 =	vbroadcast v50, $0x1;
	v56 =	vmul.f32 v54, v21;
	v31 =	vadd.f32 v31, v53;
	_ =	sdelay $0x1  }
0x38a: {  	v59 =	vbroadcast v50, $0xB;
	v58 =	vmul.f32 v57, v19;
	v31 =	vadd.f32 v31, v56  }
0x38b: {  	v60 =	vld [tilespmem:$0xC000]  }
0x38c: {  	v61 =	vmul.f32 v59, v20;
	v62 =	vbroadcast v55, $0x5;
	v31 =	vadd.f32 v31, v58  }
0x38d: {  	v63 =	vld [tilespmem:$0xC010]  }
0x38e: {  	v39 =	vbroadcast v55, $0xF;
	v38 =	vmul.f32 v62, v18;
	v31 =	vadd.f32 v31, v61;
	_ =	sdelay $0x1  }
0x38f: {  	v40 =	vmul.f32 v39, v17;
	v41 =	vbroadcast v60, $0x9;
	v31 =	vadd.f32 v31, v38  }
0x390: {  	v42 =	vld [tilespmem:$0xC020]  }
0x391: {  	v44 =	vbroadcast v63, $0x3;
	v43 =	vmul.f32 v41, v22;
	v31 =	vadd.f32 v31, v40  }
0x392: {  	v45 =	vld [tilespmem:$0xC030]  }
0x393: {  	v47 =	vbroadcast v63, $0xD;
	v46 =	vmul.f32 v44, v23;
	v31 =	vadd.f32 v31, v43;
	_ =	sdelay $0x1  }
0x394: {  	v49 =	vbroadcast v42, $0x7;
	v48 =	vmul.f32 v47, v24;
	v31 =	vadd.f32 v31, v46  }
0x395: {  	v50 =	vld [tilespmem:$0xC040]  }
0x396: {  	v51 =	vmul.f32 v49, v25;
	v52 =	vbroadcast v45, $0x1;
	v31 =	vadd.f32 v31, v48;
	_ =	sdelay $0x1  }
0x397: {  	v54 =	vbroadcast v45, $0xB;
	v53 =	vmul.f32 v52, v26;
	v31 =	vadd.f32 v31, v51;
	_ =	sdelay $0x1  }
0x398: {  	v55 =	vmul.f32 v54, v27;
	v56 =	vbroadcast v50, $0x5;
	v31 =	vadd.f32 v31, v53;
	_ =	sdelay $0x1  }
0x399: {  	v57 =	vmul.f32 v56, v28;
	v58 =	vbroadcast v50, $0xF;
	v31 =	vadd.f32 v31, v55;
	_ =	sdelay $0x1  }
0x39a: {  	v59 =	vmul.f32 v58, v30;
	v31 =	vadd.f32 v31, v57;
	_ =	sdelay $0x1  }
0x39b: {  	v60 =	vadd.s32 v5, v29;
	v31 =	vadd.f32 v31, v59;
	_ =	sdelay $0x1  }
0x39c: {  	v61 =	vmul.f32 $9.999999770e-03, v31;
	_ =	sdelay $0x1  }
0x39d: {  	v31 =	vmax.f32 v31, v61  }
0x39e: {  	[tilespmem:v60+s7+$0x0] =	vst.idx.msk $0xffff, v31  }
0x39f: {  	v31 =	vld [tilespmem:$0xBF90]  }
0x3a0: {  	v32 =	vld [tilespmem:$0xC050];
	_ =	sdelay $0x2  }
0x3a1: {  	v63 =	vld [tilespmem:$0xBFA0]  }
0x3a2: {  	v62 =	vbroadcast v31, $0x2  }
0x3a3: {  	v40 =	vld [tilespmem:$0xBFB0];
	v41 =	vbroadcast v32, $0xA  }
0x3a4: {  	v31 =	vbroadcast v31, $0xC;
	v33 =	vmul.f32 v62, v16;
	_ =	sdelay $0x1  }
0x3a5: {  	v34 =	vbroadcast v63, $0x6;
	v31 =	vmul.f32 v31, v15;
	v33 =	vadd.f32 v33, v41  }
0x3a6: {  	v42 =	vld [tilespmem:$0xBFC0]  }
0x3a7: {  	v44 =	vbroadcast v40, $0x0;
	v43 =	vmul.f32 v34, v14;
	v31 =	vadd.f32 v33, v31;
	_ =	sdelay $0x1  }
0x3a8: {  	v46 =	vbroadcast v40, $0xA;
	v45 =	vmul.f32 v44, v12;
	v31 =	vadd.f32 v31, v43  }
0x3a9: {  	v47 =	vld [tilespmem:$0xBFD0]  }
0x3aa: {  	v49 =	vbroadcast v42, $0x4;
	v48 =	vmul.f32 v46, v13;
	v31 =	vadd.f32 v31, v45  }
0x3ab: {  	v50 =	vld [tilespmem:$0xBFE0]  }
0x3ac: {  	v52 =	vbroadcast v42, $0xE;
	v51 =	vmul.f32 v49, v10;
	v31 =	vadd.f32 v31, v48;
	_ =	sdelay $0x1  }
0x3ad: {  	v54 =	vbroadcast v47, $0x8;
	v53 =	vmul.f32 v52, v11;
	v31 =	vadd.f32 v31, v51  }
0x3ae: {  	v55 =	vld [tilespmem:$0xBFF0]  }
0x3af: {  	v57 =	vbroadcast v50, $0x2;
	v56 =	vmul.f32 v54, v21;
	v31 =	vadd.f32 v31, v53  }
0x3b0: {  	v58 =	vld [tilespmem:$0xC000]  }
0x3b1: {  	v60 =	vbroadcast v50, $0xC;
	v59 =	vmul.f32 v57, v19;
	v31 =	vadd.f32 v31, v56;
	_ =	sdelay $0x1  }
0x3b2: {  	v61 =	vmul.f32 v60, v20;
	v62 =	vbroadcast v55, $0x6;
	v31 =	vadd.f32 v31, v59  }
0x3b3: {  	v63 =	vld [tilespmem:$0xC010]  }
0x3b4: {  	v40 =	vmul.f32 v62, v18;
	v41 =	vbroadcast v58, $0x0;
	v31 =	vadd.f32 v31, v61;
	_ =	sdelay $0x1  }
0x3b5: {  	v42 =	vmul.f32 v41, v17;
	v43 =	vbroadcast v58, $0xA;
	v31 =	vadd.f32 v31, v40  }
0x3b6: {  	v44 =	vld [tilespmem:$0xC020]  }
0x3b7: {  	v46 =	vbroadcast v63, $0x4;
	v45 =	vmul.f32 v43, v22;
	v31 =	vadd.f32 v31, v42  }
0x3b8: {  	v47 =	vld [tilespmem:$0xC030]  }
0x3b9: {  	v49 =	vbroadcast v63, $0xE;
	v48 =	vmul.f32 v46, v23;
	v31 =	vadd.f32 v31, v45;
	_ =	sdelay $0x1  }
0x3ba: {  	v50 =	vmul.f32 v49, v24;
	v51 =	vbroadcast v44, $0x8;
	v31 =	vadd.f32 v31, v48  }
0x3bb: {  	v52 =	vld [tilespmem:$0xC040]  }
0x3bc: {  	v54 =	vbroadcast v47, $0x2;
	v53 =	vmul.f32 v51, v25;
	v31 =	vadd.f32 v31, v50;
	_ =	sdelay $0x1  }
0x3bd: {  	v55 =	vmul.f32 v54, v26;
	v56 =	vbroadcast v47, $0xC;
	v31 =	vadd.f32 v31, v53;
	_ =	sdelay $0x1  }
0x3be: {  	v58 =	vbroadcast v52, $0x6;
	v57 =	vmul.f32 v56, v27;
	v31 =	vadd.f32 v31, v55;
	_ =	sdelay $0x1  }
0x3bf: {  	v32 =	vbroadcast v32, $0x0;
	v59 =	vmul.f32 v58, v28;
	v31 =	vadd.f32 v31, v57;
	_ =	sdelay $0x1  }
0x3c0: {  	v32 =	vmul.f32 v32, v30;
	v31 =	vadd.f32 v31, v59;
	_ =	sdelay $0x1  }
0x3c1: {  	v60 =	vadd.s32 v6, v29;
	v31 =	vadd.f32 v31, v32;
	_ =	sdelay $0x1  }
0x3c2: {  	v61 =	vmul.f32 $9.999999770e-03, v31;
	_ =	sdelay $0x1  }
0x3c3: {  	v31 =	vmax.f32 v31, v61  }
0x3c4: {  	[tilespmem:v60+s7+$0x0] =	vst.idx.msk $0xffff, v31  }
0x3c5: {  	v31 =	vld [tilespmem:$0xBF90]  }
0x3c6: {  	v32 =	vld [tilespmem:$0xC050];
	_ =	sdelay $0x2  }
0x3c7: {  	v63 =	vld [tilespmem:$0xBFA0]  }
0x3c8: {  	v62 =	vbroadcast v31, $0x3  }
0x3c9: {  	v40 =	vld [tilespmem:$0xBFB0];
	v41 =	vbroadcast v32, $0xB  }
0x3ca: {  	v31 =	vbroadcast v31, $0xD;
	v33 =	vmul.f32 v62, v16;
	_ =	sdelay $0x1  }
0x3cb: {  	v34 =	vbroadcast v63, $0x7;
	v31 =	vmul.f32 v31, v15;
	v33 =	vadd.f32 v33, v41  }
0x3cc: {  	v42 =	vld [tilespmem:$0xBFC0]  }
0x3cd: {  	v44 =	vbroadcast v40, $0x1;
	v43 =	vmul.f32 v34, v14;
	v31 =	vadd.f32 v33, v31;
	_ =	sdelay $0x1  }
0x3ce: {  	v46 =	vbroadcast v40, $0xB;
	v45 =	vmul.f32 v44, v12;
	v31 =	vadd.f32 v31, v43  }
0x3cf: {  	v47 =	vld [tilespmem:$0xBFD0]  }
0x3d0: {  	v49 =	vbroadcast v42, $0x5;
	v48 =	vmul.f32 v46, v13;
	v31 =	vadd.f32 v31, v45  }
0x3d1: {  	v50 =	vld [tilespmem:$0xBFE0]  }
0x3d2: {  	v52 =	vbroadcast v42, $0xF;
	v51 =	vmul.f32 v49, v10;
	v31 =	vadd.f32 v31, v48;
	_ =	sdelay $0x1  }
0x3d3: {  	v54 =	vbroadcast v47, $0x9;
	v53 =	vmul.f32 v52, v11;
	v31 =	vadd.f32 v31, v51  }
0x3d4: {  	v55 =	vld [tilespmem:$0xBFF0]  }
0x3d5: {  	v57 =	vbroadcast v50, $0x3;
	v56 =	vmul.f32 v54, v21;
	v31 =	vadd.f32 v31, v53  }
0x3d6: {  	v58 =	vld [tilespmem:$0xC000]  }
0x3d7: {  	v60 =	vbroadcast v50, $0xD;
	v59 =	vmul.f32 v57, v19;
	v31 =	vadd.f32 v31, v56;
	_ =	sdelay $0x1  }
0x3d8: {  	v61 =	vmul.f32 v60, v20;
	v62 =	vbroadcast v55, $0x7;
	v31 =	vadd.f32 v31, v59  }
0x3d9: {  	v63 =	vld [tilespmem:$0xC010]  }
0x3da: {  	v39 =	vbroadcast v58, $0x1;
	v38 =	vmul.f32 v62, v18;
	v31 =	vadd.f32 v31, v61;
	_ =	sdelay $0x1  }
0x3db: {  	v40 =	vmul.f32 v39, v17;
	v41 =	vbroadcast v58, $0xB;
	v31 =	vadd.f32 v31, v38  }
0x3dc: {  	v42 =	vld [tilespmem:$0xC020]  }
0x3dd: {  	v44 =	vbroadcast v63, $0x5;
	v43 =	vmul.f32 v41, v22;
	v31 =	vadd.f32 v31, v40  }
0x3de: {  	v45 =	vld [tilespmem:$0xC030]  }
0x3df: {  	v47 =	vbroadcast v63, $0xF;
	v46 =	vmul.f32 v44, v23;
	v31 =	vadd.f32 v31, v43;
	_ =	sdelay $0x1  }
0x3e0: {  	v49 =	vbroadcast v42, $0x9;
	v48 =	vmul.f32 v47, v24;
	v31 =	vadd.f32 v31, v46  }
0x3e1: {  	v50 =	vld [tilespmem:$0xC040]  }
0x3e2: {  	v51 =	vmul.f32 v49, v25;
	v52 =	vbroadcast v45, $0x3;
	v31 =	vadd.f32 v31, v48;
	_ =	sdelay $0x1  }
0x3e3: {  	v54 =	vbroadcast v45, $0xD;
	v53 =	vmul.f32 v52, v26;
	v31 =	vadd.f32 v31, v51;
	_ =	sdelay $0x1  }
0x3e4: {  	v55 =	vmul.f32 v54, v27;
	v56 =	vbroadcast v50, $0x7;
	v31 =	vadd.f32 v31, v53;
	_ =	sdelay $0x1  }
0x3e5: {  	v32 =	vbroadcast v32, $0x1;
	v57 =	vmul.f32 v56, v28;
	v31 =	vadd.f32 v31, v55;
	_ =	sdelay $0x1  }
0x3e6: {  	v32 =	vmul.f32 v32, v30;
	v31 =	vadd.f32 v31, v57;
	_ =	sdelay $0x1  }
0x3e7: {  	v58 =	vadd.s32 v7, v29;
	v31 =	vadd.f32 v31, v32;
	_ =	sdelay $0x1  }
0x3e8: {  	v59 =	vmul.f32 $9.999999770e-03, v31;
	_ =	sdelay $0x1  }
0x3e9: {  	v31 =	vmax.f32 v31, v59  }
0x3ea: {  	[tilespmem:v58+s7+$0x0] =	vst.idx.msk $0xffff, v31  }
0x3eb: {  	v31 =	vld [tilespmem:$0xBF90]  }
0x3ec: {  	v32 =	vld [tilespmem:$0xC050];
	_ =	sdelay $0x2  }
0x3ed: {  	v61 =	vld [tilespmem:$0xBFA0]  }
0x3ee: {  	v60 =	vbroadcast v31, $0x4  }
0x3ef: {  	v62 =	vld [tilespmem:$0xBFB0];
	v63 =	vbroadcast v32, $0xC  }
0x3f0: {  	v31 =	vbroadcast v31, $0xE;
	v33 =	vmul.f32 v60, v16;
	_ =	sdelay $0x1  }
0x3f1: {  	v34 =	vbroadcast v61, $0x8;
	v31 =	vmul.f32 v31, v15;
	v33 =	vadd.f32 v33, v63  }
0x3f2: {  	v40 =	vld [tilespmem:$0xBFC0]  }
0x3f3: {  	v42 =	vbroadcast v62, $0x2;
	v41 =	vmul.f32 v34, v14;
	v31 =	vadd.f32 v33, v31  }
0x3f4: {  	v43 =	vld [tilespmem:$0xBFD0]  }
0x3f5: {  	v45 =	vbroadcast v62, $0xC;
	v44 =	vmul.f32 v42, v12;
	v31 =	vadd.f32 v31, v41;
	_ =	sdelay $0x1  }
0x3f6: {  	v47 =	vbroadcast v40, $0x6;
	v46 =	vmul.f32 v45, v13;
	v31 =	vadd.f32 v31, v44  }
0x3f7: {  	v48 =	vld [tilespmem:$0xBFE0]  }
0x3f8: {  	v50 =	vbroadcast v43, $0x0;
	v49 =	vmul.f32 v47, v10;
	v31 =	vadd.f32 v31, v46;
	_ =	sdelay $0x1  }
0x3f9: {  	v52 =	vbroadcast v43, $0xA;
	v51 =	vmul.f32 v50, v11;
	v31 =	vadd.f32 v31, v49  }
0x3fa: {  	v53 =	vld [tilespmem:$0xBFF0]  }
0x3fb: {  	v55 =	vbroadcast v48, $0x4;
	v54 =	vmul.f32 v52, v21;
	v31 =	vadd.f32 v31, v51  }
0x3fc: {  	v56 =	vld [tilespmem:$0xC000]  }
0x3fd: {  	v58 =	vbroadcast v48, $0xE;
	v57 =	vmul.f32 v55, v19;
	v31 =	vadd.f32 v31, v54;
	_ =	sdelay $0x1  }
0x3fe: {  	v59 =	vmul.f32 v58, v20;
	v60 =	vbroadcast v53, $0x8;
	v31 =	vadd.f32 v31, v57  }
0x3ff: {  	v61 =	vld [tilespmem:$0xC010]  }
0x400: {  	v62 =	vmul.f32 v60, v18;
	v63 =	vbroadcast v56, $0x2;
	v31 =	vadd.f32 v31, v59  }
0x401: {  	v40 =	vld [tilespmem:$0xC020]  }
0x402: {  	v42 =	vbroadcast v56, $0xC;
	v41 =	vmul.f32 v63, v17;
	v31 =	vadd.f32 v31, v62;
	_ =	sdelay $0x1  }
0x403: {  	v43 =	vmul.f32 v42, v22;
	v44 =	vbroadcast v61, $0x6;
	v31 =	vadd.f32 v31, v41  }
0x404: {  	v45 =	vld [tilespmem:$0xC030]  }
0x405: {  	v47 =	vbroadcast v40, $0x0;
	v46 =	vmul.f32 v44, v23;
	v31 =	vadd.f32 v31, v43;
	_ =	sdelay $0x1  }
0x406: {  	v48 =	vmul.f32 v47, v24;
	v49 =	vbroadcast v40, $0xA;
	v31 =	vadd.f32 v31, v46  }
0x407: {  	v50 =	vld [tilespmem:$0xC040]  }
0x408: {  	v52 =	vbroadcast v45, $0x4;
	v51 =	vmul.f32 v49, v25;
	v31 =	vadd.f32 v31, v48;
	_ =	sdelay $0x1  }
0x409: {  	v53 =	vmul.f32 v52, v26;
	v54 =	vbroadcast v45, $0xE;
	v31 =	vadd.f32 v31, v51;
	_ =	sdelay $0x1  }
0x40a: {  	v56 =	vbroadcast v50, $0x8;
	v55 =	vmul.f32 v54, v27;
	v31 =	vadd.f32 v31, v53;
	_ =	sdelay $0x1  }
0x40b: {  	v32 =	vbroadcast v32, $0x2;
	v57 =	vmul.f32 v56, v28;
	v31 =	vadd.f32 v31, v55;
	_ =	sdelay $0x1  }
0x40c: {  	v32 =	vmul.f32 v32, v30;
	v31 =	vadd.f32 v31, v57;
	_ =	sdelay $0x1  }
0x40d: {  	v58 =	vadd.s32 v8, v29;
	v31 =	vadd.f32 v31, v32;
	_ =	sdelay $0x1  }
0x40e: {  	v59 =	vmul.f32 $9.999999770e-03, v31;
	_ =	sdelay $0x1  }
0x40f: {  	v31 =	vmax.f32 v31, v59  }
0x410: {  	[tilespmem:v58+s7+$0x0] =	vst.idx.msk $0xffff, v31  }
0x411: {  	v31 =	vld [tilespmem:$0xBF90]  }
0x412: {  	v32 =	vld [tilespmem:$0xC050];
	_ =	sdelay $0x2  }
0x413: {  	v61 =	vld [tilespmem:$0xBFA0]  }
0x414: {  	v60 =	vbroadcast v31, $0x5  }
0x415: {  	v62 =	vld [tilespmem:$0xBFB0];
	v63 =	vbroadcast v32, $0xD  }
0x416: {  	v31 =	vbroadcast v31, $0xF;
	v16 =	vmul.f32 v60, v16;
	_ =	sdelay $0x1  }
0x417: {  	v36 =	vbroadcast v61, $0x9;
	v15 =	vmul.f32 v31, v15;
	v16 =	vadd.f32 v16, v63  }
0x418: {  	v37 =	vld [tilespmem:$0xBFC0]  }
0x419: {  	v38 =	vbroadcast v62, $0x3;
	v14 =	vmul.f32 v36, v14;
	v15 =	vadd.f32 v16, v15  }
0x41a: {  	v39 =	vld [tilespmem:$0xBFD0]  }
0x41b: {  	v40 =	vbroadcast v62, $0xD;
	v12 =	vmul.f32 v38, v12;
	v14 =	vadd.f32 v15, v14;
	_ =	sdelay $0x1  }
0x41c: {  	v41 =	vbroadcast v37, $0x7;
	v13 =	vmul.f32 v40, v13;
	v12 =	vadd.f32 v14, v12  }
0x41d: {  	v42 =	vld [tilespmem:$0xBFE0]  }
0x41e: {  	v43 =	vbroadcast v39, $0x1;
	v10 =	vmul.f32 v41, v10;
	v12 =	vadd.f32 v12, v13;
	_ =	sdelay $0x1  }
0x41f: {  	v44 =	vbroadcast v39, $0xB;
	v11 =	vmul.f32 v43, v11;
	v10 =	vadd.f32 v12, v10  }
0x420: {  	v45 =	vld [tilespmem:$0xBFF0]  }
0x421: {  	v46 =	vbroadcast v42, $0x5;
	v10 =	vadd.f32 v10, v11;
	v11 =	vmul.f32 v44, v21  }
0x422: {  	v47 =	vld [tilespmem:$0xC000]  }
0x423: {  	v48 =	vbroadcast v42, $0xF;
	v10 =	vadd.f32 v10, v11;
	v11 =	vmul.f32 v46, v19;
	_ =	sdelay $0x1  }
0x424: {  	v49 =	vbroadcast v45, $0x9;
	v10 =	vadd.f32 v10, v11;
	v11 =	vmul.f32 v48, v20  }
0x425: {  	v50 =	vld [tilespmem:$0xC010]  }
0x426: {  	v51 =	vbroadcast v47, $0x3;
	v10 =	vadd.f32 v10, v11;
	v11 =	vmul.f32 v49, v18  }
0x427: {  	v52 =	vld [tilespmem:$0xC020]  }
0x428: {  	v53 =	vbroadcast v47, $0xD;
	v10 =	vadd.f32 v10, v11;
	v11 =	vmul.f32 v51, v17;
	_ =	sdelay $0x1  }
0x429: {  	v54 =	vbroadcast v50, $0x7;
	v10 =	vadd.f32 v10, v11;
	v11 =	vmul.f32 v53, v22  }
0x42a: {  	v55 =	vld [tilespmem:$0xC030]  }
0x42b: {  	v56 =	vbroadcast v52, $0x1;
	v10 =	vadd.f32 v10, v11;
	v11 =	vmul.f32 v54, v23;
	_ =	sdelay $0x1  }
0x42c: {  	v57 =	vbroadcast v52, $0xB;
	v10 =	vadd.f32 v10, v11;
	v11 =	vmul.f32 v56, v24  }
0x42d: {  	v58 =	vld [tilespmem:$0xC040]  }
0x42e: {  	v59 =	vbroadcast v55, $0x5;
	v10 =	vadd.f32 v10, v11;
	v11 =	vmul.f32 v57, v25;
	_ =	sdelay $0x1  }
0x42f: {  	v60 =	vbroadcast v55, $0xF;
	v10 =	vadd.f32 v10, v11;
	v11 =	vmul.f32 v59, v26;
	_ =	sdelay $0x1  }
0x430: {  	v61 =	vbroadcast v58, $0x9;
	v10 =	vadd.f32 v10, v11;
	v11 =	vmul.f32 v60, v27;
	_ =	sdelay $0x1  }
0x431: {  	v62 =	vbroadcast v32, $0x3;
	v10 =	vadd.f32 v10, v11;
	v11 =	vmul.f32 v61, v28;
	_ =	sdelay $0x1  }
0x432: {  	v10 =	vadd.f32 v10, v11;
	v11 =	vmul.f32 v62, v30;
	_ =	sdelay $0x1  }
0x433: {  	p0 =	sne.s32 s5, $0x160;
	v10 =	vadd.f32 v10, v11;
	v11 =	vadd.s32 v9, v29  }
.Ltmp4:
0x434: {  	_ = 	snop;
	(pc) =	sbr.rel @p0 .LBB2_9-.Ltmp4, $3  }
0x435: {  	v63 =	vmul.f32 $9.999999770e-03, v10;
	_ =	sdelay $0x1  }
0x436: {  	s6 =	sadd.s32 $0x10, s6;
	v10 =	vmax.f32 v10, v63  }
0x437: {  	s3 =	sadd.s32 $0x10, s3;
	s4 =	sadd.s32 $0x10, s4;
	s5 =	sadd.s32 $0x10, s5;
	[tilespmem:v11+s7+$0x0] =	vst.idx.msk $0xffff, v10  }
0x438: {  	s0 =	simm.s32 $0x0  }
0x439: {  	s1 =	simm.s32 $0xC080;
	s2 =	rddreg [dreg:$0x3];
	s30 =	simm.s32 $0x2  }
0x43a: {  	[hbm4b:s2+s0] =	stream.linear.scatter [tilespmem:s1], [sflag:$0x2], $0xE60, $0x38;
	[tilespmem:$0xE770] =	vst v63  }
0x43b: {  	_ =	swait.ge [sflag:s30], $0xE60  }
0x43c: {  	[sflag:s30] =	ssyncset.done $0x0  }
0x43d: {  	[sflag:s30] =	ssyncadd.s32 $0xFFFFF1A0  }
0x43e: {  	_ =	sfence.sel $0x180000  }
0x43f: {  	[bflag:$0x0] =	sbarrier.arrive $0xFFFF  }
0x440: {  	_ =	strace $0x90000047  }
0x441: {  	s31 =	stileid.u32;
	[bflag:$0x2] =	sbarrier.arrive $0xFFFF  }
0x442: {  	p0 =	sne.s32 s31, $0x0;
	s0 =	rddreg [dreg:$0x2]  }
0x443: {  	s0 =	sadd.s32 @!p0 $0x100000, s0  }
0x444: {  	[sflag:s0] =	ssyncadd.tile.s32 @!p0 $0x1;
	_ =	shalt  }
.Lfunc_end2:
_tile_overlayer_lowered:
.L_overlay_start_2:
0x445: {  	(tag) =	ssettag $0x2  }
0x446: {  	s0 =	rddreg [dreg:$0x0];
	s2 =	stileid.u32  }
0x447: {  	s1 =	rddreg [dreg:$0x1];
	p0 =	sne.s32 s2, $0x0  }
0x448: {  	s3 =	rddreg [dreg:$0x2];
	[bflag:$0x3] =	sbarrier.arrive $0xFFFF;
	s2 =	simm.s32 @!p0 $0x1C02  }
0x449: {  	[timem:s3], [sflag:s2] =	dma.local @!p0 [hbm:s0], s1  }
0x44a: {  	s0 =	simm.s32 @!p0 $0x2  }
0x44b: {  	_ =	swait.ge @!p0 [sflag:s0], s1  }
0x44c: {  	s1 =	ssub.s32 @!p0 $0x0, s1;
	[sflag:s0] =	ssyncset.done @!p0 $0x0  }
0x44d: {  	[sflag:s0] =	ssyncadd.s32 @!p0 s1  }
0x44e: {  	[bflag:$0x3] =	sbarrier.arrive $0xFFFF  }
0x44f: {  	_ =	shalt  }

</sc_bundles>
